<compile_context>
chip_gen: v7x
topology: tpu7x:2x2x1
jax: 0.10.2.dev20260603
libtpu: 0.0.44.dev20260713+nightly
codegen_flags: <defaults>
</compile_context>

<pallas_src>
import functools

import jax
import jax.numpy as jnp
from jax import lax
from jax.experimental import pallas as pl
from jax.experimental.pallas import tpu as pltpu
from jax.experimental.pallas import tpu_sc as plsc

_N = 10000
_D = 128
_E = 320000
_NEXP = 8
_NW = 32
_RW = 80
_R = _NW * _RW
_EP = _R * 128
_CH = 64
_CW = _EP // _NW // _CH
_CWF = 288
_CWS = 32
_HF = _CWF // 2
_HS = _CWS // 2
_RPAD = 5248
_NP = 10240
_ZR = _NP // 16
_DS = _NP // 16

_BN = 2048


def _segsum_body(h_hbm, src_hbm, dst_hbm, zeros_hbm, out_hbm, degall_hbm,
                 src_v, dst_v, buf_a, buf_b, deg_v, agg_sh,
                 gsem_a, gsem_b, ssem_a, ssem_b, *, with_deg):
    cid = lax.axis_index("c")
    sid = lax.axis_index("s")
    wid = sid * 2 + cid

    pltpu.sync_copy(zeros_hbm, agg_sh.at[pl.ds(sid * _ZR, _ZR)])
    fast = cid == 0
    halfn = jnp.where(fast, _HF, _HS)
    if with_deg:
        z16 = jnp.zeros((16,), jnp.float32)

        def zbody(i, carry):
            deg_v[pl.ds(i * 16, 16)] = z16
            return carry

        lax.fori_loop(0, _NP // 16, zbody, 0)
    plsc.subcore_barrier()

    bufs = ((buf_a, gsem_a, ssem_a), (buf_b, gsem_b, ssem_b))
    for half in range(2):
        base = jnp.where(fast, sid * _CWF + half * _HF,
                         16 * _CWF + sid * _CWS + half * _HS)
        pltpu.sync_copy(src_hbm.at[pl.ds(base, _HF)], src_v)
        pltpu.sync_copy(dst_hbm.at[pl.ds(base, _HF)], dst_v)
        for b, (buf, gsem, ssem) in enumerate(bufs):
            pltpu.async_copy(h_hbm.at[src_v.at[b]], buf, gsem)
        for b, (buf, gsem, ssem) in enumerate(bufs):
            pltpu.make_async_copy(h_hbm.at[src_v.at[b]], buf, gsem).wait()
            pltpu.async_copy(buf, agg_sh.at[dst_v.at[b]], ssem, add=True)

        def body(i, carry):
            for b, (buf, gsem, ssem) in enumerate(bufs):
                jj = 2 * i + b
                pltpu.make_async_copy(buf, agg_sh.at[dst_v.at[jj - 2]],
                                      ssem).wait()
                pltpu.async_copy(h_hbm.at[src_v.at[jj]], buf, gsem)
                pltpu.make_async_copy(h_hbm.at[src_v.at[jj]], buf,
                                      gsem).wait()
                pltpu.async_copy(buf, agg_sh.at[dst_v.at[jj]], ssem,
                                 add=True)
            return carry

        lax.fori_loop(1, halfn // 2, body, 0)
        for b, (buf, gsem, ssem) in enumerate(bufs):
            pltpu.make_async_copy(buf, agg_sh.at[dst_v.at[0]], ssem).wait()

        if with_deg:
            ones16 = jnp.full((16,), 1.0, jnp.float32)

            def deg_body(j, carry):
                for c in range(_CH // 16):
                    idx = dst_v[j, pl.ds(c * 16, 16)]
                    plsc.addupdate_scatter(deg_v, [idx], ones16)
                return carry

            lax.fori_loop(0, halfn, deg_body, 0)
    if with_deg:
        pltpu.sync_copy(deg_v, degall_hbm.at[pl.ds(wid * _NP, _NP)])
    plsc.subcore_barrier()

    pltpu.sync_copy(agg_sh.at[pl.ds(sid * _ZR, _ZR)],
                    out_hbm.at[cid, pl.ds(sid * _ZR, _ZR)])


def _make_segsum(with_deg):
    mesh = plsc.VectorSubcoreMesh(core_axis_name="c", subcore_axis_name="s")
    if with_deg:
        out_type = (jax.ShapeDtypeStruct((2, _NP, _D), jnp.float32),
                    jax.ShapeDtypeStruct((_NW * _NP,), jnp.float32))
        body = functools.partial(_segsum_body, with_deg=True)
    else:
        out_type = jax.ShapeDtypeStruct((2, _NP, _D), jnp.float32)

        def body(h, s, dd, z, out, src_v, dst_v, buf_a, buf_b, deg_v,
                 agg_sh, gsem_a, gsem_b, ssem_a, ssem_b):
            _segsum_body(h, s, dd, z, out, None, src_v, dst_v, buf_a, buf_b,
                         deg_v, agg_sh, gsem_a, gsem_b, ssem_a, ssem_b,
                         with_deg=False)
    return pl.kernel(
        body,
        out_type=out_type,
        mesh=mesh,
        compiler_params=pltpu.CompilerParams(needs_layout_passes=False,
                                             use_tc_tiling_on_sc=False),
        scratch_types=[
            pltpu.VMEM((_HF, _CH), jnp.int32),
            pltpu.VMEM((_HF, _CH), jnp.int32),
            pltpu.VMEM((_CH, _D), jnp.float32),
            pltpu.VMEM((_CH, _D), jnp.float32),
            pltpu.VMEM((_NP,), jnp.float32),
            pltpu.VMEM_SHARED((_NP, _D), jnp.float32),
            pltpu.SemaphoreType.DMA,
            pltpu.SemaphoreType.DMA,
            pltpu.SemaphoreType.DMA,
            pltpu.SemaphoreType.DMA,
        ],
    )


@functools.lru_cache(maxsize=None)
def _get_segsum(with_deg):
    return _make_segsum(with_deg)


def _moe_math(parts_ref, d_ref, wg_ref, we_ref, be_ref):
    p = parts_ref[0] + parts_ref[1]
    deg16 = jnp.sum(d_ref[...], axis=0)
    inv16 = 1.0 / jnp.maximum(deg16, 1.0)
    row = lax.broadcasted_iota(jnp.int32, (p.shape[0], _D), 0)
    col = lax.broadcasted_iota(jnp.int32, (p.shape[0], _D), 1)
    expanded = jnp.zeros_like(p)
    for r in range(16):
        expanded = expanded + jnp.where(row // _D == r, inv16[r:r + 1, :], 0.0)
    inv_col = jnp.sum(jnp.where(col == row % _D, expanded, 0.0), axis=1,
                      keepdims=True)
    agg = p * inv_col
    logits = lax.dot_general(agg, wg_ref[...], (((1,), (0,)), ((), ())),
                             preferred_element_type=jnp.float32)
    neg = jnp.float32(-1e30)
    logits = jnp.where(col < _NEXP, logits, neg)
    cur = logits
    ms, hs = [], []
    for _ in range(3):
        m = jnp.max(cur, axis=1, keepdims=True)
        am = jnp.min(jnp.where(cur == m, col, 10**6), axis=1, keepdims=True)
        hs.append((col == am).astype(jnp.float32))
        ms.append(m)
        cur = jnp.where(col == am, neg, cur)
    e2 = jnp.exp(ms[1] - ms[0])
    e3 = jnp.exp(ms[2] - ms[0])
    z = 1.0 + e2 + e3
    w = (hs[0] + hs[1] * e2 + hs[2] * e3) / z
    def b16(v):
        return v.astype(jnp.bfloat16).astype(jnp.float32)

    acc = jnp.zeros_like(p)
    for e in range(_NEXP):
        eo = lax.dot_general(agg, we_ref[e], (((1,), (0,)), ((), ())),
                             preferred_element_type=jnp.float32)
        eo = eo + be_ref[e:e + 1, :]
        acc = acc + b16(eo) * b16(w[:, e:e + 1])
    return jnp.maximum(acc, 0.0)


def _moe_mid_kernel(parts_ref, d_ref, wg_ref, we_ref, be_ref, out_ref):
    out_ref[...] = _moe_math(parts_ref, d_ref, wg_ref, we_ref, be_ref)


def _moe_last_kernel(parts_ref, d_ref, wg_ref, we_ref, be_ref,
                     wout_ref, bout_ref, out_ref):
    h = _moe_math(parts_ref, d_ref, wg_ref, we_ref, be_ref)
    o = lax.dot_general(h, wout_ref[...], (((1,), (0,)), ((), ())),
                        preferred_element_type=jnp.float32)
    out_ref[...] = o + bout_ref[...]


_COMMON_SPECS = [
    pl.BlockSpec((2, _BN, _D), lambda i: (0, i, 0)),
    pl.BlockSpec((_NW, _BN // _D, _D), lambda i: (0, i, 0)),
    pl.BlockSpec((_D, _D), lambda i: (0, 0)),
    pl.BlockSpec((_NEXP, _D, _D), lambda i: (0, 0, 0)),
    pl.BlockSpec((_D, _D), lambda i: (0, 0)),
]


def _moe_mid(parts, d, wgp, we, bep):
    return pl.pallas_call(
        _moe_mid_kernel,
        grid=(_NP // _BN,),
        in_specs=_COMMON_SPECS,
        out_specs=pl.BlockSpec((_BN, _D), lambda i: (i, 0)),
        out_shape=jax.ShapeDtypeStruct((_NP, _D), jnp.float32),
    )(parts, d, wgp, we, bep)


def _moe_last(parts, d, wgp, we, bep, wout, bout):
    return pl.pallas_call(
        _moe_last_kernel,
        grid=(_NP // _BN,),
        in_specs=_COMMON_SPECS + [
            pl.BlockSpec((_D, _D), lambda i: (0, 0)),
            pl.BlockSpec((1, _D), lambda i: (0, 0)),
        ],
        out_specs=pl.BlockSpec((_BN, _D), lambda i: (i, 0)),
        out_shape=jax.ShapeDtypeStruct((_N, _D), jnp.float32),
    )(parts, d, wgp, we, bep, wout, bout)


def kernel(x, edge_index, Wg0, We0, be0, Wg1, We1, be1, Wout, bout):
    src = edge_index[0].astype(jnp.int32)
    dst = edge_index[1].astype(jnp.int32)
    pad = _RPAD * _CH - _E
    src_m = jnp.concatenate([src, jnp.zeros((pad,), jnp.int32)]).reshape(-1, _CH)
    dst_m = jnp.concatenate([dst, jnp.full((pad,), _N, jnp.int32)]).reshape(-1, _CH)
    zeros_blk = jnp.zeros((_ZR, _D), jnp.float32)
    wg0p = jnp.pad(Wg0, ((0, 0), (0, _D - _NEXP)))
    wg1p = jnp.pad(Wg1, ((0, 0), (0, _D - _NEXP)))
    be0p = jnp.pad(be0, ((0, _D - _NEXP), (0, 0)))
    be1p = jnp.pad(be1, ((0, _D - _NEXP), (0, 0)))

    parts0, degall = _get_segsum(True)(x, src_m, dst_m, zeros_blk)
    d = degall.reshape(_NW, _NP // _D, _D)
    h1 = _moe_mid(parts0, d, wg0p, We0, be0p)
    parts1 = _get_segsum(False)(h1, src_m, dst_m, zeros_blk)
    return _moe_last(parts1, d, wg1p, We1, be1p, Wout, bout[None, :])

# --- scband reference (transcript-rebuilt; emitter-appended) ---
"""Pipeline reference for scband-graph-moe-v16-balanced-sparse-44375602102781 (READ-ONLY COPY).

The authoritative reference and input builder live on the scoring server;
editing this copy changes nothing except your own understanding.
"""

import jax, jax.numpy as jnp
import numpy as np

N = 10000
E = 320000
IN_DIM = 128
HID = 128
OUT = 128
NEXP = 8
TOPK = 3  # module forces top_k = min(3, n_experts)
NLAYERS = 2


def setup_inputs(seed: int = 0) -> dict:
    key = jax.random.key(seed)
    ks = jax.random.split(key, 12)
    x = jax.random.normal(ks[0], (N, IN_DIM), dtype=jnp.float32)
    edge_index = jax.random.randint(ks[1], (2, E), 0, N, dtype=jnp.int64)
    # layer 0: in_dim -> hidden ; layer 1: hidden -> hidden
    Wg0 = jax.random.normal(ks[2], (IN_DIM, NEXP), dtype=jnp.float32) * (IN_DIM ** -0.5)
    We0 = jax.random.normal(ks[3], (NEXP, IN_DIM, HID), dtype=jnp.float32) * (IN_DIM ** -0.5)
    be0 = jnp.zeros((NEXP, HID), dtype=jnp.float32)
    Wg1 = jax.random.normal(ks[4], (HID, NEXP), dtype=jnp.float32) * (HID ** -0.5)
    We1 = jax.random.normal(ks[5], (NEXP, HID, HID), dtype=jnp.float32) * (HID ** -0.5)
    be1 = jnp.zeros((NEXP, HID), dtype=jnp.float32)
    Wout = jax.random.normal(ks[6], (HID, OUT), dtype=jnp.float32) * (HID ** -0.5)
    bout = jnp.zeros((OUT,), dtype=jnp.float32)
    return {"x": x, "edge_index": edge_index, "Wg0": Wg0, "We0": We0, "be0": be0,
            "Wg1": Wg1, "We1": We1, "be1": be1, "Wout": Wout, "bout": bout}


def _moe_gnn_layer(h, edge_index, Wg, We, be):
    src = edge_index[0]
    dst = edge_index[1]
    # mean-aggregate neighbor messages (gather + scatter-add)
    msgs = jnp.take(h, src, axis=0)
    agg = jax.ops.segment_sum(msgs, dst, num_segments=N)
    deg = jax.ops.segment_sum(jnp.ones((E,), dtype=h.dtype), dst, num_segments=N)
    agg = agg / jnp.clip(deg, 1.0, None)[:, None]
    # noisy top-k gating (noise disabled in eval; noisy_gating_std only perturbs training)
    logits = agg @ Wg
    topv, topi = jax.lax.top_k(logits, TOPK)
    gates_k = jax.nn.softmax(topv, axis=-1)
    weights = jnp.zeros_like(logits).at[jnp.arange(N)[:, None], topi].set(gates_k)
    # expert FFNs applied to aggregated node features, sparsely combined
    expert_out = jnp.einsum('nd,edf->nef', agg, We) + be[None, :, :]
    out = jnp.einsum('ne,nef->nf', weights, expert_out)
    return jax.nn.relu(out)


def reference(x, edge_index, Wg0, We0, be0, Wg1, We1, be1, Wout, bout):
    h = _moe_gnn_layer(x, edge_index, Wg0, We0, be0)
    h = _moe_gnn_layer(h, edge_index, Wg1, We1, be1)
    out = h @ Wout + bout
    return out

if __name__ == "__main__":
    import jax
    _d = setup_inputs()
    print(jax.jit(kernel)(*tuple(_d.values())))

</pallas_src>

<mosaic_0001>
#map = affine_map<(d0, d1) -> (0, 0)>
#map1 = affine_map<(d0, d1) -> (0, 0, 0)>
#map2 = affine_map<(d0, d1) -> (0)>
module attributes {stable_mosaic.version = 14 : i64} {
  func.func @_segsum_body(%arg0: i32, %arg1: i32, %arg2: memref<10000x128xf32, #tpu.memory_space<hbm>>, %arg3: memref<5248x64xi32, #tpu.memory_space<hbm>>, %arg4: memref<5248x64xi32, #tpu.memory_space<hbm>>, %arg5: memref<640x128xf32, #tpu.memory_space<hbm>>, %arg6: memref<2x10240x128xf32, #tpu.memory_space<hbm>>, %arg7: memref<327680xf32, #tpu.memory_space<hbm>>, %arg8: memref<144x64xi32, #tpu.memory_space<vmem>>, %arg9: memref<144x64xi32, #tpu.memory_space<vmem>>, %arg10: memref<64x128xf32, #tpu.memory_space<vmem>>, %arg11: memref<64x128xf32, #tpu.memory_space<vmem>>, %arg12: memref<10240xf32, #tpu.memory_space<vmem>>, %arg13: memref<10240x128xf32, #tpu.memory_space<vmem_shared>>, %arg14: memref<!tpu.dma_semaphore, #tpu.memory_space<semaphore_mem>>, %arg15: memref<!tpu.dma_semaphore, #tpu.memory_space<semaphore_mem>>, %arg16: memref<!tpu.dma_semaphore, #tpu.memory_space<semaphore_mem>>, %arg17: memref<!tpu.dma_semaphore, #tpu.memory_space<semaphore_mem>>) attributes {dimension_semantics = [#tpu.dimension_semantics<core_parallel>, #tpu.dimension_semantics<subcore_parallel>], iteration_bounds = array<i64: 2, 16>, scalar_prefetch = 0 : i64, scratch_operands = 10 : i64, tpu.core_type = #tpu.core_type<sc_vector_subcore>, window_params = [{transform_indices = #map}, {transform_indices = #map}, {transform_indices = #map}, {transform_indices = #map}, {transform_indices = #map1}, {transform_indices = #map2}]} {
    %mul3A = arith.constant 2 : i32
    %mul3A_0 = arith.muli %arg1, %mul3A : i32
    %add3A = arith.addi %mul3A_0, %arg0 : i32
    %mul3A_1 = arith.constant 640 : i32
    %mul3A_2 = arith.muli %arg1, %mul3A_1 : i32
    "tpu.region"() ({
      %run_scoped3A = tpu.sem_alloc : memref<!tpu.dma_semaphore, #tpu.memory_space<semaphore_mem>>
      %dma_start3A_235 = arith.constant 0 : i32
      %dma_start3A_236 = tpu.memref_slice %arg13[%mul3A_2, %dma_start3A_235] : memref<10240x128xf32, #tpu.memory_space<vmem_shared>> -> memref<640x128xf32, #tpu.memory_space<vmem_shared>>
      tpu.enqueue_dma source(%arg5 : memref<640x128xf32, #tpu.memory_space<hbm>>) target(%dma_start3A_236 : memref<640x128xf32, #tpu.memory_space<vmem_shared>>) target_semaphore(%run_scoped3A : memref<!tpu.dma_semaphore, #tpu.memory_space<semaphore_mem>>)
      %dma_wait3A_237 = arith.constant 0 : i32
      %dma_wait3A_238 = tpu.memref_slice %arg13[%mul3A_2, %dma_wait3A_237] : memref<10240x128xf32, #tpu.memory_space<vmem_shared>> -> memref<640x128xf32, #tpu.memory_space<vmem_shared>>
      tpu.wait_dma2 semaphore(%run_scoped3A : memref<!tpu.dma_semaphore, #tpu.memory_space<semaphore_mem>>) src(%arg5 : memref<640x128xf32, #tpu.memory_space<hbm>>) dst(%dma_wait3A_238 : memref<640x128xf32, #tpu.memory_space<vmem_shared>>)
      tpu.yield
    }) : () -> ()
    %eq3A = arith.constant 0 : i32
    %eq3A_3 = arith.cmpi eq, %arg0, %eq3A : i32
    %jit3A = arith.constant 144 : i32
    %jit3A_4 = arith.constant 16 : i32
    %select_n3A = arith.select %eq3A_3, %jit3A, %jit3A_4 : i32
    %broadcast_in_dim3A = arith.constant 0.000000e+00 : f32
    %broadcast_in_dim3A_5 = vector.broadcast %broadcast_in_dim3A : f32 to vector<16xf32>
    %scan3A = arith.constant 0 : i32
    %scan3A_6 = arith.constant 0 : i32
    %scan3A_7 = arith.constant 640 : i32
    %scan3A_8 = arith.addi %scan3A_6, %scan3A_7 : i32
    %scan3A_9 = arith.constant 1 : i32
    scf.for %scan3A_235 = %scan3A_6 to %scan3A_8 step %scan3A_9  : i32 {
      %mul3A_236 = arith.constant 16 : i32
      %mul3A_237 = arith.muli %scan3A_235, %mul3A_236 : i32
      %swap3A = arith.index_cast %mul3A_237 : i32 to index
      %swap3A_238 = tpu.vector_load %arg12[%swap3A] {strides = array<i32>} : memref<10240xf32, #tpu.memory_space<vmem>>, vector<16xf32>,
      tpu.vector_store %arg12[%swap3A], %broadcast_in_dim3A_5 {strides = array<i32>} : memref<10240xf32, #tpu.memory_space<vmem>>, vector<16xf32>,
    }
    %scan3A_10 = arith.constant 640 : i32
    %barrier3A = arith.constant 0 : index
    tpu.barrier barrier_id(%barrier3A)
    %mul3A_11 = arith.constant 288 : i32
    %mul3A_12 = arith.muli %arg1, %mul3A_11 : i32
    %add3A_13 = arith.constant 0 : i32
    %add3A_14 = arith.addi %mul3A_12, %add3A_13 : i32
    %mul3A_15 = arith.constant 32 : i32
    %mul3A_16 = arith.muli %arg1, %mul3A_15 : i32
    %add3A_17 = arith.constant 4608 : i32
    %add3A_18 = arith.addi %add3A_17, %mul3A_16 : i32
    %add3A_19 = arith.constant 0 : i32
    %add3A_20 = arith.addi %add3A_18, %add3A_19 : i32
    %select_n3A_21 = arith.select %eq3A_3, %add3A_14, %add3A_20 : i32
    "tpu.region"() ({
      %run_scoped3A = tpu.sem_alloc : memref<!tpu.dma_semaphore, #tpu.memory_space<semaphore_mem>>
      %dma_start3A_235 = arith.constant 0 : i32
      %dma_start3A_236 = tpu.memref_slice %arg3[%select_n3A_21, %dma_start3A_235] : memref<5248x64xi32, #tpu.memory_space<hbm>> -> memref<144x64xi32, #tpu.memory_space<hbm>>
      %dma_start3A_237 = arith.constant 0 : i32
      %dma_start3A_238 = tpu.memref_slice %arg3[%select_n3A_21, %dma_start3A_237] : memref<5248x64xi32, #tpu.memory_space<hbm>> -> memref<144x64xi32, #tpu.memory_space<hbm>>
      tpu.enqueue_dma source(%dma_start3A_238 : memref<144x64xi32, #tpu.memory_space<hbm>>) target(%arg8 : memref<144x64xi32, #tpu.memory_space<vmem>>) target_semaphore(%run_scoped3A : memref<!tpu.dma_semaphore, #tpu.memory_space<semaphore_mem>>)
      %dma_wait3A_239 = arith.constant 0 : i32
      %dma_wait3A_240 = tpu.memref_slice %arg3[%select_n3A_21, %dma_wait3A_239] : memref<5248x64xi32, #tpu.memory_space<hbm>> -> memref<144x64xi32, #tpu.memory_space<hbm>>
      %dma_wait3A_241 = arith.constant 0 : i32
      %dma_wait3A_242 = tpu.memref_slice %arg3[%select_n3A_21, %dma_wait3A_241] : memref<5248x64xi32, #tpu.memory_space<hbm>> -> memref<144x64xi32, #tpu.memory_space<hbm>>
      tpu.wait_dma2 semaphore(%run_scoped3A : memref<!tpu.dma_semaphore, #tpu.memory_space<semaphore_mem>>) src(%dma_wait3A_242 : memref<144x64xi32, #tpu.memory_space<hbm>>) dst(%arg8 : memref<144x64xi32, #tpu.memory_space<vmem>>)
      tpu.yield
    }) : () -> ()
    "tpu.region"() ({
      %run_scoped3A = tpu.sem_alloc : memref<!tpu.dma_semaphore, #tpu.memory_space<semaphore_mem>>
      %dma_start3A_235 = arith.constant 0 : i32
      %dma_start3A_236 = tpu.memref_slice %arg4[%select_n3A_21, %dma_start3A_235] : memref<5248x64xi32, #tpu.memory_space<hbm>> -> memref<144x64xi32, #tpu.memory_space<hbm>>
      %dma_start3A_237 = arith.constant 0 : i32
      %dma_start3A_238 = tpu.memref_slice %arg4[%select_n3A_21, %dma_start3A_237] : memref<5248x64xi32, #tpu.memory_space<hbm>> -> memref<144x64xi32, #tpu.memory_space<hbm>>
      tpu.enqueue_dma source(%dma_start3A_238 : memref<144x64xi32, #tpu.memory_space<hbm>>) target(%arg9 : memref<144x64xi32, #tpu.memory_space<vmem>>) target_semaphore(%run_scoped3A : memref<!tpu.dma_semaphore, #tpu.memory_space<semaphore_mem>>)
      %dma_wait3A_239 = arith.constant 0 : i32
      %dma_wait3A_240 = tpu.memref_slice %arg4[%select_n3A_21, %dma_wait3A_239] : memref<5248x64xi32, #tpu.memory_space<hbm>> -> memref<144x64xi32, #tpu.memory_space<hbm>>
      %dma_wait3A_241 = arith.constant 0 : i32
      %dma_wait3A_242 = tpu.memref_slice %arg4[%select_n3A_21, %dma_wait3A_241] : memref<5248x64xi32, #tpu.memory_space<hbm>> -> memref<144x64xi32, #tpu.memory_space<hbm>>
      tpu.wait_dma2 semaphore(%run_scoped3A : memref<!tpu.dma_semaphore, #tpu.memory_space<semaphore_mem>>) src(%dma_wait3A_242 : memref<144x64xi32, #tpu.memory_space<hbm>>) dst(%arg9 : memref<144x64xi32, #tpu.memory_space<vmem>>)
      tpu.yield
    }) : () -> ()
    %dma_start3A = arith.constant 0 : i32
    %dma_start3A_22 = arith.constant 0 : i32
    %dma_start3A_23 = tpu.memref_slice %arg8[%dma_start3A, %dma_start3A_22] : memref<144x64xi32, #tpu.memory_space<vmem>> -> memref<1x64xi32, #tpu.memory_space<vmem>>
    %dma_start3A_24 = tpu.memref_squeeze %dma_start3A_23 : memref<1x64xi32, #tpu.memory_space<vmem>> -> memref<64xi32, #tpu.memory_space<vmem>>
    %dma_start3A_25 = arith.constant 0 : i32
    %dma_start3A_26 = arith.constant 0 : i32
    %dma_start3A_27 = tpu.memref_slice %arg2[%dma_start3A_25, %dma_start3A_26] : memref<10000x128xf32, #tpu.memory_space<hbm>> -> memref<10000x128xf32, #tpu.memory_space<hbm>>
    tpu.enqueue_indirect_dma source(%dma_start3A_27 : memref<10000x128xf32, #tpu.memory_space<hbm>>) target(%arg10 : memref<64x128xf32, #tpu.memory_space<vmem>>) offsets(%dma_start3A_24 : memref<64xi32, #tpu.memory_space<vmem>>) semaphore(%arg14 : memref<!tpu.dma_semaphore, #tpu.memory_space<semaphore_mem>>)
    %dma_start3A_28 = arith.constant 1 : i32
    %dma_start3A_29 = arith.constant 0 : i32
    %dma_start3A_30 = tpu.memref_slice %arg8[%dma_start3A_28, %dma_start3A_29] : memref<144x64xi32, #tpu.memory_space<vmem>> -> memref<1x64xi32, #tpu.memory_space<vmem>>
    %dma_start3A_31 = tpu.memref_squeeze %dma_start3A_30 : memref<1x64xi32, #tpu.memory_space<vmem>> -> memref<64xi32, #tpu.memory_space<vmem>>
    %dma_start3A_32 = arith.constant 0 : i32
    %dma_start3A_33 = arith.constant 0 : i32
    %dma_start3A_34 = tpu.memref_slice %arg2[%dma_start3A_32, %dma_start3A_33] : memref<10000x128xf32, #tpu.memory_space<hbm>> -> memref<10000x128xf32, #tpu.memory_space<hbm>>
    tpu.enqueue_indirect_dma source(%dma_start3A_34 : memref<10000x128xf32, #tpu.memory_space<hbm>>) target(%arg11 : memref<64x128xf32, #tpu.memory_space<vmem>>) offsets(%dma_start3A_31 : memref<64xi32, #tpu.memory_space<vmem>>) semaphore(%arg15 : memref<!tpu.dma_semaphore, #tpu.memory_space<semaphore_mem>>)
    %dma_wait3A = arith.constant 0 : i32
    %dma_wait3A_35 = arith.constant 0 : i32
    %dma_wait3A_36 = tpu.memref_slice %arg8[%dma_wait3A, %dma_wait3A_35] : memref<144x64xi32, #tpu.memory_space<vmem>> -> memref<1x64xi32, #tpu.memory_space<vmem>>
    %dma_wait3A_37 = tpu.memref_squeeze %dma_wait3A_36 : memref<1x64xi32, #tpu.memory_space<vmem>> -> memref<64xi32, #tpu.memory_space<vmem>>
    %dma_wait3A_38 = arith.constant 0 : i32
    %dma_wait3A_39 = arith.constant 0 : i32
    %dma_wait3A_40 = tpu.memref_slice %arg2[%dma_wait3A_38, %dma_wait3A_39] : memref<10000x128xf32, #tpu.memory_space<hbm>> -> memref<10000x128xf32, #tpu.memory_space<hbm>>
    tpu.wait_indirect_dma semaphore(%arg14 : memref<!tpu.dma_semaphore, #tpu.memory_space<semaphore_mem>>) src(%dma_wait3A_40 : memref<10000x128xf32, #tpu.memory_space<hbm>>) dst(%arg10 : memref<64x128xf32, #tpu.memory_space<vmem>>)
    %dma_start3A_41 = arith.constant 0 : i32
    %dma_start3A_42 = arith.constant 0 : i32
    %dma_start3A_43 = tpu.memref_slice %arg9[%dma_start3A_41, %dma_start3A_42] : memref<144x64xi32, #tpu.memory_space<vmem>> -> memref<1x64xi32, #tpu.memory_space<vmem>>
    %dma_start3A_44 = tpu.memref_squeeze %dma_start3A_43 : memref<1x64xi32, #tpu.memory_space<vmem>> -> memref<64xi32, #tpu.memory_space<vmem>>
    %dma_start3A_45 = arith.constant 0 : i32
    %dma_start3A_46 = arith.constant 0 : i32
    %dma_start3A_47 = tpu.memref_slice %arg13[%dma_start3A_45, %dma_start3A_46] : memref<10240x128xf32, #tpu.memory_space<vmem_shared>> -> memref<10240x128xf32, #tpu.memory_space<vmem_shared>>
    tpu.enqueue_indirect_dma source(%arg10 : memref<64x128xf32, #tpu.memory_space<vmem>>) target(%dma_start3A_47 : memref<10240x128xf32, #tpu.memory_space<vmem_shared>>) offsets(%dma_start3A_44 : memref<64xi32, #tpu.memory_space<vmem>>) semaphore(%arg16 : memref<!tpu.dma_semaphore, #tpu.memory_space<semaphore_mem>>) {add = true}
    %dma_wait3A_48 = arith.constant 1 : i32
    %dma_wait3A_49 = arith.constant 0 : i32
    %dma_wait3A_50 = tpu.memref_slice %arg8[%dma_wait3A_48, %dma_wait3A_49] : memref<144x64xi32, #tpu.memory_space<vmem>> -> memref<1x64xi32, #tpu.memory_space<vmem>>
    %dma_wait3A_51 = tpu.memref_squeeze %dma_wait3A_50 : memref<1x64xi32, #tpu.memory_space<vmem>> -> memref<64xi32, #tpu.memory_space<vmem>>
    %dma_wait3A_52 = arith.constant 0 : i32
    %dma_wait3A_53 = arith.constant 0 : i32
    %dma_wait3A_54 = tpu.memref_slice %arg2[%dma_wait3A_52, %dma_wait3A_53] : memref<10000x128xf32, #tpu.memory_space<hbm>> -> memref<10000x128xf32, #tpu.memory_space<hbm>>
    tpu.wait_indirect_dma semaphore(%arg15 : memref<!tpu.dma_semaphore, #tpu.memory_space<semaphore_mem>>) src(%dma_wait3A_54 : memref<10000x128xf32, #tpu.memory_space<hbm>>) dst(%arg11 : memref<64x128xf32, #tpu.memory_space<vmem>>)
    %dma_start3A_55 = arith.constant 1 : i32
    %dma_start3A_56 = arith.constant 0 : i32
    %dma_start3A_57 = tpu.memref_slice %arg9[%dma_start3A_55, %dma_start3A_56] : memref<144x64xi32, #tpu.memory_space<vmem>> -> memref<1x64xi32, #tpu.memory_space<vmem>>
    %dma_start3A_58 = tpu.memref_squeeze %dma_start3A_57 : memref<1x64xi32, #tpu.memory_space<vmem>> -> memref<64xi32, #tpu.memory_space<vmem>>
    %dma_start3A_59 = arith.constant 0 : i32
    %dma_start3A_60 = arith.constant 0 : i32
    %dma_start3A_61 = tpu.memref_slice %arg13[%dma_start3A_59, %dma_start3A_60] : memref<10240x128xf32, #tpu.memory_space<vmem_shared>> -> memref<10240x128xf32, #tpu.memory_space<vmem_shared>>
    tpu.enqueue_indirect_dma source(%arg11 : memref<64x128xf32, #tpu.memory_space<vmem>>) target(%dma_start3A_61 : memref<10240x128xf32, #tpu.memory_space<vmem_shared>>) offsets(%dma_start3A_58 : memref<64xi32, #tpu.memory_space<vmem>>) semaphore(%arg17 : memref<!tpu.dma_semaphore, #tpu.memory_space<semaphore_mem>>) {add = true}
    %jit3A_62 = arith.constant 2 : i32
    %div3A = arith.divsi %select_n3A, %jit3A_62 : i32
    %sign3A = arith.constant 0 : i32
    %sign3A_63 = arith.cmpi sgt, %select_n3A, %sign3A : i32
    %sign3A_64 = arith.extui %sign3A_63 : i1 to i32
    %sign3A_65 = arith.constant 0 : i32
    %sign3A_66 = arith.cmpi slt, %select_n3A, %sign3A_65 : i32
    %sign3A_67 = arith.extui %sign3A_66 : i1 to i32
    %sign3A_68 = arith.subi %sign3A_64, %sign3A_67 : i32
    %sign3A_69 = arith.constant 0 : i32
    %sign3A_70 = arith.cmpi sgt, %jit3A_62, %sign3A_69 : i32
    %sign3A_71 = arith.extui %sign3A_70 : i1 to i32
    %sign3A_72 = arith.constant 0 : i32
    %sign3A_73 = arith.cmpi slt, %jit3A_62, %sign3A_72 : i32
    %sign3A_74 = arith.extui %sign3A_73 : i1 to i32
    %sign3A_75 = arith.subi %sign3A_71, %sign3A_74 : i32
    %ne3A = arith.cmpi ne, %sign3A_68, %sign3A_75 : i32
    %rem3A = arith.remsi %select_n3A, %jit3A_62 : i32
    %ne3A_76 = arith.constant 0 : i32
    %ne3A_77 = arith.cmpi ne, %rem3A, %ne3A_76 : i32
    %and3A = arith.andi %ne3A, %ne3A_77 : i1
    %sub3A = arith.constant 1 : i32
    %sub3A_78 = arith.subi %div3A, %sub3A : i32
    %select_n3A_79 = arith.select %and3A, %sub3A_78, %div3A : i32
    %while3A = arith.constant 0 : i32
    %while3A_80 = arith.constant 1 : i32
    %while3A_81 = arith.subi %select_n3A_79, %while3A_80 : i32
    %while3A_82 = arith.addi %while3A_80, %while3A_81 : i32
    %while3A_83 = arith.constant 1 : i32
    %while3A_84 = arith.divsi %while3A_81, %while3A_83 : i32
    %while3A_85 = arith.muli %while3A_84, %while3A_83 : i32
    %while3A_86 = arith.addi %while3A_80, %while3A_85 : i32
    %while3A_87 = arith.constant 1 : i32
    scf.for %while3A_235 = %while3A_80 to %while3A_86 step %while3A_87  : i32 {
      %mul3A_236 = arith.constant 2 : i32
      %mul3A_237 = arith.muli %mul3A_236, %while3A_235 : i32
      %add3A_238 = arith.constant 0 : i32
      %add3A_239 = arith.addi %mul3A_237, %add3A_238 : i32
      %sub3A_240 = arith.constant 2 : i32
      %sub3A_241 = arith.subi %add3A_239, %sub3A_240 : i32
      %dma_wait3A_242 = arith.constant 0 : i32
      %dma_wait3A_243 = tpu.memref_slice %arg9[%sub3A_241, %dma_wait3A_242] : memref<144x64xi32, #tpu.memory_space<vmem>> -> memref<1x64xi32, #tpu.memory_space<vmem>>
      %dma_wait3A_244 = tpu.memref_squeeze %dma_wait3A_243 : memref<1x64xi32, #tpu.memory_space<vmem>> -> memref<64xi32, #tpu.memory_space<vmem>>
      %dma_wait3A_245 = arith.constant 0 : i32
      %dma_wait3A_246 = arith.constant 0 : i32
      %dma_wait3A_247 = tpu.memref_slice %arg13[%dma_wait3A_245, %dma_wait3A_246] : memref<10240x128xf32, #tpu.memory_space<vmem_shared>> -> memref<10240x128xf32, #tpu.memory_space<vmem_shared>>
      tpu.wait_indirect_dma semaphore(%arg16 : memref<!tpu.dma_semaphore, #tpu.memory_space<semaphore_mem>>) src(%arg10 : memref<64x128xf32, #tpu.memory_space<vmem>>) dst(%dma_wait3A_247 : memref<10240x128xf32, #tpu.memory_space<vmem_shared>>)
      %dma_start3A_248 = arith.constant 0 : i32
      %dma_start3A_249 = tpu.memref_slice %arg8[%add3A_239, %dma_start3A_248] : memref<144x64xi32, #tpu.memory_space<vmem>> -> memref<1x64xi32, #tpu.memory_space<vmem>>
      %dma_start3A_250 = tpu.memref_squeeze %dma_start3A_249 : memref<1x64xi32, #tpu.memory_space<vmem>> -> memref<64xi32, #tpu.memory_space<vmem>>
      %dma_start3A_251 = arith.constant 0 : i32
      %dma_start3A_252 = arith.constant 0 : i32
      %dma_start3A_253 = tpu.memref_slice %arg2[%dma_start3A_251, %dma_start3A_252] : memref<10000x128xf32, #tpu.memory_space<hbm>> -> memref<10000x128xf32, #tpu.memory_space<hbm>>
      tpu.enqueue_indirect_dma source(%dma_start3A_253 : memref<10000x128xf32, #tpu.memory_space<hbm>>) target(%arg10 : memref<64x128xf32, #tpu.memory_space<vmem>>) offsets(%dma_start3A_250 : memref<64xi32, #tpu.memory_space<vmem>>) semaphore(%arg14 : memref<!tpu.dma_semaphore, #tpu.memory_space<semaphore_mem>>)
      %dma_wait3A_254 = arith.constant 0 : i32
      %dma_wait3A_255 = tpu.memref_slice %arg8[%add3A_239, %dma_wait3A_254] : memref<144x64xi32, #tpu.memory_space<vmem>> -> memref<1x64xi32, #tpu.memory_space<vmem>>
      %dma_wait3A_256 = tpu.memref_squeeze %dma_wait3A_255 : memref<1x64xi32, #tpu.memory_space<vmem>> -> memref<64xi32, #tpu.memory_space<vmem>>
      %dma_wait3A_257 = arith.constant 0 : i32
      %dma_wait3A_258 = arith.constant 0 : i32
      %dma_wait3A_259 = tpu.memref_slice %arg2[%dma_wait3A_257, %dma_wait3A_258] : memref<10000x128xf32, #tpu.memory_space<hbm>> -> memref<10000x128xf32, #tpu.memory_space<hbm>>
      tpu.wait_indirect_dma semaphore(%arg14 : memref<!tpu.dma_semaphore, #tpu.memory_space<semaphore_mem>>) src(%dma_wait3A_259 : memref<10000x128xf32, #tpu.memory_space<hbm>>) dst(%arg10 : memref<64x128xf32, #tpu.memory_space<vmem>>)
      %dma_start3A_260 = arith.constant 0 : i32
      %dma_start3A_261 = tpu.memref_slice %arg9[%add3A_239, %dma_start3A_260] : memref<144x64xi32, #tpu.memory_space<vmem>> -> memref<1x64xi32, #tpu.memory_space<vmem>>
      %dma_start3A_262 = tpu.memref_squeeze %dma_start3A_261 : memref<1x64xi32, #tpu.memory_space<vmem>> -> memref<64xi32, #tpu.memory_space<vmem>>
      %dma_start3A_263 = arith.constant 0 : i32
      %dma_start3A_264 = arith.constant 0 : i32
      %dma_start3A_265 = tpu.memref_slice %arg13[%dma_start3A_263, %dma_start3A_264] : memref<10240x128xf32, #tpu.memory_space<vmem_shared>> -> memref<10240x128xf32, #tpu.memory_space<vmem_shared>>
      tpu.enqueue_indirect_dma source(%arg10 : memref<64x128xf32, #tpu.memory_space<vmem>>) target(%dma_start3A_265 : memref<10240x128xf32, #tpu.memory_space<vmem_shared>>) offsets(%dma_start3A_262 : memref<64xi32, #tpu.memory_space<vmem>>) semaphore(%arg16 : memref<!tpu.dma_semaphore, #tpu.memory_space<semaphore_mem>>) {add = true}
      %mul3A_266 = arith.constant 2 : i32
      %mul3A_267 = arith.muli %mul3A_266, %while3A_235 : i32
      %add3A_268 = arith.constant 1 : i32
      %add3A_269 = arith.addi %mul3A_267, %add3A_268 : i32
      %sub3A_270 = arith.constant 2 : i32
      %sub3A_271 = arith.subi %add3A_269, %sub3A_270 : i32
      %dma_wait3A_272 = arith.constant 0 : i32
      %dma_wait3A_273 = tpu.memref_slice %arg9[%sub3A_271, %dma_wait3A_272] : memref<144x64xi32, #tpu.memory_space<vmem>> -> memref<1x64xi32, #tpu.memory_space<vmem>>
      %dma_wait3A_274 = tpu.memref_squeeze %dma_wait3A_273 : memref<1x64xi32, #tpu.memory_space<vmem>> -> memref<64xi32, #tpu.memory_space<vmem>>
      %dma_wait3A_275 = arith.constant 0 : i32
      %dma_wait3A_276 = arith.constant 0 : i32
      %dma_wait3A_277 = tpu.memref_slice %arg13[%dma_wait3A_275, %dma_wait3A_276] : memref<10240x128xf32, #tpu.memory_space<vmem_shared>> -> memref<10240x128xf32, #tpu.memory_space<vmem_shared>>
      tpu.wait_indirect_dma semaphore(%arg17 : memref<!tpu.dma_semaphore, #tpu.memory_space<semaphore_mem>>) src(%arg11 : memref<64x128xf32, #tpu.memory_space<vmem>>) dst(%dma_wait3A_277 : memref<10240x128xf32, #tpu.memory_space<vmem_shared>>)
      %dma_start3A_278 = arith.constant 0 : i32
      %dma_start3A_279 = tpu.memref_slice %arg8[%add3A_269, %dma_start3A_278] : memref<144x64xi32, #tpu.memory_space<vmem>> -> memref<1x64xi32, #tpu.memory_space<vmem>>
      %dma_start3A_280 = tpu.memref_squeeze %dma_start3A_279 : memref<1x64xi32, #tpu.memory_space<vmem>> -> memref<64xi32, #tpu.memory_space<vmem>>
      %dma_start3A_281 = arith.constant 0 : i32
      %dma_start3A_282 = arith.constant 0 : i32
      %dma_start3A_283 = tpu.memref_slice %arg2[%dma_start3A_281, %dma_start3A_282] : memref<10000x128xf32, #tpu.memory_space<hbm>> -> memref<10000x128xf32, #tpu.memory_space<hbm>>
      tpu.enqueue_indirect_dma source(%dma_start3A_283 : memref<10000x128xf32, #tpu.memory_space<hbm>>) target(%arg11 : memref<64x128xf32, #tpu.memory_space<vmem>>) offsets(%dma_start3A_280 : memref<64xi32, #tpu.memory_space<vmem>>) semaphore(%arg15 : memref<!tpu.dma_semaphore, #tpu.memory_space<semaphore_mem>>)
      %dma_wait3A_284 = arith.constant 0 : i32
      %dma_wait3A_285 = tpu.memref_slice %arg8[%add3A_269, %dma_wait3A_284] : memref<144x64xi32, #tpu.memory_space<vmem>> -> memref<1x64xi32, #tpu.memory_space<vmem>>
      %dma_wait3A_286 = tpu.memref_squeeze %dma_wait3A_285 : memref<1x64xi32, #tpu.memory_space<vmem>> -> memref<64xi32, #tpu.memory_space<vmem>>
      %dma_wait3A_287 = arith.constant 0 : i32
      %dma_wait3A_288 = arith.constant 0 : i32
      %dma_wait3A_289 = tpu.memref_slice %arg2[%dma_wait3A_287, %dma_wait3A_288] : memref<10000x128xf32, #tpu.memory_space<hbm>> -> memref<10000x128xf32, #tpu.memory_space<hbm>>
      tpu.wait_indirect_dma semaphore(%arg15 : memref<!tpu.dma_semaphore, #tpu.memory_space<semaphore_mem>>) src(%dma_wait3A_289 : memref<10000x128xf32, #tpu.memory_space<hbm>>) dst(%arg11 : memref<64x128xf32, #tpu.memory_space<vmem>>)
      %dma_start3A_290 = arith.constant 0 : i32
      %dma_start3A_291 = tpu.memref_slice %arg9[%add3A_269, %dma_start3A_290] : memref<144x64xi32, #tpu.memory_space<vmem>> -> memref<1x64xi32, #tpu.memory_space<vmem>>
      %dma_start3A_292 = tpu.memref_squeeze %dma_start3A_291 : memref<1x64xi32, #tpu.memory_space<vmem>> -> memref<64xi32, #tpu.memory_space<vmem>>
      %dma_start3A_293 = arith.constant 0 : i32
      %dma_start3A_294 = arith.constant 0 : i32
      %dma_start3A_295 = tpu.memref_slice %arg13[%dma_start3A_293, %dma_start3A_294] : memref<10240x128xf32, #tpu.memory_space<vmem_shared>> -> memref<10240x128xf32, #tpu.memory_space<vmem_shared>>
      tpu.enqueue_indirect_dma source(%arg11 : memref<64x128xf32, #tpu.memory_space<vmem>>) target(%dma_start3A_295 : memref<10240x128xf32, #tpu.memory_space<vmem_shared>>) offsets(%dma_start3A_292 : memref<64xi32, #tpu.memory_space<vmem>>) semaphore(%arg17 : memref<!tpu.dma_semaphore, #tpu.memory_space<semaphore_mem>>) {add = true}
    }
    %while3A_88 = arith.constant 1 : i32
    scf.for %while3A_235 = %while3A_86 to %while3A_82 step %while3A_88  : i32 {
      %mul3A_236 = arith.constant 2 : i32
      %mul3A_237 = arith.muli %mul3A_236, %while3A_235 : i32
      %add3A_238 = arith.constant 0 : i32
      %add3A_239 = arith.addi %mul3A_237, %add3A_238 : i32
      %sub3A_240 = arith.constant 2 : i32
      %sub3A_241 = arith.subi %add3A_239, %sub3A_240 : i32
      %dma_wait3A_242 = arith.constant 0 : i32
      %dma_wait3A_243 = tpu.memref_slice %arg9[%sub3A_241, %dma_wait3A_242] : memref<144x64xi32, #tpu.memory_space<vmem>> -> memref<1x64xi32, #tpu.memory_space<vmem>>
      %dma_wait3A_244 = tpu.memref_squeeze %dma_wait3A_243 : memref<1x64xi32, #tpu.memory_space<vmem>> -> memref<64xi32, #tpu.memory_space<vmem>>
      %dma_wait3A_245 = arith.constant 0 : i32
      %dma_wait3A_246 = arith.constant 0 : i32
      %dma_wait3A_247 = tpu.memref_slice %arg13[%dma_wait3A_245, %dma_wait3A_246] : memref<10240x128xf32, #tpu.memory_space<vmem_shared>> -> memref<10240x128xf32, #tpu.memory_space<vmem_shared>>
      tpu.wait_indirect_dma semaphore(%arg16 : memref<!tpu.dma_semaphore, #tpu.memory_space<semaphore_mem>>) src(%arg10 : memref<64x128xf32, #tpu.memory_space<vmem>>) dst(%dma_wait3A_247 : memref<10240x128xf32, #tpu.memory_space<vmem_shared>>)
      %dma_start3A_248 = arith.constant 0 : i32
      %dma_start3A_249 = tpu.memref_slice %arg8[%add3A_239, %dma_start3A_248] : memref<144x64xi32, #tpu.memory_space<vmem>> -> memref<1x64xi32, #tpu.memory_space<vmem>>
      %dma_start3A_250 = tpu.memref_squeeze %dma_start3A_249 : memref<1x64xi32, #tpu.memory_space<vmem>> -> memref<64xi32, #tpu.memory_space<vmem>>
      %dma_start3A_251 = arith.constant 0 : i32
      %dma_start3A_252 = arith.constant 0 : i32
      %dma_start3A_253 = tpu.memref_slice %arg2[%dma_start3A_251, %dma_start3A_252] : memref<10000x128xf32, #tpu.memory_space<hbm>> -> memref<10000x128xf32, #tpu.memory_space<hbm>>
      tpu.enqueue_indirect_dma source(%dma_start3A_253 : memref<10000x128xf32, #tpu.memory_space<hbm>>) target(%arg10 : memref<64x128xf32, #tpu.memory_space<vmem>>) offsets(%dma_start3A_250 : memref<64xi32, #tpu.memory_space<vmem>>) semaphore(%arg14 : memref<!tpu.dma_semaphore, #tpu.memory_space<semaphore_mem>>)
      %dma_wait3A_254 = arith.constant 0 : i32
      %dma_wait3A_255 = tpu.memref_slice %arg8[%add3A_239, %dma_wait3A_254] : memref<144x64xi32, #tpu.memory_space<vmem>> -> memref<1x64xi32, #tpu.memory_space<vmem>>
      %dma_wait3A_256 = tpu.memref_squeeze %dma_wait3A_255 : memref<1x64xi32, #tpu.memory_space<vmem>> -> memref<64xi32, #tpu.memory_space<vmem>>
      %dma_wait3A_257 = arith.constant 0 : i32
      %dma_wait3A_258 = arith.constant 0 : i32
      %dma_wait3A_259 = tpu.memref_slice %arg2[%dma_wait3A_257, %dma_wait3A_258] : memref<10000x128xf32, #tpu.memory_space<hbm>> -> memref<10000x128xf32, #tpu.memory_space<hbm>>
      tpu.wait_indirect_dma semaphore(%arg14 : memref<!tpu.dma_semaphore, #tpu.memory_space<semaphore_mem>>) src(%dma_wait3A_259 : memref<10000x128xf32, #tpu.memory_space<hbm>>) dst(%arg10 : memref<64x128xf32, #tpu.memory_space<vmem>>)
      %dma_start3A_260 = arith.constant 0 : i32
      %dma_start3A_261 = tpu.memref_slice %arg9[%add3A_239, %dma_start3A_260] : memref<144x64xi32, #tpu.memory_space<vmem>> -> memref<1x64xi32, #tpu.memory_space<vmem>>
      %dma_start3A_262 = tpu.memref_squeeze %dma_start3A_261 : memref<1x64xi32, #tpu.memory_space<vmem>> -> memref<64xi32, #tpu.memory_space<vmem>>
      %dma_start3A_263 = arith.constant 0 : i32
      %dma_start3A_264 = arith.constant 0 : i32
      %dma_start3A_265 = tpu.memref_slice %arg13[%dma_start3A_263, %dma_start3A_264] : memref<10240x128xf32, #tpu.memory_space<vmem_shared>> -> memref<10240x128xf32, #tpu.memory_space<vmem_shared>>
      tpu.enqueue_indirect_dma source(%arg10 : memref<64x128xf32, #tpu.memory_space<vmem>>) target(%dma_start3A_265 : memref<10240x128xf32, #tpu.memory_space<vmem_shared>>) offsets(%dma_start3A_262 : memref<64xi32, #tpu.memory_space<vmem>>) semaphore(%arg16 : memref<!tpu.dma_semaphore, #tpu.memory_space<semaphore_mem>>) {add = true}
      %mul3A_266 = arith.constant 2 : i32
      %mul3A_267 = arith.muli %mul3A_266, %while3A_235 : i32
      %add3A_268 = arith.constant 1 : i32
      %add3A_269 = arith.addi %mul3A_267, %add3A_268 : i32
      %sub3A_270 = arith.constant 2 : i32
      %sub3A_271 = arith.subi %add3A_269, %sub3A_270 : i32
      %dma_wait3A_272 = arith.constant 0 : i32
      %dma_wait3A_273 = tpu.memref_slice %arg9[%sub3A_271, %dma_wait3A_272] : memref<144x64xi32, #tpu.memory_space<vmem>> -> memref<1x64xi32, #tpu.memory_space<vmem>>
      %dma_wait3A_274 = tpu.memref_squeeze %dma_wait3A_273 : memref<1x64xi32, #tpu.memory_space<vmem>> -> memref<64xi32, #tpu.memory_space<vmem>>
      %dma_wait3A_275 = arith.constant 0 : i32
      %dma_wait3A_276 = arith.constant 0 : i32
      %dma_wait3A_277 = tpu.memref_slice %arg13[%dma_wait3A_275, %dma_wait3A_276] : memref<10240x128xf32, #tpu.memory_space<vmem_shared>> -> memref<10240x128xf32, #tpu.memory_space<vmem_shared>>
      tpu.wait_indirect_dma semaphore(%arg17 : memref<!tpu.dma_semaphore, #tpu.memory_space<semaphore_mem>>) src(%arg11 : memref<64x128xf32, #tpu.memory_space<vmem>>) dst(%dma_wait3A_277 : memref<10240x128xf32, #tpu.memory_space<vmem_shared>>)
      %dma_start3A_278 = arith.constant 0 : i32
      %dma_start3A_279 = tpu.memref_slice %arg8[%add3A_269, %dma_start3A_278] : memref<144x64xi32, #tpu.memory_space<vmem>> -> memref<1x64xi32, #tpu.memory_space<vmem>>
      %dma_start3A_280 = tpu.memref_squeeze %dma_start3A_279 : memref<1x64xi32, #tpu.memory_space<vmem>> -> memref<64xi32, #tpu.memory_space<vmem>>
      %dma_start3A_281 = arith.constant 0 : i32
      %dma_start3A_282 = arith.constant 0 : i32
      %dma_start3A_283 = tpu.memref_slice %arg2[%dma_start3A_281, %dma_start3A_282] : memref<10000x128xf32, #tpu.memory_space<hbm>> -> memref<10000x128xf32, #tpu.memory_space<hbm>>
      tpu.enqueue_indirect_dma source(%dma_start3A_283 : memref<10000x128xf32, #tpu.memory_space<hbm>>) target(%arg11 : memref<64x128xf32, #tpu.memory_space<vmem>>) offsets(%dma_start3A_280 : memref<64xi32, #tpu.memory_space<vmem>>) semaphore(%arg15 : memref<!tpu.dma_semaphore, #tpu.memory_space<semaphore_mem>>)
      %dma_wait3A_284 = arith.constant 0 : i32
      %dma_wait3A_285 = tpu.memref_slice %arg8[%add3A_269, %dma_wait3A_284] : memref<144x64xi32, #tpu.memory_space<vmem>> -> memref<1x64xi32, #tpu.memory_space<vmem>>
      %dma_wait3A_286 = tpu.memref_squeeze %dma_wait3A_285 : memref<1x64xi32, #tpu.memory_space<vmem>> -> memref<64xi32, #tpu.memory_space<vmem>>
      %dma_wait3A_287 = arith.constant 0 : i32
      %dma_wait3A_288 = arith.constant 0 : i32
      %dma_wait3A_289 = tpu.memref_slice %arg2[%dma_wait3A_287, %dma_wait3A_288] : memref<10000x128xf32, #tpu.memory_space<hbm>> -> memref<10000x128xf32, #tpu.memory_space<hbm>>
      tpu.wait_indirect_dma semaphore(%arg15 : memref<!tpu.dma_semaphore, #tpu.memory_space<semaphore_mem>>) src(%dma_wait3A_289 : memref<10000x128xf32, #tpu.memory_space<hbm>>) dst(%arg11 : memref<64x128xf32, #tpu.memory_space<vmem>>)
      %dma_start3A_290 = arith.constant 0 : i32
      %dma_start3A_291 = tpu.memref_slice %arg9[%add3A_269, %dma_start3A_290] : memref<144x64xi32, #tpu.memory_space<vmem>> -> memref<1x64xi32, #tpu.memory_space<vmem>>
      %dma_start3A_292 = tpu.memref_squeeze %dma_start3A_291 : memref<1x64xi32, #tpu.memory_space<vmem>> -> memref<64xi32, #tpu.memory_space<vmem>>
      %dma_start3A_293 = arith.constant 0 : i32
      %dma_start3A_294 = arith.constant 0 : i32
      %dma_start3A_295 = tpu.memref_slice %arg13[%dma_start3A_293, %dma_start3A_294] : memref<10240x128xf32, #tpu.memory_space<vmem_shared>> -> memref<10240x128xf32, #tpu.memory_space<vmem_shared>>
      tpu.enqueue_indirect_dma source(%arg11 : memref<64x128xf32, #tpu.memory_space<vmem>>) target(%dma_start3A_295 : memref<10240x128xf32, #tpu.memory_space<vmem_shared>>) offsets(%dma_start3A_292 : memref<64xi32, #tpu.memory_space<vmem>>) semaphore(%arg17 : memref<!tpu.dma_semaphore, #tpu.memory_space<semaphore_mem>>) {add = true}
    }
    %dma_wait3A_89 = arith.constant 0 : i32
    %dma_wait3A_90 = arith.constant 0 : i32
    %dma_wait3A_91 = tpu.memref_slice %arg9[%dma_wait3A_89, %dma_wait3A_90] : memref<144x64xi32, #tpu.memory_space<vmem>> -> memref<1x64xi32, #tpu.memory_space<vmem>>
    %dma_wait3A_92 = tpu.memref_squeeze %dma_wait3A_91 : memref<1x64xi32, #tpu.memory_space<vmem>> -> memref<64xi32, #tpu.memory_space<vmem>>
    %dma_wait3A_93 = arith.constant 0 : i32
    %dma_wait3A_94 = arith.constant 0 : i32
    %dma_wait3A_95 = tpu.memref_slice %arg13[%dma_wait3A_93, %dma_wait3A_94] : memref<10240x128xf32, #tpu.memory_space<vmem_shared>> -> memref<10240x128xf32, #tpu.memory_space<vmem_shared>>
    tpu.wait_indirect_dma semaphore(%arg16 : memref<!tpu.dma_semaphore, #tpu.memory_space<semaphore_mem>>) src(%arg10 : memref<64x128xf32, #tpu.memory_space<vmem>>) dst(%dma_wait3A_95 : memref<10240x128xf32, #tpu.memory_space<vmem_shared>>)
    %dma_wait3A_96 = arith.constant 0 : i32
    %dma_wait3A_97 = arith.constant 0 : i32
    %dma_wait3A_98 = tpu.memref_slice %arg9[%dma_wait3A_96, %dma_wait3A_97] : memref<144x64xi32, #tpu.memory_space<vmem>> -> memref<1x64xi32, #tpu.memory_space<vmem>>
    %dma_wait3A_99 = tpu.memref_squeeze %dma_wait3A_98 : memref<1x64xi32, #tpu.memory_space<vmem>> -> memref<64xi32, #tpu.memory_space<vmem>>
    %dma_wait3A_100 = arith.constant 0 : i32
    %dma_wait3A_101 = arith.constant 0 : i32
    %dma_wait3A_102 = tpu.memref_slice %arg13[%dma_wait3A_100, %dma_wait3A_101] : memref<10240x128xf32, #tpu.memory_space<vmem_shared>> -> memref<10240x128xf32, #tpu.memory_space<vmem_shared>>
    tpu.wait_indirect_dma semaphore(%arg17 : memref<!tpu.dma_semaphore, #tpu.memory_space<semaphore_mem>>) src(%arg11 : memref<64x128xf32, #tpu.memory_space<vmem>>) dst(%dma_wait3A_102 : memref<10240x128xf32, #tpu.memory_space<vmem_shared>>)
    %broadcast_in_dim3A_103 = arith.constant 1.000000e+00 : f32
    %broadcast_in_dim3A_104 = vector.broadcast %broadcast_in_dim3A_103 : f32 to vector<16xf32>
    %while3A_105 = arith.constant 0 : i32
    %while3A_106 = arith.constant 0 : i32
    %while3A_107 = arith.subi %select_n3A, %while3A_106 : i32
    %while3A_108 = arith.addi %while3A_106, %while3A_107 : i32
    %while3A_109 = arith.constant 1 : i32
    %while3A_110 = arith.divsi %while3A_107, %while3A_109 : i32
    %while3A_111 = arith.muli %while3A_110, %while3A_109 : i32
    %while3A_112 = arith.addi %while3A_106, %while3A_111 : i32
    %while3A_113 = arith.constant 1 : i32
    scf.for %while3A_235 = %while3A_106 to %while3A_112 step %while3A_113  : i32 {
      %get3A = arith.index_cast %while3A_235 : i32 to index
      %get3A_236 = arith.constant 0 : index
      %get3A_237 = tpu.vector_load %arg9[%get3A, %get3A_236] {strides = array<i32>} : memref<144x64xi32, #tpu.memory_space<vmem>>, vector<16xi32>,
      tpu.vector_store_idx %arg12[%get3A_237], %broadcast_in_dim3A_104 {add = true} : memref<10240xf32, #tpu.memory_space<vmem>>[vector<16xi32>], vector<16xf32>,
      %get3A_238 = arith.index_cast %while3A_235 : i32 to index
      %get3A_239 = arith.constant 16 : index
      %get3A_240 = tpu.vector_load %arg9[%get3A_238, %get3A_239] {strides = array<i32>} : memref<144x64xi32, #tpu.memory_space<vmem>>, vector<16xi32>,
      tpu.vector_store_idx %arg12[%get3A_240], %broadcast_in_dim3A_104 {add = true} : memref<10240xf32, #tpu.memory_space<vmem>>[vector<16xi32>], vector<16xf32>,
      %get3A_241 = arith.index_cast %while3A_235 : i32 to index
      %get3A_242 = arith.constant 32 : index
      %get3A_243 = tpu.vector_load %arg9[%get3A_241, %get3A_242] {strides = array<i32>} : memref<144x64xi32, #tpu.memory_space<vmem>>, vector<16xi32>,
      tpu.vector_store_idx %arg12[%get3A_243], %broadcast_in_dim3A_104 {add = true} : memref<10240xf32, #tpu.memory_space<vmem>>[vector<16xi32>], vector<16xf32>,
      %get3A_244 = arith.index_cast %while3A_235 : i32 to index
      %get3A_245 = arith.constant 48 : index
      %get3A_246 = tpu.vector_load %arg9[%get3A_244, %get3A_245] {strides = array<i32>} : memref<144x64xi32, #tpu.memory_space<vmem>>, vector<16xi32>,
      tpu.vector_store_idx %arg12[%get3A_246], %broadcast_in_dim3A_104 {add = true} : memref<10240xf32, #tpu.memory_space<vmem>>[vector<16xi32>], vector<16xf32>,
    }
    %while3A_114 = arith.constant 1 : i32
    scf.for %while3A_235 = %while3A_112 to %while3A_108 step %while3A_114  : i32 {
      %get3A = arith.index_cast %while3A_235 : i32 to index
      %get3A_236 = arith.constant 0 : index
      %get3A_237 = tpu.vector_load %arg9[%get3A, %get3A_236] {strides = array<i32>} : memref<144x64xi32, #tpu.memory_space<vmem>>, vector<16xi32>,
      tpu.vector_store_idx %arg12[%get3A_237], %broadcast_in_dim3A_104 {add = true} : memref<10240xf32, #tpu.memory_space<vmem>>[vector<16xi32>], vector<16xf32>,
      %get3A_238 = arith.index_cast %while3A_235 : i32 to index
      %get3A_239 = arith.constant 16 : index
      %get3A_240 = tpu.vector_load %arg9[%get3A_238, %get3A_239] {strides = array<i32>} : memref<144x64xi32, #tpu.memory_space<vmem>>, vector<16xi32>,
      tpu.vector_store_idx %arg12[%get3A_240], %broadcast_in_dim3A_104 {add = true} : memref<10240xf32, #tpu.memory_space<vmem>>[vector<16xi32>], vector<16xf32>,
      %get3A_241 = arith.index_cast %while3A_235 : i32 to index
      %get3A_242 = arith.constant 32 : index
      %get3A_243 = tpu.vector_load %arg9[%get3A_241, %get3A_242] {strides = array<i32>} : memref<144x64xi32, #tpu.memory_space<vmem>>, vector<16xi32>,
      tpu.vector_store_idx %arg12[%get3A_243], %broadcast_in_dim3A_104 {add = true} : memref<10240xf32, #tpu.memory_space<vmem>>[vector<16xi32>], vector<16xf32>,
      %get3A_244 = arith.index_cast %while3A_235 : i32 to index
      %get3A_245 = arith.constant 48 : index
      %get3A_246 = tpu.vector_load %arg9[%get3A_244, %get3A_245] {strides = array<i32>} : memref<144x64xi32, #tpu.memory_space<vmem>>, vector<16xi32>,
      tpu.vector_store_idx %arg12[%get3A_246], %broadcast_in_dim3A_104 {add = true} : memref<10240xf32, #tpu.memory_space<vmem>>[vector<16xi32>], vector<16xf32>,
    }
    %mul3A_115 = arith.constant 288 : i32
    %mul3A_116 = arith.muli %arg1, %mul3A_115 : i32
    %add3A_117 = arith.constant 144 : i32
    %add3A_118 = arith.addi %mul3A_116, %add3A_117 : i32
    %mul3A_119 = arith.constant 32 : i32
    %mul3A_120 = arith.muli %arg1, %mul3A_119 : i32
    %add3A_121 = arith.constant 4608 : i32
    %add3A_122 = arith.addi %add3A_121, %mul3A_120 : i32
    %add3A_123 = arith.constant 16 : i32
    %add3A_124 = arith.addi %add3A_122, %add3A_123 : i32
    %select_n3A_125 = arith.select %eq3A_3, %add3A_118, %add3A_124 : i32
    "tpu.region"() ({
      %run_scoped3A = tpu.sem_alloc : memref<!tpu.dma_semaphore, #tpu.memory_space<semaphore_mem>>
      %dma_start3A_235 = arith.constant 0 : i32
      %dma_start3A_236 = tpu.memref_slice %arg3[%select_n3A_125, %dma_start3A_235] : memref<5248x64xi32, #tpu.memory_space<hbm>> -> memref<144x64xi32, #tpu.memory_space<hbm>>
      %dma_start3A_237 = arith.constant 0 : i32
      %dma_start3A_238 = tpu.memref_slice %arg3[%select_n3A_125, %dma_start3A_237] : memref<5248x64xi32, #tpu.memory_space<hbm>> -> memref<144x64xi32, #tpu.memory_space<hbm>>
      tpu.enqueue_dma source(%dma_start3A_238 : memref<144x64xi32, #tpu.memory_space<hbm>>) target(%arg8 : memref<144x64xi32, #tpu.memory_space<vmem>>) target_semaphore(%run_scoped3A : memref<!tpu.dma_semaphore, #tpu.memory_space<semaphore_mem>>)
      %dma_wait3A_239 = arith.constant 0 : i32
      %dma_wait3A_240 = tpu.memref_slice %arg3[%select_n3A_125, %dma_wait3A_239] : memref<5248x64xi32, #tpu.memory_space<hbm>> -> memref<144x64xi32, #tpu.memory_space<hbm>>
      %dma_wait3A_241 = arith.constant 0 : i32
      %dma_wait3A_242 = tpu.memref_slice %arg3[%select_n3A_125, %dma_wait3A_241] : memref<5248x64xi32, #tpu.memory_space<hbm>> -> memref<144x64xi32, #tpu.memory_space<hbm>>
      tpu.wait_dma2 semaphore(%run_scoped3A : memref<!tpu.dma_semaphore, #tpu.memory_space<semaphore_mem>>) src(%dma_wait3A_242 : memref<144x64xi32, #tpu.memory_space<hbm>>) dst(%arg8 : memref<144x64xi32, #tpu.memory_space<vmem>>)
      tpu.yield
    }) : () -> ()
    "tpu.region"() ({
      %run_scoped3A = tpu.sem_alloc : memref<!tpu.dma_semaphore, #tpu.memory_space<semaphore_mem>>
      %dma_start3A_235 = arith.constant 0 : i32
      %dma_start3A_236 = tpu.memref_slice %arg4[%select_n3A_125, %dma_start3A_235] : memref<5248x64xi32, #tpu.memory_space<hbm>> -> memref<144x64xi32, #tpu.memory_space<hbm>>
      %dma_start3A_237 = arith.constant 0 : i32
      %dma_start3A_238 = tpu.memref_slice %arg4[%select_n3A_125, %dma_start3A_237] : memref<5248x64xi32, #tpu.memory_space<hbm>> -> memref<144x64xi32, #tpu.memory_space<hbm>>
      tpu.enqueue_dma source(%dma_start3A_238 : memref<144x64xi32, #tpu.memory_space<hbm>>) target(%arg9 : memref<144x64xi32, #tpu.memory_space<vmem>>) target_semaphore(%run_scoped3A : memref<!tpu.dma_semaphore, #tpu.memory_space<semaphore_mem>>)
      %dma_wait3A_239 = arith.constant 0 : i32
      %dma_wait3A_240 = tpu.memref_slice %arg4[%select_n3A_125, %dma_wait3A_239] : memref<5248x64xi32, #tpu.memory_space<hbm>> -> memref<144x64xi32, #tpu.memory_space<hbm>>
      %dma_wait3A_241 = arith.constant 0 : i32
      %dma_wait3A_242 = tpu.memref_slice %arg4[%select_n3A_125, %dma_wait3A_241] : memref<5248x64xi32, #tpu.memory_space<hbm>> -> memref<144x64xi32, #tpu.memory_space<hbm>>
      tpu.wait_dma2 semaphore(%run_scoped3A : memref<!tpu.dma_semaphore, #tpu.memory_space<semaphore_mem>>) src(%dma_wait3A_242 : memref<144x64xi32, #tpu.memory_space<hbm>>) dst(%arg9 : memref<144x64xi32, #tpu.memory_space<vmem>>)
      tpu.yield
    }) : () -> ()
    %dma_start3A_126 = arith.constant 0 : i32
    %dma_start3A_127 = arith.constant 0 : i32
    %dma_start3A_128 = tpu.memref_slice %arg8[%dma_start3A_126, %dma_start3A_127] : memref<144x64xi32, #tpu.memory_space<vmem>> -> memref<1x64xi32, #tpu.memory_space<vmem>>
    %dma_start3A_129 = tpu.memref_squeeze %dma_start3A_128 : memref<1x64xi32, #tpu.memory_space<vmem>> -> memref<64xi32, #tpu.memory_space<vmem>>
    %dma_start3A_130 = arith.constant 0 : i32
    %dma_start3A_131 = arith.constant 0 : i32
    %dma_start3A_132 = tpu.memref_slice %arg2[%dma_start3A_130, %dma_start3A_131] : memref<10000x128xf32, #tpu.memory_space<hbm>> -> memref<10000x128xf32, #tpu.memory_space<hbm>>
    tpu.enqueue_indirect_dma source(%dma_start3A_132 : memref<10000x128xf32, #tpu.memory_space<hbm>>) target(%arg10 : memref<64x128xf32, #tpu.memory_space<vmem>>) offsets(%dma_start3A_129 : memref<64xi32, #tpu.memory_space<vmem>>) semaphore(%arg14 : memref<!tpu.dma_semaphore, #tpu.memory_space<semaphore_mem>>)
    %dma_start3A_133 = arith.constant 1 : i32
    %dma_start3A_134 = arith.constant 0 : i32
    %dma_start3A_135 = tpu.memref_slice %arg8[%dma_start3A_133, %dma_start3A_134] : memref<144x64xi32, #tpu.memory_space<vmem>> -> memref<1x64xi32, #tpu.memory_space<vmem>>
    %dma_start3A_136 = tpu.memref_squeeze %dma_start3A_135 : memref<1x64xi32, #tpu.memory_space<vmem>> -> memref<64xi32, #tpu.memory_space<vmem>>
    %dma_start3A_137 = arith.constant 0 : i32
    %dma_start3A_138 = arith.constant 0 : i32
    %dma_start3A_139 = tpu.memref_slice %arg2[%dma_start3A_137, %dma_start3A_138] : memref<10000x128xf32, #tpu.memory_space<hbm>> -> memref<10000x128xf32, #tpu.memory_space<hbm>>
    tpu.enqueue_indirect_dma source(%dma_start3A_139 : memref<10000x128xf32, #tpu.memory_space<hbm>>) target(%arg11 : memref<64x128xf32, #tpu.memory_space<vmem>>) offsets(%dma_start3A_136 : memref<64xi32, #tpu.memory_space<vmem>>) semaphore(%arg15 : memref<!tpu.dma_semaphore, #tpu.memory_space<semaphore_mem>>)
    %dma_wait3A_140 = arith.constant 0 : i32
    %dma_wait3A_141 = arith.constant 0 : i32
    %dma_wait3A_142 = tpu.memref_slice %arg8[%dma_wait3A_140, %dma_wait3A_141] : memref<144x64xi32, #tpu.memory_space<vmem>> -> memref<1x64xi32, #tpu.memory_space<vmem>>
    %dma_wait3A_143 = tpu.memref_squeeze %dma_wait3A_142 : memref<1x64xi32, #tpu.memory_space<vmem>> -> memref<64xi32, #tpu.memory_space<vmem>>
    %dma_wait3A_144 = arith.constant 0 : i32
    %dma_wait3A_145 = arith.constant 0 : i32
    %dma_wait3A_146 = tpu.memref_slice %arg2[%dma_wait3A_144, %dma_wait3A_145] : memref<10000x128xf32, #tpu.memory_space<hbm>> -> memref<10000x128xf32, #tpu.memory_space<hbm>>
    tpu.wait_indirect_dma semaphore(%arg14 : memref<!tpu.dma_semaphore, #tpu.memory_space<semaphore_mem>>) src(%dma_wait3A_146 : memref<10000x128xf32, #tpu.memory_space<hbm>>) dst(%arg10 : memref<64x128xf32, #tpu.memory_space<vmem>>)
    %dma_start3A_147 = arith.constant 0 : i32
    %dma_start3A_148 = arith.constant 0 : i32
    %dma_start3A_149 = tpu.memref_slice %arg9[%dma_start3A_147, %dma_start3A_148] : memref<144x64xi32, #tpu.memory_space<vmem>> -> memref<1x64xi32, #tpu.memory_space<vmem>>
    %dma_start3A_150 = tpu.memref_squeeze %dma_start3A_149 : memref<1x64xi32, #tpu.memory_space<vmem>> -> memref<64xi32, #tpu.memory_space<vmem>>
    %dma_start3A_151 = arith.constant 0 : i32
    %dma_start3A_152 = arith.constant 0 : i32
    %dma_start3A_153 = tpu.memref_slice %arg13[%dma_start3A_151, %dma_start3A_152] : memref<10240x128xf32, #tpu.memory_space<vmem_shared>> -> memref<10240x128xf32, #tpu.memory_space<vmem_shared>>
    tpu.enqueue_indirect_dma source(%arg10 : memref<64x128xf32, #tpu.memory_space<vmem>>) target(%dma_start3A_153 : memref<10240x128xf32, #tpu.memory_space<vmem_shared>>) offsets(%dma_start3A_150 : memref<64xi32, #tpu.memory_space<vmem>>) semaphore(%arg16 : memref<!tpu.dma_semaphore, #tpu.memory_space<semaphore_mem>>) {add = true}
    %dma_wait3A_154 = arith.constant 1 : i32
    %dma_wait3A_155 = arith.constant 0 : i32
    %dma_wait3A_156 = tpu.memref_slice %arg8[%dma_wait3A_154, %dma_wait3A_155] : memref<144x64xi32, #tpu.memory_space<vmem>> -> memref<1x64xi32, #tpu.memory_space<vmem>>
    %dma_wait3A_157 = tpu.memref_squeeze %dma_wait3A_156 : memref<1x64xi32, #tpu.memory_space<vmem>> -> memref<64xi32, #tpu.memory_space<vmem>>
    %dma_wait3A_158 = arith.constant 0 : i32
    %dma_wait3A_159 = arith.constant 0 : i32
    %dma_wait3A_160 = tpu.memref_slice %arg2[%dma_wait3A_158, %dma_wait3A_159] : memref<10000x128xf32, #tpu.memory_space<hbm>> -> memref<10000x128xf32, #tpu.memory_space<hbm>>
    tpu.wait_indirect_dma semaphore(%arg15 : memref<!tpu.dma_semaphore, #tpu.memory_space<semaphore_mem>>) src(%dma_wait3A_160 : memref<10000x128xf32, #tpu.memory_space<hbm>>) dst(%arg11 : memref<64x128xf32, #tpu.memory_space<vmem>>)
    %dma_start3A_161 = arith.constant 1 : i32
    %dma_start3A_162 = arith.constant 0 : i32
    %dma_start3A_163 = tpu.memref_slice %arg9[%dma_start3A_161, %dma_start3A_162] : memref<144x64xi32, #tpu.memory_space<vmem>> -> memref<1x64xi32, #tpu.memory_space<vmem>>
    %dma_start3A_164 = tpu.memref_squeeze %dma_start3A_163 : memref<1x64xi32, #tpu.memory_space<vmem>> -> memref<64xi32, #tpu.memory_space<vmem>>
    %dma_start3A_165 = arith.constant 0 : i32
    %dma_start3A_166 = arith.constant 0 : i32
    %dma_start3A_167 = tpu.memref_slice %arg13[%dma_start3A_165, %dma_start3A_166] : memref<10240x128xf32, #tpu.memory_space<vmem_shared>> -> memref<10240x128xf32, #tpu.memory_space<vmem_shared>>
    tpu.enqueue_indirect_dma source(%arg11 : memref<64x128xf32, #tpu.memory_space<vmem>>) target(%dma_start3A_167 : memref<10240x128xf32, #tpu.memory_space<vmem_shared>>) offsets(%dma_start3A_164 : memref<64xi32, #tpu.memory_space<vmem>>) semaphore(%arg17 : memref<!tpu.dma_semaphore, #tpu.memory_space<semaphore_mem>>) {add = true}
    %jit3A_168 = arith.constant 2 : i32
    %div3A_169 = arith.divsi %select_n3A, %jit3A_168 : i32
    %sign3A_170 = arith.constant 0 : i32
    %sign3A_171 = arith.cmpi sgt, %select_n3A, %sign3A_170 : i32
    %sign3A_172 = arith.extui %sign3A_171 : i1 to i32
    %sign3A_173 = arith.constant 0 : i32
    %sign3A_174 = arith.cmpi slt, %select_n3A, %sign3A_173 : i32
    %sign3A_175 = arith.extui %sign3A_174 : i1 to i32
    %sign3A_176 = arith.subi %sign3A_172, %sign3A_175 : i32
    %sign3A_177 = arith.constant 0 : i32
    %sign3A_178 = arith.cmpi sgt, %jit3A_168, %sign3A_177 : i32
    %sign3A_179 = arith.extui %sign3A_178 : i1 to i32
    %sign3A_180 = arith.constant 0 : i32
    %sign3A_181 = arith.cmpi slt, %jit3A_168, %sign3A_180 : i32
    %sign3A_182 = arith.extui %sign3A_181 : i1 to i32
    %sign3A_183 = arith.subi %sign3A_179, %sign3A_182 : i32
    %ne3A_184 = arith.cmpi ne, %sign3A_176, %sign3A_183 : i32
    %rem3A_185 = arith.remsi %select_n3A, %jit3A_168 : i32
    %ne3A_186 = arith.constant 0 : i32
    %ne3A_187 = arith.cmpi ne, %rem3A_185, %ne3A_186 : i32
    %and3A_188 = arith.andi %ne3A_184, %ne3A_187 : i1
    %sub3A_189 = arith.constant 1 : i32
    %sub3A_190 = arith.subi %div3A_169, %sub3A_189 : i32
    %select_n3A_191 = arith.select %and3A_188, %sub3A_190, %div3A_169 : i32
    %while3A_192 = arith.constant 0 : i32
    %while3A_193 = arith.constant 1 : i32
    %while3A_194 = arith.subi %select_n3A_191, %while3A_193 : i32
    %while3A_195 = arith.addi %while3A_193, %while3A_194 : i32
    %while3A_196 = arith.constant 1 : i32
    %while3A_197 = arith.divsi %while3A_194, %while3A_196 : i32
    %while3A_198 = arith.muli %while3A_197, %while3A_196 : i32
    %while3A_199 = arith.addi %while3A_193, %while3A_198 : i32
    %while3A_200 = arith.constant 1 : i32
    scf.for %while3A_235 = %while3A_193 to %while3A_199 step %while3A_200  : i32 {
      %mul3A_236 = arith.constant 2 : i32
      %mul3A_237 = arith.muli %mul3A_236, %while3A_235 : i32
      %add3A_238 = arith.constant 0 : i32
      %add3A_239 = arith.addi %mul3A_237, %add3A_238 : i32
      %sub3A_240 = arith.constant 2 : i32
      %sub3A_241 = arith.subi %add3A_239, %sub3A_240 : i32
      %dma_wait3A_242 = arith.constant 0 : i32
      %dma_wait3A_243 = tpu.memref_slice %arg9[%sub3A_241, %dma_wait3A_242] : memref<144x64xi32, #tpu.memory_space<vmem>> -> memref<1x64xi32, #tpu.memory_space<vmem>>
      %dma_wait3A_244 = tpu.memref_squeeze %dma_wait3A_243 : memref<1x64xi32, #tpu.memory_space<vmem>> -> memref<64xi32, #tpu.memory_space<vmem>>
      %dma_wait3A_245 = arith.constant 0 : i32
      %dma_wait3A_246 = arith.constant 0 : i32
      %dma_wait3A_247 = tpu.memref_slice %arg13[%dma_wait3A_245, %dma_wait3A_246] : memref<10240x128xf32, #tpu.memory_space<vmem_shared>> -> memref<10240x128xf32, #tpu.memory_space<vmem_shared>>
      tpu.wait_indirect_dma semaphore(%arg16 : memref<!tpu.dma_semaphore, #tpu.memory_space<semaphore_mem>>) src(%arg10 : memref<64x128xf32, #tpu.memory_space<vmem>>) dst(%dma_wait3A_247 : memref<10240x128xf32, #tpu.memory_space<vmem_shared>>)
      %dma_start3A_248 = arith.constant 0 : i32
      %dma_start3A_249 = tpu.memref_slice %arg8[%add3A_239, %dma_start3A_248] : memref<144x64xi32, #tpu.memory_space<vmem>> -> memref<1x64xi32, #tpu.memory_space<vmem>>
      %dma_start3A_250 = tpu.memref_squeeze %dma_start3A_249 : memref<1x64xi32, #tpu.memory_space<vmem>> -> memref<64xi32, #tpu.memory_space<vmem>>
      %dma_start3A_251 = arith.constant 0 : i32
      %dma_start3A_252 = arith.constant 0 : i32
      %dma_start3A_253 = tpu.memref_slice %arg2[%dma_start3A_251, %dma_start3A_252] : memref<10000x128xf32, #tpu.memory_space<hbm>> -> memref<10000x128xf32, #tpu.memory_space<hbm>>
      tpu.enqueue_indirect_dma source(%dma_start3A_253 : memref<10000x128xf32, #tpu.memory_space<hbm>>) target(%arg10 : memref<64x128xf32, #tpu.memory_space<vmem>>) offsets(%dma_start3A_250 : memref<64xi32, #tpu.memory_space<vmem>>) semaphore(%arg14 : memref<!tpu.dma_semaphore, #tpu.memory_space<semaphore_mem>>)
      %dma_wait3A_254 = arith.constant 0 : i32
      %dma_wait3A_255 = tpu.memref_slice %arg8[%add3A_239, %dma_wait3A_254] : memref<144x64xi32, #tpu.memory_space<vmem>> -> memref<1x64xi32, #tpu.memory_space<vmem>>
      %dma_wait3A_256 = tpu.memref_squeeze %dma_wait3A_255 : memref<1x64xi32, #tpu.memory_space<vmem>> -> memref<64xi32, #tpu.memory_space<vmem>>
      %dma_wait3A_257 = arith.constant 0 : i32
      %dma_wait3A_258 = arith.constant 0 : i32
      %dma_wait3A_259 = tpu.memref_slice %arg2[%dma_wait3A_257, %dma_wait3A_258] : memref<10000x128xf32, #tpu.memory_space<hbm>> -> memref<10000x128xf32, #tpu.memory_space<hbm>>
      tpu.wait_indirect_dma semaphore(%arg14 : memref<!tpu.dma_semaphore, #tpu.memory_space<semaphore_mem>>) src(%dma_wait3A_259 : memref<10000x128xf32, #tpu.memory_space<hbm>>) dst(%arg10 : memref<64x128xf32, #tpu.memory_space<vmem>>)
      %dma_start3A_260 = arith.constant 0 : i32
      %dma_start3A_261 = tpu.memref_slice %arg9[%add3A_239, %dma_start3A_260] : memref<144x64xi32, #tpu.memory_space<vmem>> -> memref<1x64xi32, #tpu.memory_space<vmem>>
      %dma_start3A_262 = tpu.memref_squeeze %dma_start3A_261 : memref<1x64xi32, #tpu.memory_space<vmem>> -> memref<64xi32, #tpu.memory_space<vmem>>
      %dma_start3A_263 = arith.constant 0 : i32
      %dma_start3A_264 = arith.constant 0 : i32
      %dma_start3A_265 = tpu.memref_slice %arg13[%dma_start3A_263, %dma_start3A_264] : memref<10240x128xf32, #tpu.memory_space<vmem_shared>> -> memref<10240x128xf32, #tpu.memory_space<vmem_shared>>
      tpu.enqueue_indirect_dma source(%arg10 : memref<64x128xf32, #tpu.memory_space<vmem>>) target(%dma_start3A_265 : memref<10240x128xf32, #tpu.memory_space<vmem_shared>>) offsets(%dma_start3A_262 : memref<64xi32, #tpu.memory_space<vmem>>) semaphore(%arg16 : memref<!tpu.dma_semaphore, #tpu.memory_space<semaphore_mem>>) {add = true}
      %mul3A_266 = arith.constant 2 : i32
      %mul3A_267 = arith.muli %mul3A_266, %while3A_235 : i32
      %add3A_268 = arith.constant 1 : i32
      %add3A_269 = arith.addi %mul3A_267, %add3A_268 : i32
      %sub3A_270 = arith.constant 2 : i32
      %sub3A_271 = arith.subi %add3A_269, %sub3A_270 : i32
      %dma_wait3A_272 = arith.constant 0 : i32
      %dma_wait3A_273 = tpu.memref_slice %arg9[%sub3A_271, %dma_wait3A_272] : memref<144x64xi32, #tpu.memory_space<vmem>> -> memref<1x64xi32, #tpu.memory_space<vmem>>
      %dma_wait3A_274 = tpu.memref_squeeze %dma_wait3A_273 : memref<1x64xi32, #tpu.memory_space<vmem>> -> memref<64xi32, #tpu.memory_space<vmem>>
      %dma_wait3A_275 = arith.constant 0 : i32
      %dma_wait3A_276 = arith.constant 0 : i32
      %dma_wait3A_277 = tpu.memref_slice %arg13[%dma_wait3A_275, %dma_wait3A_276] : memref<10240x128xf32, #tpu.memory_space<vmem_shared>> -> memref<10240x128xf32, #tpu.memory_space<vmem_shared>>
      tpu.wait_indirect_dma semaphore(%arg17 : memref<!tpu.dma_semaphore, #tpu.memory_space<semaphore_mem>>) src(%arg11 : memref<64x128xf32, #tpu.memory_space<vmem>>) dst(%dma_wait3A_277 : memref<10240x128xf32, #tpu.memory_space<vmem_shared>>)
      %dma_start3A_278 = arith.constant 0 : i32
      %dma_start3A_279 = tpu.memref_slice %arg8[%add3A_269, %dma_start3A_278] : memref<144x64xi32, #tpu.memory_space<vmem>> -> memref<1x64xi32, #tpu.memory_space<vmem>>
      %dma_start3A_280 = tpu.memref_squeeze %dma_start3A_279 : memref<1x64xi32, #tpu.memory_space<vmem>> -> memref<64xi32, #tpu.memory_space<vmem>>
      %dma_start3A_281 = arith.constant 0 : i32
      %dma_start3A_282 = arith.constant 0 : i32
      %dma_start3A_283 = tpu.memref_slice %arg2[%dma_start3A_281, %dma_start3A_282] : memref<10000x128xf32, #tpu.memory_space<hbm>> -> memref<10000x128xf32, #tpu.memory_space<hbm>>
      tpu.enqueue_indirect_dma source(%dma_start3A_283 : memref<10000x128xf32, #tpu.memory_space<hbm>>) target(%arg11 : memref<64x128xf32, #tpu.memory_space<vmem>>) offsets(%dma_start3A_280 : memref<64xi32, #tpu.memory_space<vmem>>) semaphore(%arg15 : memref<!tpu.dma_semaphore, #tpu.memory_space<semaphore_mem>>)
      %dma_wait3A_284 = arith.constant 0 : i32
      %dma_wait3A_285 = tpu.memref_slice %arg8[%add3A_269, %dma_wait3A_284] : memref<144x64xi32, #tpu.memory_space<vmem>> -> memref<1x64xi32, #tpu.memory_space<vmem>>
      %dma_wait3A_286 = tpu.memref_squeeze %dma_wait3A_285 : memref<1x64xi32, #tpu.memory_space<vmem>> -> memref<64xi32, #tpu.memory_space<vmem>>
      %dma_wait3A_287 = arith.constant 0 : i32
      %dma_wait3A_288 = arith.constant 0 : i32
      %dma_wait3A_289 = tpu.memref_slice %arg2[%dma_wait3A_287, %dma_wait3A_288] : memref<10000x128xf32, #tpu.memory_space<hbm>> -> memref<10000x128xf32, #tpu.memory_space<hbm>>
      tpu.wait_indirect_dma semaphore(%arg15 : memref<!tpu.dma_semaphore, #tpu.memory_space<semaphore_mem>>) src(%dma_wait3A_289 : memref<10000x128xf32, #tpu.memory_space<hbm>>) dst(%arg11 : memref<64x128xf32, #tpu.memory_space<vmem>>)
      %dma_start3A_290 = arith.constant 0 : i32
      %dma_start3A_291 = tpu.memref_slice %arg9[%add3A_269, %dma_start3A_290] : memref<144x64xi32, #tpu.memory_space<vmem>> -> memref<1x64xi32, #tpu.memory_space<vmem>>
      %dma_start3A_292 = tpu.memref_squeeze %dma_start3A_291 : memref<1x64xi32, #tpu.memory_space<vmem>> -> memref<64xi32, #tpu.memory_space<vmem>>
      %dma_start3A_293 = arith.constant 0 : i32
      %dma_start3A_294 = arith.constant 0 : i32
      %dma_start3A_295 = tpu.memref_slice %arg13[%dma_start3A_293, %dma_start3A_294] : memref<10240x128xf32, #tpu.memory_space<vmem_shared>> -> memref<10240x128xf32, #tpu.memory_space<vmem_shared>>
      tpu.enqueue_indirect_dma source(%arg11 : memref<64x128xf32, #tpu.memory_space<vmem>>) target(%dma_start3A_295 : memref<10240x128xf32, #tpu.memory_space<vmem_shared>>) offsets(%dma_start3A_292 : memref<64xi32, #tpu.memory_space<vmem>>) semaphore(%arg17 : memref<!tpu.dma_semaphore, #tpu.memory_space<semaphore_mem>>) {add = true}
    }
    %while3A_201 = arith.constant 1 : i32
    scf.for %while3A_235 = %while3A_199 to %while3A_195 step %while3A_201  : i32 {
      %mul3A_236 = arith.constant 2 : i32
      %mul3A_237 = arith.muli %mul3A_236, %while3A_235 : i32
      %add3A_238 = arith.constant 0 : i32
      %add3A_239 = arith.addi %mul3A_237, %add3A_238 : i32
      %sub3A_240 = arith.constant 2 : i32
      %sub3A_241 = arith.subi %add3A_239, %sub3A_240 : i32
      %dma_wait3A_242 = arith.constant 0 : i32
      %dma_wait3A_243 = tpu.memref_slice %arg9[%sub3A_241, %dma_wait3A_242] : memref<144x64xi32, #tpu.memory_space<vmem>> -> memref<1x64xi32, #tpu.memory_space<vmem>>
      %dma_wait3A_244 = tpu.memref_squeeze %dma_wait3A_243 : memref<1x64xi32, #tpu.memory_space<vmem>> -> memref<64xi32, #tpu.memory_space<vmem>>
      %dma_wait3A_245 = arith.constant 0 : i32
      %dma_wait3A_246 = arith.constant 0 : i32
      %dma_wait3A_247 = tpu.memref_slice %arg13[%dma_wait3A_245, %dma_wait3A_246] : memref<10240x128xf32, #tpu.memory_space<vmem_shared>> -> memref<10240x128xf32, #tpu.memory_space<vmem_shared>>
      tpu.wait_indirect_dma semaphore(%arg16 : memref<!tpu.dma_semaphore, #tpu.memory_space<semaphore_mem>>) src(%arg10 : memref<64x128xf32, #tpu.memory_space<vmem>>) dst(%dma_wait3A_247 : memref<10240x128xf32, #tpu.memory_space<vmem_shared>>)
      %dma_start3A_248 = arith.constant 0 : i32
      %dma_start3A_249 = tpu.memref_slice %arg8[%add3A_239, %dma_start3A_248] : memref<144x64xi32, #tpu.memory_space<vmem>> -> memref<1x64xi32, #tpu.memory_space<vmem>>
      %dma_start3A_250 = tpu.memref_squeeze %dma_start3A_249 : memref<1x64xi32, #tpu.memory_space<vmem>> -> memref<64xi32, #tpu.memory_space<vmem>>
      %dma_start3A_251 = arith.constant 0 : i32
      %dma_start3A_252 = arith.constant 0 : i32
      %dma_start3A_253 = tpu.memref_slice %arg2[%dma_start3A_251, %dma_start3A_252] : memref<10000x128xf32, #tpu.memory_space<hbm>> -> memref<10000x128xf32, #tpu.memory_space<hbm>>
      tpu.enqueue_indirect_dma source(%dma_start3A_253 : memref<10000x128xf32, #tpu.memory_space<hbm>>) target(%arg10 : memref<64x128xf32, #tpu.memory_space<vmem>>) offsets(%dma_start3A_250 : memref<64xi32, #tpu.memory_space<vmem>>) semaphore(%arg14 : memref<!tpu.dma_semaphore, #tpu.memory_space<semaphore_mem>>)
      %dma_wait3A_254 = arith.constant 0 : i32
      %dma_wait3A_255 = tpu.memref_slice %arg8[%add3A_239, %dma_wait3A_254] : memref<144x64xi32, #tpu.memory_space<vmem>> -> memref<1x64xi32, #tpu.memory_space<vmem>>
      %dma_wait3A_256 = tpu.memref_squeeze %dma_wait3A_255 : memref<1x64xi32, #tpu.memory_space<vmem>> -> memref<64xi32, #tpu.memory_space<vmem>>
      %dma_wait3A_257 = arith.constant 0 : i32
      %dma_wait3A_258 = arith.constant 0 : i32
      %dma_wait3A_259 = tpu.memref_slice %arg2[%dma_wait3A_257, %dma_wait3A_258] : memref<10000x128xf32, #tpu.memory_space<hbm>> -> memref<10000x128xf32, #tpu.memory_space<hbm>>
      tpu.wait_indirect_dma semaphore(%arg14 : memref<!tpu.dma_semaphore, #tpu.memory_space<semaphore_mem>>) src(%dma_wait3A_259 : memref<10000x128xf32, #tpu.memory_space<hbm>>) dst(%arg10 : memref<64x128xf32, #tpu.memory_space<vmem>>)
      %dma_start3A_260 = arith.constant 0 : i32
      %dma_start3A_261 = tpu.memref_slice %arg9[%add3A_239, %dma_start3A_260] : memref<144x64xi32, #tpu.memory_space<vmem>> -> memref<1x64xi32, #tpu.memory_space<vmem>>
      %dma_start3A_262 = tpu.memref_squeeze %dma_start3A_261 : memref<1x64xi32, #tpu.memory_space<vmem>> -> memref<64xi32, #tpu.memory_space<vmem>>
      %dma_start3A_263 = arith.constant 0 : i32
      %dma_start3A_264 = arith.constant 0 : i32
      %dma_start3A_265 = tpu.memref_slice %arg13[%dma_start3A_263, %dma_start3A_264] : memref<10240x128xf32, #tpu.memory_space<vmem_shared>> -> memref<10240x128xf32, #tpu.memory_space<vmem_shared>>
      tpu.enqueue_indirect_dma source(%arg10 : memref<64x128xf32, #tpu.memory_space<vmem>>) target(%dma_start3A_265 : memref<10240x128xf32, #tpu.memory_space<vmem_shared>>) offsets(%dma_start3A_262 : memref<64xi32, #tpu.memory_space<vmem>>) semaphore(%arg16 : memref<!tpu.dma_semaphore, #tpu.memory_space<semaphore_mem>>) {add = true}
      %mul3A_266 = arith.constant 2 : i32
      %mul3A_267 = arith.muli %mul3A_266, %while3A_235 : i32
      %add3A_268 = arith.constant 1 : i32
      %add3A_269 = arith.addi %mul3A_267, %add3A_268 : i32
      %sub3A_270 = arith.constant 2 : i32
      %sub3A_271 = arith.subi %add3A_269, %sub3A_270 : i32
      %dma_wait3A_272 = arith.constant 0 : i32
      %dma_wait3A_273 = tpu.memref_slice %arg9[%sub3A_271, %dma_wait3A_272] : memref<144x64xi32, #tpu.memory_space<vmem>> -> memref<1x64xi32, #tpu.memory_space<vmem>>
      %dma_wait3A_274 = tpu.memref_squeeze %dma_wait3A_273 : memref<1x64xi32, #tpu.memory_space<vmem>> -> memref<64xi32, #tpu.memory_space<vmem>>
      %dma_wait3A_275 = arith.constant 0 : i32
      %dma_wait3A_276 = arith.constant 0 : i32
      %dma_wait3A_277 = tpu.memref_slice %arg13[%dma_wait3A_275, %dma_wait3A_276] : memref<10240x128xf32, #tpu.memory_space<vmem_shared>> -> memref<10240x128xf32, #tpu.memory_space<vmem_shared>>
      tpu.wait_indirect_dma semaphore(%arg17 : memref<!tpu.dma_semaphore, #tpu.memory_space<semaphore_mem>>) src(%arg11 : memref<64x128xf32, #tpu.memory_space<vmem>>) dst(%dma_wait3A_277 : memref<10240x128xf32, #tpu.memory_space<vmem_shared>>)
      %dma_start3A_278 = arith.constant 0 : i32
      %dma_start3A_279 = tpu.memref_slice %arg8[%add3A_269, %dma_start3A_278] : memref<144x64xi32, #tpu.memory_space<vmem>> -> memref<1x64xi32, #tpu.memory_space<vmem>>
      %dma_start3A_280 = tpu.memref_squeeze %dma_start3A_279 : memref<1x64xi32, #tpu.memory_space<vmem>> -> memref<64xi32, #tpu.memory_space<vmem>>
      %dma_start3A_281 = arith.constant 0 : i32
      %dma_start3A_282 = arith.constant 0 : i32
      %dma_start3A_283 = tpu.memref_slice %arg2[%dma_start3A_281, %dma_start3A_282] : memref<10000x128xf32, #tpu.memory_space<hbm>> -> memref<10000x128xf32, #tpu.memory_space<hbm>>
      tpu.enqueue_indirect_dma source(%dma_start3A_283 : memref<10000x128xf32, #tpu.memory_space<hbm>>) target(%arg11 : memref<64x128xf32, #tpu.memory_space<vmem>>) offsets(%dma_start3A_280 : memref<64xi32, #tpu.memory_space<vmem>>) semaphore(%arg15 : memref<!tpu.dma_semaphore, #tpu.memory_space<semaphore_mem>>)
      %dma_wait3A_284 = arith.constant 0 : i32
      %dma_wait3A_285 = tpu.memref_slice %arg8[%add3A_269, %dma_wait3A_284] : memref<144x64xi32, #tpu.memory_space<vmem>> -> memref<1x64xi32, #tpu.memory_space<vmem>>
      %dma_wait3A_286 = tpu.memref_squeeze %dma_wait3A_285 : memref<1x64xi32, #tpu.memory_space<vmem>> -> memref<64xi32, #tpu.memory_space<vmem>>
      %dma_wait3A_287 = arith.constant 0 : i32
      %dma_wait3A_288 = arith.constant 0 : i32
      %dma_wait3A_289 = tpu.memref_slice %arg2[%dma_wait3A_287, %dma_wait3A_288] : memref<10000x128xf32, #tpu.memory_space<hbm>> -> memref<10000x128xf32, #tpu.memory_space<hbm>>
      tpu.wait_indirect_dma semaphore(%arg15 : memref<!tpu.dma_semaphore, #tpu.memory_space<semaphore_mem>>) src(%dma_wait3A_289 : memref<10000x128xf32, #tpu.memory_space<hbm>>) dst(%arg11 : memref<64x128xf32, #tpu.memory_space<vmem>>)
      %dma_start3A_290 = arith.constant 0 : i32
      %dma_start3A_291 = tpu.memref_slice %arg9[%add3A_269, %dma_start3A_290] : memref<144x64xi32, #tpu.memory_space<vmem>> -> memref<1x64xi32, #tpu.memory_space<vmem>>
      %dma_start3A_292 = tpu.memref_squeeze %dma_start3A_291 : memref<1x64xi32, #tpu.memory_space<vmem>> -> memref<64xi32, #tpu.memory_space<vmem>>
      %dma_start3A_293 = arith.constant 0 : i32
      %dma_start3A_294 = arith.constant 0 : i32
      %dma_start3A_295 = tpu.memref_slice %arg13[%dma_start3A_293, %dma_start3A_294] : memref<10240x128xf32, #tpu.memory_space<vmem_shared>> -> memref<10240x128xf32, #tpu.memory_space<vmem_shared>>
      tpu.enqueue_indirect_dma source(%arg11 : memref<64x128xf32, #tpu.memory_space<vmem>>) target(%dma_start3A_295 : memref<10240x128xf32, #tpu.memory_space<vmem_shared>>) offsets(%dma_start3A_292 : memref<64xi32, #tpu.memory_space<vmem>>) semaphore(%arg17 : memref<!tpu.dma_semaphore, #tpu.memory_space<semaphore_mem>>) {add = true}
    }
    %dma_wait3A_202 = arith.constant 0 : i32
    %dma_wait3A_203 = arith.constant 0 : i32
    %dma_wait3A_204 = tpu.memref_slice %arg9[%dma_wait3A_202, %dma_wait3A_203] : memref<144x64xi32, #tpu.memory_space<vmem>> -> memref<1x64xi32, #tpu.memory_space<vmem>>
    %dma_wait3A_205 = tpu.memref_squeeze %dma_wait3A_204 : memref<1x64xi32, #tpu.memory_space<vmem>> -> memref<64xi32, #tpu.memory_space<vmem>>
    %dma_wait3A_206 = arith.constant 0 : i32
    %dma_wait3A_207 = arith.constant 0 : i32
    %dma_wait3A_208 = tpu.memref_slice %arg13[%dma_wait3A_206, %dma_wait3A_207] : memref<10240x128xf32, #tpu.memory_space<vmem_shared>> -> memref<10240x128xf32, #tpu.memory_space<vmem_shared>>
    tpu.wait_indirect_dma semaphore(%arg16 : memref<!tpu.dma_semaphore, #tpu.memory_space<semaphore_mem>>) src(%arg10 : memref<64x128xf32, #tpu.memory_space<vmem>>) dst(%dma_wait3A_208 : memref<10240x128xf32, #tpu.memory_space<vmem_shared>>)
    %dma_wait3A_209 = arith.constant 0 : i32
    %dma_wait3A_210 = arith.constant 0 : i32
    %dma_wait3A_211 = tpu.memref_slice %arg9[%dma_wait3A_209, %dma_wait3A_210] : memref<144x64xi32, #tpu.memory_space<vmem>> -> memref<1x64xi32, #tpu.memory_space<vmem>>
    %dma_wait3A_212 = tpu.memref_squeeze %dma_wait3A_211 : memref<1x64xi32, #tpu.memory_space<vmem>> -> memref<64xi32, #tpu.memory_space<vmem>>
    %dma_wait3A_213 = arith.constant 0 : i32
    %dma_wait3A_214 = arith.constant 0 : i32
    %dma_wait3A_215 = tpu.memref_slice %arg13[%dma_wait3A_213, %dma_wait3A_214] : memref<10240x128xf32, #tpu.memory_space<vmem_shared>> -> memref<10240x128xf32, #tpu.memory_space<vmem_shared>>
    tpu.wait_indirect_dma semaphore(%arg17 : memref<!tpu.dma_semaphore, #tpu.memory_space<semaphore_mem>>) src(%arg11 : memref<64x128xf32, #tpu.memory_space<vmem>>) dst(%dma_wait3A_215 : memref<10240x128xf32, #tpu.memory_space<vmem_shared>>)
    %broadcast_in_dim3A_216 = arith.constant 1.000000e+00 : f32
    %broadcast_in_dim3A_217 = vector.broadcast %broadcast_in_dim3A_216 : f32 to vector<16xf32>
    %while3A_218 = arith.constant 0 : i32
    %while3A_219 = arith.constant 0 : i32
    %while3A_220 = arith.subi %select_n3A, %while3A_219 : i32
    %while3A_221 = arith.addi %while3A_219, %while3A_220 : i32
    %while3A_222 = arith.constant 1 : i32
    %while3A_223 = arith.divsi %while3A_220, %while3A_222 : i32
    %while3A_224 = arith.muli %while3A_223, %while3A_222 : i32
    %while3A_225 = arith.addi %while3A_219, %while3A_224 : i32
    %while3A_226 = arith.constant 1 : i32
    scf.for %while3A_235 = %while3A_219 to %while3A_225 step %while3A_226  : i32 {
      %get3A = arith.index_cast %while3A_235 : i32 to index
      %get3A_236 = arith.constant 0 : index
      %get3A_237 = tpu.vector_load %arg9[%get3A, %get3A_236] {strides = array<i32>} : memref<144x64xi32, #tpu.memory_space<vmem>>, vector<16xi32>,
      tpu.vector_store_idx %arg12[%get3A_237], %broadcast_in_dim3A_217 {add = true} : memref<10240xf32, #tpu.memory_space<vmem>>[vector<16xi32>], vector<16xf32>,
      %get3A_238 = arith.index_cast %while3A_235 : i32 to index
      %get3A_239 = arith.constant 16 : index
      %get3A_240 = tpu.vector_load %arg9[%get3A_238, %get3A_239] {strides = array<i32>} : memref<144x64xi32, #tpu.memory_space<vmem>>, vector<16xi32>,
      tpu.vector_store_idx %arg12[%get3A_240], %broadcast_in_dim3A_217 {add = true} : memref<10240xf32, #tpu.memory_space<vmem>>[vector<16xi32>], vector<16xf32>,
      %get3A_241 = arith.index_cast %while3A_235 : i32 to index
      %get3A_242 = arith.constant 32 : index
      %get3A_243 = tpu.vector_load %arg9[%get3A_241, %get3A_242] {strides = array<i32>} : memref<144x64xi32, #tpu.memory_space<vmem>>, vector<16xi32>,
      tpu.vector_store_idx %arg12[%get3A_243], %broadcast_in_dim3A_217 {add = true} : memref<10240xf32, #tpu.memory_space<vmem>>[vector<16xi32>], vector<16xf32>,
      %get3A_244 = arith.index_cast %while3A_235 : i32 to index
      %get3A_245 = arith.constant 48 : index
      %get3A_246 = tpu.vector_load %arg9[%get3A_244, %get3A_245] {strides = array<i32>} : memref<144x64xi32, #tpu.memory_space<vmem>>, vector<16xi32>,
      tpu.vector_store_idx %arg12[%get3A_246], %broadcast_in_dim3A_217 {add = true} : memref<10240xf32, #tpu.memory_space<vmem>>[vector<16xi32>], vector<16xf32>,
    }
    %while3A_227 = arith.constant 1 : i32
    scf.for %while3A_235 = %while3A_225 to %while3A_221 step %while3A_227  : i32 {
      %get3A = arith.index_cast %while3A_235 : i32 to index
      %get3A_236 = arith.constant 0 : index
      %get3A_237 = tpu.vector_load %arg9[%get3A, %get3A_236] {strides = array<i32>} : memref<144x64xi32, #tpu.memory_space<vmem>>, vector<16xi32>,
      tpu.vector_store_idx %arg12[%get3A_237], %broadcast_in_dim3A_217 {add = true} : memref<10240xf32, #tpu.memory_space<vmem>>[vector<16xi32>], vector<16xf32>,
      %get3A_238 = arith.index_cast %while3A_235 : i32 to index
      %get3A_239 = arith.constant 16 : index
      %get3A_240 = tpu.vector_load %arg9[%get3A_238, %get3A_239] {strides = array<i32>} : memref<144x64xi32, #tpu.memory_space<vmem>>, vector<16xi32>,
      tpu.vector_store_idx %arg12[%get3A_240], %broadcast_in_dim3A_217 {add = true} : memref<10240xf32, #tpu.memory_space<vmem>>[vector<16xi32>], vector<16xf32>,
      %get3A_241 = arith.index_cast %while3A_235 : i32 to index
      %get3A_242 = arith.constant 32 : index
      %get3A_243 = tpu.vector_load %arg9[%get3A_241, %get3A_242] {strides = array<i32>} : memref<144x64xi32, #tpu.memory_space<vmem>>, vector<16xi32>,
      tpu.vector_store_idx %arg12[%get3A_243], %broadcast_in_dim3A_217 {add = true} : memref<10240xf32, #tpu.memory_space<vmem>>[vector<16xi32>], vector<16xf32>,
      %get3A_244 = arith.index_cast %while3A_235 : i32 to index
      %get3A_245 = arith.constant 48 : index
      %get3A_246 = tpu.vector_load %arg9[%get3A_244, %get3A_245] {strides = array<i32>} : memref<144x64xi32, #tpu.memory_space<vmem>>, vector<16xi32>,
      tpu.vector_store_idx %arg12[%get3A_246], %broadcast_in_dim3A_217 {add = true} : memref<10240xf32, #tpu.memory_space<vmem>>[vector<16xi32>], vector<16xf32>,
    }
    %mul3A_228 = arith.constant 10240 : i32
    %mul3A_229 = arith.muli %add3A, %mul3A_228 : i32
    "tpu.region"() ({
      %run_scoped3A = tpu.sem_alloc : memref<!tpu.dma_semaphore, #tpu.memory_space<semaphore_mem>>
      %dma_start3A_235 = tpu.memref_slice %arg7[%mul3A_229] : memref<327680xf32, #tpu.memory_space<hbm>> -> memref<10240xf32, #tpu.memory_space<hbm>>
      %dma_start3A_236 = tpu.memref_slice %arg7[%mul3A_229] : memref<327680xf32, #tpu.memory_space<hbm>> -> memref<10240xf32, #tpu.memory_space<hbm>>
      tpu.enqueue_dma source(%arg12 : memref<10240xf32, #tpu.memory_space<vmem>>) target(%dma_start3A_236 : memref<10240xf32, #tpu.memory_space<hbm>>) target_semaphore(%run_scoped3A : memref<!tpu.dma_semaphore, #tpu.memory_space<semaphore_mem>>)
      %dma_wait3A_237 = tpu.memref_slice %arg7[%mul3A_229] : memref<327680xf32, #tpu.memory_space<hbm>> -> memref<10240xf32, #tpu.memory_space<hbm>>
      %dma_wait3A_238 = tpu.memref_slice %arg7[%mul3A_229] : memref<327680xf32, #tpu.memory_space<hbm>> -> memref<10240xf32, #tpu.memory_space<hbm>>
      tpu.wait_dma2 semaphore(%run_scoped3A : memref<!tpu.dma_semaphore, #tpu.memory_space<semaphore_mem>>) src(%arg12 : memref<10240xf32, #tpu.memory_space<vmem>>) dst(%dma_wait3A_238 : memref<10240xf32, #tpu.memory_space<hbm>>)
      tpu.yield
    }) : () -> ()
    %barrier3A_230 = arith.constant 0 : index
    tpu.barrier barrier_id(%barrier3A_230)
    %mul3A_231 = arith.constant 640 : i32
    %mul3A_232 = arith.muli %arg1, %mul3A_231 : i32
    %mul3A_233 = arith.constant 640 : i32
    %mul3A_234 = arith.muli %arg1, %mul3A_233 : i32
    "tpu.region"() ({
      %run_scoped3A = tpu.sem_alloc : memref<!tpu.dma_semaphore, #tpu.memory_space<semaphore_mem>>
      %dma_start3A_235 = arith.constant 0 : i32
      %dma_start3A_236 = tpu.memref_slice %arg6[%arg0, %mul3A_234, %dma_start3A_235] : memref<2x10240x128xf32, #tpu.memory_space<hbm>> -> memref<1x640x128xf32, #tpu.memory_space<hbm>>
      %dma_start3A_237 = tpu.memref_squeeze %dma_start3A_236 : memref<1x640x128xf32, #tpu.memory_space<hbm>> -> memref<640x128xf32, #tpu.memory_space<hbm>>
      %dma_start3A_238 = arith.constant 0 : i32
      %dma_start3A_239 = tpu.memref_slice %arg13[%mul3A_232, %dma_start3A_238] : memref<10240x128xf32, #tpu.memory_space<vmem_shared>> -> memref<640x128xf32, #tpu.memory_space<vmem_shared>>
      tpu.enqueue_dma source(%dma_start3A_239 : memref<640x128xf32, #tpu.memory_space<vmem_shared>>) target(%dma_start3A_237 : memref<640x128xf32, #tpu.memory_space<hbm>>) target_semaphore(%run_scoped3A : memref<!tpu.dma_semaphore, #tpu.memory_space<semaphore_mem>>)
      %dma_wait3A_240 = arith.constant 0 : i32
      %dma_wait3A_241 = tpu.memref_slice %arg6[%arg0, %mul3A_234, %dma_wait3A_240] : memref<2x10240x128xf32, #tpu.memory_space<hbm>> -> memref<1x640x128xf32, #tpu.memory_space<hbm>>
      %dma_wait3A_242 = tpu.memref_squeeze %dma_wait3A_241 : memref<1x640x128xf32, #tpu.memory_space<hbm>> -> memref<640x128xf32, #tpu.memory_space<hbm>>
      %dma_wait3A_243 = arith.constant 0 : i32
      %dma_wait3A_244 = tpu.memref_slice %arg13[%mul3A_232, %dma_wait3A_243] : memref<10240x128xf32, #tpu.memory_space<vmem_shared>> -> memref<640x128xf32, #tpu.memory_space<vmem_shared>>
      tpu.wait_dma2 semaphore(%run_scoped3A : memref<!tpu.dma_semaphore, #tpu.memory_space<semaphore_mem>>) src(%dma_wait3A_244 : memref<640x128xf32, #tpu.memory_space<vmem_shared>>) dst(%dma_wait3A_242 : memref<640x128xf32, #tpu.memory_space<hbm>>)
      tpu.yield
    }) : () -> ()
    return
  }
}

#map = affine_map<(d0, d1) -> (0, 0)>
#map1 = affine_map<(d0, d1) -> (0, 0, 0)>
module attributes {stable_mosaic.version = 14 : i64} {
  func.func @body(%arg0: i32, %arg1: i32, %arg2: memref<10240x128xf32, #tpu.memory_space<hbm>>, %arg3: memref<5248x64xi32, #tpu.memory_space<hbm>>, %arg4: memref<5248x64xi32, #tpu.memory_space<hbm>>, %arg5: memref<640x128xf32, #tpu.memory_space<hbm>>, %arg6: memref<2x10240x128xf32, #tpu.memory_space<hbm>>, %arg7: memref<144x64xi32, #tpu.memory_space<vmem>>, %arg8: memref<144x64xi32, #tpu.memory_space<vmem>>, %arg9: memref<64x128xf32, #tpu.memory_space<vmem>>, %arg10: memref<64x128xf32, #tpu.memory_space<vmem>>, %arg11: memref<10240xf32, #tpu.memory_space<vmem>>, %arg12: memref<10240x128xf32, #tpu.memory_space<vmem_shared>>, %arg13: memref<!tpu.dma_semaphore, #tpu.memory_space<semaphore_mem>>, %arg14: memref<!tpu.dma_semaphore, #tpu.memory_space<semaphore_mem>>, %arg15: memref<!tpu.dma_semaphore, #tpu.memory_space<semaphore_mem>>, %arg16: memref<!tpu.dma_semaphore, #tpu.memory_space<semaphore_mem>>) attributes {dimension_semantics = [#tpu.dimension_semantics<core_parallel>, #tpu.dimension_semantics<subcore_parallel>], iteration_bounds = array<i64: 2, 16>, scalar_prefetch = 0 : i64, scratch_operands = 10 : i64, tpu.core_type = #tpu.core_type<sc_vector_subcore>, window_params = [{transform_indices = #map}, {transform_indices = #map}, {transform_indices = #map}, {transform_indices = #map}, {transform_indices = #map1}]} {
    %mul3A = arith.constant 2 : i32
    %mul3A_0 = arith.muli %arg1, %mul3A : i32
    %add3A = arith.addi %mul3A_0, %arg0 : i32
    %mul3A_1 = arith.constant 640 : i32
    %mul3A_2 = arith.muli %arg1, %mul3A_1 : i32
    "tpu.region"() ({
      %run_scoped3A = tpu.sem_alloc : memref<!tpu.dma_semaphore, #tpu.memory_space<semaphore_mem>>
      %dma_start3A_203 = arith.constant 0 : i32
      %dma_start3A_204 = tpu.memref_slice %arg12[%mul3A_2, %dma_start3A_203] : memref<10240x128xf32, #tpu.memory_space<vmem_shared>> -> memref<640x128xf32, #tpu.memory_space<vmem_shared>>
      tpu.enqueue_dma source(%arg5 : memref<640x128xf32, #tpu.memory_space<hbm>>) target(%dma_start3A_204 : memref<640x128xf32, #tpu.memory_space<vmem_shared>>) target_semaphore(%run_scoped3A : memref<!tpu.dma_semaphore, #tpu.memory_space<semaphore_mem>>)
      %dma_wait3A_205 = arith.constant 0 : i32
      %dma_wait3A_206 = tpu.memref_slice %arg12[%mul3A_2, %dma_wait3A_205] : memref<10240x128xf32, #tpu.memory_space<vmem_shared>> -> memref<640x128xf32, #tpu.memory_space<vmem_shared>>
      tpu.wait_dma2 semaphore(%run_scoped3A : memref<!tpu.dma_semaphore, #tpu.memory_space<semaphore_mem>>) src(%arg5 : memref<640x128xf32, #tpu.memory_space<hbm>>) dst(%dma_wait3A_206 : memref<640x128xf32, #tpu.memory_space<vmem_shared>>)
      tpu.yield
    }) : () -> ()
    %eq3A = arith.constant 0 : i32
    %eq3A_3 = arith.cmpi eq, %arg0, %eq3A : i32
    %jit3A = arith.constant 144 : i32
    %jit3A_4 = arith.constant 16 : i32
    %select_n3A = arith.select %eq3A_3, %jit3A, %jit3A_4 : i32
    %barrier3A = arith.constant 0 : index
    tpu.barrier barrier_id(%barrier3A)
    %mul3A_5 = arith.constant 288 : i32
    %mul3A_6 = arith.muli %arg1, %mul3A_5 : i32
    %add3A_7 = arith.constant 0 : i32
    %add3A_8 = arith.addi %mul3A_6, %add3A_7 : i32
    %mul3A_9 = arith.constant 32 : i32
    %mul3A_10 = arith.muli %arg1, %mul3A_9 : i32
    %add3A_11 = arith.constant 4608 : i32
    %add3A_12 = arith.addi %add3A_11, %mul3A_10 : i32
    %add3A_13 = arith.constant 0 : i32
    %add3A_14 = arith.addi %add3A_12, %add3A_13 : i32
    %select_n3A_15 = arith.select %eq3A_3, %add3A_8, %add3A_14 : i32
    "tpu.region"() ({
      %run_scoped3A = tpu.sem_alloc : memref<!tpu.dma_semaphore, #tpu.memory_space<semaphore_mem>>
      %dma_start3A_203 = arith.constant 0 : i32
      %dma_start3A_204 = tpu.memref_slice %arg3[%select_n3A_15, %dma_start3A_203] : memref<5248x64xi32, #tpu.memory_space<hbm>> -> memref<144x64xi32, #tpu.memory_space<hbm>>
      %dma_start3A_205 = arith.constant 0 : i32
      %dma_start3A_206 = tpu.memref_slice %arg3[%select_n3A_15, %dma_start3A_205] : memref<5248x64xi32, #tpu.memory_space<hbm>> -> memref<144x64xi32, #tpu.memory_space<hbm>>
      tpu.enqueue_dma source(%dma_start3A_206 : memref<144x64xi32, #tpu.memory_space<hbm>>) target(%arg7 : memref<144x64xi32, #tpu.memory_space<vmem>>) target_semaphore(%run_scoped3A : memref<!tpu.dma_semaphore, #tpu.memory_space<semaphore_mem>>)
      %dma_wait3A_207 = arith.constant 0 : i32
      %dma_wait3A_208 = tpu.memref_slice %arg3[%select_n3A_15, %dma_wait3A_207] : memref<5248x64xi32, #tpu.memory_space<hbm>> -> memref<144x64xi32, #tpu.memory_space<hbm>>
      %dma_wait3A_209 = arith.constant 0 : i32
      %dma_wait3A_210 = tpu.memref_slice %arg3[%select_n3A_15, %dma_wait3A_209] : memref<5248x64xi32, #tpu.memory_space<hbm>> -> memref<144x64xi32, #tpu.memory_space<hbm>>
      tpu.wait_dma2 semaphore(%run_scoped3A : memref<!tpu.dma_semaphore, #tpu.memory_space<semaphore_mem>>) src(%dma_wait3A_210 : memref<144x64xi32, #tpu.memory_space<hbm>>) dst(%arg7 : memref<144x64xi32, #tpu.memory_space<vmem>>)
      tpu.yield
    }) : () -> ()
    "tpu.region"() ({
      %run_scoped3A = tpu.sem_alloc : memref<!tpu.dma_semaphore, #tpu.memory_space<semaphore_mem>>
      %dma_start3A_203 = arith.constant 0 : i32
      %dma_start3A_204 = tpu.memref_slice %arg4[%select_n3A_15, %dma_start3A_203] : memref<5248x64xi32, #tpu.memory_space<hbm>> -> memref<144x64xi32, #tpu.memory_space<hbm>>
      %dma_start3A_205 = arith.constant 0 : i32
      %dma_start3A_206 = tpu.memref_slice %arg4[%select_n3A_15, %dma_start3A_205] : memref<5248x64xi32, #tpu.memory_space<hbm>> -> memref<144x64xi32, #tpu.memory_space<hbm>>
      tpu.enqueue_dma source(%dma_start3A_206 : memref<144x64xi32, #tpu.memory_space<hbm>>) target(%arg8 : memref<144x64xi32, #tpu.memory_space<vmem>>) target_semaphore(%run_scoped3A : memref<!tpu.dma_semaphore, #tpu.memory_space<semaphore_mem>>)
      %dma_wait3A_207 = arith.constant 0 : i32
      %dma_wait3A_208 = tpu.memref_slice %arg4[%select_n3A_15, %dma_wait3A_207] : memref<5248x64xi32, #tpu.memory_space<hbm>> -> memref<144x64xi32, #tpu.memory_space<hbm>>
      %dma_wait3A_209 = arith.constant 0 : i32
      %dma_wait3A_210 = tpu.memref_slice %arg4[%select_n3A_15, %dma_wait3A_209] : memref<5248x64xi32, #tpu.memory_space<hbm>> -> memref<144x64xi32, #tpu.memory_space<hbm>>
      tpu.wait_dma2 semaphore(%run_scoped3A : memref<!tpu.dma_semaphore, #tpu.memory_space<semaphore_mem>>) src(%dma_wait3A_210 : memref<144x64xi32, #tpu.memory_space<hbm>>) dst(%arg8 : memref<144x64xi32, #tpu.memory_space<vmem>>)
      tpu.yield
    }) : () -> ()
    %dma_start3A = arith.constant 0 : i32
    %dma_start3A_16 = arith.constant 0 : i32
    %dma_start3A_17 = tpu.memref_slice %arg7[%dma_start3A, %dma_start3A_16] : memref<144x64xi32, #tpu.memory_space<vmem>> -> memref<1x64xi32, #tpu.memory_space<vmem>>
    %dma_start3A_18 = tpu.memref_squeeze %dma_start3A_17 : memref<1x64xi32, #tpu.memory_space<vmem>> -> memref<64xi32, #tpu.memory_space<vmem>>
    %dma_start3A_19 = arith.constant 0 : i32
    %dma_start3A_20 = arith.constant 0 : i32
    %dma_start3A_21 = tpu.memref_slice %arg2[%dma_start3A_19, %dma_start3A_20] : memref<10240x128xf32, #tpu.memory_space<hbm>> -> memref<10240x128xf32, #tpu.memory_space<hbm>>
    tpu.enqueue_indirect_dma source(%dma_start3A_21 : memref<10240x128xf32, #tpu.memory_space<hbm>>) target(%arg9 : memref<64x128xf32, #tpu.memory_space<vmem>>) offsets(%dma_start3A_18 : memref<64xi32, #tpu.memory_space<vmem>>) semaphore(%arg13 : memref<!tpu.dma_semaphore, #tpu.memory_space<semaphore_mem>>)
    %dma_start3A_22 = arith.constant 1 : i32
    %dma_start3A_23 = arith.constant 0 : i32
    %dma_start3A_24 = tpu.memref_slice %arg7[%dma_start3A_22, %dma_start3A_23] : memref<144x64xi32, #tpu.memory_space<vmem>> -> memref<1x64xi32, #tpu.memory_space<vmem>>
    %dma_start3A_25 = tpu.memref_squeeze %dma_start3A_24 : memref<1x64xi32, #tpu.memory_space<vmem>> -> memref<64xi32, #tpu.memory_space<vmem>>
    %dma_start3A_26 = arith.constant 0 : i32
    %dma_start3A_27 = arith.constant 0 : i32
    %dma_start3A_28 = tpu.memref_slice %arg2[%dma_start3A_26, %dma_start3A_27] : memref<10240x128xf32, #tpu.memory_space<hbm>> -> memref<10240x128xf32, #tpu.memory_space<hbm>>
    tpu.enqueue_indirect_dma source(%dma_start3A_28 : memref<10240x128xf32, #tpu.memory_space<hbm>>) target(%arg10 : memref<64x128xf32, #tpu.memory_space<vmem>>) offsets(%dma_start3A_25 : memref<64xi32, #tpu.memory_space<vmem>>) semaphore(%arg14 : memref<!tpu.dma_semaphore, #tpu.memory_space<semaphore_mem>>)
    %dma_wait3A = arith.constant 0 : i32
    %dma_wait3A_29 = arith.constant 0 : i32
    %dma_wait3A_30 = tpu.memref_slice %arg7[%dma_wait3A, %dma_wait3A_29] : memref<144x64xi32, #tpu.memory_space<vmem>> -> memref<1x64xi32, #tpu.memory_space<vmem>>
    %dma_wait3A_31 = tpu.memref_squeeze %dma_wait3A_30 : memref<1x64xi32, #tpu.memory_space<vmem>> -> memref<64xi32, #tpu.memory_space<vmem>>
    %dma_wait3A_32 = arith.constant 0 : i32
    %dma_wait3A_33 = arith.constant 0 : i32
    %dma_wait3A_34 = tpu.memref_slice %arg2[%dma_wait3A_32, %dma_wait3A_33] : memref<10240x128xf32, #tpu.memory_space<hbm>> -> memref<10240x128xf32, #tpu.memory_space<hbm>>
    tpu.wait_indirect_dma semaphore(%arg13 : memref<!tpu.dma_semaphore, #tpu.memory_space<semaphore_mem>>) src(%dma_wait3A_34 : memref<10240x128xf32, #tpu.memory_space<hbm>>) dst(%arg9 : memref<64x128xf32, #tpu.memory_space<vmem>>)
    %dma_start3A_35 = arith.constant 0 : i32
    %dma_start3A_36 = arith.constant 0 : i32
    %dma_start3A_37 = tpu.memref_slice %arg8[%dma_start3A_35, %dma_start3A_36] : memref<144x64xi32, #tpu.memory_space<vmem>> -> memref<1x64xi32, #tpu.memory_space<vmem>>
    %dma_start3A_38 = tpu.memref_squeeze %dma_start3A_37 : memref<1x64xi32, #tpu.memory_space<vmem>> -> memref<64xi32, #tpu.memory_space<vmem>>
    %dma_start3A_39 = arith.constant 0 : i32
    %dma_start3A_40 = arith.constant 0 : i32
    %dma_start3A_41 = tpu.memref_slice %arg12[%dma_start3A_39, %dma_start3A_40] : memref<10240x128xf32, #tpu.memory_space<vmem_shared>> -> memref<10240x128xf32, #tpu.memory_space<vmem_shared>>
    tpu.enqueue_indirect_dma source(%arg9 : memref<64x128xf32, #tpu.memory_space<vmem>>) target(%dma_start3A_41 : memref<10240x128xf32, #tpu.memory_space<vmem_shared>>) offsets(%dma_start3A_38 : memref<64xi32, #tpu.memory_space<vmem>>) semaphore(%arg15 : memref<!tpu.dma_semaphore, #tpu.memory_space<semaphore_mem>>) {add = true}
    %dma_wait3A_42 = arith.constant 1 : i32
    %dma_wait3A_43 = arith.constant 0 : i32
    %dma_wait3A_44 = tpu.memref_slice %arg7[%dma_wait3A_42, %dma_wait3A_43] : memref<144x64xi32, #tpu.memory_space<vmem>> -> memref<1x64xi32, #tpu.memory_space<vmem>>
    %dma_wait3A_45 = tpu.memref_squeeze %dma_wait3A_44 : memref<1x64xi32, #tpu.memory_space<vmem>> -> memref<64xi32, #tpu.memory_space<vmem>>
    %dma_wait3A_46 = arith.constant 0 : i32
    %dma_wait3A_47 = arith.constant 0 : i32
    %dma_wait3A_48 = tpu.memref_slice %arg2[%dma_wait3A_46, %dma_wait3A_47] : memref<10240x128xf32, #tpu.memory_space<hbm>> -> memref<10240x128xf32, #tpu.memory_space<hbm>>
    tpu.wait_indirect_dma semaphore(%arg14 : memref<!tpu.dma_semaphore, #tpu.memory_space<semaphore_mem>>) src(%dma_wait3A_48 : memref<10240x128xf32, #tpu.memory_space<hbm>>) dst(%arg10 : memref<64x128xf32, #tpu.memory_space<vmem>>)
    %dma_start3A_49 = arith.constant 1 : i32
    %dma_start3A_50 = arith.constant 0 : i32
    %dma_start3A_51 = tpu.memref_slice %arg8[%dma_start3A_49, %dma_start3A_50] : memref<144x64xi32, #tpu.memory_space<vmem>> -> memref<1x64xi32, #tpu.memory_space<vmem>>
    %dma_start3A_52 = tpu.memref_squeeze %dma_start3A_51 : memref<1x64xi32, #tpu.memory_space<vmem>> -> memref<64xi32, #tpu.memory_space<vmem>>
    %dma_start3A_53 = arith.constant 0 : i32
    %dma_start3A_54 = arith.constant 0 : i32
    %dma_start3A_55 = tpu.memref_slice %arg12[%dma_start3A_53, %dma_start3A_54] : memref<10240x128xf32, #tpu.memory_space<vmem_shared>> -> memref<10240x128xf32, #tpu.memory_space<vmem_shared>>
    tpu.enqueue_indirect_dma source(%arg10 : memref<64x128xf32, #tpu.memory_space<vmem>>) target(%dma_start3A_55 : memref<10240x128xf32, #tpu.memory_space<vmem_shared>>) offsets(%dma_start3A_52 : memref<64xi32, #tpu.memory_space<vmem>>) semaphore(%arg16 : memref<!tpu.dma_semaphore, #tpu.memory_space<semaphore_mem>>) {add = true}
    %jit3A_56 = arith.constant 2 : i32
    %div3A = arith.divsi %select_n3A, %jit3A_56 : i32
    %sign3A = arith.constant 0 : i32
    %sign3A_57 = arith.cmpi sgt, %select_n3A, %sign3A : i32
    %sign3A_58 = arith.extui %sign3A_57 : i1 to i32
    %sign3A_59 = arith.constant 0 : i32
    %sign3A_60 = arith.cmpi slt, %select_n3A, %sign3A_59 : i32
    %sign3A_61 = arith.extui %sign3A_60 : i1 to i32
    %sign3A_62 = arith.subi %sign3A_58, %sign3A_61 : i32
    %sign3A_63 = arith.constant 0 : i32
    %sign3A_64 = arith.cmpi sgt, %jit3A_56, %sign3A_63 : i32
    %sign3A_65 = arith.extui %sign3A_64 : i1 to i32
    %sign3A_66 = arith.constant 0 : i32
    %sign3A_67 = arith.cmpi slt, %jit3A_56, %sign3A_66 : i32
    %sign3A_68 = arith.extui %sign3A_67 : i1 to i32
    %sign3A_69 = arith.subi %sign3A_65, %sign3A_68 : i32
    %ne3A = arith.cmpi ne, %sign3A_62, %sign3A_69 : i32
    %rem3A = arith.remsi %select_n3A, %jit3A_56 : i32
    %ne3A_70 = arith.constant 0 : i32
    %ne3A_71 = arith.cmpi ne, %rem3A, %ne3A_70 : i32
    %and3A = arith.andi %ne3A, %ne3A_71 : i1
    %sub3A = arith.constant 1 : i32
    %sub3A_72 = arith.subi %div3A, %sub3A : i32
    %select_n3A_73 = arith.select %and3A, %sub3A_72, %div3A : i32
    %while3A = arith.constant 0 : i32
    %while3A_74 = arith.constant 1 : i32
    %while3A_75 = arith.subi %select_n3A_73, %while3A_74 : i32
    %while3A_76 = arith.addi %while3A_74, %while3A_75 : i32
    %while3A_77 = arith.constant 1 : i32
    %while3A_78 = arith.divsi %while3A_75, %while3A_77 : i32
    %while3A_79 = arith.muli %while3A_78, %while3A_77 : i32
    %while3A_80 = arith.addi %while3A_74, %while3A_79 : i32
    %while3A_81 = arith.constant 1 : i32
    scf.for %while3A_203 = %while3A_74 to %while3A_80 step %while3A_81  : i32 {
      %mul3A_204 = arith.constant 2 : i32
      %mul3A_205 = arith.muli %mul3A_204, %while3A_203 : i32
      %add3A_206 = arith.constant 0 : i32
      %add3A_207 = arith.addi %mul3A_205, %add3A_206 : i32
      %sub3A_208 = arith.constant 2 : i32
      %sub3A_209 = arith.subi %add3A_207, %sub3A_208 : i32
      %dma_wait3A_210 = arith.constant 0 : i32
      %dma_wait3A_211 = tpu.memref_slice %arg8[%sub3A_209, %dma_wait3A_210] : memref<144x64xi32, #tpu.memory_space<vmem>> -> memref<1x64xi32, #tpu.memory_space<vmem>>
      %dma_wait3A_212 = tpu.memref_squeeze %dma_wait3A_211 : memref<1x64xi32, #tpu.memory_space<vmem>> -> memref<64xi32, #tpu.memory_space<vmem>>
      %dma_wait3A_213 = arith.constant 0 : i32
      %dma_wait3A_214 = arith.constant 0 : i32
      %dma_wait3A_215 = tpu.memref_slice %arg12[%dma_wait3A_213, %dma_wait3A_214] : memref<10240x128xf32, #tpu.memory_space<vmem_shared>> -> memref<10240x128xf32, #tpu.memory_space<vmem_shared>>
      tpu.wait_indirect_dma semaphore(%arg15 : memref<!tpu.dma_semaphore, #tpu.memory_space<semaphore_mem>>) src(%arg9 : memref<64x128xf32, #tpu.memory_space<vmem>>) dst(%dma_wait3A_215 : memref<10240x128xf32, #tpu.memory_space<vmem_shared>>)
      %dma_start3A_216 = arith.constant 0 : i32
      %dma_start3A_217 = tpu.memref_slice %arg7[%add3A_207, %dma_start3A_216] : memref<144x64xi32, #tpu.memory_space<vmem>> -> memref<1x64xi32, #tpu.memory_space<vmem>>
      %dma_start3A_218 = tpu.memref_squeeze %dma_start3A_217 : memref<1x64xi32, #tpu.memory_space<vmem>> -> memref<64xi32, #tpu.memory_space<vmem>>
      %dma_start3A_219 = arith.constant 0 : i32
      %dma_start3A_220 = arith.constant 0 : i32
      %dma_start3A_221 = tpu.memref_slice %arg2[%dma_start3A_219, %dma_start3A_220] : memref<10240x128xf32, #tpu.memory_space<hbm>> -> memref<10240x128xf32, #tpu.memory_space<hbm>>
      tpu.enqueue_indirect_dma source(%dma_start3A_221 : memref<10240x128xf32, #tpu.memory_space<hbm>>) target(%arg9 : memref<64x128xf32, #tpu.memory_space<vmem>>) offsets(%dma_start3A_218 : memref<64xi32, #tpu.memory_space<vmem>>) semaphore(%arg13 : memref<!tpu.dma_semaphore, #tpu.memory_space<semaphore_mem>>)
      %dma_wait3A_222 = arith.constant 0 : i32
      %dma_wait3A_223 = tpu.memref_slice %arg7[%add3A_207, %dma_wait3A_222] : memref<144x64xi32, #tpu.memory_space<vmem>> -> memref<1x64xi32, #tpu.memory_space<vmem>>
      %dma_wait3A_224 = tpu.memref_squeeze %dma_wait3A_223 : memref<1x64xi32, #tpu.memory_space<vmem>> -> memref<64xi32, #tpu.memory_space<vmem>>
      %dma_wait3A_225 = arith.constant 0 : i32
      %dma_wait3A_226 = arith.constant 0 : i32
      %dma_wait3A_227 = tpu.memref_slice %arg2[%dma_wait3A_225, %dma_wait3A_226] : memref<10240x128xf32, #tpu.memory_space<hbm>> -> memref<10240x128xf32, #tpu.memory_space<hbm>>
      tpu.wait_indirect_dma semaphore(%arg13 : memref<!tpu.dma_semaphore, #tpu.memory_space<semaphore_mem>>) src(%dma_wait3A_227 : memref<10240x128xf32, #tpu.memory_space<hbm>>) dst(%arg9 : memref<64x128xf32, #tpu.memory_space<vmem>>)
      %dma_start3A_228 = arith.constant 0 : i32
      %dma_start3A_229 = tpu.memref_slice %arg8[%add3A_207, %dma_start3A_228] : memref<144x64xi32, #tpu.memory_space<vmem>> -> memref<1x64xi32, #tpu.memory_space<vmem>>
      %dma_start3A_230 = tpu.memref_squeeze %dma_start3A_229 : memref<1x64xi32, #tpu.memory_space<vmem>> -> memref<64xi32, #tpu.memory_space<vmem>>
      %dma_start3A_231 = arith.constant 0 : i32
      %dma_start3A_232 = arith.constant 0 : i32
      %dma_start3A_233 = tpu.memref_slice %arg12[%dma_start3A_231, %dma_start3A_232] : memref<10240x128xf32, #tpu.memory_space<vmem_shared>> -> memref<10240x128xf32, #tpu.memory_space<vmem_shared>>
      tpu.enqueue_indirect_dma source(%arg9 : memref<64x128xf32, #tpu.memory_space<vmem>>) target(%dma_start3A_233 : memref<10240x128xf32, #tpu.memory_space<vmem_shared>>) offsets(%dma_start3A_230 : memref<64xi32, #tpu.memory_space<vmem>>) semaphore(%arg15 : memref<!tpu.dma_semaphore, #tpu.memory_space<semaphore_mem>>) {add = true}
      %mul3A_234 = arith.constant 2 : i32
      %mul3A_235 = arith.muli %mul3A_234, %while3A_203 : i32
      %add3A_236 = arith.constant 1 : i32
      %add3A_237 = arith.addi %mul3A_235, %add3A_236 : i32
      %sub3A_238 = arith.constant 2 : i32
      %sub3A_239 = arith.subi %add3A_237, %sub3A_238 : i32
      %dma_wait3A_240 = arith.constant 0 : i32
      %dma_wait3A_241 = tpu.memref_slice %arg8[%sub3A_239, %dma_wait3A_240] : memref<144x64xi32, #tpu.memory_space<vmem>> -> memref<1x64xi32, #tpu.memory_space<vmem>>
      %dma_wait3A_242 = tpu.memref_squeeze %dma_wait3A_241 : memref<1x64xi32, #tpu.memory_space<vmem>> -> memref<64xi32, #tpu.memory_space<vmem>>
      %dma_wait3A_243 = arith.constant 0 : i32
      %dma_wait3A_244 = arith.constant 0 : i32
      %dma_wait3A_245 = tpu.memref_slice %arg12[%dma_wait3A_243, %dma_wait3A_244] : memref<10240x128xf32, #tpu.memory_space<vmem_shared>> -> memref<10240x128xf32, #tpu.memory_space<vmem_shared>>
      tpu.wait_indirect_dma semaphore(%arg16 : memref<!tpu.dma_semaphore, #tpu.memory_space<semaphore_mem>>) src(%arg10 : memref<64x128xf32, #tpu.memory_space<vmem>>) dst(%dma_wait3A_245 : memref<10240x128xf32, #tpu.memory_space<vmem_shared>>)
      %dma_start3A_246 = arith.constant 0 : i32
      %dma_start3A_247 = tpu.memref_slice %arg7[%add3A_237, %dma_start3A_246] : memref<144x64xi32, #tpu.memory_space<vmem>> -> memref<1x64xi32, #tpu.memory_space<vmem>>
      %dma_start3A_248 = tpu.memref_squeeze %dma_start3A_247 : memref<1x64xi32, #tpu.memory_space<vmem>> -> memref<64xi32, #tpu.memory_space<vmem>>
      %dma_start3A_249 = arith.constant 0 : i32
      %dma_start3A_250 = arith.constant 0 : i32
      %dma_start3A_251 = tpu.memref_slice %arg2[%dma_start3A_249, %dma_start3A_250] : memref<10240x128xf32, #tpu.memory_space<hbm>> -> memref<10240x128xf32, #tpu.memory_space<hbm>>
      tpu.enqueue_indirect_dma source(%dma_start3A_251 : memref<10240x128xf32, #tpu.memory_space<hbm>>) target(%arg10 : memref<64x128xf32, #tpu.memory_space<vmem>>) offsets(%dma_start3A_248 : memref<64xi32, #tpu.memory_space<vmem>>) semaphore(%arg14 : memref<!tpu.dma_semaphore, #tpu.memory_space<semaphore_mem>>)
      %dma_wait3A_252 = arith.constant 0 : i32
      %dma_wait3A_253 = tpu.memref_slice %arg7[%add3A_237, %dma_wait3A_252] : memref<144x64xi32, #tpu.memory_space<vmem>> -> memref<1x64xi32, #tpu.memory_space<vmem>>
      %dma_wait3A_254 = tpu.memref_squeeze %dma_wait3A_253 : memref<1x64xi32, #tpu.memory_space<vmem>> -> memref<64xi32, #tpu.memory_space<vmem>>
      %dma_wait3A_255 = arith.constant 0 : i32
      %dma_wait3A_256 = arith.constant 0 : i32
      %dma_wait3A_257 = tpu.memref_slice %arg2[%dma_wait3A_255, %dma_wait3A_256] : memref<10240x128xf32, #tpu.memory_space<hbm>> -> memref<10240x128xf32, #tpu.memory_space<hbm>>
      tpu.wait_indirect_dma semaphore(%arg14 : memref<!tpu.dma_semaphore, #tpu.memory_space<semaphore_mem>>) src(%dma_wait3A_257 : memref<10240x128xf32, #tpu.memory_space<hbm>>) dst(%arg10 : memref<64x128xf32, #tpu.memory_space<vmem>>)
      %dma_start3A_258 = arith.constant 0 : i32
      %dma_start3A_259 = tpu.memref_slice %arg8[%add3A_237, %dma_start3A_258] : memref<144x64xi32, #tpu.memory_space<vmem>> -> memref<1x64xi32, #tpu.memory_space<vmem>>
      %dma_start3A_260 = tpu.memref_squeeze %dma_start3A_259 : memref<1x64xi32, #tpu.memory_space<vmem>> -> memref<64xi32, #tpu.memory_space<vmem>>
      %dma_start3A_261 = arith.constant 0 : i32
      %dma_start3A_262 = arith.constant 0 : i32
      %dma_start3A_263 = tpu.memref_slice %arg12[%dma_start3A_261, %dma_start3A_262] : memref<10240x128xf32, #tpu.memory_space<vmem_shared>> -> memref<10240x128xf32, #tpu.memory_space<vmem_shared>>
      tpu.enqueue_indirect_dma source(%arg10 : memref<64x128xf32, #tpu.memory_space<vmem>>) target(%dma_start3A_263 : memref<10240x128xf32, #tpu.memory_space<vmem_shared>>) offsets(%dma_start3A_260 : memref<64xi32, #tpu.memory_space<vmem>>) semaphore(%arg16 : memref<!tpu.dma_semaphore, #tpu.memory_space<semaphore_mem>>) {add = true}
    }
    %while3A_82 = arith.constant 1 : i32
    scf.for %while3A_203 = %while3A_80 to %while3A_76 step %while3A_82  : i32 {
      %mul3A_204 = arith.constant 2 : i32
      %mul3A_205 = arith.muli %mul3A_204, %while3A_203 : i32
      %add3A_206 = arith.constant 0 : i32
      %add3A_207 = arith.addi %mul3A_205, %add3A_206 : i32
      %sub3A_208 = arith.constant 2 : i32
      %sub3A_209 = arith.subi %add3A_207, %sub3A_208 : i32
      %dma_wait3A_210 = arith.constant 0 : i32
      %dma_wait3A_211 = tpu.memref_slice %arg8[%sub3A_209, %dma_wait3A_210] : memref<144x64xi32, #tpu.memory_space<vmem>> -> memref<1x64xi32, #tpu.memory_space<vmem>>
      %dma_wait3A_212 = tpu.memref_squeeze %dma_wait3A_211 : memref<1x64xi32, #tpu.memory_space<vmem>> -> memref<64xi32, #tpu.memory_space<vmem>>
      %dma_wait3A_213 = arith.constant 0 : i32
      %dma_wait3A_214 = arith.constant 0 : i32
      %dma_wait3A_215 = tpu.memref_slice %arg12[%dma_wait3A_213, %dma_wait3A_214] : memref<10240x128xf32, #tpu.memory_space<vmem_shared>> -> memref<10240x128xf32, #tpu.memory_space<vmem_shared>>
      tpu.wait_indirect_dma semaphore(%arg15 : memref<!tpu.dma_semaphore, #tpu.memory_space<semaphore_mem>>) src(%arg9 : memref<64x128xf32, #tpu.memory_space<vmem>>) dst(%dma_wait3A_215 : memref<10240x128xf32, #tpu.memory_space<vmem_shared>>)
      %dma_start3A_216 = arith.constant 0 : i32
      %dma_start3A_217 = tpu.memref_slice %arg7[%add3A_207, %dma_start3A_216] : memref<144x64xi32, #tpu.memory_space<vmem>> -> memref<1x64xi32, #tpu.memory_space<vmem>>
      %dma_start3A_218 = tpu.memref_squeeze %dma_start3A_217 : memref<1x64xi32, #tpu.memory_space<vmem>> -> memref<64xi32, #tpu.memory_space<vmem>>
      %dma_start3A_219 = arith.constant 0 : i32
      %dma_start3A_220 = arith.constant 0 : i32
      %dma_start3A_221 = tpu.memref_slice %arg2[%dma_start3A_219, %dma_start3A_220] : memref<10240x128xf32, #tpu.memory_space<hbm>> -> memref<10240x128xf32, #tpu.memory_space<hbm>>
      tpu.enqueue_indirect_dma source(%dma_start3A_221 : memref<10240x128xf32, #tpu.memory_space<hbm>>) target(%arg9 : memref<64x128xf32, #tpu.memory_space<vmem>>) offsets(%dma_start3A_218 : memref<64xi32, #tpu.memory_space<vmem>>) semaphore(%arg13 : memref<!tpu.dma_semaphore, #tpu.memory_space<semaphore_mem>>)
      %dma_wait3A_222 = arith.constant 0 : i32
      %dma_wait3A_223 = tpu.memref_slice %arg7[%add3A_207, %dma_wait3A_222] : memref<144x64xi32, #tpu.memory_space<vmem>> -> memref<1x64xi32, #tpu.memory_space<vmem>>
      %dma_wait3A_224 = tpu.memref_squeeze %dma_wait3A_223 : memref<1x64xi32, #tpu.memory_space<vmem>> -> memref<64xi32, #tpu.memory_space<vmem>>
      %dma_wait3A_225 = arith.constant 0 : i32
      %dma_wait3A_226 = arith.constant 0 : i32
      %dma_wait3A_227 = tpu.memref_slice %arg2[%dma_wait3A_225, %dma_wait3A_226] : memref<10240x128xf32, #tpu.memory_space<hbm>> -> memref<10240x128xf32, #tpu.memory_space<hbm>>
      tpu.wait_indirect_dma semaphore(%arg13 : memref<!tpu.dma_semaphore, #tpu.memory_space<semaphore_mem>>) src(%dma_wait3A_227 : memref<10240x128xf32, #tpu.memory_space<hbm>>) dst(%arg9 : memref<64x128xf32, #tpu.memory_space<vmem>>)
      %dma_start3A_228 = arith.constant 0 : i32
      %dma_start3A_229 = tpu.memref_slice %arg8[%add3A_207, %dma_start3A_228] : memref<144x64xi32, #tpu.memory_space<vmem>> -> memref<1x64xi32, #tpu.memory_space<vmem>>
      %dma_start3A_230 = tpu.memref_squeeze %dma_start3A_229 : memref<1x64xi32, #tpu.memory_space<vmem>> -> memref<64xi32, #tpu.memory_space<vmem>>
      %dma_start3A_231 = arith.constant 0 : i32
      %dma_start3A_232 = arith.constant 0 : i32
      %dma_start3A_233 = tpu.memref_slice %arg12[%dma_start3A_231, %dma_start3A_232] : memref<10240x128xf32, #tpu.memory_space<vmem_shared>> -> memref<10240x128xf32, #tpu.memory_space<vmem_shared>>
      tpu.enqueue_indirect_dma source(%arg9 : memref<64x128xf32, #tpu.memory_space<vmem>>) target(%dma_start3A_233 : memref<10240x128xf32, #tpu.memory_space<vmem_shared>>) offsets(%dma_start3A_230 : memref<64xi32, #tpu.memory_space<vmem>>) semaphore(%arg15 : memref<!tpu.dma_semaphore, #tpu.memory_space<semaphore_mem>>) {add = true}
      %mul3A_234 = arith.constant 2 : i32
      %mul3A_235 = arith.muli %mul3A_234, %while3A_203 : i32
      %add3A_236 = arith.constant 1 : i32
      %add3A_237 = arith.addi %mul3A_235, %add3A_236 : i32
      %sub3A_238 = arith.constant 2 : i32
      %sub3A_239 = arith.subi %add3A_237, %sub3A_238 : i32
      %dma_wait3A_240 = arith.constant 0 : i32
      %dma_wait3A_241 = tpu.memref_slice %arg8[%sub3A_239, %dma_wait3A_240] : memref<144x64xi32, #tpu.memory_space<vmem>> -> memref<1x64xi32, #tpu.memory_space<vmem>>
      %dma_wait3A_242 = tpu.memref_squeeze %dma_wait3A_241 : memref<1x64xi32, #tpu.memory_space<vmem>> -> memref<64xi32, #tpu.memory_space<vmem>>
      %dma_wait3A_243 = arith.constant 0 : i32
      %dma_wait3A_244 = arith.constant 0 : i32
      %dma_wait3A_245 = tpu.memref_slice %arg12[%dma_wait3A_243, %dma_wait3A_244] : memref<10240x128xf32, #tpu.memory_space<vmem_shared>> -> memref<10240x128xf32, #tpu.memory_space<vmem_shared>>
      tpu.wait_indirect_dma semaphore(%arg16 : memref<!tpu.dma_semaphore, #tpu.memory_space<semaphore_mem>>) src(%arg10 : memref<64x128xf32, #tpu.memory_space<vmem>>) dst(%dma_wait3A_245 : memref<10240x128xf32, #tpu.memory_space<vmem_shared>>)
      %dma_start3A_246 = arith.constant 0 : i32
      %dma_start3A_247 = tpu.memref_slice %arg7[%add3A_237, %dma_start3A_246] : memref<144x64xi32, #tpu.memory_space<vmem>> -> memref<1x64xi32, #tpu.memory_space<vmem>>
      %dma_start3A_248 = tpu.memref_squeeze %dma_start3A_247 : memref<1x64xi32, #tpu.memory_space<vmem>> -> memref<64xi32, #tpu.memory_space<vmem>>
      %dma_start3A_249 = arith.constant 0 : i32
      %dma_start3A_250 = arith.constant 0 : i32
      %dma_start3A_251 = tpu.memref_slice %arg2[%dma_start3A_249, %dma_start3A_250] : memref<10240x128xf32, #tpu.memory_space<hbm>> -> memref<10240x128xf32, #tpu.memory_space<hbm>>
      tpu.enqueue_indirect_dma source(%dma_start3A_251 : memref<10240x128xf32, #tpu.memory_space<hbm>>) target(%arg10 : memref<64x128xf32, #tpu.memory_space<vmem>>) offsets(%dma_start3A_248 : memref<64xi32, #tpu.memory_space<vmem>>) semaphore(%arg14 : memref<!tpu.dma_semaphore, #tpu.memory_space<semaphore_mem>>)
      %dma_wait3A_252 = arith.constant 0 : i32
      %dma_wait3A_253 = tpu.memref_slice %arg7[%add3A_237, %dma_wait3A_252] : memref<144x64xi32, #tpu.memory_space<vmem>> -> memref<1x64xi32, #tpu.memory_space<vmem>>
      %dma_wait3A_254 = tpu.memref_squeeze %dma_wait3A_253 : memref<1x64xi32, #tpu.memory_space<vmem>> -> memref<64xi32, #tpu.memory_space<vmem>>
      %dma_wait3A_255 = arith.constant 0 : i32
      %dma_wait3A_256 = arith.constant 0 : i32
      %dma_wait3A_257 = tpu.memref_slice %arg2[%dma_wait3A_255, %dma_wait3A_256] : memref<10240x128xf32, #tpu.memory_space<hbm>> -> memref<10240x128xf32, #tpu.memory_space<hbm>>
      tpu.wait_indirect_dma semaphore(%arg14 : memref<!tpu.dma_semaphore, #tpu.memory_space<semaphore_mem>>) src(%dma_wait3A_257 : memref<10240x128xf32, #tpu.memory_space<hbm>>) dst(%arg10 : memref<64x128xf32, #tpu.memory_space<vmem>>)
      %dma_start3A_258 = arith.constant 0 : i32
      %dma_start3A_259 = tpu.memref_slice %arg8[%add3A_237, %dma_start3A_258] : memref<144x64xi32, #tpu.memory_space<vmem>> -> memref<1x64xi32, #tpu.memory_space<vmem>>
      %dma_start3A_260 = tpu.memref_squeeze %dma_start3A_259 : memref<1x64xi32, #tpu.memory_space<vmem>> -> memref<64xi32, #tpu.memory_space<vmem>>
      %dma_start3A_261 = arith.constant 0 : i32
      %dma_start3A_262 = arith.constant 0 : i32
      %dma_start3A_263 = tpu.memref_slice %arg12[%dma_start3A_261, %dma_start3A_262] : memref<10240x128xf32, #tpu.memory_space<vmem_shared>> -> memref<10240x128xf32, #tpu.memory_space<vmem_shared>>
      tpu.enqueue_indirect_dma source(%arg10 : memref<64x128xf32, #tpu.memory_space<vmem>>) target(%dma_start3A_263 : memref<10240x128xf32, #tpu.memory_space<vmem_shared>>) offsets(%dma_start3A_260 : memref<64xi32, #tpu.memory_space<vmem>>) semaphore(%arg16 : memref<!tpu.dma_semaphore, #tpu.memory_space<semaphore_mem>>) {add = true}
    }
    %dma_wait3A_83 = arith.constant 0 : i32
    %dma_wait3A_84 = arith.constant 0 : i32
    %dma_wait3A_85 = tpu.memref_slice %arg8[%dma_wait3A_83, %dma_wait3A_84] : memref<144x64xi32, #tpu.memory_space<vmem>> -> memref<1x64xi32, #tpu.memory_space<vmem>>
    %dma_wait3A_86 = tpu.memref_squeeze %dma_wait3A_85 : memref<1x64xi32, #tpu.memory_space<vmem>> -> memref<64xi32, #tpu.memory_space<vmem>>
    %dma_wait3A_87 = arith.constant 0 : i32
    %dma_wait3A_88 = arith.constant 0 : i32
    %dma_wait3A_89 = tpu.memref_slice %arg12[%dma_wait3A_87, %dma_wait3A_88] : memref<10240x128xf32, #tpu.memory_space<vmem_shared>> -> memref<10240x128xf32, #tpu.memory_space<vmem_shared>>
    tpu.wait_indirect_dma semaphore(%arg15 : memref<!tpu.dma_semaphore, #tpu.memory_space<semaphore_mem>>) src(%arg9 : memref<64x128xf32, #tpu.memory_space<vmem>>) dst(%dma_wait3A_89 : memref<10240x128xf32, #tpu.memory_space<vmem_shared>>)
    %dma_wait3A_90 = arith.constant 0 : i32
    %dma_wait3A_91 = arith.constant 0 : i32
    %dma_wait3A_92 = tpu.memref_slice %arg8[%dma_wait3A_90, %dma_wait3A_91] : memref<144x64xi32, #tpu.memory_space<vmem>> -> memref<1x64xi32, #tpu.memory_space<vmem>>
    %dma_wait3A_93 = tpu.memref_squeeze %dma_wait3A_92 : memref<1x64xi32, #tpu.memory_space<vmem>> -> memref<64xi32, #tpu.memory_space<vmem>>
    %dma_wait3A_94 = arith.constant 0 : i32
    %dma_wait3A_95 = arith.constant 0 : i32
    %dma_wait3A_96 = tpu.memref_slice %arg12[%dma_wait3A_94, %dma_wait3A_95] : memref<10240x128xf32, #tpu.memory_space<vmem_shared>> -> memref<10240x128xf32, #tpu.memory_space<vmem_shared>>
    tpu.wait_indirect_dma semaphore(%arg16 : memref<!tpu.dma_semaphore, #tpu.memory_space<semaphore_mem>>) src(%arg10 : memref<64x128xf32, #tpu.memory_space<vmem>>) dst(%dma_wait3A_96 : memref<10240x128xf32, #tpu.memory_space<vmem_shared>>)
    %mul3A_97 = arith.constant 288 : i32
    %mul3A_98 = arith.muli %arg1, %mul3A_97 : i32
    %add3A_99 = arith.constant 144 : i32
    %add3A_100 = arith.addi %mul3A_98, %add3A_99 : i32
    %mul3A_101 = arith.constant 32 : i32
    %mul3A_102 = arith.muli %arg1, %mul3A_101 : i32
    %add3A_103 = arith.constant 4608 : i32
    %add3A_104 = arith.addi %add3A_103, %mul3A_102 : i32
    %add3A_105 = arith.constant 16 : i32
    %add3A_106 = arith.addi %add3A_104, %add3A_105 : i32
    %select_n3A_107 = arith.select %eq3A_3, %add3A_100, %add3A_106 : i32
    "tpu.region"() ({
      %run_scoped3A = tpu.sem_alloc : memref<!tpu.dma_semaphore, #tpu.memory_space<semaphore_mem>>
      %dma_start3A_203 = arith.constant 0 : i32
      %dma_start3A_204 = tpu.memref_slice %arg3[%select_n3A_107, %dma_start3A_203] : memref<5248x64xi32, #tpu.memory_space<hbm>> -> memref<144x64xi32, #tpu.memory_space<hbm>>
      %dma_start3A_205 = arith.constant 0 : i32
      %dma_start3A_206 = tpu.memref_slice %arg3[%select_n3A_107, %dma_start3A_205] : memref<5248x64xi32, #tpu.memory_space<hbm>> -> memref<144x64xi32, #tpu.memory_space<hbm>>
      tpu.enqueue_dma source(%dma_start3A_206 : memref<144x64xi32, #tpu.memory_space<hbm>>) target(%arg7 : memref<144x64xi32, #tpu.memory_space<vmem>>) target_semaphore(%run_scoped3A : memref<!tpu.dma_semaphore, #tpu.memory_space<semaphore_mem>>)
      %dma_wait3A_207 = arith.constant 0 : i32
      %dma_wait3A_208 = tpu.memref_slice %arg3[%select_n3A_107, %dma_wait3A_207] : memref<5248x64xi32, #tpu.memory_space<hbm>> -> memref<144x64xi32, #tpu.memory_space<hbm>>
      %dma_wait3A_209 = arith.constant 0 : i32
      %dma_wait3A_210 = tpu.memref_slice %arg3[%select_n3A_107, %dma_wait3A_209] : memref<5248x64xi32, #tpu.memory_space<hbm>> -> memref<144x64xi32, #tpu.memory_space<hbm>>
      tpu.wait_dma2 semaphore(%run_scoped3A : memref<!tpu.dma_semaphore, #tpu.memory_space<semaphore_mem>>) src(%dma_wait3A_210 : memref<144x64xi32, #tpu.memory_space<hbm>>) dst(%arg7 : memref<144x64xi32, #tpu.memory_space<vmem>>)
      tpu.yield
    }) : () -> ()
    "tpu.region"() ({
      %run_scoped3A = tpu.sem_alloc : memref<!tpu.dma_semaphore, #tpu.memory_space<semaphore_mem>>
      %dma_start3A_203 = arith.constant 0 : i32
      %dma_start3A_204 = tpu.memref_slice %arg4[%select_n3A_107, %dma_start3A_203] : memref<5248x64xi32, #tpu.memory_space<hbm>> -> memref<144x64xi32, #tpu.memory_space<hbm>>
      %dma_start3A_205 = arith.constant 0 : i32
      %dma_start3A_206 = tpu.memref_slice %arg4[%select_n3A_107, %dma_start3A_205] : memref<5248x64xi32, #tpu.memory_space<hbm>> -> memref<144x64xi32, #tpu.memory_space<hbm>>
      tpu.enqueue_dma source(%dma_start3A_206 : memref<144x64xi32, #tpu.memory_space<hbm>>) target(%arg8 : memref<144x64xi32, #tpu.memory_space<vmem>>) target_semaphore(%run_scoped3A : memref<!tpu.dma_semaphore, #tpu.memory_space<semaphore_mem>>)
      %dma_wait3A_207 = arith.constant 0 : i32
      %dma_wait3A_208 = tpu.memref_slice %arg4[%select_n3A_107, %dma_wait3A_207] : memref<5248x64xi32, #tpu.memory_space<hbm>> -> memref<144x64xi32, #tpu.memory_space<hbm>>
      %dma_wait3A_209 = arith.constant 0 : i32
      %dma_wait3A_210 = tpu.memref_slice %arg4[%select_n3A_107, %dma_wait3A_209] : memref<5248x64xi32, #tpu.memory_space<hbm>> -> memref<144x64xi32, #tpu.memory_space<hbm>>
      tpu.wait_dma2 semaphore(%run_scoped3A : memref<!tpu.dma_semaphore, #tpu.memory_space<semaphore_mem>>) src(%dma_wait3A_210 : memref<144x64xi32, #tpu.memory_space<hbm>>) dst(%arg8 : memref<144x64xi32, #tpu.memory_space<vmem>>)
      tpu.yield
    }) : () -> ()
    %dma_start3A_108 = arith.constant 0 : i32
    %dma_start3A_109 = arith.constant 0 : i32
    %dma_start3A_110 = tpu.memref_slice %arg7[%dma_start3A_108, %dma_start3A_109] : memref<144x64xi32, #tpu.memory_space<vmem>> -> memref<1x64xi32, #tpu.memory_space<vmem>>
    %dma_start3A_111 = tpu.memref_squeeze %dma_start3A_110 : memref<1x64xi32, #tpu.memory_space<vmem>> -> memref<64xi32, #tpu.memory_space<vmem>>
    %dma_start3A_112 = arith.constant 0 : i32
    %dma_start3A_113 = arith.constant 0 : i32
    %dma_start3A_114 = tpu.memref_slice %arg2[%dma_start3A_112, %dma_start3A_113] : memref<10240x128xf32, #tpu.memory_space<hbm>> -> memref<10240x128xf32, #tpu.memory_space<hbm>>
    tpu.enqueue_indirect_dma source(%dma_start3A_114 : memref<10240x128xf32, #tpu.memory_space<hbm>>) target(%arg9 : memref<64x128xf32, #tpu.memory_space<vmem>>) offsets(%dma_start3A_111 : memref<64xi32, #tpu.memory_space<vmem>>) semaphore(%arg13 : memref<!tpu.dma_semaphore, #tpu.memory_space<semaphore_mem>>)
    %dma_start3A_115 = arith.constant 1 : i32
    %dma_start3A_116 = arith.constant 0 : i32
    %dma_start3A_117 = tpu.memref_slice %arg7[%dma_start3A_115, %dma_start3A_116] : memref<144x64xi32, #tpu.memory_space<vmem>> -> memref<1x64xi32, #tpu.memory_space<vmem>>
    %dma_start3A_118 = tpu.memref_squeeze %dma_start3A_117 : memref<1x64xi32, #tpu.memory_space<vmem>> -> memref<64xi32, #tpu.memory_space<vmem>>
    %dma_start3A_119 = arith.constant 0 : i32
    %dma_start3A_120 = arith.constant 0 : i32
    %dma_start3A_121 = tpu.memref_slice %arg2[%dma_start3A_119, %dma_start3A_120] : memref<10240x128xf32, #tpu.memory_space<hbm>> -> memref<10240x128xf32, #tpu.memory_space<hbm>>
    tpu.enqueue_indirect_dma source(%dma_start3A_121 : memref<10240x128xf32, #tpu.memory_space<hbm>>) target(%arg10 : memref<64x128xf32, #tpu.memory_space<vmem>>) offsets(%dma_start3A_118 : memref<64xi32, #tpu.memory_space<vmem>>) semaphore(%arg14 : memref<!tpu.dma_semaphore, #tpu.memory_space<semaphore_mem>>)
    %dma_wait3A_122 = arith.constant 0 : i32
    %dma_wait3A_123 = arith.constant 0 : i32
    %dma_wait3A_124 = tpu.memref_slice %arg7[%dma_wait3A_122, %dma_wait3A_123] : memref<144x64xi32, #tpu.memory_space<vmem>> -> memref<1x64xi32, #tpu.memory_space<vmem>>
    %dma_wait3A_125 = tpu.memref_squeeze %dma_wait3A_124 : memref<1x64xi32, #tpu.memory_space<vmem>> -> memref<64xi32, #tpu.memory_space<vmem>>
    %dma_wait3A_126 = arith.constant 0 : i32
    %dma_wait3A_127 = arith.constant 0 : i32
    %dma_wait3A_128 = tpu.memref_slice %arg2[%dma_wait3A_126, %dma_wait3A_127] : memref<10240x128xf32, #tpu.memory_space<hbm>> -> memref<10240x128xf32, #tpu.memory_space<hbm>>
    tpu.wait_indirect_dma semaphore(%arg13 : memref<!tpu.dma_semaphore, #tpu.memory_space<semaphore_mem>>) src(%dma_wait3A_128 : memref<10240x128xf32, #tpu.memory_space<hbm>>) dst(%arg9 : memref<64x128xf32, #tpu.memory_space<vmem>>)
    %dma_start3A_129 = arith.constant 0 : i32
    %dma_start3A_130 = arith.constant 0 : i32
    %dma_start3A_131 = tpu.memref_slice %arg8[%dma_start3A_129, %dma_start3A_130] : memref<144x64xi32, #tpu.memory_space<vmem>> -> memref<1x64xi32, #tpu.memory_space<vmem>>
    %dma_start3A_132 = tpu.memref_squeeze %dma_start3A_131 : memref<1x64xi32, #tpu.memory_space<vmem>> -> memref<64xi32, #tpu.memory_space<vmem>>
    %dma_start3A_133 = arith.constant 0 : i32
    %dma_start3A_134 = arith.constant 0 : i32
    %dma_start3A_135 = tpu.memref_slice %arg12[%dma_start3A_133, %dma_start3A_134] : memref<10240x128xf32, #tpu.memory_space<vmem_shared>> -> memref<10240x128xf32, #tpu.memory_space<vmem_shared>>
    tpu.enqueue_indirect_dma source(%arg9 : memref<64x128xf32, #tpu.memory_space<vmem>>) target(%dma_start3A_135 : memref<10240x128xf32, #tpu.memory_space<vmem_shared>>) offsets(%dma_start3A_132 : memref<64xi32, #tpu.memory_space<vmem>>) semaphore(%arg15 : memref<!tpu.dma_semaphore, #tpu.memory_space<semaphore_mem>>) {add = true}
    %dma_wait3A_136 = arith.constant 1 : i32
    %dma_wait3A_137 = arith.constant 0 : i32
    %dma_wait3A_138 = tpu.memref_slice %arg7[%dma_wait3A_136, %dma_wait3A_137] : memref<144x64xi32, #tpu.memory_space<vmem>> -> memref<1x64xi32, #tpu.memory_space<vmem>>
    %dma_wait3A_139 = tpu.memref_squeeze %dma_wait3A_138 : memref<1x64xi32, #tpu.memory_space<vmem>> -> memref<64xi32, #tpu.memory_space<vmem>>
    %dma_wait3A_140 = arith.constant 0 : i32
    %dma_wait3A_141 = arith.constant 0 : i32
    %dma_wait3A_142 = tpu.memref_slice %arg2[%dma_wait3A_140, %dma_wait3A_141] : memref<10240x128xf32, #tpu.memory_space<hbm>> -> memref<10240x128xf32, #tpu.memory_space<hbm>>
    tpu.wait_indirect_dma semaphore(%arg14 : memref<!tpu.dma_semaphore, #tpu.memory_space<semaphore_mem>>) src(%dma_wait3A_142 : memref<10240x128xf32, #tpu.memory_space<hbm>>) dst(%arg10 : memref<64x128xf32, #tpu.memory_space<vmem>>)
    %dma_start3A_143 = arith.constant 1 : i32
    %dma_start3A_144 = arith.constant 0 : i32
    %dma_start3A_145 = tpu.memref_slice %arg8[%dma_start3A_143, %dma_start3A_144] : memref<144x64xi32, #tpu.memory_space<vmem>> -> memref<1x64xi32, #tpu.memory_space<vmem>>
    %dma_start3A_146 = tpu.memref_squeeze %dma_start3A_145 : memref<1x64xi32, #tpu.memory_space<vmem>> -> memref<64xi32, #tpu.memory_space<vmem>>
    %dma_start3A_147 = arith.constant 0 : i32
    %dma_start3A_148 = arith.constant 0 : i32
    %dma_start3A_149 = tpu.memref_slice %arg12[%dma_start3A_147, %dma_start3A_148] : memref<10240x128xf32, #tpu.memory_space<vmem_shared>> -> memref<10240x128xf32, #tpu.memory_space<vmem_shared>>
    tpu.enqueue_indirect_dma source(%arg10 : memref<64x128xf32, #tpu.memory_space<vmem>>) target(%dma_start3A_149 : memref<10240x128xf32, #tpu.memory_space<vmem_shared>>) offsets(%dma_start3A_146 : memref<64xi32, #tpu.memory_space<vmem>>) semaphore(%arg16 : memref<!tpu.dma_semaphore, #tpu.memory_space<semaphore_mem>>) {add = true}
    %jit3A_150 = arith.constant 2 : i32
    %div3A_151 = arith.divsi %select_n3A, %jit3A_150 : i32
    %sign3A_152 = arith.constant 0 : i32
    %sign3A_153 = arith.cmpi sgt, %select_n3A, %sign3A_152 : i32
    %sign3A_154 = arith.extui %sign3A_153 : i1 to i32
    %sign3A_155 = arith.constant 0 : i32
    %sign3A_156 = arith.cmpi slt, %select_n3A, %sign3A_155 : i32
    %sign3A_157 = arith.extui %sign3A_156 : i1 to i32
    %sign3A_158 = arith.subi %sign3A_154, %sign3A_157 : i32
    %sign3A_159 = arith.constant 0 : i32
    %sign3A_160 = arith.cmpi sgt, %jit3A_150, %sign3A_159 : i32
    %sign3A_161 = arith.extui %sign3A_160 : i1 to i32
    %sign3A_162 = arith.constant 0 : i32
    %sign3A_163 = arith.cmpi slt, %jit3A_150, %sign3A_162 : i32
    %sign3A_164 = arith.extui %sign3A_163 : i1 to i32
    %sign3A_165 = arith.subi %sign3A_161, %sign3A_164 : i32
    %ne3A_166 = arith.cmpi ne, %sign3A_158, %sign3A_165 : i32
    %rem3A_167 = arith.remsi %select_n3A, %jit3A_150 : i32
    %ne3A_168 = arith.constant 0 : i32
    %ne3A_169 = arith.cmpi ne, %rem3A_167, %ne3A_168 : i32
    %and3A_170 = arith.andi %ne3A_166, %ne3A_169 : i1
    %sub3A_171 = arith.constant 1 : i32
    %sub3A_172 = arith.subi %div3A_151, %sub3A_171 : i32
    %select_n3A_173 = arith.select %and3A_170, %sub3A_172, %div3A_151 : i32
    %while3A_174 = arith.constant 0 : i32
    %while3A_175 = arith.constant 1 : i32
    %while3A_176 = arith.subi %select_n3A_173, %while3A_175 : i32
    %while3A_177 = arith.addi %while3A_175, %while3A_176 : i32
    %while3A_178 = arith.constant 1 : i32
    %while3A_179 = arith.divsi %while3A_176, %while3A_178 : i32
    %while3A_180 = arith.muli %while3A_179, %while3A_178 : i32
    %while3A_181 = arith.addi %while3A_175, %while3A_180 : i32
    %while3A_182 = arith.constant 1 : i32
    scf.for %while3A_203 = %while3A_175 to %while3A_181 step %while3A_182  : i32 {
      %mul3A_204 = arith.constant 2 : i32
      %mul3A_205 = arith.muli %mul3A_204, %while3A_203 : i32
      %add3A_206 = arith.constant 0 : i32
      %add3A_207 = arith.addi %mul3A_205, %add3A_206 : i32
      %sub3A_208 = arith.constant 2 : i32
      %sub3A_209 = arith.subi %add3A_207, %sub3A_208 : i32
      %dma_wait3A_210 = arith.constant 0 : i32
      %dma_wait3A_211 = tpu.memref_slice %arg8[%sub3A_209, %dma_wait3A_210] : memref<144x64xi32, #tpu.memory_space<vmem>> -> memref<1x64xi32, #tpu.memory_space<vmem>>
      %dma_wait3A_212 = tpu.memref_squeeze %dma_wait3A_211 : memref<1x64xi32, #tpu.memory_space<vmem>> -> memref<64xi32, #tpu.memory_space<vmem>>
      %dma_wait3A_213 = arith.constant 0 : i32
      %dma_wait3A_214 = arith.constant 0 : i32
      %dma_wait3A_215 = tpu.memref_slice %arg12[%dma_wait3A_213, %dma_wait3A_214] : memref<10240x128xf32, #tpu.memory_space<vmem_shared>> -> memref<10240x128xf32, #tpu.memory_space<vmem_shared>>
      tpu.wait_indirect_dma semaphore(%arg15 : memref<!tpu.dma_semaphore, #tpu.memory_space<semaphore_mem>>) src(%arg9 : memref<64x128xf32, #tpu.memory_space<vmem>>) dst(%dma_wait3A_215 : memref<10240x128xf32, #tpu.memory_space<vmem_shared>>)
      %dma_start3A_216 = arith.constant 0 : i32
      %dma_start3A_217 = tpu.memref_slice %arg7[%add3A_207, %dma_start3A_216] : memref<144x64xi32, #tpu.memory_space<vmem>> -> memref<1x64xi32, #tpu.memory_space<vmem>>
      %dma_start3A_218 = tpu.memref_squeeze %dma_start3A_217 : memref<1x64xi32, #tpu.memory_space<vmem>> -> memref<64xi32, #tpu.memory_space<vmem>>
      %dma_start3A_219 = arith.constant 0 : i32
      %dma_start3A_220 = arith.constant 0 : i32
      %dma_start3A_221 = tpu.memref_slice %arg2[%dma_start3A_219, %dma_start3A_220] : memref<10240x128xf32, #tpu.memory_space<hbm>> -> memref<10240x128xf32, #tpu.memory_space<hbm>>
      tpu.enqueue_indirect_dma source(%dma_start3A_221 : memref<10240x128xf32, #tpu.memory_space<hbm>>) target(%arg9 : memref<64x128xf32, #tpu.memory_space<vmem>>) offsets(%dma_start3A_218 : memref<64xi32, #tpu.memory_space<vmem>>) semaphore(%arg13 : memref<!tpu.dma_semaphore, #tpu.memory_space<semaphore_mem>>)
      %dma_wait3A_222 = arith.constant 0 : i32
      %dma_wait3A_223 = tpu.memref_slice %arg7[%add3A_207, %dma_wait3A_222] : memref<144x64xi32, #tpu.memory_space<vmem>> -> memref<1x64xi32, #tpu.memory_space<vmem>>
      %dma_wait3A_224 = tpu.memref_squeeze %dma_wait3A_223 : memref<1x64xi32, #tpu.memory_space<vmem>> -> memref<64xi32, #tpu.memory_space<vmem>>
      %dma_wait3A_225 = arith.constant 0 : i32
      %dma_wait3A_226 = arith.constant 0 : i32
      %dma_wait3A_227 = tpu.memref_slice %arg2[%dma_wait3A_225, %dma_wait3A_226] : memref<10240x128xf32, #tpu.memory_space<hbm>> -> memref<10240x128xf32, #tpu.memory_space<hbm>>
      tpu.wait_indirect_dma semaphore(%arg13 : memref<!tpu.dma_semaphore, #tpu.memory_space<semaphore_mem>>) src(%dma_wait3A_227 : memref<10240x128xf32, #tpu.memory_space<hbm>>) dst(%arg9 : memref<64x128xf32, #tpu.memory_space<vmem>>)
      %dma_start3A_228 = arith.constant 0 : i32
      %dma_start3A_229 = tpu.memref_slice %arg8[%add3A_207, %dma_start3A_228] : memref<144x64xi32, #tpu.memory_space<vmem>> -> memref<1x64xi32, #tpu.memory_space<vmem>>
      %dma_start3A_230 = tpu.memref_squeeze %dma_start3A_229 : memref<1x64xi32, #tpu.memory_space<vmem>> -> memref<64xi32, #tpu.memory_space<vmem>>
      %dma_start3A_231 = arith.constant 0 : i32
      %dma_start3A_232 = arith.constant 0 : i32
      %dma_start3A_233 = tpu.memref_slice %arg12[%dma_start3A_231, %dma_start3A_232] : memref<10240x128xf32, #tpu.memory_space<vmem_shared>> -> memref<10240x128xf32, #tpu.memory_space<vmem_shared>>
      tpu.enqueue_indirect_dma source(%arg9 : memref<64x128xf32, #tpu.memory_space<vmem>>) target(%dma_start3A_233 : memref<10240x128xf32, #tpu.memory_space<vmem_shared>>) offsets(%dma_start3A_230 : memref<64xi32, #tpu.memory_space<vmem>>) semaphore(%arg15 : memref<!tpu.dma_semaphore, #tpu.memory_space<semaphore_mem>>) {add = true}
      %mul3A_234 = arith.constant 2 : i32
      %mul3A_235 = arith.muli %mul3A_234, %while3A_203 : i32
      %add3A_236 = arith.constant 1 : i32
      %add3A_237 = arith.addi %mul3A_235, %add3A_236 : i32
      %sub3A_238 = arith.constant 2 : i32
      %sub3A_239 = arith.subi %add3A_237, %sub3A_238 : i32
      %dma_wait3A_240 = arith.constant 0 : i32
      %dma_wait3A_241 = tpu.memref_slice %arg8[%sub3A_239, %dma_wait3A_240] : memref<144x64xi32, #tpu.memory_space<vmem>> -> memref<1x64xi32, #tpu.memory_space<vmem>>
      %dma_wait3A_242 = tpu.memref_squeeze %dma_wait3A_241 : memref<1x64xi32, #tpu.memory_space<vmem>> -> memref<64xi32, #tpu.memory_space<vmem>>
      %dma_wait3A_243 = arith.constant 0 : i32
      %dma_wait3A_244 = arith.constant 0 : i32
      %dma_wait3A_245 = tpu.memref_slice %arg12[%dma_wait3A_243, %dma_wait3A_244] : memref<10240x128xf32, #tpu.memory_space<vmem_shared>> -> memref<10240x128xf32, #tpu.memory_space<vmem_shared>>
      tpu.wait_indirect_dma semaphore(%arg16 : memref<!tpu.dma_semaphore, #tpu.memory_space<semaphore_mem>>) src(%arg10 : memref<64x128xf32, #tpu.memory_space<vmem>>) dst(%dma_wait3A_245 : memref<10240x128xf32, #tpu.memory_space<vmem_shared>>)
      %dma_start3A_246 = arith.constant 0 : i32
      %dma_start3A_247 = tpu.memref_slice %arg7[%add3A_237, %dma_start3A_246] : memref<144x64xi32, #tpu.memory_space<vmem>> -> memref<1x64xi32, #tpu.memory_space<vmem>>
      %dma_start3A_248 = tpu.memref_squeeze %dma_start3A_247 : memref<1x64xi32, #tpu.memory_space<vmem>> -> memref<64xi32, #tpu.memory_space<vmem>>
      %dma_start3A_249 = arith.constant 0 : i32
      %dma_start3A_250 = arith.constant 0 : i32
      %dma_start3A_251 = tpu.memref_slice %arg2[%dma_start3A_249, %dma_start3A_250] : memref<10240x128xf32, #tpu.memory_space<hbm>> -> memref<10240x128xf32, #tpu.memory_space<hbm>>
      tpu.enqueue_indirect_dma source(%dma_start3A_251 : memref<10240x128xf32, #tpu.memory_space<hbm>>) target(%arg10 : memref<64x128xf32, #tpu.memory_space<vmem>>) offsets(%dma_start3A_248 : memref<64xi32, #tpu.memory_space<vmem>>) semaphore(%arg14 : memref<!tpu.dma_semaphore, #tpu.memory_space<semaphore_mem>>)
      %dma_wait3A_252 = arith.constant 0 : i32
      %dma_wait3A_253 = tpu.memref_slice %arg7[%add3A_237, %dma_wait3A_252] : memref<144x64xi32, #tpu.memory_space<vmem>> -> memref<1x64xi32, #tpu.memory_space<vmem>>
      %dma_wait3A_254 = tpu.memref_squeeze %dma_wait3A_253 : memref<1x64xi32, #tpu.memory_space<vmem>> -> memref<64xi32, #tpu.memory_space<vmem>>
      %dma_wait3A_255 = arith.constant 0 : i32
      %dma_wait3A_256 = arith.constant 0 : i32
      %dma_wait3A_257 = tpu.memref_slice %arg2[%dma_wait3A_255, %dma_wait3A_256] : memref<10240x128xf32, #tpu.memory_space<hbm>> -> memref<10240x128xf32, #tpu.memory_space<hbm>>
      tpu.wait_indirect_dma semaphore(%arg14 : memref<!tpu.dma_semaphore, #tpu.memory_space<semaphore_mem>>) src(%dma_wait3A_257 : memref<10240x128xf32, #tpu.memory_space<hbm>>) dst(%arg10 : memref<64x128xf32, #tpu.memory_space<vmem>>)
      %dma_start3A_258 = arith.constant 0 : i32
      %dma_start3A_259 = tpu.memref_slice %arg8[%add3A_237, %dma_start3A_258] : memref<144x64xi32, #tpu.memory_space<vmem>> -> memref<1x64xi32, #tpu.memory_space<vmem>>
      %dma_start3A_260 = tpu.memref_squeeze %dma_start3A_259 : memref<1x64xi32, #tpu.memory_space<vmem>> -> memref<64xi32, #tpu.memory_space<vmem>>
      %dma_start3A_261 = arith.constant 0 : i32
      %dma_start3A_262 = arith.constant 0 : i32
      %dma_start3A_263 = tpu.memref_slice %arg12[%dma_start3A_261, %dma_start3A_262] : memref<10240x128xf32, #tpu.memory_space<vmem_shared>> -> memref<10240x128xf32, #tpu.memory_space<vmem_shared>>
      tpu.enqueue_indirect_dma source(%arg10 : memref<64x128xf32, #tpu.memory_space<vmem>>) target(%dma_start3A_263 : memref<10240x128xf32, #tpu.memory_space<vmem_shared>>) offsets(%dma_start3A_260 : memref<64xi32, #tpu.memory_space<vmem>>) semaphore(%arg16 : memref<!tpu.dma_semaphore, #tpu.memory_space<semaphore_mem>>) {add = true}
    }
    %while3A_183 = arith.constant 1 : i32
    scf.for %while3A_203 = %while3A_181 to %while3A_177 step %while3A_183  : i32 {
      %mul3A_204 = arith.constant 2 : i32
      %mul3A_205 = arith.muli %mul3A_204, %while3A_203 : i32
      %add3A_206 = arith.constant 0 : i32
      %add3A_207 = arith.addi %mul3A_205, %add3A_206 : i32
      %sub3A_208 = arith.constant 2 : i32
      %sub3A_209 = arith.subi %add3A_207, %sub3A_208 : i32
      %dma_wait3A_210 = arith.constant 0 : i32
      %dma_wait3A_211 = tpu.memref_slice %arg8[%sub3A_209, %dma_wait3A_210] : memref<144x64xi32, #tpu.memory_space<vmem>> -> memref<1x64xi32, #tpu.memory_space<vmem>>
      %dma_wait3A_212 = tpu.memref_squeeze %dma_wait3A_211 : memref<1x64xi32, #tpu.memory_space<vmem>> -> memref<64xi32, #tpu.memory_space<vmem>>
      %dma_wait3A_213 = arith.constant 0 : i32
      %dma_wait3A_214 = arith.constant 0 : i32
      %dma_wait3A_215 = tpu.memref_slice %arg12[%dma_wait3A_213, %dma_wait3A_214] : memref<10240x128xf32, #tpu.memory_space<vmem_shared>> -> memref<10240x128xf32, #tpu.memory_space<vmem_shared>>
      tpu.wait_indirect_dma semaphore(%arg15 : memref<!tpu.dma_semaphore, #tpu.memory_space<semaphore_mem>>) src(%arg9 : memref<64x128xf32, #tpu.memory_space<vmem>>) dst(%dma_wait3A_215 : memref<10240x128xf32, #tpu.memory_space<vmem_shared>>)
      %dma_start3A_216 = arith.constant 0 : i32
      %dma_start3A_217 = tpu.memref_slice %arg7[%add3A_207, %dma_start3A_216] : memref<144x64xi32, #tpu.memory_space<vmem>> -> memref<1x64xi32, #tpu.memory_space<vmem>>
      %dma_start3A_218 = tpu.memref_squeeze %dma_start3A_217 : memref<1x64xi32, #tpu.memory_space<vmem>> -> memref<64xi32, #tpu.memory_space<vmem>>
      %dma_start3A_219 = arith.constant 0 : i32
      %dma_start3A_220 = arith.constant 0 : i32
      %dma_start3A_221 = tpu.memref_slice %arg2[%dma_start3A_219, %dma_start3A_220] : memref<10240x128xf32, #tpu.memory_space<hbm>> -> memref<10240x128xf32, #tpu.memory_space<hbm>>
      tpu.enqueue_indirect_dma source(%dma_start3A_221 : memref<10240x128xf32, #tpu.memory_space<hbm>>) target(%arg9 : memref<64x128xf32, #tpu.memory_space<vmem>>) offsets(%dma_start3A_218 : memref<64xi32, #tpu.memory_space<vmem>>) semaphore(%arg13 : memref<!tpu.dma_semaphore, #tpu.memory_space<semaphore_mem>>)
      %dma_wait3A_222 = arith.constant 0 : i32
      %dma_wait3A_223 = tpu.memref_slice %arg7[%add3A_207, %dma_wait3A_222] : memref<144x64xi32, #tpu.memory_space<vmem>> -> memref<1x64xi32, #tpu.memory_space<vmem>>
      %dma_wait3A_224 = tpu.memref_squeeze %dma_wait3A_223 : memref<1x64xi32, #tpu.memory_space<vmem>> -> memref<64xi32, #tpu.memory_space<vmem>>
      %dma_wait3A_225 = arith.constant 0 : i32
      %dma_wait3A_226 = arith.constant 0 : i32
      %dma_wait3A_227 = tpu.memref_slice %arg2[%dma_wait3A_225, %dma_wait3A_226] : memref<10240x128xf32, #tpu.memory_space<hbm>> -> memref<10240x128xf32, #tpu.memory_space<hbm>>
      tpu.wait_indirect_dma semaphore(%arg13 : memref<!tpu.dma_semaphore, #tpu.memory_space<semaphore_mem>>) src(%dma_wait3A_227 : memref<10240x128xf32, #tpu.memory_space<hbm>>) dst(%arg9 : memref<64x128xf32, #tpu.memory_space<vmem>>)
      %dma_start3A_228 = arith.constant 0 : i32
      %dma_start3A_229 = tpu.memref_slice %arg8[%add3A_207, %dma_start3A_228] : memref<144x64xi32, #tpu.memory_space<vmem>> -> memref<1x64xi32, #tpu.memory_space<vmem>>
      %dma_start3A_230 = tpu.memref_squeeze %dma_start3A_229 : memref<1x64xi32, #tpu.memory_space<vmem>> -> memref<64xi32, #tpu.memory_space<vmem>>
      %dma_start3A_231 = arith.constant 0 : i32
      %dma_start3A_232 = arith.constant 0 : i32
      %dma_start3A_233 = tpu.memref_slice %arg12[%dma_start3A_231, %dma_start3A_232] : memref<10240x128xf32, #tpu.memory_space<vmem_shared>> -> memref<10240x128xf32, #tpu.memory_space<vmem_shared>>
      tpu.enqueue_indirect_dma source(%arg9 : memref<64x128xf32, #tpu.memory_space<vmem>>) target(%dma_start3A_233 : memref<10240x128xf32, #tpu.memory_space<vmem_shared>>) offsets(%dma_start3A_230 : memref<64xi32, #tpu.memory_space<vmem>>) semaphore(%arg15 : memref<!tpu.dma_semaphore, #tpu.memory_space<semaphore_mem>>) {add = true}
      %mul3A_234 = arith.constant 2 : i32
      %mul3A_235 = arith.muli %mul3A_234, %while3A_203 : i32
      %add3A_236 = arith.constant 1 : i32
      %add3A_237 = arith.addi %mul3A_235, %add3A_236 : i32
      %sub3A_238 = arith.constant 2 : i32
      %sub3A_239 = arith.subi %add3A_237, %sub3A_238 : i32
      %dma_wait3A_240 = arith.constant 0 : i32
      %dma_wait3A_241 = tpu.memref_slice %arg8[%sub3A_239, %dma_wait3A_240] : memref<144x64xi32, #tpu.memory_space<vmem>> -> memref<1x64xi32, #tpu.memory_space<vmem>>
      %dma_wait3A_242 = tpu.memref_squeeze %dma_wait3A_241 : memref<1x64xi32, #tpu.memory_space<vmem>> -> memref<64xi32, #tpu.memory_space<vmem>>
      %dma_wait3A_243 = arith.constant 0 : i32
      %dma_wait3A_244 = arith.constant 0 : i32
      %dma_wait3A_245 = tpu.memref_slice %arg12[%dma_wait3A_243, %dma_wait3A_244] : memref<10240x128xf32, #tpu.memory_space<vmem_shared>> -> memref<10240x128xf32, #tpu.memory_space<vmem_shared>>
      tpu.wait_indirect_dma semaphore(%arg16 : memref<!tpu.dma_semaphore, #tpu.memory_space<semaphore_mem>>) src(%arg10 : memref<64x128xf32, #tpu.memory_space<vmem>>) dst(%dma_wait3A_245 : memref<10240x128xf32, #tpu.memory_space<vmem_shared>>)
      %dma_start3A_246 = arith.constant 0 : i32
      %dma_start3A_247 = tpu.memref_slice %arg7[%add3A_237, %dma_start3A_246] : memref<144x64xi32, #tpu.memory_space<vmem>> -> memref<1x64xi32, #tpu.memory_space<vmem>>
      %dma_start3A_248 = tpu.memref_squeeze %dma_start3A_247 : memref<1x64xi32, #tpu.memory_space<vmem>> -> memref<64xi32, #tpu.memory_space<vmem>>
      %dma_start3A_249 = arith.constant 0 : i32
      %dma_start3A_250 = arith.constant 0 : i32
      %dma_start3A_251 = tpu.memref_slice %arg2[%dma_start3A_249, %dma_start3A_250] : memref<10240x128xf32, #tpu.memory_space<hbm>> -> memref<10240x128xf32, #tpu.memory_space<hbm>>
      tpu.enqueue_indirect_dma source(%dma_start3A_251 : memref<10240x128xf32, #tpu.memory_space<hbm>>) target(%arg10 : memref<64x128xf32, #tpu.memory_space<vmem>>) offsets(%dma_start3A_248 : memref<64xi32, #tpu.memory_space<vmem>>) semaphore(%arg14 : memref<!tpu.dma_semaphore, #tpu.memory_space<semaphore_mem>>)
      %dma_wait3A_252 = arith.constant 0 : i32
      %dma_wait3A_253 = tpu.memref_slice %arg7[%add3A_237, %dma_wait3A_252] : memref<144x64xi32, #tpu.memory_space<vmem>> -> memref<1x64xi32, #tpu.memory_space<vmem>>
      %dma_wait3A_254 = tpu.memref_squeeze %dma_wait3A_253 : memref<1x64xi32, #tpu.memory_space<vmem>> -> memref<64xi32, #tpu.memory_space<vmem>>
      %dma_wait3A_255 = arith.constant 0 : i32
      %dma_wait3A_256 = arith.constant 0 : i32
      %dma_wait3A_257 = tpu.memref_slice %arg2[%dma_wait3A_255, %dma_wait3A_256] : memref<10240x128xf32, #tpu.memory_space<hbm>> -> memref<10240x128xf32, #tpu.memory_space<hbm>>
      tpu.wait_indirect_dma semaphore(%arg14 : memref<!tpu.dma_semaphore, #tpu.memory_space<semaphore_mem>>) src(%dma_wait3A_257 : memref<10240x128xf32, #tpu.memory_space<hbm>>) dst(%arg10 : memref<64x128xf32, #tpu.memory_space<vmem>>)
      %dma_start3A_258 = arith.constant 0 : i32
      %dma_start3A_259 = tpu.memref_slice %arg8[%add3A_237, %dma_start3A_258] : memref<144x64xi32, #tpu.memory_space<vmem>> -> memref<1x64xi32, #tpu.memory_space<vmem>>
      %dma_start3A_260 = tpu.memref_squeeze %dma_start3A_259 : memref<1x64xi32, #tpu.memory_space<vmem>> -> memref<64xi32, #tpu.memory_space<vmem>>
      %dma_start3A_261 = arith.constant 0 : i32
      %dma_start3A_262 = arith.constant 0 : i32
      %dma_start3A_263 = tpu.memref_slice %arg12[%dma_start3A_261, %dma_start3A_262] : memref<10240x128xf32, #tpu.memory_space<vmem_shared>> -> memref<10240x128xf32, #tpu.memory_space<vmem_shared>>
      tpu.enqueue_indirect_dma source(%arg10 : memref<64x128xf32, #tpu.memory_space<vmem>>) target(%dma_start3A_263 : memref<10240x128xf32, #tpu.memory_space<vmem_shared>>) offsets(%dma_start3A_260 : memref<64xi32, #tpu.memory_space<vmem>>) semaphore(%arg16 : memref<!tpu.dma_semaphore, #tpu.memory_space<semaphore_mem>>) {add = true}
    }
    %dma_wait3A_184 = arith.constant 0 : i32
    %dma_wait3A_185 = arith.constant 0 : i32
    %dma_wait3A_186 = tpu.memref_slice %arg8[%dma_wait3A_184, %dma_wait3A_185] : memref<144x64xi32, #tpu.memory_space<vmem>> -> memref<1x64xi32, #tpu.memory_space<vmem>>
    %dma_wait3A_187 = tpu.memref_squeeze %dma_wait3A_186 : memref<1x64xi32, #tpu.memory_space<vmem>> -> memref<64xi32, #tpu.memory_space<vmem>>
    %dma_wait3A_188 = arith.constant 0 : i32
    %dma_wait3A_189 = arith.constant 0 : i32
    %dma_wait3A_190 = tpu.memref_slice %arg12[%dma_wait3A_188, %dma_wait3A_189] : memref<10240x128xf32, #tpu.memory_space<vmem_shared>> -> memref<10240x128xf32, #tpu.memory_space<vmem_shared>>
    tpu.wait_indirect_dma semaphore(%arg15 : memref<!tpu.dma_semaphore, #tpu.memory_space<semaphore_mem>>) src(%arg9 : memref<64x128xf32, #tpu.memory_space<vmem>>) dst(%dma_wait3A_190 : memref<10240x128xf32, #tpu.memory_space<vmem_shared>>)
    %dma_wait3A_191 = arith.constant 0 : i32
    %dma_wait3A_192 = arith.constant 0 : i32
    %dma_wait3A_193 = tpu.memref_slice %arg8[%dma_wait3A_191, %dma_wait3A_192] : memref<144x64xi32, #tpu.memory_space<vmem>> -> memref<1x64xi32, #tpu.memory_space<vmem>>
    %dma_wait3A_194 = tpu.memref_squeeze %dma_wait3A_193 : memref<1x64xi32, #tpu.memory_space<vmem>> -> memref<64xi32, #tpu.memory_space<vmem>>
    %dma_wait3A_195 = arith.constant 0 : i32
    %dma_wait3A_196 = arith.constant 0 : i32
    %dma_wait3A_197 = tpu.memref_slice %arg12[%dma_wait3A_195, %dma_wait3A_196] : memref<10240x128xf32, #tpu.memory_space<vmem_shared>> -> memref<10240x128xf32, #tpu.memory_space<vmem_shared>>
    tpu.wait_indirect_dma semaphore(%arg16 : memref<!tpu.dma_semaphore, #tpu.memory_space<semaphore_mem>>) src(%arg10 : memref<64x128xf32, #tpu.memory_space<vmem>>) dst(%dma_wait3A_197 : memref<10240x128xf32, #tpu.memory_space<vmem_shared>>)
    %barrier3A_198 = arith.constant 0 : index
    tpu.barrier barrier_id(%barrier3A_198)
    %mul3A_199 = arith.constant 640 : i32
    %mul3A_200 = arith.muli %arg1, %mul3A_199 : i32
    %mul3A_201 = arith.constant 640 : i32
    %mul3A_202 = arith.muli %arg1, %mul3A_201 : i32
    "tpu.region"() ({
      %run_scoped3A = tpu.sem_alloc : memref<!tpu.dma_semaphore, #tpu.memory_space<semaphore_mem>>
      %dma_start3A_203 = arith.constant 0 : i32
      %dma_start3A_204 = tpu.memref_slice %arg6[%arg0, %mul3A_202, %dma_start3A_203] : memref<2x10240x128xf32, #tpu.memory_space<hbm>> -> memref<1x640x128xf32, #tpu.memory_space<hbm>>
      %dma_start3A_205 = tpu.memref_squeeze %dma_start3A_204 : memref<1x640x128xf32, #tpu.memory_space<hbm>> -> memref<640x128xf32, #tpu.memory_space<hbm>>
      %dma_start3A_206 = arith.constant 0 : i32
      %dma_start3A_207 = tpu.memref_slice %arg12[%mul3A_200, %dma_start3A_206] : memref<10240x128xf32, #tpu.memory_space<vmem_shared>> -> memref<640x128xf32, #tpu.memory_space<vmem_shared>>
      tpu.enqueue_dma source(%dma_start3A_207 : memref<640x128xf32, #tpu.memory_space<vmem_shared>>) target(%dma_start3A_205 : memref<640x128xf32, #tpu.memory_space<hbm>>) target_semaphore(%run_scoped3A : memref<!tpu.dma_semaphore, #tpu.memory_space<semaphore_mem>>)
      %dma_wait3A_208 = arith.constant 0 : i32
      %dma_wait3A_209 = tpu.memref_slice %arg6[%arg0, %mul3A_202, %dma_wait3A_208] : memref<2x10240x128xf32, #tpu.memory_space<hbm>> -> memref<1x640x128xf32, #tpu.memory_space<hbm>>
      %dma_wait3A_210 = tpu.memref_squeeze %dma_wait3A_209 : memref<1x640x128xf32, #tpu.memory_space<hbm>> -> memref<640x128xf32, #tpu.memory_space<hbm>>
      %dma_wait3A_211 = arith.constant 0 : i32
      %dma_wait3A_212 = tpu.memref_slice %arg12[%mul3A_200, %dma_wait3A_211] : memref<10240x128xf32, #tpu.memory_space<vmem_shared>> -> memref<640x128xf32, #tpu.memory_space<vmem_shared>>
      tpu.wait_dma2 semaphore(%run_scoped3A : memref<!tpu.dma_semaphore, #tpu.memory_space<semaphore_mem>>) src(%dma_wait3A_212 : memref<640x128xf32, #tpu.memory_space<vmem_shared>>) dst(%dma_wait3A_210 : memref<640x128xf32, #tpu.memory_space<hbm>>)
      tpu.yield
    }) : () -> ()
    return
  }
}

module attributes {stable_mosaic.version = 14 : i64} {
  func.func @_moe_mid_kernel(%arg0: i32, %arg1: memref<2x2048x128xf32, #tpu.memory_space<vmem>>, %arg2: memref<32x16x128xf32, #tpu.memory_space<vmem>>, %arg3: memref<128x128xf32, #tpu.memory_space<vmem>>, %arg4: memref<8x128x128xf32, #tpu.memory_space<vmem>>, %arg5: memref<128x128xf32, #tpu.memory_space<vmem>>, %arg6: memref<2048x128xf32, #tpu.memory_space<vmem>>) attributes {dimension_semantics = [#tpu.dimension_semantics<arbitrary>], iteration_bounds = array<i64: 5>, scalar_prefetch = 0 : i64, scratch_operands = 0 : i64, tpu.core_type = #tpu.core_type<tc>, window_params = [{transform_indices = @transform_0, window_bounds = array<i64: 2, 2048, 128>}, {transform_indices = @transform_1, window_bounds = array<i64: 32, 16, 128>}, {pipeline_mode = #tpu.pipeline_mode<synchronous>, transform_indices = @transform_2, window_bounds = array<i64: 128, 128>}, {pipeline_mode = #tpu.pipeline_mode<synchronous>, transform_indices = @transform_3, window_bounds = array<i64: 8, 128, 128>}, {pipeline_mode = #tpu.pipeline_mode<synchronous>, transform_indices = @transform_4, window_bounds = array<i64: 128, 128>}, {transform_indices = @transform_5, window_bounds = array<i64: 2048, 128>}]} {
    %get3A = arith.constant 0 : index
    %get3A_0 = arith.constant 0 : index
    %get3A_1 = arith.constant 0 : index
    %get3A_2 = vector.load %arg1[%get3A, %get3A_0, %get3A_1] : memref<2x2048x128xf32, #tpu.memory_space<vmem>>, vector<1x2048x128xf32>
    %get3A_3 = vector.shape_cast %get3A_2 : vector<1x2048x128xf32> to vector<2048x128xf32>
    %get3A_4 = arith.constant 1 : index
    %get3A_5 = arith.constant 0 : index
    %get3A_6 = arith.constant 0 : index
    %get3A_7 = vector.load %arg1[%get3A_4, %get3A_5, %get3A_6] : memref<2x2048x128xf32, #tpu.memory_space<vmem>>, vector<1x2048x128xf32>
    %get3A_8 = vector.shape_cast %get3A_7 : vector<1x2048x128xf32> to vector<2048x128xf32>
    %add3A = arith.addf %get3A_3, %get3A_8 : vector<2048x128xf32>
    %get3A_9 = arith.constant 0 : index
    %get3A_10 = arith.constant 0 : index
    %get3A_11 = arith.constant 0 : index
    %get3A_12 = vector.load %arg2[%get3A_9, %get3A_10, %get3A_11] : memref<32x16x128xf32, #tpu.memory_space<vmem>>, vector<32x16x128xf32>
    %reduce_sum3A = arith.constant dense<0.000000e+00> : vector<16x128xf32>
    %reduce_sum3A_13 = vector.multi_reduction <add>, %get3A_12, %reduce_sum3A [0] : vector<32x16x128xf32> to vector<16x128xf32>
    %max3A = arith.constant 1.000000e+00 : f32
    %max3A_14 = vector.broadcast %max3A : f32 to vector<16x128xf32>
    %max3A_15 = arith.maximumf %reduce_sum3A_13, %max3A_14 : vector<16x128xf32>
    %div3A = arith.constant 1.000000e+00 : f32
    %div3A_16 = vector.broadcast %div3A : f32 to vector<16x128xf32>
    %div3A_17 = arith.divf %div3A_16, %max3A_15 : vector<16x128xf32>
    %iota3A = tpu.iota {dimensions = array<i32: 0>} : vector<2048x128xi32>
    %iota3A_18 = tpu.iota {dimensions = array<i32: 1>} : vector<2048x128xi32>
    %broadcast_in_dim3A = arith.constant 0.000000e+00 : f32
    %broadcast_in_dim3A_19 = vector.broadcast %broadcast_in_dim3A : f32 to vector<2048x128xf32>
    %jit3A = arith.constant 128 : i32
    %div3A_20 = vector.broadcast %jit3A : i32 to vector<2048x128xi32>
    %div3A_21 = arith.divsi %iota3A, %div3A_20 : vector<2048x128xi32>
    %sign3A = arith.constant 0 : i32
    %sign3A_22 = vector.broadcast %sign3A : i32 to vector<2048x128xi32>
    %sign3A_23 = arith.cmpi sgt, %iota3A, %sign3A_22 : vector<2048x128xi32>
    %sign3A_24 = arith.extui %sign3A_23 : vector<2048x128xi1> to vector<2048x128xi32>
    %sign3A_25 = arith.constant 0 : i32
    %sign3A_26 = vector.broadcast %sign3A_25 : i32 to vector<2048x128xi32>
    %sign3A_27 = arith.cmpi slt, %iota3A, %sign3A_26 : vector<2048x128xi32>
    %sign3A_28 = arith.extui %sign3A_27 : vector<2048x128xi1> to vector<2048x128xi32>
    %sign3A_29 = arith.subi %sign3A_24, %sign3A_28 : vector<2048x128xi32>
    %sign3A_30 = arith.constant 0 : i32
    %sign3A_31 = arith.cmpi sgt, %jit3A, %sign3A_30 : i32
    %sign3A_32 = arith.extui %sign3A_31 : i1 to i32
    %sign3A_33 = arith.constant 0 : i32
    %sign3A_34 = arith.cmpi slt, %jit3A, %sign3A_33 : i32
    %sign3A_35 = arith.extui %sign3A_34 : i1 to i32
    %sign3A_36 = arith.subi %sign3A_32, %sign3A_35 : i32
    %ne3A = vector.broadcast %sign3A_36 : i32 to vector<2048x128xi32>
    %ne3A_37 = arith.cmpi ne, %sign3A_29, %ne3A : vector<2048x128xi32>
    %rem3A = vector.broadcast %jit3A : i32 to vector<2048x128xi32>
    %rem3A_38 = arith.remsi %iota3A, %rem3A : vector<2048x128xi32>
    %ne3A_39 = arith.constant 0 : i32
    %ne3A_40 = vector.broadcast %ne3A_39 : i32 to vector<2048x128xi32>
    %ne3A_41 = arith.cmpi ne, %rem3A_38, %ne3A_40 : vector<2048x128xi32>
    %and3A = arith.andi %ne3A_37, %ne3A_41 : vector<2048x128xi1>
    %sub3A = arith.constant 1 : i32
    %sub3A_42 = vector.broadcast %sub3A : i32 to vector<2048x128xi32>
    %sub3A_43 = arith.subi %div3A_21, %sub3A_42 : vector<2048x128xi32>
    %select_n3A = arith.select %and3A, %sub3A_43, %div3A_21 : vector<2048x128xi1>, vector<2048x128xi32>
    %eq3A = arith.constant 0 : i32
    %eq3A_44 = vector.broadcast %eq3A : i32 to vector<2048x128xi32>
    %eq3A_45 = arith.cmpi eq, %select_n3A, %eq3A_44 : vector<2048x128xi32>
    %slice3A = vector.extract_strided_slice %div3A_17 {offsets = [0, 0], sizes = [1, 128], strides = [1, 1]} : vector<16x128xf32> to vector<1x128xf32>
    %jit3A_46 = arith.constant 0.000000e+00 : f32
    %broadcast_in_dim3A_47 = vector.shape_cast %slice3A : vector<1x128xf32> to vector<1x128xf32>
    %broadcast_in_dim3A_48 = vector.broadcast %broadcast_in_dim3A_47 : vector<1x128xf32> to vector<2048x128xf32>
    %broadcast_in_dim3A_49 = vector.broadcast %jit3A_46 : f32 to vector<2048x128xf32>
    %select_n3A_50 = arith.select %eq3A_45, %broadcast_in_dim3A_48, %broadcast_in_dim3A_49 : vector<2048x128xi1>, vector<2048x128xf32>
    %add3A_51 = arith.addf %broadcast_in_dim3A_19, %select_n3A_50 : vector<2048x128xf32>
    %jit3A_52 = arith.constant 128 : i32
    %div3A_53 = vector.broadcast %jit3A_52 : i32 to vector<2048x128xi32>
    %div3A_54 = arith.divsi %iota3A, %div3A_53 : vector<2048x128xi32>
    %sign3A_55 = arith.constant 0 : i32
    %sign3A_56 = vector.broadcast %sign3A_55 : i32 to vector<2048x128xi32>
    %sign3A_57 = arith.cmpi sgt, %iota3A, %sign3A_56 : vector<2048x128xi32>
    %sign3A_58 = arith.extui %sign3A_57 : vector<2048x128xi1> to vector<2048x128xi32>
    %sign3A_59 = arith.constant 0 : i32
    %sign3A_60 = vector.broadcast %sign3A_59 : i32 to vector<2048x128xi32>
    %sign3A_61 = arith.cmpi slt, %iota3A, %sign3A_60 : vector<2048x128xi32>
    %sign3A_62 = arith.extui %sign3A_61 : vector<2048x128xi1> to vector<2048x128xi32>
    %sign3A_63 = arith.subi %sign3A_58, %sign3A_62 : vector<2048x128xi32>
    %sign3A_64 = arith.constant 0 : i32
    %sign3A_65 = arith.cmpi sgt, %jit3A_52, %sign3A_64 : i32
    %sign3A_66 = arith.extui %sign3A_65 : i1 to i32
    %sign3A_67 = arith.constant 0 : i32
    %sign3A_68 = arith.cmpi slt, %jit3A_52, %sign3A_67 : i32
    %sign3A_69 = arith.extui %sign3A_68 : i1 to i32
    %sign3A_70 = arith.subi %sign3A_66, %sign3A_69 : i32
    %ne3A_71 = vector.broadcast %sign3A_70 : i32 to vector<2048x128xi32>
    %ne3A_72 = arith.cmpi ne, %sign3A_63, %ne3A_71 : vector<2048x128xi32>
    %rem3A_73 = vector.broadcast %jit3A_52 : i32 to vector<2048x128xi32>
    %rem3A_74 = arith.remsi %iota3A, %rem3A_73 : vector<2048x128xi32>
    %ne3A_75 = arith.constant 0 : i32
    %ne3A_76 = vector.broadcast %ne3A_75 : i32 to vector<2048x128xi32>
    %ne3A_77 = arith.cmpi ne, %rem3A_74, %ne3A_76 : vector<2048x128xi32>
    %and3A_78 = arith.andi %ne3A_72, %ne3A_77 : vector<2048x128xi1>
    %sub3A_79 = arith.constant 1 : i32
    %sub3A_80 = vector.broadcast %sub3A_79 : i32 to vector<2048x128xi32>
    %sub3A_81 = arith.subi %div3A_54, %sub3A_80 : vector<2048x128xi32>
    %select_n3A_82 = arith.select %and3A_78, %sub3A_81, %div3A_54 : vector<2048x128xi1>, vector<2048x128xi32>
    %eq3A_83 = arith.constant 1 : i32
    %eq3A_84 = vector.broadcast %eq3A_83 : i32 to vector<2048x128xi32>
    %eq3A_85 = arith.cmpi eq, %select_n3A_82, %eq3A_84 : vector<2048x128xi32>
    %slice3A_86 = vector.extract_strided_slice %div3A_17 {offsets = [1, 0], sizes = [1, 128], strides = [1, 1]} : vector<16x128xf32> to vector<1x128xf32>
    %jit3A_87 = arith.constant 0.000000e+00 : f32
    %broadcast_in_dim3A_88 = vector.shape_cast %slice3A_86 : vector<1x128xf32> to vector<1x128xf32>
    %broadcast_in_dim3A_89 = vector.broadcast %broadcast_in_dim3A_88 : vector<1x128xf32> to vector<2048x128xf32>
    %broadcast_in_dim3A_90 = vector.broadcast %jit3A_87 : f32 to vector<2048x128xf32>
    %select_n3A_91 = arith.select %eq3A_85, %broadcast_in_dim3A_89, %broadcast_in_dim3A_90 : vector<2048x128xi1>, vector<2048x128xf32>
    %add3A_92 = arith.addf %add3A_51, %select_n3A_91 : vector<2048x128xf32>
    %jit3A_93 = arith.constant 128 : i32
    %div3A_94 = vector.broadcast %jit3A_93 : i32 to vector<2048x128xi32>
    %div3A_95 = arith.divsi %iota3A, %div3A_94 : vector<2048x128xi32>
    %sign3A_96 = arith.constant 0 : i32
    %sign3A_97 = vector.broadcast %sign3A_96 : i32 to vector<2048x128xi32>
    %sign3A_98 = arith.cmpi sgt, %iota3A, %sign3A_97 : vector<2048x128xi32>
    %sign3A_99 = arith.extui %sign3A_98 : vector<2048x128xi1> to vector<2048x128xi32>
    %sign3A_100 = arith.constant 0 : i32
    %sign3A_101 = vector.broadcast %sign3A_100 : i32 to vector<2048x128xi32>
    %sign3A_102 = arith.cmpi slt, %iota3A, %sign3A_101 : vector<2048x128xi32>
    %sign3A_103 = arith.extui %sign3A_102 : vector<2048x128xi1> to vector<2048x128xi32>
    %sign3A_104 = arith.subi %sign3A_99, %sign3A_103 : vector<2048x128xi32>
    %sign3A_105 = arith.constant 0 : i32
    %sign3A_106 = arith.cmpi sgt, %jit3A_93, %sign3A_105 : i32
    %sign3A_107 = arith.extui %sign3A_106 : i1 to i32
    %sign3A_108 = arith.constant 0 : i32
    %sign3A_109 = arith.cmpi slt, %jit3A_93, %sign3A_108 : i32
    %sign3A_110 = arith.extui %sign3A_109 : i1 to i32
    %sign3A_111 = arith.subi %sign3A_107, %sign3A_110 : i32
    %ne3A_112 = vector.broadcast %sign3A_111 : i32 to vector<2048x128xi32>
    %ne3A_113 = arith.cmpi ne, %sign3A_104, %ne3A_112 : vector<2048x128xi32>
    %rem3A_114 = vector.broadcast %jit3A_93 : i32 to vector<2048x128xi32>
    %rem3A_115 = arith.remsi %iota3A, %rem3A_114 : vector<2048x128xi32>
    %ne3A_116 = arith.constant 0 : i32
    %ne3A_117 = vector.broadcast %ne3A_116 : i32 to vector<2048x128xi32>
    %ne3A_118 = arith.cmpi ne, %rem3A_115, %ne3A_117 : vector<2048x128xi32>
    %and3A_119 = arith.andi %ne3A_113, %ne3A_118 : vector<2048x128xi1>
    %sub3A_120 = arith.constant 1 : i32
    %sub3A_121 = vector.broadcast %sub3A_120 : i32 to vector<2048x128xi32>
    %sub3A_122 = arith.subi %div3A_95, %sub3A_121 : vector<2048x128xi32>
    %select_n3A_123 = arith.select %and3A_119, %sub3A_122, %div3A_95 : vector<2048x128xi1>, vector<2048x128xi32>
    %eq3A_124 = arith.constant 2 : i32
    %eq3A_125 = vector.broadcast %eq3A_124 : i32 to vector<2048x128xi32>
    %eq3A_126 = arith.cmpi eq, %select_n3A_123, %eq3A_125 : vector<2048x128xi32>
    %slice3A_127 = vector.extract_strided_slice %div3A_17 {offsets = [2, 0], sizes = [1, 128], strides = [1, 1]} : vector<16x128xf32> to vector<1x128xf32>
    %jit3A_128 = arith.constant 0.000000e+00 : f32
    %broadcast_in_dim3A_129 = vector.shape_cast %slice3A_127 : vector<1x128xf32> to vector<1x128xf32>
    %broadcast_in_dim3A_130 = vector.broadcast %broadcast_in_dim3A_129 : vector<1x128xf32> to vector<2048x128xf32>
    %broadcast_in_dim3A_131 = vector.broadcast %jit3A_128 : f32 to vector<2048x128xf32>
    %select_n3A_132 = arith.select %eq3A_126, %broadcast_in_dim3A_130, %broadcast_in_dim3A_131 : vector<2048x128xi1>, vector<2048x128xf32>
    %add3A_133 = arith.addf %add3A_92, %select_n3A_132 : vector<2048x128xf32>
    %jit3A_134 = arith.constant 128 : i32
    %div3A_135 = vector.broadcast %jit3A_134 : i32 to vector<2048x128xi32>
    %div3A_136 = arith.divsi %iota3A, %div3A_135 : vector<2048x128xi32>
    %sign3A_137 = arith.constant 0 : i32
    %sign3A_138 = vector.broadcast %sign3A_137 : i32 to vector<2048x128xi32>
    %sign3A_139 = arith.cmpi sgt, %iota3A, %sign3A_138 : vector<2048x128xi32>
    %sign3A_140 = arith.extui %sign3A_139 : vector<2048x128xi1> to vector<2048x128xi32>
    %sign3A_141 = arith.constant 0 : i32
    %sign3A_142 = vector.broadcast %sign3A_141 : i32 to vector<2048x128xi32>
    %sign3A_143 = arith.cmpi slt, %iota3A, %sign3A_142 : vector<2048x128xi32>
    %sign3A_144 = arith.extui %sign3A_143 : vector<2048x128xi1> to vector<2048x128xi32>
    %sign3A_145 = arith.subi %sign3A_140, %sign3A_144 : vector<2048x128xi32>
    %sign3A_146 = arith.constant 0 : i32
    %sign3A_147 = arith.cmpi sgt, %jit3A_134, %sign3A_146 : i32
    %sign3A_148 = arith.extui %sign3A_147 : i1 to i32
    %sign3A_149 = arith.constant 0 : i32
    %sign3A_150 = arith.cmpi slt, %jit3A_134, %sign3A_149 : i32
    %sign3A_151 = arith.extui %sign3A_150 : i1 to i32
    %sign3A_152 = arith.subi %sign3A_148, %sign3A_151 : i32
    %ne3A_153 = vector.broadcast %sign3A_152 : i32 to vector<2048x128xi32>
    %ne3A_154 = arith.cmpi ne, %sign3A_145, %ne3A_153 : vector<2048x128xi32>
    %rem3A_155 = vector.broadcast %jit3A_134 : i32 to vector<2048x128xi32>
    %rem3A_156 = arith.remsi %iota3A, %rem3A_155 : vector<2048x128xi32>
    %ne3A_157 = arith.constant 0 : i32
    %ne3A_158 = vector.broadcast %ne3A_157 : i32 to vector<2048x128xi32>
    %ne3A_159 = arith.cmpi ne, %rem3A_156, %ne3A_158 : vector<2048x128xi32>
    %and3A_160 = arith.andi %ne3A_154, %ne3A_159 : vector<2048x128xi1>
    %sub3A_161 = arith.constant 1 : i32
    %sub3A_162 = vector.broadcast %sub3A_161 : i32 to vector<2048x128xi32>
    %sub3A_163 = arith.subi %div3A_136, %sub3A_162 : vector<2048x128xi32>
    %select_n3A_164 = arith.select %and3A_160, %sub3A_163, %div3A_136 : vector<2048x128xi1>, vector<2048x128xi32>
    %eq3A_165 = arith.constant 3 : i32
    %eq3A_166 = vector.broadcast %eq3A_165 : i32 to vector<2048x128xi32>
    %eq3A_167 = arith.cmpi eq, %select_n3A_164, %eq3A_166 : vector<2048x128xi32>
    %slice3A_168 = vector.extract_strided_slice %div3A_17 {offsets = [3, 0], sizes = [1, 128], strides = [1, 1]} : vector<16x128xf32> to vector<1x128xf32>
    %jit3A_169 = arith.constant 0.000000e+00 : f32
    %broadcast_in_dim3A_170 = vector.shape_cast %slice3A_168 : vector<1x128xf32> to vector<1x128xf32>
    %broadcast_in_dim3A_171 = vector.broadcast %broadcast_in_dim3A_170 : vector<1x128xf32> to vector<2048x128xf32>
    %broadcast_in_dim3A_172 = vector.broadcast %jit3A_169 : f32 to vector<2048x128xf32>
    %select_n3A_173 = arith.select %eq3A_167, %broadcast_in_dim3A_171, %broadcast_in_dim3A_172 : vector<2048x128xi1>, vector<2048x128xf32>
    %add3A_174 = arith.addf %add3A_133, %select_n3A_173 : vector<2048x128xf32>
    %jit3A_175 = arith.constant 128 : i32
    %div3A_176 = vector.broadcast %jit3A_175 : i32 to vector<2048x128xi32>
    %div3A_177 = arith.divsi %iota3A, %div3A_176 : vector<2048x128xi32>
    %sign3A_178 = arith.constant 0 : i32
    %sign3A_179 = vector.broadcast %sign3A_178 : i32 to vector<2048x128xi32>
    %sign3A_180 = arith.cmpi sgt, %iota3A, %sign3A_179 : vector<2048x128xi32>
    %sign3A_181 = arith.extui %sign3A_180 : vector<2048x128xi1> to vector<2048x128xi32>
    %sign3A_182 = arith.constant 0 : i32
    %sign3A_183 = vector.broadcast %sign3A_182 : i32 to vector<2048x128xi32>
    %sign3A_184 = arith.cmpi slt, %iota3A, %sign3A_183 : vector<2048x128xi32>
    %sign3A_185 = arith.extui %sign3A_184 : vector<2048x128xi1> to vector<2048x128xi32>
    %sign3A_186 = arith.subi %sign3A_181, %sign3A_185 : vector<2048x128xi32>
    %sign3A_187 = arith.constant 0 : i32
    %sign3A_188 = arith.cmpi sgt, %jit3A_175, %sign3A_187 : i32
    %sign3A_189 = arith.extui %sign3A_188 : i1 to i32
    %sign3A_190 = arith.constant 0 : i32
    %sign3A_191 = arith.cmpi slt, %jit3A_175, %sign3A_190 : i32
    %sign3A_192 = arith.extui %sign3A_191 : i1 to i32
    %sign3A_193 = arith.subi %sign3A_189, %sign3A_192 : i32
    %ne3A_194 = vector.broadcast %sign3A_193 : i32 to vector<2048x128xi32>
    %ne3A_195 = arith.cmpi ne, %sign3A_186, %ne3A_194 : vector<2048x128xi32>
    %rem3A_196 = vector.broadcast %jit3A_175 : i32 to vector<2048x128xi32>
    %rem3A_197 = arith.remsi %iota3A, %rem3A_196 : vector<2048x128xi32>
    %ne3A_198 = arith.constant 0 : i32
    %ne3A_199 = vector.broadcast %ne3A_198 : i32 to vector<2048x128xi32>
    %ne3A_200 = arith.cmpi ne, %rem3A_197, %ne3A_199 : vector<2048x128xi32>
    %and3A_201 = arith.andi %ne3A_195, %ne3A_200 : vector<2048x128xi1>
    %sub3A_202 = arith.constant 1 : i32
    %sub3A_203 = vector.broadcast %sub3A_202 : i32 to vector<2048x128xi32>
    %sub3A_204 = arith.subi %div3A_177, %sub3A_203 : vector<2048x128xi32>
    %select_n3A_205 = arith.select %and3A_201, %sub3A_204, %div3A_177 : vector<2048x128xi1>, vector<2048x128xi32>
    %eq3A_206 = arith.constant 4 : i32
    %eq3A_207 = vector.broadcast %eq3A_206 : i32 to vector<2048x128xi32>
    %eq3A_208 = arith.cmpi eq, %select_n3A_205, %eq3A_207 : vector<2048x128xi32>
    %slice3A_209 = vector.extract_strided_slice %div3A_17 {offsets = [4, 0], sizes = [1, 128], strides = [1, 1]} : vector<16x128xf32> to vector<1x128xf32>
    %jit3A_210 = arith.constant 0.000000e+00 : f32
    %broadcast_in_dim3A_211 = vector.shape_cast %slice3A_209 : vector<1x128xf32> to vector<1x128xf32>
    %broadcast_in_dim3A_212 = vector.broadcast %broadcast_in_dim3A_211 : vector<1x128xf32> to vector<2048x128xf32>
    %broadcast_in_dim3A_213 = vector.broadcast %jit3A_210 : f32 to vector<2048x128xf32>
    %select_n3A_214 = arith.select %eq3A_208, %broadcast_in_dim3A_212, %broadcast_in_dim3A_213 : vector<2048x128xi1>, vector<2048x128xf32>
    %add3A_215 = arith.addf %add3A_174, %select_n3A_214 : vector<2048x128xf32>
    %jit3A_216 = arith.constant 128 : i32
    %div3A_217 = vector.broadcast %jit3A_216 : i32 to vector<2048x128xi32>
    %div3A_218 = arith.divsi %iota3A, %div3A_217 : vector<2048x128xi32>
    %sign3A_219 = arith.constant 0 : i32
    %sign3A_220 = vector.broadcast %sign3A_219 : i32 to vector<2048x128xi32>
    %sign3A_221 = arith.cmpi sgt, %iota3A, %sign3A_220 : vector<2048x128xi32>
    %sign3A_222 = arith.extui %sign3A_221 : vector<2048x128xi1> to vector<2048x128xi32>
    %sign3A_223 = arith.constant 0 : i32
    %sign3A_224 = vector.broadcast %sign3A_223 : i32 to vector<2048x128xi32>
    %sign3A_225 = arith.cmpi slt, %iota3A, %sign3A_224 : vector<2048x128xi32>
    %sign3A_226 = arith.extui %sign3A_225 : vector<2048x128xi1> to vector<2048x128xi32>
    %sign3A_227 = arith.subi %sign3A_222, %sign3A_226 : vector<2048x128xi32>
    %sign3A_228 = arith.constant 0 : i32
    %sign3A_229 = arith.cmpi sgt, %jit3A_216, %sign3A_228 : i32
    %sign3A_230 = arith.extui %sign3A_229 : i1 to i32
    %sign3A_231 = arith.constant 0 : i32
    %sign3A_232 = arith.cmpi slt, %jit3A_216, %sign3A_231 : i32
    %sign3A_233 = arith.extui %sign3A_232 : i1 to i32
    %sign3A_234 = arith.subi %sign3A_230, %sign3A_233 : i32
    %ne3A_235 = vector.broadcast %sign3A_234 : i32 to vector<2048x128xi32>
    %ne3A_236 = arith.cmpi ne, %sign3A_227, %ne3A_235 : vector<2048x128xi32>
    %rem3A_237 = vector.broadcast %jit3A_216 : i32 to vector<2048x128xi32>
    %rem3A_238 = arith.remsi %iota3A, %rem3A_237 : vector<2048x128xi32>
    %ne3A_239 = arith.constant 0 : i32
    %ne3A_240 = vector.broadcast %ne3A_239 : i32 to vector<2048x128xi32>
    %ne3A_241 = arith.cmpi ne, %rem3A_238, %ne3A_240 : vector<2048x128xi32>
    %and3A_242 = arith.andi %ne3A_236, %ne3A_241 : vector<2048x128xi1>
    %sub3A_243 = arith.constant 1 : i32
    %sub3A_244 = vector.broadcast %sub3A_243 : i32 to vector<2048x128xi32>
    %sub3A_245 = arith.subi %div3A_218, %sub3A_244 : vector<2048x128xi32>
    %select_n3A_246 = arith.select %and3A_242, %sub3A_245, %div3A_218 : vector<2048x128xi1>, vector<2048x128xi32>
    %eq3A_247 = arith.constant 5 : i32
    %eq3A_248 = vector.broadcast %eq3A_247 : i32 to vector<2048x128xi32>
    %eq3A_249 = arith.cmpi eq, %select_n3A_246, %eq3A_248 : vector<2048x128xi32>
    %slice3A_250 = vector.extract_strided_slice %div3A_17 {offsets = [5, 0], sizes = [1, 128], strides = [1, 1]} : vector<16x128xf32> to vector<1x128xf32>
    %jit3A_251 = arith.constant 0.000000e+00 : f32
    %broadcast_in_dim3A_252 = vector.shape_cast %slice3A_250 : vector<1x128xf32> to vector<1x128xf32>
    %broadcast_in_dim3A_253 = vector.broadcast %broadcast_in_dim3A_252 : vector<1x128xf32> to vector<2048x128xf32>
    %broadcast_in_dim3A_254 = vector.broadcast %jit3A_251 : f32 to vector<2048x128xf32>
    %select_n3A_255 = arith.select %eq3A_249, %broadcast_in_dim3A_253, %broadcast_in_dim3A_254 : vector<2048x128xi1>, vector<2048x128xf32>
    %add3A_256 = arith.addf %add3A_215, %select_n3A_255 : vector<2048x128xf32>
    %jit3A_257 = arith.constant 128 : i32
    %div3A_258 = vector.broadcast %jit3A_257 : i32 to vector<2048x128xi32>
    %div3A_259 = arith.divsi %iota3A, %div3A_258 : vector<2048x128xi32>
    %sign3A_260 = arith.constant 0 : i32
    %sign3A_261 = vector.broadcast %sign3A_260 : i32 to vector<2048x128xi32>
    %sign3A_262 = arith.cmpi sgt, %iota3A, %sign3A_261 : vector<2048x128xi32>
    %sign3A_263 = arith.extui %sign3A_262 : vector<2048x128xi1> to vector<2048x128xi32>
    %sign3A_264 = arith.constant 0 : i32
    %sign3A_265 = vector.broadcast %sign3A_264 : i32 to vector<2048x128xi32>
    %sign3A_266 = arith.cmpi slt, %iota3A, %sign3A_265 : vector<2048x128xi32>
    %sign3A_267 = arith.extui %sign3A_266 : vector<2048x128xi1> to vector<2048x128xi32>
    %sign3A_268 = arith.subi %sign3A_263, %sign3A_267 : vector<2048x128xi32>
    %sign3A_269 = arith.constant 0 : i32
    %sign3A_270 = arith.cmpi sgt, %jit3A_257, %sign3A_269 : i32
    %sign3A_271 = arith.extui %sign3A_270 : i1 to i32
    %sign3A_272 = arith.constant 0 : i32
    %sign3A_273 = arith.cmpi slt, %jit3A_257, %sign3A_272 : i32
    %sign3A_274 = arith.extui %sign3A_273 : i1 to i32
    %sign3A_275 = arith.subi %sign3A_271, %sign3A_274 : i32
    %ne3A_276 = vector.broadcast %sign3A_275 : i32 to vector<2048x128xi32>
    %ne3A_277 = arith.cmpi ne, %sign3A_268, %ne3A_276 : vector<2048x128xi32>
    %rem3A_278 = vector.broadcast %jit3A_257 : i32 to vector<2048x128xi32>
    %rem3A_279 = arith.remsi %iota3A, %rem3A_278 : vector<2048x128xi32>
    %ne3A_280 = arith.constant 0 : i32
    %ne3A_281 = vector.broadcast %ne3A_280 : i32 to vector<2048x128xi32>
    %ne3A_282 = arith.cmpi ne, %rem3A_279, %ne3A_281 : vector<2048x128xi32>
    %and3A_283 = arith.andi %ne3A_277, %ne3A_282 : vector<2048x128xi1>
    %sub3A_284 = arith.constant 1 : i32
    %sub3A_285 = vector.broadcast %sub3A_284 : i32 to vector<2048x128xi32>
    %sub3A_286 = arith.subi %div3A_259, %sub3A_285 : vector<2048x128xi32>
    %select_n3A_287 = arith.select %and3A_283, %sub3A_286, %div3A_259 : vector<2048x128xi1>, vector<2048x128xi32>
    %eq3A_288 = arith.constant 6 : i32
    %eq3A_289 = vector.broadcast %eq3A_288 : i32 to vector<2048x128xi32>
    %eq3A_290 = arith.cmpi eq, %select_n3A_287, %eq3A_289 : vector<2048x128xi32>
    %slice3A_291 = vector.extract_strided_slice %div3A_17 {offsets = [6, 0], sizes = [1, 128], strides = [1, 1]} : vector<16x128xf32> to vector<1x128xf32>
    %jit3A_292 = arith.constant 0.000000e+00 : f32
    %broadcast_in_dim3A_293 = vector.shape_cast %slice3A_291 : vector<1x128xf32> to vector<1x128xf32>
    %broadcast_in_dim3A_294 = vector.broadcast %broadcast_in_dim3A_293 : vector<1x128xf32> to vector<2048x128xf32>
    %broadcast_in_dim3A_295 = vector.broadcast %jit3A_292 : f32 to vector<2048x128xf32>
    %select_n3A_296 = arith.select %eq3A_290, %broadcast_in_dim3A_294, %broadcast_in_dim3A_295 : vector<2048x128xi1>, vector<2048x128xf32>
    %add3A_297 = arith.addf %add3A_256, %select_n3A_296 : vector<2048x128xf32>
    %jit3A_298 = arith.constant 128 : i32
    %div3A_299 = vector.broadcast %jit3A_298 : i32 to vector<2048x128xi32>
    %div3A_300 = arith.divsi %iota3A, %div3A_299 : vector<2048x128xi32>
    %sign3A_301 = arith.constant 0 : i32
    %sign3A_302 = vector.broadcast %sign3A_301 : i32 to vector<2048x128xi32>
    %sign3A_303 = arith.cmpi sgt, %iota3A, %sign3A_302 : vector<2048x128xi32>
    %sign3A_304 = arith.extui %sign3A_303 : vector<2048x128xi1> to vector<2048x128xi32>
    %sign3A_305 = arith.constant 0 : i32
    %sign3A_306 = vector.broadcast %sign3A_305 : i32 to vector<2048x128xi32>
    %sign3A_307 = arith.cmpi slt, %iota3A, %sign3A_306 : vector<2048x128xi32>
    %sign3A_308 = arith.extui %sign3A_307 : vector<2048x128xi1> to vector<2048x128xi32>
    %sign3A_309 = arith.subi %sign3A_304, %sign3A_308 : vector<2048x128xi32>
    %sign3A_310 = arith.constant 0 : i32
    %sign3A_311 = arith.cmpi sgt, %jit3A_298, %sign3A_310 : i32
    %sign3A_312 = arith.extui %sign3A_311 : i1 to i32
    %sign3A_313 = arith.constant 0 : i32
    %sign3A_314 = arith.cmpi slt, %jit3A_298, %sign3A_313 : i32
    %sign3A_315 = arith.extui %sign3A_314 : i1 to i32
    %sign3A_316 = arith.subi %sign3A_312, %sign3A_315 : i32
    %ne3A_317 = vector.broadcast %sign3A_316 : i32 to vector<2048x128xi32>
    %ne3A_318 = arith.cmpi ne, %sign3A_309, %ne3A_317 : vector<2048x128xi32>
    %rem3A_319 = vector.broadcast %jit3A_298 : i32 to vector<2048x128xi32>
    %rem3A_320 = arith.remsi %iota3A, %rem3A_319 : vector<2048x128xi32>
    %ne3A_321 = arith.constant 0 : i32
    %ne3A_322 = vector.broadcast %ne3A_321 : i32 to vector<2048x128xi32>
    %ne3A_323 = arith.cmpi ne, %rem3A_320, %ne3A_322 : vector<2048x128xi32>
    %and3A_324 = arith.andi %ne3A_318, %ne3A_323 : vector<2048x128xi1>
    %sub3A_325 = arith.constant 1 : i32
    %sub3A_326 = vector.broadcast %sub3A_325 : i32 to vector<2048x128xi32>
    %sub3A_327 = arith.subi %div3A_300, %sub3A_326 : vector<2048x128xi32>
    %select_n3A_328 = arith.select %and3A_324, %sub3A_327, %div3A_300 : vector<2048x128xi1>, vector<2048x128xi32>
    %eq3A_329 = arith.constant 7 : i32
    %eq3A_330 = vector.broadcast %eq3A_329 : i32 to vector<2048x128xi32>
    %eq3A_331 = arith.cmpi eq, %select_n3A_328, %eq3A_330 : vector<2048x128xi32>
    %slice3A_332 = vector.extract_strided_slice %div3A_17 {offsets = [7, 0], sizes = [1, 128], strides = [1, 1]} : vector<16x128xf32> to vector<1x128xf32>
    %jit3A_333 = arith.constant 0.000000e+00 : f32
    %broadcast_in_dim3A_334 = vector.shape_cast %slice3A_332 : vector<1x128xf32> to vector<1x128xf32>
    %broadcast_in_dim3A_335 = vector.broadcast %broadcast_in_dim3A_334 : vector<1x128xf32> to vector<2048x128xf32>
    %broadcast_in_dim3A_336 = vector.broadcast %jit3A_333 : f32 to vector<2048x128xf32>
    %select_n3A_337 = arith.select %eq3A_331, %broadcast_in_dim3A_335, %broadcast_in_dim3A_336 : vector<2048x128xi1>, vector<2048x128xf32>
    %add3A_338 = arith.addf %add3A_297, %select_n3A_337 : vector<2048x128xf32>
    %jit3A_339 = arith.constant 128 : i32
    %div3A_340 = vector.broadcast %jit3A_339 : i32 to vector<2048x128xi32>
    %div3A_341 = arith.divsi %iota3A, %div3A_340 : vector<2048x128xi32>
    %sign3A_342 = arith.constant 0 : i32
    %sign3A_343 = vector.broadcast %sign3A_342 : i32 to vector<2048x128xi32>
    %sign3A_344 = arith.cmpi sgt, %iota3A, %sign3A_343 : vector<2048x128xi32>
    %sign3A_345 = arith.extui %sign3A_344 : vector<2048x128xi1> to vector<2048x128xi32>
    %sign3A_346 = arith.constant 0 : i32
    %sign3A_347 = vector.broadcast %sign3A_346 : i32 to vector<2048x128xi32>
    %sign3A_348 = arith.cmpi slt, %iota3A, %sign3A_347 : vector<2048x128xi32>
    %sign3A_349 = arith.extui %sign3A_348 : vector<2048x128xi1> to vector<2048x128xi32>
    %sign3A_350 = arith.subi %sign3A_345, %sign3A_349 : vector<2048x128xi32>
    %sign3A_351 = arith.constant 0 : i32
    %sign3A_352 = arith.cmpi sgt, %jit3A_339, %sign3A_351 : i32
    %sign3A_353 = arith.extui %sign3A_352 : i1 to i32
    %sign3A_354 = arith.constant 0 : i32
    %sign3A_355 = arith.cmpi slt, %jit3A_339, %sign3A_354 : i32
    %sign3A_356 = arith.extui %sign3A_355 : i1 to i32
    %sign3A_357 = arith.subi %sign3A_353, %sign3A_356 : i32
    %ne3A_358 = vector.broadcast %sign3A_357 : i32 to vector<2048x128xi32>
    %ne3A_359 = arith.cmpi ne, %sign3A_350, %ne3A_358 : vector<2048x128xi32>
    %rem3A_360 = vector.broadcast %jit3A_339 : i32 to vector<2048x128xi32>
    %rem3A_361 = arith.remsi %iota3A, %rem3A_360 : vector<2048x128xi32>
    %ne3A_362 = arith.constant 0 : i32
    %ne3A_363 = vector.broadcast %ne3A_362 : i32 to vector<2048x128xi32>
    %ne3A_364 = arith.cmpi ne, %rem3A_361, %ne3A_363 : vector<2048x128xi32>
    %and3A_365 = arith.andi %ne3A_359, %ne3A_364 : vector<2048x128xi1>
    %sub3A_366 = arith.constant 1 : i32
    %sub3A_367 = vector.broadcast %sub3A_366 : i32 to vector<2048x128xi32>
    %sub3A_368 = arith.subi %div3A_341, %sub3A_367 : vector<2048x128xi32>
    %select_n3A_369 = arith.select %and3A_365, %sub3A_368, %div3A_341 : vector<2048x128xi1>, vector<2048x128xi32>
    %eq3A_370 = arith.constant 8 : i32
    %eq3A_371 = vector.broadcast %eq3A_370 : i32 to vector<2048x128xi32>
    %eq3A_372 = arith.cmpi eq, %select_n3A_369, %eq3A_371 : vector<2048x128xi32>
    %slice3A_373 = vector.extract_strided_slice %div3A_17 {offsets = [8, 0], sizes = [1, 128], strides = [1, 1]} : vector<16x128xf32> to vector<1x128xf32>
    %jit3A_374 = arith.constant 0.000000e+00 : f32
    %broadcast_in_dim3A_375 = vector.shape_cast %slice3A_373 : vector<1x128xf32> to vector<1x128xf32>
    %broadcast_in_dim3A_376 = vector.broadcast %broadcast_in_dim3A_375 : vector<1x128xf32> to vector<2048x128xf32>
    %broadcast_in_dim3A_377 = vector.broadcast %jit3A_374 : f32 to vector<2048x128xf32>
    %select_n3A_378 = arith.select %eq3A_372, %broadcast_in_dim3A_376, %broadcast_in_dim3A_377 : vector<2048x128xi1>, vector<2048x128xf32>
    %add3A_379 = arith.addf %add3A_338, %select_n3A_378 : vector<2048x128xf32>
    %jit3A_380 = arith.constant 128 : i32
    %div3A_381 = vector.broadcast %jit3A_380 : i32 to vector<2048x128xi32>
    %div3A_382 = arith.divsi %iota3A, %div3A_381 : vector<2048x128xi32>
    %sign3A_383 = arith.constant 0 : i32
    %sign3A_384 = vector.broadcast %sign3A_383 : i32 to vector<2048x128xi32>
    %sign3A_385 = arith.cmpi sgt, %iota3A, %sign3A_384 : vector<2048x128xi32>
    %sign3A_386 = arith.extui %sign3A_385 : vector<2048x128xi1> to vector<2048x128xi32>
    %sign3A_387 = arith.constant 0 : i32
    %sign3A_388 = vector.broadcast %sign3A_387 : i32 to vector<2048x128xi32>
    %sign3A_389 = arith.cmpi slt, %iota3A, %sign3A_388 : vector<2048x128xi32>
    %sign3A_390 = arith.extui %sign3A_389 : vector<2048x128xi1> to vector<2048x128xi32>
    %sign3A_391 = arith.subi %sign3A_386, %sign3A_390 : vector<2048x128xi32>
    %sign3A_392 = arith.constant 0 : i32
    %sign3A_393 = arith.cmpi sgt, %jit3A_380, %sign3A_392 : i32
    %sign3A_394 = arith.extui %sign3A_393 : i1 to i32
    %sign3A_395 = arith.constant 0 : i32
    %sign3A_396 = arith.cmpi slt, %jit3A_380, %sign3A_395 : i32
    %sign3A_397 = arith.extui %sign3A_396 : i1 to i32
    %sign3A_398 = arith.subi %sign3A_394, %sign3A_397 : i32
    %ne3A_399 = vector.broadcast %sign3A_398 : i32 to vector<2048x128xi32>
    %ne3A_400 = arith.cmpi ne, %sign3A_391, %ne3A_399 : vector<2048x128xi32>
    %rem3A_401 = vector.broadcast %jit3A_380 : i32 to vector<2048x128xi32>
    %rem3A_402 = arith.remsi %iota3A, %rem3A_401 : vector<2048x128xi32>
    %ne3A_403 = arith.constant 0 : i32
    %ne3A_404 = vector.broadcast %ne3A_403 : i32 to vector<2048x128xi32>
    %ne3A_405 = arith.cmpi ne, %rem3A_402, %ne3A_404 : vector<2048x128xi32>
    %and3A_406 = arith.andi %ne3A_400, %ne3A_405 : vector<2048x128xi1>
    %sub3A_407 = arith.constant 1 : i32
    %sub3A_408 = vector.broadcast %sub3A_407 : i32 to vector<2048x128xi32>
    %sub3A_409 = arith.subi %div3A_382, %sub3A_408 : vector<2048x128xi32>
    %select_n3A_410 = arith.select %and3A_406, %sub3A_409, %div3A_382 : vector<2048x128xi1>, vector<2048x128xi32>
    %eq3A_411 = arith.constant 9 : i32
    %eq3A_412 = vector.broadcast %eq3A_411 : i32 to vector<2048x128xi32>
    %eq3A_413 = arith.cmpi eq, %select_n3A_410, %eq3A_412 : vector<2048x128xi32>
    %slice3A_414 = vector.extract_strided_slice %div3A_17 {offsets = [9, 0], sizes = [1, 128], strides = [1, 1]} : vector<16x128xf32> to vector<1x128xf32>
    %jit3A_415 = arith.constant 0.000000e+00 : f32
    %broadcast_in_dim3A_416 = vector.shape_cast %slice3A_414 : vector<1x128xf32> to vector<1x128xf32>
    %broadcast_in_dim3A_417 = vector.broadcast %broadcast_in_dim3A_416 : vector<1x128xf32> to vector<2048x128xf32>
    %broadcast_in_dim3A_418 = vector.broadcast %jit3A_415 : f32 to vector<2048x128xf32>
    %select_n3A_419 = arith.select %eq3A_413, %broadcast_in_dim3A_417, %broadcast_in_dim3A_418 : vector<2048x128xi1>, vector<2048x128xf32>
    %add3A_420 = arith.addf %add3A_379, %select_n3A_419 : vector<2048x128xf32>
    %jit3A_421 = arith.constant 128 : i32
    %div3A_422 = vector.broadcast %jit3A_421 : i32 to vector<2048x128xi32>
    %div3A_423 = arith.divsi %iota3A, %div3A_422 : vector<2048x128xi32>
    %sign3A_424 = arith.constant 0 : i32
    %sign3A_425 = vector.broadcast %sign3A_424 : i32 to vector<2048x128xi32>
    %sign3A_426 = arith.cmpi sgt, %iota3A, %sign3A_425 : vector<2048x128xi32>
    %sign3A_427 = arith.extui %sign3A_426 : vector<2048x128xi1> to vector<2048x128xi32>
    %sign3A_428 = arith.constant 0 : i32
    %sign3A_429 = vector.broadcast %sign3A_428 : i32 to vector<2048x128xi32>
    %sign3A_430 = arith.cmpi slt, %iota3A, %sign3A_429 : vector<2048x128xi32>
    %sign3A_431 = arith.extui %sign3A_430 : vector<2048x128xi1> to vector<2048x128xi32>
    %sign3A_432 = arith.subi %sign3A_427, %sign3A_431 : vector<2048x128xi32>
    %sign3A_433 = arith.constant 0 : i32
    %sign3A_434 = arith.cmpi sgt, %jit3A_421, %sign3A_433 : i32
    %sign3A_435 = arith.extui %sign3A_434 : i1 to i32
    %sign3A_436 = arith.constant 0 : i32
    %sign3A_437 = arith.cmpi slt, %jit3A_421, %sign3A_436 : i32
    %sign3A_438 = arith.extui %sign3A_437 : i1 to i32
    %sign3A_439 = arith.subi %sign3A_435, %sign3A_438 : i32
    %ne3A_440 = vector.broadcast %sign3A_439 : i32 to vector<2048x128xi32>
    %ne3A_441 = arith.cmpi ne, %sign3A_432, %ne3A_440 : vector<2048x128xi32>
    %rem3A_442 = vector.broadcast %jit3A_421 : i32 to vector<2048x128xi32>
    %rem3A_443 = arith.remsi %iota3A, %rem3A_442 : vector<2048x128xi32>
    %ne3A_444 = arith.constant 0 : i32
    %ne3A_445 = vector.broadcast %ne3A_444 : i32 to vector<2048x128xi32>
    %ne3A_446 = arith.cmpi ne, %rem3A_443, %ne3A_445 : vector<2048x128xi32>
    %and3A_447 = arith.andi %ne3A_441, %ne3A_446 : vector<2048x128xi1>
    %sub3A_448 = arith.constant 1 : i32
    %sub3A_449 = vector.broadcast %sub3A_448 : i32 to vector<2048x128xi32>
    %sub3A_450 = arith.subi %div3A_423, %sub3A_449 : vector<2048x128xi32>
    %select_n3A_451 = arith.select %and3A_447, %sub3A_450, %div3A_423 : vector<2048x128xi1>, vector<2048x128xi32>
    %eq3A_452 = arith.constant 10 : i32
    %eq3A_453 = vector.broadcast %eq3A_452 : i32 to vector<2048x128xi32>
    %eq3A_454 = arith.cmpi eq, %select_n3A_451, %eq3A_453 : vector<2048x128xi32>
    %slice3A_455 = vector.extract_strided_slice %div3A_17 {offsets = [10, 0], sizes = [1, 128], strides = [1, 1]} : vector<16x128xf32> to vector<1x128xf32>
    %jit3A_456 = arith.constant 0.000000e+00 : f32
    %broadcast_in_dim3A_457 = vector.shape_cast %slice3A_455 : vector<1x128xf32> to vector<1x128xf32>
    %broadcast_in_dim3A_458 = vector.broadcast %broadcast_in_dim3A_457 : vector<1x128xf32> to vector<2048x128xf32>
    %broadcast_in_dim3A_459 = vector.broadcast %jit3A_456 : f32 to vector<2048x128xf32>
    %select_n3A_460 = arith.select %eq3A_454, %broadcast_in_dim3A_458, %broadcast_in_dim3A_459 : vector<2048x128xi1>, vector<2048x128xf32>
    %add3A_461 = arith.addf %add3A_420, %select_n3A_460 : vector<2048x128xf32>
    %jit3A_462 = arith.constant 128 : i32
    %div3A_463 = vector.broadcast %jit3A_462 : i32 to vector<2048x128xi32>
    %div3A_464 = arith.divsi %iota3A, %div3A_463 : vector<2048x128xi32>
    %sign3A_465 = arith.constant 0 : i32
    %sign3A_466 = vector.broadcast %sign3A_465 : i32 to vector<2048x128xi32>
    %sign3A_467 = arith.cmpi sgt, %iota3A, %sign3A_466 : vector<2048x128xi32>
    %sign3A_468 = arith.extui %sign3A_467 : vector<2048x128xi1> to vector<2048x128xi32>
    %sign3A_469 = arith.constant 0 : i32
    %sign3A_470 = vector.broadcast %sign3A_469 : i32 to vector<2048x128xi32>
    %sign3A_471 = arith.cmpi slt, %iota3A, %sign3A_470 : vector<2048x128xi32>
    %sign3A_472 = arith.extui %sign3A_471 : vector<2048x128xi1> to vector<2048x128xi32>
    %sign3A_473 = arith.subi %sign3A_468, %sign3A_472 : vector<2048x128xi32>
    %sign3A_474 = arith.constant 0 : i32
    %sign3A_475 = arith.cmpi sgt, %jit3A_462, %sign3A_474 : i32
    %sign3A_476 = arith.extui %sign3A_475 : i1 to i32
    %sign3A_477 = arith.constant 0 : i32
    %sign3A_478 = arith.cmpi slt, %jit3A_462, %sign3A_477 : i32
    %sign3A_479 = arith.extui %sign3A_478 : i1 to i32
    %sign3A_480 = arith.subi %sign3A_476, %sign3A_479 : i32
    %ne3A_481 = vector.broadcast %sign3A_480 : i32 to vector<2048x128xi32>
    %ne3A_482 = arith.cmpi ne, %sign3A_473, %ne3A_481 : vector<2048x128xi32>
    %rem3A_483 = vector.broadcast %jit3A_462 : i32 to vector<2048x128xi32>
    %rem3A_484 = arith.remsi %iota3A, %rem3A_483 : vector<2048x128xi32>
    %ne3A_485 = arith.constant 0 : i32
    %ne3A_486 = vector.broadcast %ne3A_485 : i32 to vector<2048x128xi32>
    %ne3A_487 = arith.cmpi ne, %rem3A_484, %ne3A_486 : vector<2048x128xi32>
    %and3A_488 = arith.andi %ne3A_482, %ne3A_487 : vector<2048x128xi1>
    %sub3A_489 = arith.constant 1 : i32
    %sub3A_490 = vector.broadcast %sub3A_489 : i32 to vector<2048x128xi32>
    %sub3A_491 = arith.subi %div3A_464, %sub3A_490 : vector<2048x128xi32>
    %select_n3A_492 = arith.select %and3A_488, %sub3A_491, %div3A_464 : vector<2048x128xi1>, vector<2048x128xi32>
    %eq3A_493 = arith.constant 11 : i32
    %eq3A_494 = vector.broadcast %eq3A_493 : i32 to vector<2048x128xi32>
    %eq3A_495 = arith.cmpi eq, %select_n3A_492, %eq3A_494 : vector<2048x128xi32>
    %slice3A_496 = vector.extract_strided_slice %div3A_17 {offsets = [11, 0], sizes = [1, 128], strides = [1, 1]} : vector<16x128xf32> to vector<1x128xf32>
    %jit3A_497 = arith.constant 0.000000e+00 : f32
    %broadcast_in_dim3A_498 = vector.shape_cast %slice3A_496 : vector<1x128xf32> to vector<1x128xf32>
    %broadcast_in_dim3A_499 = vector.broadcast %broadcast_in_dim3A_498 : vector<1x128xf32> to vector<2048x128xf32>
    %broadcast_in_dim3A_500 = vector.broadcast %jit3A_497 : f32 to vector<2048x128xf32>
    %select_n3A_501 = arith.select %eq3A_495, %broadcast_in_dim3A_499, %broadcast_in_dim3A_500 : vector<2048x128xi1>, vector<2048x128xf32>
    %add3A_502 = arith.addf %add3A_461, %select_n3A_501 : vector<2048x128xf32>
    %jit3A_503 = arith.constant 128 : i32
    %div3A_504 = vector.broadcast %jit3A_503 : i32 to vector<2048x128xi32>
    %div3A_505 = arith.divsi %iota3A, %div3A_504 : vector<2048x128xi32>
    %sign3A_506 = arith.constant 0 : i32
    %sign3A_507 = vector.broadcast %sign3A_506 : i32 to vector<2048x128xi32>
    %sign3A_508 = arith.cmpi sgt, %iota3A, %sign3A_507 : vector<2048x128xi32>
    %sign3A_509 = arith.extui %sign3A_508 : vector<2048x128xi1> to vector<2048x128xi32>
    %sign3A_510 = arith.constant 0 : i32
    %sign3A_511 = vector.broadcast %sign3A_510 : i32 to vector<2048x128xi32>
    %sign3A_512 = arith.cmpi slt, %iota3A, %sign3A_511 : vector<2048x128xi32>
    %sign3A_513 = arith.extui %sign3A_512 : vector<2048x128xi1> to vector<2048x128xi32>
    %sign3A_514 = arith.subi %sign3A_509, %sign3A_513 : vector<2048x128xi32>
    %sign3A_515 = arith.constant 0 : i32
    %sign3A_516 = arith.cmpi sgt, %jit3A_503, %sign3A_515 : i32
    %sign3A_517 = arith.extui %sign3A_516 : i1 to i32
    %sign3A_518 = arith.constant 0 : i32
    %sign3A_519 = arith.cmpi slt, %jit3A_503, %sign3A_518 : i32
    %sign3A_520 = arith.extui %sign3A_519 : i1 to i32
    %sign3A_521 = arith.subi %sign3A_517, %sign3A_520 : i32
    %ne3A_522 = vector.broadcast %sign3A_521 : i32 to vector<2048x128xi32>
    %ne3A_523 = arith.cmpi ne, %sign3A_514, %ne3A_522 : vector<2048x128xi32>
    %rem3A_524 = vector.broadcast %jit3A_503 : i32 to vector<2048x128xi32>
    %rem3A_525 = arith.remsi %iota3A, %rem3A_524 : vector<2048x128xi32>
    %ne3A_526 = arith.constant 0 : i32
    %ne3A_527 = vector.broadcast %ne3A_526 : i32 to vector<2048x128xi32>
    %ne3A_528 = arith.cmpi ne, %rem3A_525, %ne3A_527 : vector<2048x128xi32>
    %and3A_529 = arith.andi %ne3A_523, %ne3A_528 : vector<2048x128xi1>
    %sub3A_530 = arith.constant 1 : i32
    %sub3A_531 = vector.broadcast %sub3A_530 : i32 to vector<2048x128xi32>
    %sub3A_532 = arith.subi %div3A_505, %sub3A_531 : vector<2048x128xi32>
    %select_n3A_533 = arith.select %and3A_529, %sub3A_532, %div3A_505 : vector<2048x128xi1>, vector<2048x128xi32>
    %eq3A_534 = arith.constant 12 : i32
    %eq3A_535 = vector.broadcast %eq3A_534 : i32 to vector<2048x128xi32>
    %eq3A_536 = arith.cmpi eq, %select_n3A_533, %eq3A_535 : vector<2048x128xi32>
    %slice3A_537 = vector.extract_strided_slice %div3A_17 {offsets = [12, 0], sizes = [1, 128], strides = [1, 1]} : vector<16x128xf32> to vector<1x128xf32>
    %jit3A_538 = arith.constant 0.000000e+00 : f32
    %broadcast_in_dim3A_539 = vector.shape_cast %slice3A_537 : vector<1x128xf32> to vector<1x128xf32>
    %broadcast_in_dim3A_540 = vector.broadcast %broadcast_in_dim3A_539 : vector<1x128xf32> to vector<2048x128xf32>
    %broadcast_in_dim3A_541 = vector.broadcast %jit3A_538 : f32 to vector<2048x128xf32>
    %select_n3A_542 = arith.select %eq3A_536, %broadcast_in_dim3A_540, %broadcast_in_dim3A_541 : vector<2048x128xi1>, vector<2048x128xf32>
    %add3A_543 = arith.addf %add3A_502, %select_n3A_542 : vector<2048x128xf32>
    %jit3A_544 = arith.constant 128 : i32
    %div3A_545 = vector.broadcast %jit3A_544 : i32 to vector<2048x128xi32>
    %div3A_546 = arith.divsi %iota3A, %div3A_545 : vector<2048x128xi32>
    %sign3A_547 = arith.constant 0 : i32
    %sign3A_548 = vector.broadcast %sign3A_547 : i32 to vector<2048x128xi32>
    %sign3A_549 = arith.cmpi sgt, %iota3A, %sign3A_548 : vector<2048x128xi32>
    %sign3A_550 = arith.extui %sign3A_549 : vector<2048x128xi1> to vector<2048x128xi32>
    %sign3A_551 = arith.constant 0 : i32
    %sign3A_552 = vector.broadcast %sign3A_551 : i32 to vector<2048x128xi32>
    %sign3A_553 = arith.cmpi slt, %iota3A, %sign3A_552 : vector<2048x128xi32>
    %sign3A_554 = arith.extui %sign3A_553 : vector<2048x128xi1> to vector<2048x128xi32>
    %sign3A_555 = arith.subi %sign3A_550, %sign3A_554 : vector<2048x128xi32>
    %sign3A_556 = arith.constant 0 : i32
    %sign3A_557 = arith.cmpi sgt, %jit3A_544, %sign3A_556 : i32
    %sign3A_558 = arith.extui %sign3A_557 : i1 to i32
    %sign3A_559 = arith.constant 0 : i32
    %sign3A_560 = arith.cmpi slt, %jit3A_544, %sign3A_559 : i32
    %sign3A_561 = arith.extui %sign3A_560 : i1 to i32
    %sign3A_562 = arith.subi %sign3A_558, %sign3A_561 : i32
    %ne3A_563 = vector.broadcast %sign3A_562 : i32 to vector<2048x128xi32>
    %ne3A_564 = arith.cmpi ne, %sign3A_555, %ne3A_563 : vector<2048x128xi32>
    %rem3A_565 = vector.broadcast %jit3A_544 : i32 to vector<2048x128xi32>
    %rem3A_566 = arith.remsi %iota3A, %rem3A_565 : vector<2048x128xi32>
    %ne3A_567 = arith.constant 0 : i32
    %ne3A_568 = vector.broadcast %ne3A_567 : i32 to vector<2048x128xi32>
    %ne3A_569 = arith.cmpi ne, %rem3A_566, %ne3A_568 : vector<2048x128xi32>
    %and3A_570 = arith.andi %ne3A_564, %ne3A_569 : vector<2048x128xi1>
    %sub3A_571 = arith.constant 1 : i32
    %sub3A_572 = vector.broadcast %sub3A_571 : i32 to vector<2048x128xi32>
    %sub3A_573 = arith.subi %div3A_546, %sub3A_572 : vector<2048x128xi32>
    %select_n3A_574 = arith.select %and3A_570, %sub3A_573, %div3A_546 : vector<2048x128xi1>, vector<2048x128xi32>
    %eq3A_575 = arith.constant 13 : i32
    %eq3A_576 = vector.broadcast %eq3A_575 : i32 to vector<2048x128xi32>
    %eq3A_577 = arith.cmpi eq, %select_n3A_574, %eq3A_576 : vector<2048x128xi32>
    %slice3A_578 = vector.extract_strided_slice %div3A_17 {offsets = [13, 0], sizes = [1, 128], strides = [1, 1]} : vector<16x128xf32> to vector<1x128xf32>
    %jit3A_579 = arith.constant 0.000000e+00 : f32
    %broadcast_in_dim3A_580 = vector.shape_cast %slice3A_578 : vector<1x128xf32> to vector<1x128xf32>
    %broadcast_in_dim3A_581 = vector.broadcast %broadcast_in_dim3A_580 : vector<1x128xf32> to vector<2048x128xf32>
    %broadcast_in_dim3A_582 = vector.broadcast %jit3A_579 : f32 to vector<2048x128xf32>
    %select_n3A_583 = arith.select %eq3A_577, %broadcast_in_dim3A_581, %broadcast_in_dim3A_582 : vector<2048x128xi1>, vector<2048x128xf32>
    %add3A_584 = arith.addf %add3A_543, %select_n3A_583 : vector<2048x128xf32>
    %jit3A_585 = arith.constant 128 : i32
    %div3A_586 = vector.broadcast %jit3A_585 : i32 to vector<2048x128xi32>
    %div3A_587 = arith.divsi %iota3A, %div3A_586 : vector<2048x128xi32>
    %sign3A_588 = arith.constant 0 : i32
    %sign3A_589 = vector.broadcast %sign3A_588 : i32 to vector<2048x128xi32>
    %sign3A_590 = arith.cmpi sgt, %iota3A, %sign3A_589 : vector<2048x128xi32>
    %sign3A_591 = arith.extui %sign3A_590 : vector<2048x128xi1> to vector<2048x128xi32>
    %sign3A_592 = arith.constant 0 : i32
    %sign3A_593 = vector.broadcast %sign3A_592 : i32 to vector<2048x128xi32>
    %sign3A_594 = arith.cmpi slt, %iota3A, %sign3A_593 : vector<2048x128xi32>
    %sign3A_595 = arith.extui %sign3A_594 : vector<2048x128xi1> to vector<2048x128xi32>
    %sign3A_596 = arith.subi %sign3A_591, %sign3A_595 : vector<2048x128xi32>
    %sign3A_597 = arith.constant 0 : i32
    %sign3A_598 = arith.cmpi sgt, %jit3A_585, %sign3A_597 : i32
    %sign3A_599 = arith.extui %sign3A_598 : i1 to i32
    %sign3A_600 = arith.constant 0 : i32
    %sign3A_601 = arith.cmpi slt, %jit3A_585, %sign3A_600 : i32
    %sign3A_602 = arith.extui %sign3A_601 : i1 to i32
    %sign3A_603 = arith.subi %sign3A_599, %sign3A_602 : i32
    %ne3A_604 = vector.broadcast %sign3A_603 : i32 to vector<2048x128xi32>
    %ne3A_605 = arith.cmpi ne, %sign3A_596, %ne3A_604 : vector<2048x128xi32>
    %rem3A_606 = vector.broadcast %jit3A_585 : i32 to vector<2048x128xi32>
    %rem3A_607 = arith.remsi %iota3A, %rem3A_606 : vector<2048x128xi32>
    %ne3A_608 = arith.constant 0 : i32
    %ne3A_609 = vector.broadcast %ne3A_608 : i32 to vector<2048x128xi32>
    %ne3A_610 = arith.cmpi ne, %rem3A_607, %ne3A_609 : vector<2048x128xi32>
    %and3A_611 = arith.andi %ne3A_605, %ne3A_610 : vector<2048x128xi1>
    %sub3A_612 = arith.constant 1 : i32
    %sub3A_613 = vector.broadcast %sub3A_612 : i32 to vector<2048x128xi32>
    %sub3A_614 = arith.subi %div3A_587, %sub3A_613 : vector<2048x128xi32>
    %select_n3A_615 = arith.select %and3A_611, %sub3A_614, %div3A_587 : vector<2048x128xi1>, vector<2048x128xi32>
    %eq3A_616 = arith.constant 14 : i32
    %eq3A_617 = vector.broadcast %eq3A_616 : i32 to vector<2048x128xi32>
    %eq3A_618 = arith.cmpi eq, %select_n3A_615, %eq3A_617 : vector<2048x128xi32>
    %slice3A_619 = vector.extract_strided_slice %div3A_17 {offsets = [14, 0], sizes = [1, 128], strides = [1, 1]} : vector<16x128xf32> to vector<1x128xf32>
    %jit3A_620 = arith.constant 0.000000e+00 : f32
    %broadcast_in_dim3A_621 = vector.shape_cast %slice3A_619 : vector<1x128xf32> to vector<1x128xf32>
    %broadcast_in_dim3A_622 = vector.broadcast %broadcast_in_dim3A_621 : vector<1x128xf32> to vector<2048x128xf32>
    %broadcast_in_dim3A_623 = vector.broadcast %jit3A_620 : f32 to vector<2048x128xf32>
    %select_n3A_624 = arith.select %eq3A_618, %broadcast_in_dim3A_622, %broadcast_in_dim3A_623 : vector<2048x128xi1>, vector<2048x128xf32>
    %add3A_625 = arith.addf %add3A_584, %select_n3A_624 : vector<2048x128xf32>
    %jit3A_626 = arith.constant 128 : i32
    %div3A_627 = vector.broadcast %jit3A_626 : i32 to vector<2048x128xi32>
    %div3A_628 = arith.divsi %iota3A, %div3A_627 : vector<2048x128xi32>
    %sign3A_629 = arith.constant 0 : i32
    %sign3A_630 = vector.broadcast %sign3A_629 : i32 to vector<2048x128xi32>
    %sign3A_631 = arith.cmpi sgt, %iota3A, %sign3A_630 : vector<2048x128xi32>
    %sign3A_632 = arith.extui %sign3A_631 : vector<2048x128xi1> to vector<2048x128xi32>
    %sign3A_633 = arith.constant 0 : i32
    %sign3A_634 = vector.broadcast %sign3A_633 : i32 to vector<2048x128xi32>
    %sign3A_635 = arith.cmpi slt, %iota3A, %sign3A_634 : vector<2048x128xi32>
    %sign3A_636 = arith.extui %sign3A_635 : vector<2048x128xi1> to vector<2048x128xi32>
    %sign3A_637 = arith.subi %sign3A_632, %sign3A_636 : vector<2048x128xi32>
    %sign3A_638 = arith.constant 0 : i32
    %sign3A_639 = arith.cmpi sgt, %jit3A_626, %sign3A_638 : i32
    %sign3A_640 = arith.extui %sign3A_639 : i1 to i32
    %sign3A_641 = arith.constant 0 : i32
    %sign3A_642 = arith.cmpi slt, %jit3A_626, %sign3A_641 : i32
    %sign3A_643 = arith.extui %sign3A_642 : i1 to i32
    %sign3A_644 = arith.subi %sign3A_640, %sign3A_643 : i32
    %ne3A_645 = vector.broadcast %sign3A_644 : i32 to vector<2048x128xi32>
    %ne3A_646 = arith.cmpi ne, %sign3A_637, %ne3A_645 : vector<2048x128xi32>
    %rem3A_647 = vector.broadcast %jit3A_626 : i32 to vector<2048x128xi32>
    %rem3A_648 = arith.remsi %iota3A, %rem3A_647 : vector<2048x128xi32>
    %ne3A_649 = arith.constant 0 : i32
    %ne3A_650 = vector.broadcast %ne3A_649 : i32 to vector<2048x128xi32>
    %ne3A_651 = arith.cmpi ne, %rem3A_648, %ne3A_650 : vector<2048x128xi32>
    %and3A_652 = arith.andi %ne3A_646, %ne3A_651 : vector<2048x128xi1>
    %sub3A_653 = arith.constant 1 : i32
    %sub3A_654 = vector.broadcast %sub3A_653 : i32 to vector<2048x128xi32>
    %sub3A_655 = arith.subi %div3A_628, %sub3A_654 : vector<2048x128xi32>
    %select_n3A_656 = arith.select %and3A_652, %sub3A_655, %div3A_628 : vector<2048x128xi1>, vector<2048x128xi32>
    %eq3A_657 = arith.constant 15 : i32
    %eq3A_658 = vector.broadcast %eq3A_657 : i32 to vector<2048x128xi32>
    %eq3A_659 = arith.cmpi eq, %select_n3A_656, %eq3A_658 : vector<2048x128xi32>
    %slice3A_660 = vector.extract_strided_slice %div3A_17 {offsets = [15, 0], sizes = [1, 128], strides = [1, 1]} : vector<16x128xf32> to vector<1x128xf32>
    %jit3A_661 = arith.constant 0.000000e+00 : f32
    %broadcast_in_dim3A_662 = vector.shape_cast %slice3A_660 : vector<1x128xf32> to vector<1x128xf32>
    %broadcast_in_dim3A_663 = vector.broadcast %broadcast_in_dim3A_662 : vector<1x128xf32> to vector<2048x128xf32>
    %broadcast_in_dim3A_664 = vector.broadcast %jit3A_661 : f32 to vector<2048x128xf32>
    %select_n3A_665 = arith.select %eq3A_659, %broadcast_in_dim3A_663, %broadcast_in_dim3A_664 : vector<2048x128xi1>, vector<2048x128xf32>
    %add3A_666 = arith.addf %add3A_625, %select_n3A_665 : vector<2048x128xf32>
    %jit3A_667 = arith.constant 128 : i32
    %eq3A_668 = arith.constant 0 : i32
    %eq3A_669 = arith.cmpi eq, %jit3A_667, %eq3A_668 : i32
    %jit3A_670 = arith.constant 1 : i32
    %select_n3A_671 = arith.select %eq3A_669, %jit3A_670, %jit3A_667 : i32
    %rem3A_672 = vector.broadcast %select_n3A_671 : i32 to vector<2048x128xi32>
    %rem3A_673 = arith.remsi %iota3A, %rem3A_672 : vector<2048x128xi32>
    %ne3A_674 = arith.constant 0 : i32
    %ne3A_675 = vector.broadcast %ne3A_674 : i32 to vector<2048x128xi32>
    %ne3A_676 = arith.cmpi ne, %rem3A_673, %ne3A_675 : vector<2048x128xi32>
    %lt3A = arith.constant 0 : i32
    %lt3A_677 = vector.broadcast %lt3A : i32 to vector<2048x128xi32>
    %lt3A_678 = arith.cmpi slt, %rem3A_673, %lt3A_677 : vector<2048x128xi32>
    %lt3A_679 = arith.constant 0 : i32
    %lt3A_680 = arith.cmpi slt, %select_n3A_671, %lt3A_679 : i32
    %ne3A_681 = vector.broadcast %lt3A_680 : i1 to vector<2048x128xi1>
    %ne3A_682 = vector.broadcast %ne3A_681 : vector<2048x128xi1> to vector<2048x128xi1>
    %ne3A_683 = arith.xori %lt3A_678, %ne3A_682 : vector<2048x128xi1>
    %and3A_684 = arith.andi %ne3A_683, %ne3A_676 : vector<2048x128xi1>
    %add3A_685 = vector.broadcast %select_n3A_671 : i32 to vector<2048x128xi32>
    %add3A_686 = arith.addi %rem3A_673, %add3A_685 : vector<2048x128xi32>
    %select_n3A_687 = arith.select %and3A_684, %add3A_686, %rem3A_673 : vector<2048x128xi1>, vector<2048x128xi32>
    %eq3A_688 = arith.cmpi eq, %iota3A_18, %select_n3A_687 : vector<2048x128xi32>
    %jit3A_689 = arith.constant 0.000000e+00 : f32
    %broadcast_in_dim3A_690 = vector.broadcast %jit3A_689 : f32 to vector<2048x128xf32>
    %select_n3A_691 = arith.select %eq3A_688, %add3A_666, %broadcast_in_dim3A_690 : vector<2048x128xi1>, vector<2048x128xf32>
    %reduce_sum3A_692 = arith.constant dense<0.000000e+00> : vector<2048xf32>
    %reduce_sum3A_693 = vector.multi_reduction <add>, %select_n3A_691, %reduce_sum3A_692 [1] : vector<2048x128xf32> to vector<2048xf32>
    %broadcast_in_dim3A_694 = vector.shape_cast %reduce_sum3A_693 : vector<2048xf32> to vector<2048x1xf32>
    %mul3A = vector.broadcast %broadcast_in_dim3A_694 : vector<2048x1xf32> to vector<2048x128xf32>
    %mul3A_695 = arith.mulf %add3A, %mul3A : vector<2048x128xf32>
    %get3A_696 = arith.constant 0 : index
    %get3A_697 = arith.constant 0 : index
    %get3A_698 = vector.load %arg3[%get3A_696, %get3A_697] : memref<128x128xf32, #tpu.memory_space<vmem>>, vector<128x128xf32>
    %dot_general3A = arith.constant dense<0.000000e+00> : vector<2048x128xf32>
    %dot_general3A_699 = tpu.matmul %mul3A_695, %get3A_698, %dot_general3A {dimension_numbers = #tpu.dot_dimension_numbers<[1], [0], [0], [1], [0, 0, 1, 1], [], []>, transpose_lhs_hint = false} : vector<2048x128xf32>, vector<128x128xf32>, vector<2048x128xf32> -> vector<2048x128xf32>
    %lt3A_700 = arith.constant 8 : i32
    %lt3A_701 = vector.broadcast %lt3A_700 : i32 to vector<2048x128xi32>
    %lt3A_702 = arith.cmpi slt, %iota3A_18, %lt3A_701 : vector<2048x128xi32>
    %jit3A_703 = arith.constant -1.000000e+30 : f32
    %broadcast_in_dim3A_704 = vector.broadcast %jit3A_703 : f32 to vector<2048x128xf32>
    %select_n3A_705 = arith.select %lt3A_702, %dot_general3A_699, %broadcast_in_dim3A_704 : vector<2048x128xi1>, vector<2048x128xf32>
    %reduce_max3A = arith.constant dense<0xFF800000> : vector<2048xf32>
    %reduce_max3A_706 = vector.multi_reduction <maximumf>, %select_n3A_705, %reduce_max3A [1] : vector<2048x128xf32> to vector<2048xf32>
    %broadcast_in_dim3A_707 = vector.shape_cast %reduce_max3A_706 : vector<2048xf32> to vector<2048x1xf32>
    %eq3A_708 = vector.broadcast %broadcast_in_dim3A_707 : vector<2048x1xf32> to vector<2048x128xf32>
    %eq3A_709 = arith.cmpf oeq, %select_n3A_705, %eq3A_708 : vector<2048x128xf32>
    %jit3A_710 = arith.constant 1000000 : i32
    %broadcast_in_dim3A_711 = vector.broadcast %jit3A_710 : i32 to vector<2048x128xi32>
    %select_n3A_712 = arith.select %eq3A_709, %iota3A_18, %broadcast_in_dim3A_711 : vector<2048x128xi1>, vector<2048x128xi32>
    %reduce_min3A = arith.constant dense<2147483647> : vector<2048xi32>
    %reduce_min3A_713 = vector.multi_reduction <minsi>, %select_n3A_712, %reduce_min3A [1] : vector<2048x128xi32> to vector<2048xi32>
    %broadcast_in_dim3A_714 = vector.shape_cast %reduce_min3A_713 : vector<2048xi32> to vector<2048x1xi32>
    %eq3A_715 = vector.broadcast %broadcast_in_dim3A_714 : vector<2048x1xi32> to vector<2048x128xi32>
    %eq3A_716 = arith.cmpi eq, %iota3A_18, %eq3A_715 : vector<2048x128xi32>
    %convert_element_type3A = arith.extui %eq3A_716 : vector<2048x128xi1> to vector<2048x128xi32>
    %convert_element_type3A_717 = arith.sitofp %convert_element_type3A : vector<2048x128xi32> to vector<2048x128xf32>
    %eq3A_718 = vector.broadcast %broadcast_in_dim3A_714 : vector<2048x1xi32> to vector<2048x128xi32>
    %eq3A_719 = arith.cmpi eq, %iota3A_18, %eq3A_718 : vector<2048x128xi32>
    %jit3A_720 = arith.constant -1.000000e+30 : f32
    %broadcast_in_dim3A_721 = vector.broadcast %jit3A_720 : f32 to vector<2048x128xf32>
    %select_n3A_722 = arith.select %eq3A_719, %broadcast_in_dim3A_721, %select_n3A_705 : vector<2048x128xi1>, vector<2048x128xf32>
    %reduce_max3A_723 = arith.constant dense<0xFF800000> : vector<2048xf32>
    %reduce_max3A_724 = vector.multi_reduction <maximumf>, %select_n3A_722, %reduce_max3A_723 [1] : vector<2048x128xf32> to vector<2048xf32>
    %broadcast_in_dim3A_725 = vector.shape_cast %reduce_max3A_724 : vector<2048xf32> to vector<2048x1xf32>
    %eq3A_726 = vector.broadcast %broadcast_in_dim3A_725 : vector<2048x1xf32> to vector<2048x128xf32>
    %eq3A_727 = arith.cmpf oeq, %select_n3A_722, %eq3A_726 : vector<2048x128xf32>
    %jit3A_728 = arith.constant 1000000 : i32
    %broadcast_in_dim3A_729 = vector.broadcast %jit3A_728 : i32 to vector<2048x128xi32>
    %select_n3A_730 = arith.select %eq3A_727, %iota3A_18, %broadcast_in_dim3A_729 : vector<2048x128xi1>, vector<2048x128xi32>
    %reduce_min3A_731 = arith.constant dense<2147483647> : vector<2048xi32>
    %reduce_min3A_732 = vector.multi_reduction <minsi>, %select_n3A_730, %reduce_min3A_731 [1] : vector<2048x128xi32> to vector<2048xi32>
    %broadcast_in_dim3A_733 = vector.shape_cast %reduce_min3A_732 : vector<2048xi32> to vector<2048x1xi32>
    %eq3A_734 = vector.broadcast %broadcast_in_dim3A_733 : vector<2048x1xi32> to vector<2048x128xi32>
    %eq3A_735 = arith.cmpi eq, %iota3A_18, %eq3A_734 : vector<2048x128xi32>
    %convert_element_type3A_736 = arith.extui %eq3A_735 : vector<2048x128xi1> to vector<2048x128xi32>
    %convert_element_type3A_737 = arith.sitofp %convert_element_type3A_736 : vector<2048x128xi32> to vector<2048x128xf32>
    %eq3A_738 = vector.broadcast %broadcast_in_dim3A_733 : vector<2048x1xi32> to vector<2048x128xi32>
    %eq3A_739 = arith.cmpi eq, %iota3A_18, %eq3A_738 : vector<2048x128xi32>
    %jit3A_740 = arith.constant -1.000000e+30 : f32
    %broadcast_in_dim3A_741 = vector.broadcast %jit3A_740 : f32 to vector<2048x128xf32>
    %select_n3A_742 = arith.select %eq3A_739, %broadcast_in_dim3A_741, %select_n3A_722 : vector<2048x128xi1>, vector<2048x128xf32>
    %reduce_max3A_743 = arith.constant dense<0xFF800000> : vector<2048xf32>
    %reduce_max3A_744 = vector.multi_reduction <maximumf>, %select_n3A_742, %reduce_max3A_743 [1] : vector<2048x128xf32> to vector<2048xf32>
    %broadcast_in_dim3A_745 = vector.shape_cast %reduce_max3A_744 : vector<2048xf32> to vector<2048x1xf32>
    %eq3A_746 = vector.broadcast %broadcast_in_dim3A_745 : vector<2048x1xf32> to vector<2048x128xf32>
    %eq3A_747 = arith.cmpf oeq, %select_n3A_742, %eq3A_746 : vector<2048x128xf32>
    %jit3A_748 = arith.constant 1000000 : i32
    %broadcast_in_dim3A_749 = vector.broadcast %jit3A_748 : i32 to vector<2048x128xi32>
    %select_n3A_750 = arith.select %eq3A_747, %iota3A_18, %broadcast_in_dim3A_749 : vector<2048x128xi1>, vector<2048x128xi32>
    %reduce_min3A_751 = arith.constant dense<2147483647> : vector<2048xi32>
    %reduce_min3A_752 = vector.multi_reduction <minsi>, %select_n3A_750, %reduce_min3A_751 [1] : vector<2048x128xi32> to vector<2048xi32>
    %broadcast_in_dim3A_753 = vector.shape_cast %reduce_min3A_752 : vector<2048xi32> to vector<2048x1xi32>
    %eq3A_754 = vector.broadcast %broadcast_in_dim3A_753 : vector<2048x1xi32> to vector<2048x128xi32>
    %eq3A_755 = arith.cmpi eq, %iota3A_18, %eq3A_754 : vector<2048x128xi32>
    %convert_element_type3A_756 = arith.extui %eq3A_755 : vector<2048x128xi1> to vector<2048x128xi32>
    %convert_element_type3A_757 = arith.sitofp %convert_element_type3A_756 : vector<2048x128xi32> to vector<2048x128xf32>
    %sub3A_758 = arith.subf %broadcast_in_dim3A_725, %broadcast_in_dim3A_707 : vector<2048x1xf32>
    %exp3A = math.exp %sub3A_758 : vector<2048x1xf32>
    %sub3A_759 = arith.subf %broadcast_in_dim3A_745, %broadcast_in_dim3A_707 : vector<2048x1xf32>
    %exp3A_760 = math.exp %sub3A_759 : vector<2048x1xf32>
    %add3A_761 = arith.constant 1.000000e+00 : f32
    %add3A_762 = vector.broadcast %add3A_761 : f32 to vector<2048x1xf32>
    %add3A_763 = arith.addf %add3A_762, %exp3A : vector<2048x1xf32>
    %add3A_764 = arith.addf %add3A_763, %exp3A_760 : vector<2048x1xf32>
    %mul3A_765 = vector.broadcast %exp3A : vector<2048x1xf32> to vector<2048x128xf32>
    %mul3A_766 = arith.mulf %convert_element_type3A_737, %mul3A_765 : vector<2048x128xf32>
    %add3A_767 = arith.addf %convert_element_type3A_717, %mul3A_766 : vector<2048x128xf32>
    %mul3A_768 = vector.broadcast %exp3A_760 : vector<2048x1xf32> to vector<2048x128xf32>
    %mul3A_769 = arith.mulf %convert_element_type3A_757, %mul3A_768 : vector<2048x128xf32>
    %add3A_770 = arith.addf %add3A_767, %mul3A_769 : vector<2048x128xf32>
    %div3A_771 = vector.broadcast %add3A_764 : vector<2048x1xf32> to vector<2048x128xf32>
    %div3A_772 = arith.divf %add3A_770, %div3A_771 : vector<2048x128xf32>
    %broadcast_in_dim3A_773 = arith.constant 0.000000e+00 : f32
    %broadcast_in_dim3A_774 = vector.broadcast %broadcast_in_dim3A_773 : f32 to vector<2048x128xf32>
    %get3A_775 = arith.constant 0 : index
    %get3A_776 = arith.constant 0 : index
    %get3A_777 = arith.constant 0 : index
    %get3A_778 = vector.load %arg4[%get3A_775, %get3A_776, %get3A_777] : memref<8x128x128xf32, #tpu.memory_space<vmem>>, vector<1x128x128xf32>
    %get3A_779 = vector.shape_cast %get3A_778 : vector<1x128x128xf32> to vector<128x128xf32>
    %dot_general3A_780 = arith.constant dense<0.000000e+00> : vector<2048x128xf32>
    %dot_general3A_781 = tpu.matmul %mul3A_695, %get3A_779, %dot_general3A_780 {dimension_numbers = #tpu.dot_dimension_numbers<[1], [0], [0], [1], [0, 0, 1, 1], [], []>, transpose_lhs_hint = false} : vector<2048x128xf32>, vector<128x128xf32>, vector<2048x128xf32> -> vector<2048x128xf32>
    %get3A_782 = arith.constant 0 : index
    %get3A_783 = arith.constant 0 : index
    %get3A_784 = vector.load %arg5[%get3A_782, %get3A_783] : memref<128x128xf32, #tpu.memory_space<vmem>>, vector<1x128xf32>
    %add3A_785 = vector.broadcast %get3A_784 : vector<1x128xf32> to vector<2048x128xf32>
    %add3A_786 = arith.addf %dot_general3A_781, %add3A_785 : vector<2048x128xf32>
    %convert_element_type3A_787 = arith.truncf %add3A_786 : vector<2048x128xf32> to vector<2048x128xbf16>
    %convert_element_type3A_788 = arith.extf %convert_element_type3A_787 : vector<2048x128xbf16> to vector<2048x128xf32>
    %slice3A_789 = vector.extract_strided_slice %div3A_772 {offsets = [0, 0], sizes = [2048, 1], strides = [1, 1]} : vector<2048x128xf32> to vector<2048x1xf32>
    %convert_element_type3A_790 = arith.truncf %slice3A_789 : vector<2048x1xf32> to vector<2048x1xbf16>
    %convert_element_type3A_791 = arith.extf %convert_element_type3A_790 : vector<2048x1xbf16> to vector<2048x1xf32>
    %mul3A_792 = vector.broadcast %convert_element_type3A_791 : vector<2048x1xf32> to vector<2048x128xf32>
    %mul3A_793 = arith.mulf %convert_element_type3A_788, %mul3A_792 : vector<2048x128xf32>
    %add3A_794 = arith.addf %broadcast_in_dim3A_774, %mul3A_793 : vector<2048x128xf32>
    %get3A_795 = arith.constant 1 : index
    %get3A_796 = arith.constant 0 : index
    %get3A_797 = arith.constant 0 : index
    %get3A_798 = vector.load %arg4[%get3A_795, %get3A_796, %get3A_797] : memref<8x128x128xf32, #tpu.memory_space<vmem>>, vector<1x128x128xf32>
    %get3A_799 = vector.shape_cast %get3A_798 : vector<1x128x128xf32> to vector<128x128xf32>
    %dot_general3A_800 = arith.constant dense<0.000000e+00> : vector<2048x128xf32>
    %dot_general3A_801 = tpu.matmul %mul3A_695, %get3A_799, %dot_general3A_800 {dimension_numbers = #tpu.dot_dimension_numbers<[1], [0], [0], [1], [0, 0, 1, 1], [], []>, transpose_lhs_hint = false} : vector<2048x128xf32>, vector<128x128xf32>, vector<2048x128xf32> -> vector<2048x128xf32>
    %get3A_802 = arith.constant 1 : index
    %get3A_803 = arith.constant 0 : index
    %get3A_804 = vector.load %arg5[%get3A_802, %get3A_803] : memref<128x128xf32, #tpu.memory_space<vmem>>, vector<1x128xf32>
    %add3A_805 = vector.broadcast %get3A_804 : vector<1x128xf32> to vector<2048x128xf32>
    %add3A_806 = arith.addf %dot_general3A_801, %add3A_805 : vector<2048x128xf32>
    %convert_element_type3A_807 = arith.truncf %add3A_806 : vector<2048x128xf32> to vector<2048x128xbf16>
    %convert_element_type3A_808 = arith.extf %convert_element_type3A_807 : vector<2048x128xbf16> to vector<2048x128xf32>
    %slice3A_809 = vector.extract_strided_slice %div3A_772 {offsets = [0, 1], sizes = [2048, 1], strides = [1, 1]} : vector<2048x128xf32> to vector<2048x1xf32>
    %convert_element_type3A_810 = arith.truncf %slice3A_809 : vector<2048x1xf32> to vector<2048x1xbf16>
    %convert_element_type3A_811 = arith.extf %convert_element_type3A_810 : vector<2048x1xbf16> to vector<2048x1xf32>
    %mul3A_812 = vector.broadcast %convert_element_type3A_811 : vector<2048x1xf32> to vector<2048x128xf32>
    %mul3A_813 = arith.mulf %convert_element_type3A_808, %mul3A_812 : vector<2048x128xf32>
    %add3A_814 = arith.addf %add3A_794, %mul3A_813 : vector<2048x128xf32>
    %get3A_815 = arith.constant 2 : index
    %get3A_816 = arith.constant 0 : index
    %get3A_817 = arith.constant 0 : index
    %get3A_818 = vector.load %arg4[%get3A_815, %get3A_816, %get3A_817] : memref<8x128x128xf32, #tpu.memory_space<vmem>>, vector<1x128x128xf32>
    %get3A_819 = vector.shape_cast %get3A_818 : vector<1x128x128xf32> to vector<128x128xf32>
    %dot_general3A_820 = arith.constant dense<0.000000e+00> : vector<2048x128xf32>
    %dot_general3A_821 = tpu.matmul %mul3A_695, %get3A_819, %dot_general3A_820 {dimension_numbers = #tpu.dot_dimension_numbers<[1], [0], [0], [1], [0, 0, 1, 1], [], []>, transpose_lhs_hint = false} : vector<2048x128xf32>, vector<128x128xf32>, vector<2048x128xf32> -> vector<2048x128xf32>
    %get3A_822 = arith.constant 2 : index
    %get3A_823 = arith.constant 0 : index
    %get3A_824 = vector.load %arg5[%get3A_822, %get3A_823] : memref<128x128xf32, #tpu.memory_space<vmem>>, vector<1x128xf32>
    %add3A_825 = vector.broadcast %get3A_824 : vector<1x128xf32> to vector<2048x128xf32>
    %add3A_826 = arith.addf %dot_general3A_821, %add3A_825 : vector<2048x128xf32>
    %convert_element_type3A_827 = arith.truncf %add3A_826 : vector<2048x128xf32> to vector<2048x128xbf16>
    %convert_element_type3A_828 = arith.extf %convert_element_type3A_827 : vector<2048x128xbf16> to vector<2048x128xf32>
    %slice3A_829 = vector.extract_strided_slice %div3A_772 {offsets = [0, 2], sizes = [2048, 1], strides = [1, 1]} : vector<2048x128xf32> to vector<2048x1xf32>
    %convert_element_type3A_830 = arith.truncf %slice3A_829 : vector<2048x1xf32> to vector<2048x1xbf16>
    %convert_element_type3A_831 = arith.extf %convert_element_type3A_830 : vector<2048x1xbf16> to vector<2048x1xf32>
    %mul3A_832 = vector.broadcast %convert_element_type3A_831 : vector<2048x1xf32> to vector<2048x128xf32>
    %mul3A_833 = arith.mulf %convert_element_type3A_828, %mul3A_832 : vector<2048x128xf32>
    %add3A_834 = arith.addf %add3A_814, %mul3A_833 : vector<2048x128xf32>
    %get3A_835 = arith.constant 3 : index
    %get3A_836 = arith.constant 0 : index
    %get3A_837 = arith.constant 0 : index
    %get3A_838 = vector.load %arg4[%get3A_835, %get3A_836, %get3A_837] : memref<8x128x128xf32, #tpu.memory_space<vmem>>, vector<1x128x128xf32>
    %get3A_839 = vector.shape_cast %get3A_838 : vector<1x128x128xf32> to vector<128x128xf32>
    %dot_general3A_840 = arith.constant dense<0.000000e+00> : vector<2048x128xf32>
    %dot_general3A_841 = tpu.matmul %mul3A_695, %get3A_839, %dot_general3A_840 {dimension_numbers = #tpu.dot_dimension_numbers<[1], [0], [0], [1], [0, 0, 1, 1], [], []>, transpose_lhs_hint = false} : vector<2048x128xf32>, vector<128x128xf32>, vector<2048x128xf32> -> vector<2048x128xf32>
    %get3A_842 = arith.constant 3 : index
    %get3A_843 = arith.constant 0 : index
    %get3A_844 = vector.load %arg5[%get3A_842, %get3A_843] : memref<128x128xf32, #tpu.memory_space<vmem>>, vector<1x128xf32>
    %add3A_845 = vector.broadcast %get3A_844 : vector<1x128xf32> to vector<2048x128xf32>
    %add3A_846 = arith.addf %dot_general3A_841, %add3A_845 : vector<2048x128xf32>
    %convert_element_type3A_847 = arith.truncf %add3A_846 : vector<2048x128xf32> to vector<2048x128xbf16>
    %convert_element_type3A_848 = arith.extf %convert_element_type3A_847 : vector<2048x128xbf16> to vector<2048x128xf32>
    %slice3A_849 = vector.extract_strided_slice %div3A_772 {offsets = [0, 3], sizes = [2048, 1], strides = [1, 1]} : vector<2048x128xf32> to vector<2048x1xf32>
    %convert_element_type3A_850 = arith.truncf %slice3A_849 : vector<2048x1xf32> to vector<2048x1xbf16>
    %convert_element_type3A_851 = arith.extf %convert_element_type3A_850 : vector<2048x1xbf16> to vector<2048x1xf32>
    %mul3A_852 = vector.broadcast %convert_element_type3A_851 : vector<2048x1xf32> to vector<2048x128xf32>
    %mul3A_853 = arith.mulf %convert_element_type3A_848, %mul3A_852 : vector<2048x128xf32>
    %add3A_854 = arith.addf %add3A_834, %mul3A_853 : vector<2048x128xf32>
    %get3A_855 = arith.constant 4 : index
    %get3A_856 = arith.constant 0 : index
    %get3A_857 = arith.constant 0 : index
    %get3A_858 = vector.load %arg4[%get3A_855, %get3A_856, %get3A_857] : memref<8x128x128xf32, #tpu.memory_space<vmem>>, vector<1x128x128xf32>
    %get3A_859 = vector.shape_cast %get3A_858 : vector<1x128x128xf32> to vector<128x128xf32>
    %dot_general3A_860 = arith.constant dense<0.000000e+00> : vector<2048x128xf32>
    %dot_general3A_861 = tpu.matmul %mul3A_695, %get3A_859, %dot_general3A_860 {dimension_numbers = #tpu.dot_dimension_numbers<[1], [0], [0], [1], [0, 0, 1, 1], [], []>, transpose_lhs_hint = false} : vector<2048x128xf32>, vector<128x128xf32>, vector<2048x128xf32> -> vector<2048x128xf32>
    %get3A_862 = arith.constant 4 : index
    %get3A_863 = arith.constant 0 : index
    %get3A_864 = vector.load %arg5[%get3A_862, %get3A_863] : memref<128x128xf32, #tpu.memory_space<vmem>>, vector<1x128xf32>
    %add3A_865 = vector.broadcast %get3A_864 : vector<1x128xf32> to vector<2048x128xf32>
    %add3A_866 = arith.addf %dot_general3A_861, %add3A_865 : vector<2048x128xf32>
    %convert_element_type3A_867 = arith.truncf %add3A_866 : vector<2048x128xf32> to vector<2048x128xbf16>
    %convert_element_type3A_868 = arith.extf %convert_element_type3A_867 : vector<2048x128xbf16> to vector<2048x128xf32>
    %slice3A_869 = vector.extract_strided_slice %div3A_772 {offsets = [0, 4], sizes = [2048, 1], strides = [1, 1]} : vector<2048x128xf32> to vector<2048x1xf32>
    %convert_element_type3A_870 = arith.truncf %slice3A_869 : vector<2048x1xf32> to vector<2048x1xbf16>
    %convert_element_type3A_871 = arith.extf %convert_element_type3A_870 : vector<2048x1xbf16> to vector<2048x1xf32>
    %mul3A_872 = vector.broadcast %convert_element_type3A_871 : vector<2048x1xf32> to vector<2048x128xf32>
    %mul3A_873 = arith.mulf %convert_element_type3A_868, %mul3A_872 : vector<2048x128xf32>
    %add3A_874 = arith.addf %add3A_854, %mul3A_873 : vector<2048x128xf32>
    %get3A_875 = arith.constant 5 : index
    %get3A_876 = arith.constant 0 : index
    %get3A_877 = arith.constant 0 : index
    %get3A_878 = vector.load %arg4[%get3A_875, %get3A_876, %get3A_877] : memref<8x128x128xf32, #tpu.memory_space<vmem>>, vector<1x128x128xf32>
    %get3A_879 = vector.shape_cast %get3A_878 : vector<1x128x128xf32> to vector<128x128xf32>
    %dot_general3A_880 = arith.constant dense<0.000000e+00> : vector<2048x128xf32>
    %dot_general3A_881 = tpu.matmul %mul3A_695, %get3A_879, %dot_general3A_880 {dimension_numbers = #tpu.dot_dimension_numbers<[1], [0], [0], [1], [0, 0, 1, 1], [], []>, transpose_lhs_hint = false} : vector<2048x128xf32>, vector<128x128xf32>, vector<2048x128xf32> -> vector<2048x128xf32>
    %get3A_882 = arith.constant 5 : index
    %get3A_883 = arith.constant 0 : index
    %get3A_884 = vector.load %arg5[%get3A_882, %get3A_883] : memref<128x128xf32, #tpu.memory_space<vmem>>, vector<1x128xf32>
    %add3A_885 = vector.broadcast %get3A_884 : vector<1x128xf32> to vector<2048x128xf32>
    %add3A_886 = arith.addf %dot_general3A_881, %add3A_885 : vector<2048x128xf32>
    %convert_element_type3A_887 = arith.truncf %add3A_886 : vector<2048x128xf32> to vector<2048x128xbf16>
    %convert_element_type3A_888 = arith.extf %convert_element_type3A_887 : vector<2048x128xbf16> to vector<2048x128xf32>
    %slice3A_889 = vector.extract_strided_slice %div3A_772 {offsets = [0, 5], sizes = [2048, 1], strides = [1, 1]} : vector<2048x128xf32> to vector<2048x1xf32>
    %convert_element_type3A_890 = arith.truncf %slice3A_889 : vector<2048x1xf32> to vector<2048x1xbf16>
    %convert_element_type3A_891 = arith.extf %convert_element_type3A_890 : vector<2048x1xbf16> to vector<2048x1xf32>
    %mul3A_892 = vector.broadcast %convert_element_type3A_891 : vector<2048x1xf32> to vector<2048x128xf32>
    %mul3A_893 = arith.mulf %convert_element_type3A_888, %mul3A_892 : vector<2048x128xf32>
    %add3A_894 = arith.addf %add3A_874, %mul3A_893 : vector<2048x128xf32>
    %get3A_895 = arith.constant 6 : index
    %get3A_896 = arith.constant 0 : index
    %get3A_897 = arith.constant 0 : index
    %get3A_898 = vector.load %arg4[%get3A_895, %get3A_896, %get3A_897] : memref<8x128x128xf32, #tpu.memory_space<vmem>>, vector<1x128x128xf32>
    %get3A_899 = vector.shape_cast %get3A_898 : vector<1x128x128xf32> to vector<128x128xf32>
    %dot_general3A_900 = arith.constant dense<0.000000e+00> : vector<2048x128xf32>
    %dot_general3A_901 = tpu.matmul %mul3A_695, %get3A_899, %dot_general3A_900 {dimension_numbers = #tpu.dot_dimension_numbers<[1], [0], [0], [1], [0, 0, 1, 1], [], []>, transpose_lhs_hint = false} : vector<2048x128xf32>, vector<128x128xf32>, vector<2048x128xf32> -> vector<2048x128xf32>
    %get3A_902 = arith.constant 6 : index
    %get3A_903 = arith.constant 0 : index
    %get3A_904 = vector.load %arg5[%get3A_902, %get3A_903] : memref<128x128xf32, #tpu.memory_space<vmem>>, vector<1x128xf32>
    %add3A_905 = vector.broadcast %get3A_904 : vector<1x128xf32> to vector<2048x128xf32>
    %add3A_906 = arith.addf %dot_general3A_901, %add3A_905 : vector<2048x128xf32>
    %convert_element_type3A_907 = arith.truncf %add3A_906 : vector<2048x128xf32> to vector<2048x128xbf16>
    %convert_element_type3A_908 = arith.extf %convert_element_type3A_907 : vector<2048x128xbf16> to vector<2048x128xf32>
    %slice3A_909 = vector.extract_strided_slice %div3A_772 {offsets = [0, 6], sizes = [2048, 1], strides = [1, 1]} : vector<2048x128xf32> to vector<2048x1xf32>
    %convert_element_type3A_910 = arith.truncf %slice3A_909 : vector<2048x1xf32> to vector<2048x1xbf16>
    %convert_element_type3A_911 = arith.extf %convert_element_type3A_910 : vector<2048x1xbf16> to vector<2048x1xf32>
    %mul3A_912 = vector.broadcast %convert_element_type3A_911 : vector<2048x1xf32> to vector<2048x128xf32>
    %mul3A_913 = arith.mulf %convert_element_type3A_908, %mul3A_912 : vector<2048x128xf32>
    %add3A_914 = arith.addf %add3A_894, %mul3A_913 : vector<2048x128xf32>
    %get3A_915 = arith.constant 7 : index
    %get3A_916 = arith.constant 0 : index
    %get3A_917 = arith.constant 0 : index
    %get3A_918 = vector.load %arg4[%get3A_915, %get3A_916, %get3A_917] : memref<8x128x128xf32, #tpu.memory_space<vmem>>, vector<1x128x128xf32>
    %get3A_919 = vector.shape_cast %get3A_918 : vector<1x128x128xf32> to vector<128x128xf32>
    %dot_general3A_920 = arith.constant dense<0.000000e+00> : vector<2048x128xf32>
    %dot_general3A_921 = tpu.matmul %mul3A_695, %get3A_919, %dot_general3A_920 {dimension_numbers = #tpu.dot_dimension_numbers<[1], [0], [0], [1], [0, 0, 1, 1], [], []>, transpose_lhs_hint = false} : vector<2048x128xf32>, vector<128x128xf32>, vector<2048x128xf32> -> vector<2048x128xf32>
    %get3A_922 = arith.constant 7 : index
    %get3A_923 = arith.constant 0 : index
    %get3A_924 = vector.load %arg5[%get3A_922, %get3A_923] : memref<128x128xf32, #tpu.memory_space<vmem>>, vector<1x128xf32>
    %add3A_925 = vector.broadcast %get3A_924 : vector<1x128xf32> to vector<2048x128xf32>
    %add3A_926 = arith.addf %dot_general3A_921, %add3A_925 : vector<2048x128xf32>
    %convert_element_type3A_927 = arith.truncf %add3A_926 : vector<2048x128xf32> to vector<2048x128xbf16>
    %convert_element_type3A_928 = arith.extf %convert_element_type3A_927 : vector<2048x128xbf16> to vector<2048x128xf32>
    %slice3A_929 = vector.extract_strided_slice %div3A_772 {offsets = [0, 7], sizes = [2048, 1], strides = [1, 1]} : vector<2048x128xf32> to vector<2048x1xf32>
    %convert_element_type3A_930 = arith.truncf %slice3A_929 : vector<2048x1xf32> to vector<2048x1xbf16>
    %convert_element_type3A_931 = arith.extf %convert_element_type3A_930 : vector<2048x1xbf16> to vector<2048x1xf32>
    %mul3A_932 = vector.broadcast %convert_element_type3A_931 : vector<2048x1xf32> to vector<2048x128xf32>
    %mul3A_933 = arith.mulf %convert_element_type3A_928, %mul3A_932 : vector<2048x128xf32>
    %add3A_934 = arith.addf %add3A_914, %mul3A_933 : vector<2048x128xf32>
    %max3A_935 = arith.constant 0.000000e+00 : f32
    %max3A_936 = vector.broadcast %max3A_935 : f32 to vector<2048x128xf32>
    %max3A_937 = arith.maximumf %add3A_934, %max3A_936 : vector<2048x128xf32>
    %swap3A = arith.constant 0 : index
    %swap3A_938 = arith.constant 0 : index
    %swap3A_939 = vector.load %arg6[%swap3A, %swap3A_938] : memref<2048x128xf32, #tpu.memory_space<vmem>>, vector<2048x128xf32>
    tpu.vector_store %arg6[%swap3A, %swap3A_938], %max3A_937 {strides = array<i32>} : memref<2048x128xf32, #tpu.memory_space<vmem>>, vector<2048x128xf32>,
    return
  }
  func.func @transform_0(%arg0: i32) -> (i32, i32, i32) {
    %c0_i32 = arith.constant 0 : i32
    %c0_i32_0 = arith.constant 0 : i32
    %c0_i32_1 = arith.constant 0 : i32
    return %c0_i32, %arg0, %c0_i32_0 : i32, i32, i32
  }
  func.func @transform_1(%arg0: i32) -> (i32, i32, i32) {
    %c0_i32 = arith.constant 0 : i32
    %c0_i32_0 = arith.constant 0 : i32
    %c0_i32_1 = arith.constant 0 : i32
    return %c0_i32, %arg0, %c0_i32_0 : i32, i32, i32
  }
  func.func @transform_2(%arg0: i32) -> (i32, i32) {
    %c0_i32 = arith.constant 0 : i32
    %c0_i32_0 = arith.constant 0 : i32
    %c0_i32_1 = arith.constant 0 : i32
    return %c0_i32, %c0_i32_0 : i32, i32
  }
  func.func @transform_3(%arg0: i32) -> (i32, i32, i32) {
    %c0_i32 = arith.constant 0 : i32
    %c0_i32_0 = arith.constant 0 : i32
    %c0_i32_1 = arith.constant 0 : i32
    %c0_i32_2 = arith.constant 0 : i32
    return %c0_i32, %c0_i32_0, %c0_i32_1 : i32, i32, i32
  }
  func.func @transform_4(%arg0: i32) -> (i32, i32) {
    %c0_i32 = arith.constant 0 : i32
    %c0_i32_0 = arith.constant 0 : i32
    %c0_i32_1 = arith.constant 0 : i32
    return %c0_i32, %c0_i32_0 : i32, i32
  }
  func.func @transform_5(%arg0: i32) -> (i32, i32) {
    %c0_i32 = arith.constant 0 : i32
    %c0_i32_0 = arith.constant 0 : i32
    return %arg0, %c0_i32 : i32, i32
  }
}

module attributes {stable_mosaic.version = 14 : i64} {
  func.func @_moe_last_kernel(%arg0: i32, %arg1: memref<2x2048x128xf32, #tpu.memory_space<vmem>>, %arg2: memref<32x16x128xf32, #tpu.memory_space<vmem>>, %arg3: memref<128x128xf32, #tpu.memory_space<vmem>>, %arg4: memref<8x128x128xf32, #tpu.memory_space<vmem>>, %arg5: memref<128x128xf32, #tpu.memory_space<vmem>>, %arg6: memref<128x128xf32, #tpu.memory_space<vmem>>, %arg7: memref<1x128xf32, #tpu.memory_space<vmem>>, %arg8: memref<2048x128xf32, #tpu.memory_space<vmem>>) attributes {dimension_semantics = [#tpu.dimension_semantics<arbitrary>], iteration_bounds = array<i64: 5>, scalar_prefetch = 0 : i64, scratch_operands = 0 : i64, tpu.core_type = #tpu.core_type<tc>, window_params = [{transform_indices = @transform_0, window_bounds = array<i64: 2, 2048, 128>}, {transform_indices = @transform_1, window_bounds = array<i64: 32, 16, 128>}, {pipeline_mode = #tpu.pipeline_mode<synchronous>, transform_indices = @transform_2, window_bounds = array<i64: 128, 128>}, {pipeline_mode = #tpu.pipeline_mode<synchronous>, transform_indices = @transform_3, window_bounds = array<i64: 8, 128, 128>}, {pipeline_mode = #tpu.pipeline_mode<synchronous>, transform_indices = @transform_4, window_bounds = array<i64: 128, 128>}, {pipeline_mode = #tpu.pipeline_mode<synchronous>, transform_indices = @transform_5, window_bounds = array<i64: 128, 128>}, {pipeline_mode = #tpu.pipeline_mode<synchronous>, transform_indices = @transform_6, window_bounds = array<i64: 1, 128>}, {transform_indices = @transform_7, window_bounds = array<i64: 2048, 128>}]} {
    %get3A = arith.constant 0 : index
    %get3A_0 = arith.constant 0 : index
    %get3A_1 = arith.constant 0 : index
    %get3A_2 = vector.load %arg1[%get3A, %get3A_0, %get3A_1] : memref<2x2048x128xf32, #tpu.memory_space<vmem>>, vector<1x2048x128xf32>
    %get3A_3 = vector.shape_cast %get3A_2 : vector<1x2048x128xf32> to vector<2048x128xf32>
    %get3A_4 = arith.constant 1 : index
    %get3A_5 = arith.constant 0 : index
    %get3A_6 = arith.constant 0 : index
    %get3A_7 = vector.load %arg1[%get3A_4, %get3A_5, %get3A_6] : memref<2x2048x128xf32, #tpu.memory_space<vmem>>, vector<1x2048x128xf32>
    %get3A_8 = vector.shape_cast %get3A_7 : vector<1x2048x128xf32> to vector<2048x128xf32>
    %add3A = arith.addf %get3A_3, %get3A_8 : vector<2048x128xf32>
    %get3A_9 = arith.constant 0 : index
    %get3A_10 = arith.constant 0 : index
    %get3A_11 = arith.constant 0 : index
    %get3A_12 = vector.load %arg2[%get3A_9, %get3A_10, %get3A_11] : memref<32x16x128xf32, #tpu.memory_space<vmem>>, vector<32x16x128xf32>
    %reduce_sum3A = arith.constant dense<0.000000e+00> : vector<16x128xf32>
    %reduce_sum3A_13 = vector.multi_reduction <add>, %get3A_12, %reduce_sum3A [0] : vector<32x16x128xf32> to vector<16x128xf32>
    %max3A = arith.constant 1.000000e+00 : f32
    %max3A_14 = vector.broadcast %max3A : f32 to vector<16x128xf32>
    %max3A_15 = arith.maximumf %reduce_sum3A_13, %max3A_14 : vector<16x128xf32>
    %div3A = arith.constant 1.000000e+00 : f32
    %div3A_16 = vector.broadcast %div3A : f32 to vector<16x128xf32>
    %div3A_17 = arith.divf %div3A_16, %max3A_15 : vector<16x128xf32>
    %iota3A = tpu.iota {dimensions = array<i32: 0>} : vector<2048x128xi32>
    %iota3A_18 = tpu.iota {dimensions = array<i32: 1>} : vector<2048x128xi32>
    %broadcast_in_dim3A = arith.constant 0.000000e+00 : f32
    %broadcast_in_dim3A_19 = vector.broadcast %broadcast_in_dim3A : f32 to vector<2048x128xf32>
    %jit3A = arith.constant 128 : i32
    %div3A_20 = vector.broadcast %jit3A : i32 to vector<2048x128xi32>
    %div3A_21 = arith.divsi %iota3A, %div3A_20 : vector<2048x128xi32>
    %sign3A = arith.constant 0 : i32
    %sign3A_22 = vector.broadcast %sign3A : i32 to vector<2048x128xi32>
    %sign3A_23 = arith.cmpi sgt, %iota3A, %sign3A_22 : vector<2048x128xi32>
    %sign3A_24 = arith.extui %sign3A_23 : vector<2048x128xi1> to vector<2048x128xi32>
    %sign3A_25 = arith.constant 0 : i32
    %sign3A_26 = vector.broadcast %sign3A_25 : i32 to vector<2048x128xi32>
    %sign3A_27 = arith.cmpi slt, %iota3A, %sign3A_26 : vector<2048x128xi32>
    %sign3A_28 = arith.extui %sign3A_27 : vector<2048x128xi1> to vector<2048x128xi32>
    %sign3A_29 = arith.subi %sign3A_24, %sign3A_28 : vector<2048x128xi32>
    %sign3A_30 = arith.constant 0 : i32
    %sign3A_31 = arith.cmpi sgt, %jit3A, %sign3A_30 : i32
    %sign3A_32 = arith.extui %sign3A_31 : i1 to i32
    %sign3A_33 = arith.constant 0 : i32
    %sign3A_34 = arith.cmpi slt, %jit3A, %sign3A_33 : i32
    %sign3A_35 = arith.extui %sign3A_34 : i1 to i32
    %sign3A_36 = arith.subi %sign3A_32, %sign3A_35 : i32
    %ne3A = vector.broadcast %sign3A_36 : i32 to vector<2048x128xi32>
    %ne3A_37 = arith.cmpi ne, %sign3A_29, %ne3A : vector<2048x128xi32>
    %rem3A = vector.broadcast %jit3A : i32 to vector<2048x128xi32>
    %rem3A_38 = arith.remsi %iota3A, %rem3A : vector<2048x128xi32>
    %ne3A_39 = arith.constant 0 : i32
    %ne3A_40 = vector.broadcast %ne3A_39 : i32 to vector<2048x128xi32>
    %ne3A_41 = arith.cmpi ne, %rem3A_38, %ne3A_40 : vector<2048x128xi32>
    %and3A = arith.andi %ne3A_37, %ne3A_41 : vector<2048x128xi1>
    %sub3A = arith.constant 1 : i32
    %sub3A_42 = vector.broadcast %sub3A : i32 to vector<2048x128xi32>
    %sub3A_43 = arith.subi %div3A_21, %sub3A_42 : vector<2048x128xi32>
    %select_n3A = arith.select %and3A, %sub3A_43, %div3A_21 : vector<2048x128xi1>, vector<2048x128xi32>
    %eq3A = arith.constant 0 : i32
    %eq3A_44 = vector.broadcast %eq3A : i32 to vector<2048x128xi32>
    %eq3A_45 = arith.cmpi eq, %select_n3A, %eq3A_44 : vector<2048x128xi32>
    %slice3A = vector.extract_strided_slice %div3A_17 {offsets = [0, 0], sizes = [1, 128], strides = [1, 1]} : vector<16x128xf32> to vector<1x128xf32>
    %jit3A_46 = arith.constant 0.000000e+00 : f32
    %broadcast_in_dim3A_47 = vector.shape_cast %slice3A : vector<1x128xf32> to vector<1x128xf32>
    %broadcast_in_dim3A_48 = vector.broadcast %broadcast_in_dim3A_47 : vector<1x128xf32> to vector<2048x128xf32>
    %broadcast_in_dim3A_49 = vector.broadcast %jit3A_46 : f32 to vector<2048x128xf32>
    %select_n3A_50 = arith.select %eq3A_45, %broadcast_in_dim3A_48, %broadcast_in_dim3A_49 : vector<2048x128xi1>, vector<2048x128xf32>
    %add3A_51 = arith.addf %broadcast_in_dim3A_19, %select_n3A_50 : vector<2048x128xf32>
    %jit3A_52 = arith.constant 128 : i32
    %div3A_53 = vector.broadcast %jit3A_52 : i32 to vector<2048x128xi32>
    %div3A_54 = arith.divsi %iota3A, %div3A_53 : vector<2048x128xi32>
    %sign3A_55 = arith.constant 0 : i32
    %sign3A_56 = vector.broadcast %sign3A_55 : i32 to vector<2048x128xi32>
    %sign3A_57 = arith.cmpi sgt, %iota3A, %sign3A_56 : vector<2048x128xi32>
    %sign3A_58 = arith.extui %sign3A_57 : vector<2048x128xi1> to vector<2048x128xi32>
    %sign3A_59 = arith.constant 0 : i32
    %sign3A_60 = vector.broadcast %sign3A_59 : i32 to vector<2048x128xi32>
    %sign3A_61 = arith.cmpi slt, %iota3A, %sign3A_60 : vector<2048x128xi32>
    %sign3A_62 = arith.extui %sign3A_61 : vector<2048x128xi1> to vector<2048x128xi32>
    %sign3A_63 = arith.subi %sign3A_58, %sign3A_62 : vector<2048x128xi32>
    %sign3A_64 = arith.constant 0 : i32
    %sign3A_65 = arith.cmpi sgt, %jit3A_52, %sign3A_64 : i32
    %sign3A_66 = arith.extui %sign3A_65 : i1 to i32
    %sign3A_67 = arith.constant 0 : i32
    %sign3A_68 = arith.cmpi slt, %jit3A_52, %sign3A_67 : i32
    %sign3A_69 = arith.extui %sign3A_68 : i1 to i32
    %sign3A_70 = arith.subi %sign3A_66, %sign3A_69 : i32
    %ne3A_71 = vector.broadcast %sign3A_70 : i32 to vector<2048x128xi32>
    %ne3A_72 = arith.cmpi ne, %sign3A_63, %ne3A_71 : vector<2048x128xi32>
    %rem3A_73 = vector.broadcast %jit3A_52 : i32 to vector<2048x128xi32>
    %rem3A_74 = arith.remsi %iota3A, %rem3A_73 : vector<2048x128xi32>
    %ne3A_75 = arith.constant 0 : i32
    %ne3A_76 = vector.broadcast %ne3A_75 : i32 to vector<2048x128xi32>
    %ne3A_77 = arith.cmpi ne, %rem3A_74, %ne3A_76 : vector<2048x128xi32>
    %and3A_78 = arith.andi %ne3A_72, %ne3A_77 : vector<2048x128xi1>
    %sub3A_79 = arith.constant 1 : i32
    %sub3A_80 = vector.broadcast %sub3A_79 : i32 to vector<2048x128xi32>
    %sub3A_81 = arith.subi %div3A_54, %sub3A_80 : vector<2048x128xi32>
    %select_n3A_82 = arith.select %and3A_78, %sub3A_81, %div3A_54 : vector<2048x128xi1>, vector<2048x128xi32>
    %eq3A_83 = arith.constant 1 : i32
    %eq3A_84 = vector.broadcast %eq3A_83 : i32 to vector<2048x128xi32>
    %eq3A_85 = arith.cmpi eq, %select_n3A_82, %eq3A_84 : vector<2048x128xi32>
    %slice3A_86 = vector.extract_strided_slice %div3A_17 {offsets = [1, 0], sizes = [1, 128], strides = [1, 1]} : vector<16x128xf32> to vector<1x128xf32>
    %jit3A_87 = arith.constant 0.000000e+00 : f32
    %broadcast_in_dim3A_88 = vector.shape_cast %slice3A_86 : vector<1x128xf32> to vector<1x128xf32>
    %broadcast_in_dim3A_89 = vector.broadcast %broadcast_in_dim3A_88 : vector<1x128xf32> to vector<2048x128xf32>
    %broadcast_in_dim3A_90 = vector.broadcast %jit3A_87 : f32 to vector<2048x128xf32>
    %select_n3A_91 = arith.select %eq3A_85, %broadcast_in_dim3A_89, %broadcast_in_dim3A_90 : vector<2048x128xi1>, vector<2048x128xf32>
    %add3A_92 = arith.addf %add3A_51, %select_n3A_91 : vector<2048x128xf32>
    %jit3A_93 = arith.constant 128 : i32
    %div3A_94 = vector.broadcast %jit3A_93 : i32 to vector<2048x128xi32>
    %div3A_95 = arith.divsi %iota3A, %div3A_94 : vector<2048x128xi32>
    %sign3A_96 = arith.constant 0 : i32
    %sign3A_97 = vector.broadcast %sign3A_96 : i32 to vector<2048x128xi32>
    %sign3A_98 = arith.cmpi sgt, %iota3A, %sign3A_97 : vector<2048x128xi32>
    %sign3A_99 = arith.extui %sign3A_98 : vector<2048x128xi1> to vector<2048x128xi32>
    %sign3A_100 = arith.constant 0 : i32
    %sign3A_101 = vector.broadcast %sign3A_100 : i32 to vector<2048x128xi32>
    %sign3A_102 = arith.cmpi slt, %iota3A, %sign3A_101 : vector<2048x128xi32>
    %sign3A_103 = arith.extui %sign3A_102 : vector<2048x128xi1> to vector<2048x128xi32>
    %sign3A_104 = arith.subi %sign3A_99, %sign3A_103 : vector<2048x128xi32>
    %sign3A_105 = arith.constant 0 : i32
    %sign3A_106 = arith.cmpi sgt, %jit3A_93, %sign3A_105 : i32
    %sign3A_107 = arith.extui %sign3A_106 : i1 to i32
    %sign3A_108 = arith.constant 0 : i32
    %sign3A_109 = arith.cmpi slt, %jit3A_93, %sign3A_108 : i32
    %sign3A_110 = arith.extui %sign3A_109 : i1 to i32
    %sign3A_111 = arith.subi %sign3A_107, %sign3A_110 : i32
    %ne3A_112 = vector.broadcast %sign3A_111 : i32 to vector<2048x128xi32>
    %ne3A_113 = arith.cmpi ne, %sign3A_104, %ne3A_112 : vector<2048x128xi32>
    %rem3A_114 = vector.broadcast %jit3A_93 : i32 to vector<2048x128xi32>
    %rem3A_115 = arith.remsi %iota3A, %rem3A_114 : vector<2048x128xi32>
    %ne3A_116 = arith.constant 0 : i32
    %ne3A_117 = vector.broadcast %ne3A_116 : i32 to vector<2048x128xi32>
    %ne3A_118 = arith.cmpi ne, %rem3A_115, %ne3A_117 : vector<2048x128xi32>
    %and3A_119 = arith.andi %ne3A_113, %ne3A_118 : vector<2048x128xi1>
    %sub3A_120 = arith.constant 1 : i32
    %sub3A_121 = vector.broadcast %sub3A_120 : i32 to vector<2048x128xi32>
    %sub3A_122 = arith.subi %div3A_95, %sub3A_121 : vector<2048x128xi32>
    %select_n3A_123 = arith.select %and3A_119, %sub3A_122, %div3A_95 : vector<2048x128xi1>, vector<2048x128xi32>
    %eq3A_124 = arith.constant 2 : i32
    %eq3A_125 = vector.broadcast %eq3A_124 : i32 to vector<2048x128xi32>
    %eq3A_126 = arith.cmpi eq, %select_n3A_123, %eq3A_125 : vector<2048x128xi32>
    %slice3A_127 = vector.extract_strided_slice %div3A_17 {offsets = [2, 0], sizes = [1, 128], strides = [1, 1]} : vector<16x128xf32> to vector<1x128xf32>
    %jit3A_128 = arith.constant 0.000000e+00 : f32
    %broadcast_in_dim3A_129 = vector.shape_cast %slice3A_127 : vector<1x128xf32> to vector<1x128xf32>
    %broadcast_in_dim3A_130 = vector.broadcast %broadcast_in_dim3A_129 : vector<1x128xf32> to vector<2048x128xf32>
    %broadcast_in_dim3A_131 = vector.broadcast %jit3A_128 : f32 to vector<2048x128xf32>
    %select_n3A_132 = arith.select %eq3A_126, %broadcast_in_dim3A_130, %broadcast_in_dim3A_131 : vector<2048x128xi1>, vector<2048x128xf32>
    %add3A_133 = arith.addf %add3A_92, %select_n3A_132 : vector<2048x128xf32>
    %jit3A_134 = arith.constant 128 : i32
    %div3A_135 = vector.broadcast %jit3A_134 : i32 to vector<2048x128xi32>
    %div3A_136 = arith.divsi %iota3A, %div3A_135 : vector<2048x128xi32>
    %sign3A_137 = arith.constant 0 : i32
    %sign3A_138 = vector.broadcast %sign3A_137 : i32 to vector<2048x128xi32>
    %sign3A_139 = arith.cmpi sgt, %iota3A, %sign3A_138 : vector<2048x128xi32>
    %sign3A_140 = arith.extui %sign3A_139 : vector<2048x128xi1> to vector<2048x128xi32>
    %sign3A_141 = arith.constant 0 : i32
    %sign3A_142 = vector.broadcast %sign3A_141 : i32 to vector<2048x128xi32>
    %sign3A_143 = arith.cmpi slt, %iota3A, %sign3A_142 : vector<2048x128xi32>
    %sign3A_144 = arith.extui %sign3A_143 : vector<2048x128xi1> to vector<2048x128xi32>
    %sign3A_145 = arith.subi %sign3A_140, %sign3A_144 : vector<2048x128xi32>
    %sign3A_146 = arith.constant 0 : i32
    %sign3A_147 = arith.cmpi sgt, %jit3A_134, %sign3A_146 : i32
    %sign3A_148 = arith.extui %sign3A_147 : i1 to i32
    %sign3A_149 = arith.constant 0 : i32
    %sign3A_150 = arith.cmpi slt, %jit3A_134, %sign3A_149 : i32
    %sign3A_151 = arith.extui %sign3A_150 : i1 to i32
    %sign3A_152 = arith.subi %sign3A_148, %sign3A_151 : i32
    %ne3A_153 = vector.broadcast %sign3A_152 : i32 to vector<2048x128xi32>
    %ne3A_154 = arith.cmpi ne, %sign3A_145, %ne3A_153 : vector<2048x128xi32>
    %rem3A_155 = vector.broadcast %jit3A_134 : i32 to vector<2048x128xi32>
    %rem3A_156 = arith.remsi %iota3A, %rem3A_155 : vector<2048x128xi32>
    %ne3A_157 = arith.constant 0 : i32
    %ne3A_158 = vector.broadcast %ne3A_157 : i32 to vector<2048x128xi32>
    %ne3A_159 = arith.cmpi ne, %rem3A_156, %ne3A_158 : vector<2048x128xi32>
    %and3A_160 = arith.andi %ne3A_154, %ne3A_159 : vector<2048x128xi1>
    %sub3A_161 = arith.constant 1 : i32
    %sub3A_162 = vector.broadcast %sub3A_161 : i32 to vector<2048x128xi32>
    %sub3A_163 = arith.subi %div3A_136, %sub3A_162 : vector<2048x128xi32>
    %select_n3A_164 = arith.select %and3A_160, %sub3A_163, %div3A_136 : vector<2048x128xi1>, vector<2048x128xi32>
    %eq3A_165 = arith.constant 3 : i32
    %eq3A_166 = vector.broadcast %eq3A_165 : i32 to vector<2048x128xi32>
    %eq3A_167 = arith.cmpi eq, %select_n3A_164, %eq3A_166 : vector<2048x128xi32>
    %slice3A_168 = vector.extract_strided_slice %div3A_17 {offsets = [3, 0], sizes = [1, 128], strides = [1, 1]} : vector<16x128xf32> to vector<1x128xf32>
    %jit3A_169 = arith.constant 0.000000e+00 : f32
    %broadcast_in_dim3A_170 = vector.shape_cast %slice3A_168 : vector<1x128xf32> to vector<1x128xf32>
    %broadcast_in_dim3A_171 = vector.broadcast %broadcast_in_dim3A_170 : vector<1x128xf32> to vector<2048x128xf32>
    %broadcast_in_dim3A_172 = vector.broadcast %jit3A_169 : f32 to vector<2048x128xf32>
    %select_n3A_173 = arith.select %eq3A_167, %broadcast_in_dim3A_171, %broadcast_in_dim3A_172 : vector<2048x128xi1>, vector<2048x128xf32>
    %add3A_174 = arith.addf %add3A_133, %select_n3A_173 : vector<2048x128xf32>
    %jit3A_175 = arith.constant 128 : i32
    %div3A_176 = vector.broadcast %jit3A_175 : i32 to vector<2048x128xi32>
    %div3A_177 = arith.divsi %iota3A, %div3A_176 : vector<2048x128xi32>
    %sign3A_178 = arith.constant 0 : i32
    %sign3A_179 = vector.broadcast %sign3A_178 : i32 to vector<2048x128xi32>
    %sign3A_180 = arith.cmpi sgt, %iota3A, %sign3A_179 : vector<2048x128xi32>
    %sign3A_181 = arith.extui %sign3A_180 : vector<2048x128xi1> to vector<2048x128xi32>
    %sign3A_182 = arith.constant 0 : i32
    %sign3A_183 = vector.broadcast %sign3A_182 : i32 to vector<2048x128xi32>
    %sign3A_184 = arith.cmpi slt, %iota3A, %sign3A_183 : vector<2048x128xi32>
    %sign3A_185 = arith.extui %sign3A_184 : vector<2048x128xi1> to vector<2048x128xi32>
    %sign3A_186 = arith.subi %sign3A_181, %sign3A_185 : vector<2048x128xi32>
    %sign3A_187 = arith.constant 0 : i32
    %sign3A_188 = arith.cmpi sgt, %jit3A_175, %sign3A_187 : i32
    %sign3A_189 = arith.extui %sign3A_188 : i1 to i32
    %sign3A_190 = arith.constant 0 : i32
    %sign3A_191 = arith.cmpi slt, %jit3A_175, %sign3A_190 : i32
    %sign3A_192 = arith.extui %sign3A_191 : i1 to i32
    %sign3A_193 = arith.subi %sign3A_189, %sign3A_192 : i32
    %ne3A_194 = vector.broadcast %sign3A_193 : i32 to vector<2048x128xi32>
    %ne3A_195 = arith.cmpi ne, %sign3A_186, %ne3A_194 : vector<2048x128xi32>
    %rem3A_196 = vector.broadcast %jit3A_175 : i32 to vector<2048x128xi32>
    %rem3A_197 = arith.remsi %iota3A, %rem3A_196 : vector<2048x128xi32>
    %ne3A_198 = arith.constant 0 : i32
    %ne3A_199 = vector.broadcast %ne3A_198 : i32 to vector<2048x128xi32>
    %ne3A_200 = arith.cmpi ne, %rem3A_197, %ne3A_199 : vector<2048x128xi32>
    %and3A_201 = arith.andi %ne3A_195, %ne3A_200 : vector<2048x128xi1>
    %sub3A_202 = arith.constant 1 : i32
    %sub3A_203 = vector.broadcast %sub3A_202 : i32 to vector<2048x128xi32>
    %sub3A_204 = arith.subi %div3A_177, %sub3A_203 : vector<2048x128xi32>
    %select_n3A_205 = arith.select %and3A_201, %sub3A_204, %div3A_177 : vector<2048x128xi1>, vector<2048x128xi32>
    %eq3A_206 = arith.constant 4 : i32
    %eq3A_207 = vector.broadcast %eq3A_206 : i32 to vector<2048x128xi32>
    %eq3A_208 = arith.cmpi eq, %select_n3A_205, %eq3A_207 : vector<2048x128xi32>
    %slice3A_209 = vector.extract_strided_slice %div3A_17 {offsets = [4, 0], sizes = [1, 128], strides = [1, 1]} : vector<16x128xf32> to vector<1x128xf32>
    %jit3A_210 = arith.constant 0.000000e+00 : f32
    %broadcast_in_dim3A_211 = vector.shape_cast %slice3A_209 : vector<1x128xf32> to vector<1x128xf32>
    %broadcast_in_dim3A_212 = vector.broadcast %broadcast_in_dim3A_211 : vector<1x128xf32> to vector<2048x128xf32>
    %broadcast_in_dim3A_213 = vector.broadcast %jit3A_210 : f32 to vector<2048x128xf32>
    %select_n3A_214 = arith.select %eq3A_208, %broadcast_in_dim3A_212, %broadcast_in_dim3A_213 : vector<2048x128xi1>, vector<2048x128xf32>
    %add3A_215 = arith.addf %add3A_174, %select_n3A_214 : vector<2048x128xf32>
    %jit3A_216 = arith.constant 128 : i32
    %div3A_217 = vector.broadcast %jit3A_216 : i32 to vector<2048x128xi32>
    %div3A_218 = arith.divsi %iota3A, %div3A_217 : vector<2048x128xi32>
    %sign3A_219 = arith.constant 0 : i32
    %sign3A_220 = vector.broadcast %sign3A_219 : i32 to vector<2048x128xi32>
    %sign3A_221 = arith.cmpi sgt, %iota3A, %sign3A_220 : vector<2048x128xi32>
    %sign3A_222 = arith.extui %sign3A_221 : vector<2048x128xi1> to vector<2048x128xi32>
    %sign3A_223 = arith.constant 0 : i32
    %sign3A_224 = vector.broadcast %sign3A_223 : i32 to vector<2048x128xi32>
    %sign3A_225 = arith.cmpi slt, %iota3A, %sign3A_224 : vector<2048x128xi32>
    %sign3A_226 = arith.extui %sign3A_225 : vector<2048x128xi1> to vector<2048x128xi32>
    %sign3A_227 = arith.subi %sign3A_222, %sign3A_226 : vector<2048x128xi32>
    %sign3A_228 = arith.constant 0 : i32
    %sign3A_229 = arith.cmpi sgt, %jit3A_216, %sign3A_228 : i32
    %sign3A_230 = arith.extui %sign3A_229 : i1 to i32
    %sign3A_231 = arith.constant 0 : i32
    %sign3A_232 = arith.cmpi slt, %jit3A_216, %sign3A_231 : i32
    %sign3A_233 = arith.extui %sign3A_232 : i1 to i32
    %sign3A_234 = arith.subi %sign3A_230, %sign3A_233 : i32
    %ne3A_235 = vector.broadcast %sign3A_234 : i32 to vector<2048x128xi32>
    %ne3A_236 = arith.cmpi ne, %sign3A_227, %ne3A_235 : vector<2048x128xi32>
    %rem3A_237 = vector.broadcast %jit3A_216 : i32 to vector<2048x128xi32>
    %rem3A_238 = arith.remsi %iota3A, %rem3A_237 : vector<2048x128xi32>
    %ne3A_239 = arith.constant 0 : i32
    %ne3A_240 = vector.broadcast %ne3A_239 : i32 to vector<2048x128xi32>
    %ne3A_241 = arith.cmpi ne, %rem3A_238, %ne3A_240 : vector<2048x128xi32>
    %and3A_242 = arith.andi %ne3A_236, %ne3A_241 : vector<2048x128xi1>
    %sub3A_243 = arith.constant 1 : i32
    %sub3A_244 = vector.broadcast %sub3A_243 : i32 to vector<2048x128xi32>
    %sub3A_245 = arith.subi %div3A_218, %sub3A_244 : vector<2048x128xi32>
    %select_n3A_246 = arith.select %and3A_242, %sub3A_245, %div3A_218 : vector<2048x128xi1>, vector<2048x128xi32>
    %eq3A_247 = arith.constant 5 : i32
    %eq3A_248 = vector.broadcast %eq3A_247 : i32 to vector<2048x128xi32>
    %eq3A_249 = arith.cmpi eq, %select_n3A_246, %eq3A_248 : vector<2048x128xi32>
    %slice3A_250 = vector.extract_strided_slice %div3A_17 {offsets = [5, 0], sizes = [1, 128], strides = [1, 1]} : vector<16x128xf32> to vector<1x128xf32>
    %jit3A_251 = arith.constant 0.000000e+00 : f32
    %broadcast_in_dim3A_252 = vector.shape_cast %slice3A_250 : vector<1x128xf32> to vector<1x128xf32>
    %broadcast_in_dim3A_253 = vector.broadcast %broadcast_in_dim3A_252 : vector<1x128xf32> to vector<2048x128xf32>
    %broadcast_in_dim3A_254 = vector.broadcast %jit3A_251 : f32 to vector<2048x128xf32>
    %select_n3A_255 = arith.select %eq3A_249, %broadcast_in_dim3A_253, %broadcast_in_dim3A_254 : vector<2048x128xi1>, vector<2048x128xf32>
    %add3A_256 = arith.addf %add3A_215, %select_n3A_255 : vector<2048x128xf32>
    %jit3A_257 = arith.constant 128 : i32
    %div3A_258 = vector.broadcast %jit3A_257 : i32 to vector<2048x128xi32>
    %div3A_259 = arith.divsi %iota3A, %div3A_258 : vector<2048x128xi32>
    %sign3A_260 = arith.constant 0 : i32
    %sign3A_261 = vector.broadcast %sign3A_260 : i32 to vector<2048x128xi32>
    %sign3A_262 = arith.cmpi sgt, %iota3A, %sign3A_261 : vector<2048x128xi32>
    %sign3A_263 = arith.extui %sign3A_262 : vector<2048x128xi1> to vector<2048x128xi32>
    %sign3A_264 = arith.constant 0 : i32
    %sign3A_265 = vector.broadcast %sign3A_264 : i32 to vector<2048x128xi32>
    %sign3A_266 = arith.cmpi slt, %iota3A, %sign3A_265 : vector<2048x128xi32>
    %sign3A_267 = arith.extui %sign3A_266 : vector<2048x128xi1> to vector<2048x128xi32>
    %sign3A_268 = arith.subi %sign3A_263, %sign3A_267 : vector<2048x128xi32>
    %sign3A_269 = arith.constant 0 : i32
    %sign3A_270 = arith.cmpi sgt, %jit3A_257, %sign3A_269 : i32
    %sign3A_271 = arith.extui %sign3A_270 : i1 to i32
    %sign3A_272 = arith.constant 0 : i32
    %sign3A_273 = arith.cmpi slt, %jit3A_257, %sign3A_272 : i32
    %sign3A_274 = arith.extui %sign3A_273 : i1 to i32
    %sign3A_275 = arith.subi %sign3A_271, %sign3A_274 : i32
    %ne3A_276 = vector.broadcast %sign3A_275 : i32 to vector<2048x128xi32>
    %ne3A_277 = arith.cmpi ne, %sign3A_268, %ne3A_276 : vector<2048x128xi32>
    %rem3A_278 = vector.broadcast %jit3A_257 : i32 to vector<2048x128xi32>
    %rem3A_279 = arith.remsi %iota3A, %rem3A_278 : vector<2048x128xi32>
    %ne3A_280 = arith.constant 0 : i32
    %ne3A_281 = vector.broadcast %ne3A_280 : i32 to vector<2048x128xi32>
    %ne3A_282 = arith.cmpi ne, %rem3A_279, %ne3A_281 : vector<2048x128xi32>
    %and3A_283 = arith.andi %ne3A_277, %ne3A_282 : vector<2048x128xi1>
    %sub3A_284 = arith.constant 1 : i32
    %sub3A_285 = vector.broadcast %sub3A_284 : i32 to vector<2048x128xi32>
    %sub3A_286 = arith.subi %div3A_259, %sub3A_285 : vector<2048x128xi32>
    %select_n3A_287 = arith.select %and3A_283, %sub3A_286, %div3A_259 : vector<2048x128xi1>, vector<2048x128xi32>
    %eq3A_288 = arith.constant 6 : i32
    %eq3A_289 = vector.broadcast %eq3A_288 : i32 to vector<2048x128xi32>
    %eq3A_290 = arith.cmpi eq, %select_n3A_287, %eq3A_289 : vector<2048x128xi32>
    %slice3A_291 = vector.extract_strided_slice %div3A_17 {offsets = [6, 0], sizes = [1, 128], strides = [1, 1]} : vector<16x128xf32> to vector<1x128xf32>
    %jit3A_292 = arith.constant 0.000000e+00 : f32
    %broadcast_in_dim3A_293 = vector.shape_cast %slice3A_291 : vector<1x128xf32> to vector<1x128xf32>
    %broadcast_in_dim3A_294 = vector.broadcast %broadcast_in_dim3A_293 : vector<1x128xf32> to vector<2048x128xf32>
    %broadcast_in_dim3A_295 = vector.broadcast %jit3A_292 : f32 to vector<2048x128xf32>
    %select_n3A_296 = arith.select %eq3A_290, %broadcast_in_dim3A_294, %broadcast_in_dim3A_295 : vector<2048x128xi1>, vector<2048x128xf32>
    %add3A_297 = arith.addf %add3A_256, %select_n3A_296 : vector<2048x128xf32>
    %jit3A_298 = arith.constant 128 : i32
    %div3A_299 = vector.broadcast %jit3A_298 : i32 to vector<2048x128xi32>
    %div3A_300 = arith.divsi %iota3A, %div3A_299 : vector<2048x128xi32>
    %sign3A_301 = arith.constant 0 : i32
    %sign3A_302 = vector.broadcast %sign3A_301 : i32 to vector<2048x128xi32>
    %sign3A_303 = arith.cmpi sgt, %iota3A, %sign3A_302 : vector<2048x128xi32>
    %sign3A_304 = arith.extui %sign3A_303 : vector<2048x128xi1> to vector<2048x128xi32>
    %sign3A_305 = arith.constant 0 : i32
    %sign3A_306 = vector.broadcast %sign3A_305 : i32 to vector<2048x128xi32>
    %sign3A_307 = arith.cmpi slt, %iota3A, %sign3A_306 : vector<2048x128xi32>
    %sign3A_308 = arith.extui %sign3A_307 : vector<2048x128xi1> to vector<2048x128xi32>
    %sign3A_309 = arith.subi %sign3A_304, %sign3A_308 : vector<2048x128xi32>
    %sign3A_310 = arith.constant 0 : i32
    %sign3A_311 = arith.cmpi sgt, %jit3A_298, %sign3A_310 : i32
    %sign3A_312 = arith.extui %sign3A_311 : i1 to i32
    %sign3A_313 = arith.constant 0 : i32
    %sign3A_314 = arith.cmpi slt, %jit3A_298, %sign3A_313 : i32
    %sign3A_315 = arith.extui %sign3A_314 : i1 to i32
    %sign3A_316 = arith.subi %sign3A_312, %sign3A_315 : i32
    %ne3A_317 = vector.broadcast %sign3A_316 : i32 to vector<2048x128xi32>
    %ne3A_318 = arith.cmpi ne, %sign3A_309, %ne3A_317 : vector<2048x128xi32>
    %rem3A_319 = vector.broadcast %jit3A_298 : i32 to vector<2048x128xi32>
    %rem3A_320 = arith.remsi %iota3A, %rem3A_319 : vector<2048x128xi32>
    %ne3A_321 = arith.constant 0 : i32
    %ne3A_322 = vector.broadcast %ne3A_321 : i32 to vector<2048x128xi32>
    %ne3A_323 = arith.cmpi ne, %rem3A_320, %ne3A_322 : vector<2048x128xi32>
    %and3A_324 = arith.andi %ne3A_318, %ne3A_323 : vector<2048x128xi1>
    %sub3A_325 = arith.constant 1 : i32
    %sub3A_326 = vector.broadcast %sub3A_325 : i32 to vector<2048x128xi32>
    %sub3A_327 = arith.subi %div3A_300, %sub3A_326 : vector<2048x128xi32>
    %select_n3A_328 = arith.select %and3A_324, %sub3A_327, %div3A_300 : vector<2048x128xi1>, vector<2048x128xi32>
    %eq3A_329 = arith.constant 7 : i32
    %eq3A_330 = vector.broadcast %eq3A_329 : i32 to vector<2048x128xi32>
    %eq3A_331 = arith.cmpi eq, %select_n3A_328, %eq3A_330 : vector<2048x128xi32>
    %slice3A_332 = vector.extract_strided_slice %div3A_17 {offsets = [7, 0], sizes = [1, 128], strides = [1, 1]} : vector<16x128xf32> to vector<1x128xf32>
    %jit3A_333 = arith.constant 0.000000e+00 : f32
    %broadcast_in_dim3A_334 = vector.shape_cast %slice3A_332 : vector<1x128xf32> to vector<1x128xf32>
    %broadcast_in_dim3A_335 = vector.broadcast %broadcast_in_dim3A_334 : vector<1x128xf32> to vector<2048x128xf32>
    %broadcast_in_dim3A_336 = vector.broadcast %jit3A_333 : f32 to vector<2048x128xf32>
    %select_n3A_337 = arith.select %eq3A_331, %broadcast_in_dim3A_335, %broadcast_in_dim3A_336 : vector<2048x128xi1>, vector<2048x128xf32>
    %add3A_338 = arith.addf %add3A_297, %select_n3A_337 : vector<2048x128xf32>
    %jit3A_339 = arith.constant 128 : i32
    %div3A_340 = vector.broadcast %jit3A_339 : i32 to vector<2048x128xi32>
    %div3A_341 = arith.divsi %iota3A, %div3A_340 : vector<2048x128xi32>
    %sign3A_342 = arith.constant 0 : i32
    %sign3A_343 = vector.broadcast %sign3A_342 : i32 to vector<2048x128xi32>
    %sign3A_344 = arith.cmpi sgt, %iota3A, %sign3A_343 : vector<2048x128xi32>
    %sign3A_345 = arith.extui %sign3A_344 : vector<2048x128xi1> to vector<2048x128xi32>
    %sign3A_346 = arith.constant 0 : i32
    %sign3A_347 = vector.broadcast %sign3A_346 : i32 to vector<2048x128xi32>
    %sign3A_348 = arith.cmpi slt, %iota3A, %sign3A_347 : vector<2048x128xi32>
    %sign3A_349 = arith.extui %sign3A_348 : vector<2048x128xi1> to vector<2048x128xi32>
    %sign3A_350 = arith.subi %sign3A_345, %sign3A_349 : vector<2048x128xi32>
    %sign3A_351 = arith.constant 0 : i32
    %sign3A_352 = arith.cmpi sgt, %jit3A_339, %sign3A_351 : i32
    %sign3A_353 = arith.extui %sign3A_352 : i1 to i32
    %sign3A_354 = arith.constant 0 : i32
    %sign3A_355 = arith.cmpi slt, %jit3A_339, %sign3A_354 : i32
    %sign3A_356 = arith.extui %sign3A_355 : i1 to i32
    %sign3A_357 = arith.subi %sign3A_353, %sign3A_356 : i32
    %ne3A_358 = vector.broadcast %sign3A_357 : i32 to vector<2048x128xi32>
    %ne3A_359 = arith.cmpi ne, %sign3A_350, %ne3A_358 : vector<2048x128xi32>
    %rem3A_360 = vector.broadcast %jit3A_339 : i32 to vector<2048x128xi32>
    %rem3A_361 = arith.remsi %iota3A, %rem3A_360 : vector<2048x128xi32>
    %ne3A_362 = arith.constant 0 : i32
    %ne3A_363 = vector.broadcast %ne3A_362 : i32 to vector<2048x128xi32>
    %ne3A_364 = arith.cmpi ne, %rem3A_361, %ne3A_363 : vector<2048x128xi32>
    %and3A_365 = arith.andi %ne3A_359, %ne3A_364 : vector<2048x128xi1>
    %sub3A_366 = arith.constant 1 : i32
    %sub3A_367 = vector.broadcast %sub3A_366 : i32 to vector<2048x128xi32>
    %sub3A_368 = arith.subi %div3A_341, %sub3A_367 : vector<2048x128xi32>
    %select_n3A_369 = arith.select %and3A_365, %sub3A_368, %div3A_341 : vector<2048x128xi1>, vector<2048x128xi32>
    %eq3A_370 = arith.constant 8 : i32
    %eq3A_371 = vector.broadcast %eq3A_370 : i32 to vector<2048x128xi32>
    %eq3A_372 = arith.cmpi eq, %select_n3A_369, %eq3A_371 : vector<2048x128xi32>
    %slice3A_373 = vector.extract_strided_slice %div3A_17 {offsets = [8, 0], sizes = [1, 128], strides = [1, 1]} : vector<16x128xf32> to vector<1x128xf32>
    %jit3A_374 = arith.constant 0.000000e+00 : f32
    %broadcast_in_dim3A_375 = vector.shape_cast %slice3A_373 : vector<1x128xf32> to vector<1x128xf32>
    %broadcast_in_dim3A_376 = vector.broadcast %broadcast_in_dim3A_375 : vector<1x128xf32> to vector<2048x128xf32>
    %broadcast_in_dim3A_377 = vector.broadcast %jit3A_374 : f32 to vector<2048x128xf32>
    %select_n3A_378 = arith.select %eq3A_372, %broadcast_in_dim3A_376, %broadcast_in_dim3A_377 : vector<2048x128xi1>, vector<2048x128xf32>
    %add3A_379 = arith.addf %add3A_338, %select_n3A_378 : vector<2048x128xf32>
    %jit3A_380 = arith.constant 128 : i32
    %div3A_381 = vector.broadcast %jit3A_380 : i32 to vector<2048x128xi32>
    %div3A_382 = arith.divsi %iota3A, %div3A_381 : vector<2048x128xi32>
    %sign3A_383 = arith.constant 0 : i32
    %sign3A_384 = vector.broadcast %sign3A_383 : i32 to vector<2048x128xi32>
    %sign3A_385 = arith.cmpi sgt, %iota3A, %sign3A_384 : vector<2048x128xi32>
    %sign3A_386 = arith.extui %sign3A_385 : vector<2048x128xi1> to vector<2048x128xi32>
    %sign3A_387 = arith.constant 0 : i32
    %sign3A_388 = vector.broadcast %sign3A_387 : i32 to vector<2048x128xi32>
    %sign3A_389 = arith.cmpi slt, %iota3A, %sign3A_388 : vector<2048x128xi32>
    %sign3A_390 = arith.extui %sign3A_389 : vector<2048x128xi1> to vector<2048x128xi32>
    %sign3A_391 = arith.subi %sign3A_386, %sign3A_390 : vector<2048x128xi32>
    %sign3A_392 = arith.constant 0 : i32
    %sign3A_393 = arith.cmpi sgt, %jit3A_380, %sign3A_392 : i32
    %sign3A_394 = arith.extui %sign3A_393 : i1 to i32
    %sign3A_395 = arith.constant 0 : i32
    %sign3A_396 = arith.cmpi slt, %jit3A_380, %sign3A_395 : i32
    %sign3A_397 = arith.extui %sign3A_396 : i1 to i32
    %sign3A_398 = arith.subi %sign3A_394, %sign3A_397 : i32
    %ne3A_399 = vector.broadcast %sign3A_398 : i32 to vector<2048x128xi32>
    %ne3A_400 = arith.cmpi ne, %sign3A_391, %ne3A_399 : vector<2048x128xi32>
    %rem3A_401 = vector.broadcast %jit3A_380 : i32 to vector<2048x128xi32>
    %rem3A_402 = arith.remsi %iota3A, %rem3A_401 : vector<2048x128xi32>
    %ne3A_403 = arith.constant 0 : i32
    %ne3A_404 = vector.broadcast %ne3A_403 : i32 to vector<2048x128xi32>
    %ne3A_405 = arith.cmpi ne, %rem3A_402, %ne3A_404 : vector<2048x128xi32>
    %and3A_406 = arith.andi %ne3A_400, %ne3A_405 : vector<2048x128xi1>
    %sub3A_407 = arith.constant 1 : i32
    %sub3A_408 = vector.broadcast %sub3A_407 : i32 to vector<2048x128xi32>
    %sub3A_409 = arith.subi %div3A_382, %sub3A_408 : vector<2048x128xi32>
    %select_n3A_410 = arith.select %and3A_406, %sub3A_409, %div3A_382 : vector<2048x128xi1>, vector<2048x128xi32>
    %eq3A_411 = arith.constant 9 : i32
    %eq3A_412 = vector.broadcast %eq3A_411 : i32 to vector<2048x128xi32>
    %eq3A_413 = arith.cmpi eq, %select_n3A_410, %eq3A_412 : vector<2048x128xi32>
    %slice3A_414 = vector.extract_strided_slice %div3A_17 {offsets = [9, 0], sizes = [1, 128], strides = [1, 1]} : vector<16x128xf32> to vector<1x128xf32>
    %jit3A_415 = arith.constant 0.000000e+00 : f32
    %broadcast_in_dim3A_416 = vector.shape_cast %slice3A_414 : vector<1x128xf32> to vector<1x128xf32>
    %broadcast_in_dim3A_417 = vector.broadcast %broadcast_in_dim3A_416 : vector<1x128xf32> to vector<2048x128xf32>
    %broadcast_in_dim3A_418 = vector.broadcast %jit3A_415 : f32 to vector<2048x128xf32>
    %select_n3A_419 = arith.select %eq3A_413, %broadcast_in_dim3A_417, %broadcast_in_dim3A_418 : vector<2048x128xi1>, vector<2048x128xf32>
    %add3A_420 = arith.addf %add3A_379, %select_n3A_419 : vector<2048x128xf32>
    %jit3A_421 = arith.constant 128 : i32
    %div3A_422 = vector.broadcast %jit3A_421 : i32 to vector<2048x128xi32>
    %div3A_423 = arith.divsi %iota3A, %div3A_422 : vector<2048x128xi32>
    %sign3A_424 = arith.constant 0 : i32
    %sign3A_425 = vector.broadcast %sign3A_424 : i32 to vector<2048x128xi32>
    %sign3A_426 = arith.cmpi sgt, %iota3A, %sign3A_425 : vector<2048x128xi32>
    %sign3A_427 = arith.extui %sign3A_426 : vector<2048x128xi1> to vector<2048x128xi32>
    %sign3A_428 = arith.constant 0 : i32
    %sign3A_429 = vector.broadcast %sign3A_428 : i32 to vector<2048x128xi32>
    %sign3A_430 = arith.cmpi slt, %iota3A, %sign3A_429 : vector<2048x128xi32>
    %sign3A_431 = arith.extui %sign3A_430 : vector<2048x128xi1> to vector<2048x128xi32>
    %sign3A_432 = arith.subi %sign3A_427, %sign3A_431 : vector<2048x128xi32>
    %sign3A_433 = arith.constant 0 : i32
    %sign3A_434 = arith.cmpi sgt, %jit3A_421, %sign3A_433 : i32
    %sign3A_435 = arith.extui %sign3A_434 : i1 to i32
    %sign3A_436 = arith.constant 0 : i32
    %sign3A_437 = arith.cmpi slt, %jit3A_421, %sign3A_436 : i32
    %sign3A_438 = arith.extui %sign3A_437 : i1 to i32
    %sign3A_439 = arith.subi %sign3A_435, %sign3A_438 : i32
    %ne3A_440 = vector.broadcast %sign3A_439 : i32 to vector<2048x128xi32>
    %ne3A_441 = arith.cmpi ne, %sign3A_432, %ne3A_440 : vector<2048x128xi32>
    %rem3A_442 = vector.broadcast %jit3A_421 : i32 to vector<2048x128xi32>
    %rem3A_443 = arith.remsi %iota3A, %rem3A_442 : vector<2048x128xi32>
    %ne3A_444 = arith.constant 0 : i32
    %ne3A_445 = vector.broadcast %ne3A_444 : i32 to vector<2048x128xi32>
    %ne3A_446 = arith.cmpi ne, %rem3A_443, %ne3A_445 : vector<2048x128xi32>
    %and3A_447 = arith.andi %ne3A_441, %ne3A_446 : vector<2048x128xi1>
    %sub3A_448 = arith.constant 1 : i32
    %sub3A_449 = vector.broadcast %sub3A_448 : i32 to vector<2048x128xi32>
    %sub3A_450 = arith.subi %div3A_423, %sub3A_449 : vector<2048x128xi32>
    %select_n3A_451 = arith.select %and3A_447, %sub3A_450, %div3A_423 : vector<2048x128xi1>, vector<2048x128xi32>
    %eq3A_452 = arith.constant 10 : i32
    %eq3A_453 = vector.broadcast %eq3A_452 : i32 to vector<2048x128xi32>
    %eq3A_454 = arith.cmpi eq, %select_n3A_451, %eq3A_453 : vector<2048x128xi32>
    %slice3A_455 = vector.extract_strided_slice %div3A_17 {offsets = [10, 0], sizes = [1, 128], strides = [1, 1]} : vector<16x128xf32> to vector<1x128xf32>
    %jit3A_456 = arith.constant 0.000000e+00 : f32
    %broadcast_in_dim3A_457 = vector.shape_cast %slice3A_455 : vector<1x128xf32> to vector<1x128xf32>
    %broadcast_in_dim3A_458 = vector.broadcast %broadcast_in_dim3A_457 : vector<1x128xf32> to vector<2048x128xf32>
    %broadcast_in_dim3A_459 = vector.broadcast %jit3A_456 : f32 to vector<2048x128xf32>
    %select_n3A_460 = arith.select %eq3A_454, %broadcast_in_dim3A_458, %broadcast_in_dim3A_459 : vector<2048x128xi1>, vector<2048x128xf32>
    %add3A_461 = arith.addf %add3A_420, %select_n3A_460 : vector<2048x128xf32>
    %jit3A_462 = arith.constant 128 : i32
    %div3A_463 = vector.broadcast %jit3A_462 : i32 to vector<2048x128xi32>
    %div3A_464 = arith.divsi %iota3A, %div3A_463 : vector<2048x128xi32>
    %sign3A_465 = arith.constant 0 : i32
    %sign3A_466 = vector.broadcast %sign3A_465 : i32 to vector<2048x128xi32>
    %sign3A_467 = arith.cmpi sgt, %iota3A, %sign3A_466 : vector<2048x128xi32>
    %sign3A_468 = arith.extui %sign3A_467 : vector<2048x128xi1> to vector<2048x128xi32>
    %sign3A_469 = arith.constant 0 : i32
    %sign3A_470 = vector.broadcast %sign3A_469 : i32 to vector<2048x128xi32>
    %sign3A_471 = arith.cmpi slt, %iota3A, %sign3A_470 : vector<2048x128xi32>
    %sign3A_472 = arith.extui %sign3A_471 : vector<2048x128xi1> to vector<2048x128xi32>
    %sign3A_473 = arith.subi %sign3A_468, %sign3A_472 : vector<2048x128xi32>
    %sign3A_474 = arith.constant 0 : i32
    %sign3A_475 = arith.cmpi sgt, %jit3A_462, %sign3A_474 : i32
    %sign3A_476 = arith.extui %sign3A_475 : i1 to i32
    %sign3A_477 = arith.constant 0 : i32
    %sign3A_478 = arith.cmpi slt, %jit3A_462, %sign3A_477 : i32
    %sign3A_479 = arith.extui %sign3A_478 : i1 to i32
    %sign3A_480 = arith.subi %sign3A_476, %sign3A_479 : i32
    %ne3A_481 = vector.broadcast %sign3A_480 : i32 to vector<2048x128xi32>
    %ne3A_482 = arith.cmpi ne, %sign3A_473, %ne3A_481 : vector<2048x128xi32>
    %rem3A_483 = vector.broadcast %jit3A_462 : i32 to vector<2048x128xi32>
    %rem3A_484 = arith.remsi %iota3A, %rem3A_483 : vector<2048x128xi32>
    %ne3A_485 = arith.constant 0 : i32
    %ne3A_486 = vector.broadcast %ne3A_485 : i32 to vector<2048x128xi32>
    %ne3A_487 = arith.cmpi ne, %rem3A_484, %ne3A_486 : vector<2048x128xi32>
    %and3A_488 = arith.andi %ne3A_482, %ne3A_487 : vector<2048x128xi1>
    %sub3A_489 = arith.constant 1 : i32
    %sub3A_490 = vector.broadcast %sub3A_489 : i32 to vector<2048x128xi32>
    %sub3A_491 = arith.subi %div3A_464, %sub3A_490 : vector<2048x128xi32>
    %select_n3A_492 = arith.select %and3A_488, %sub3A_491, %div3A_464 : vector<2048x128xi1>, vector<2048x128xi32>
    %eq3A_493 = arith.constant 11 : i32
    %eq3A_494 = vector.broadcast %eq3A_493 : i32 to vector<2048x128xi32>
    %eq3A_495 = arith.cmpi eq, %select_n3A_492, %eq3A_494 : vector<2048x128xi32>
    %slice3A_496 = vector.extract_strided_slice %div3A_17 {offsets = [11, 0], sizes = [1, 128], strides = [1, 1]} : vector<16x128xf32> to vector<1x128xf32>
    %jit3A_497 = arith.constant 0.000000e+00 : f32
    %broadcast_in_dim3A_498 = vector.shape_cast %slice3A_496 : vector<1x128xf32> to vector<1x128xf32>
    %broadcast_in_dim3A_499 = vector.broadcast %broadcast_in_dim3A_498 : vector<1x128xf32> to vector<2048x128xf32>
    %broadcast_in_dim3A_500 = vector.broadcast %jit3A_497 : f32 to vector<2048x128xf32>
    %select_n3A_501 = arith.select %eq3A_495, %broadcast_in_dim3A_499, %broadcast_in_dim3A_500 : vector<2048x128xi1>, vector<2048x128xf32>
    %add3A_502 = arith.addf %add3A_461, %select_n3A_501 : vector<2048x128xf32>
    %jit3A_503 = arith.constant 128 : i32
    %div3A_504 = vector.broadcast %jit3A_503 : i32 to vector<2048x128xi32>
    %div3A_505 = arith.divsi %iota3A, %div3A_504 : vector<2048x128xi32>
    %sign3A_506 = arith.constant 0 : i32
    %sign3A_507 = vector.broadcast %sign3A_506 : i32 to vector<2048x128xi32>
    %sign3A_508 = arith.cmpi sgt, %iota3A, %sign3A_507 : vector<2048x128xi32>
    %sign3A_509 = arith.extui %sign3A_508 : vector<2048x128xi1> to vector<2048x128xi32>
    %sign3A_510 = arith.constant 0 : i32
    %sign3A_511 = vector.broadcast %sign3A_510 : i32 to vector<2048x128xi32>
    %sign3A_512 = arith.cmpi slt, %iota3A, %sign3A_511 : vector<2048x128xi32>
    %sign3A_513 = arith.extui %sign3A_512 : vector<2048x128xi1> to vector<2048x128xi32>
    %sign3A_514 = arith.subi %sign3A_509, %sign3A_513 : vector<2048x128xi32>
    %sign3A_515 = arith.constant 0 : i32
    %sign3A_516 = arith.cmpi sgt, %jit3A_503, %sign3A_515 : i32
    %sign3A_517 = arith.extui %sign3A_516 : i1 to i32
    %sign3A_518 = arith.constant 0 : i32
    %sign3A_519 = arith.cmpi slt, %jit3A_503, %sign3A_518 : i32
    %sign3A_520 = arith.extui %sign3A_519 : i1 to i32
    %sign3A_521 = arith.subi %sign3A_517, %sign3A_520 : i32
    %ne3A_522 = vector.broadcast %sign3A_521 : i32 to vector<2048x128xi32>
    %ne3A_523 = arith.cmpi ne, %sign3A_514, %ne3A_522 : vector<2048x128xi32>
    %rem3A_524 = vector.broadcast %jit3A_503 : i32 to vector<2048x128xi32>
    %rem3A_525 = arith.remsi %iota3A, %rem3A_524 : vector<2048x128xi32>
    %ne3A_526 = arith.constant 0 : i32
    %ne3A_527 = vector.broadcast %ne3A_526 : i32 to vector<2048x128xi32>
    %ne3A_528 = arith.cmpi ne, %rem3A_525, %ne3A_527 : vector<2048x128xi32>
    %and3A_529 = arith.andi %ne3A_523, %ne3A_528 : vector<2048x128xi1>
    %sub3A_530 = arith.constant 1 : i32
    %sub3A_531 = vector.broadcast %sub3A_530 : i32 to vector<2048x128xi32>
    %sub3A_532 = arith.subi %div3A_505, %sub3A_531 : vector<2048x128xi32>
    %select_n3A_533 = arith.select %and3A_529, %sub3A_532, %div3A_505 : vector<2048x128xi1>, vector<2048x128xi32>
    %eq3A_534 = arith.constant 12 : i32
    %eq3A_535 = vector.broadcast %eq3A_534 : i32 to vector<2048x128xi32>
    %eq3A_536 = arith.cmpi eq, %select_n3A_533, %eq3A_535 : vector<2048x128xi32>
    %slice3A_537 = vector.extract_strided_slice %div3A_17 {offsets = [12, 0], sizes = [1, 128], strides = [1, 1]} : vector<16x128xf32> to vector<1x128xf32>
    %jit3A_538 = arith.constant 0.000000e+00 : f32
    %broadcast_in_dim3A_539 = vector.shape_cast %slice3A_537 : vector<1x128xf32> to vector<1x128xf32>
    %broadcast_in_dim3A_540 = vector.broadcast %broadcast_in_dim3A_539 : vector<1x128xf32> to vector<2048x128xf32>
    %broadcast_in_dim3A_541 = vector.broadcast %jit3A_538 : f32 to vector<2048x128xf32>
    %select_n3A_542 = arith.select %eq3A_536, %broadcast_in_dim3A_540, %broadcast_in_dim3A_541 : vector<2048x128xi1>, vector<2048x128xf32>
    %add3A_543 = arith.addf %add3A_502, %select_n3A_542 : vector<2048x128xf32>
    %jit3A_544 = arith.constant 128 : i32
    %div3A_545 = vector.broadcast %jit3A_544 : i32 to vector<2048x128xi32>
    %div3A_546 = arith.divsi %iota3A, %div3A_545 : vector<2048x128xi32>
    %sign3A_547 = arith.constant 0 : i32
    %sign3A_548 = vector.broadcast %sign3A_547 : i32 to vector<2048x128xi32>
    %sign3A_549 = arith.cmpi sgt, %iota3A, %sign3A_548 : vector<2048x128xi32>
    %sign3A_550 = arith.extui %sign3A_549 : vector<2048x128xi1> to vector<2048x128xi32>
    %sign3A_551 = arith.constant 0 : i32
    %sign3A_552 = vector.broadcast %sign3A_551 : i32 to vector<2048x128xi32>
    %sign3A_553 = arith.cmpi slt, %iota3A, %sign3A_552 : vector<2048x128xi32>
    %sign3A_554 = arith.extui %sign3A_553 : vector<2048x128xi1> to vector<2048x128xi32>
    %sign3A_555 = arith.subi %sign3A_550, %sign3A_554 : vector<2048x128xi32>
    %sign3A_556 = arith.constant 0 : i32
    %sign3A_557 = arith.cmpi sgt, %jit3A_544, %sign3A_556 : i32
    %sign3A_558 = arith.extui %sign3A_557 : i1 to i32
    %sign3A_559 = arith.constant 0 : i32
    %sign3A_560 = arith.cmpi slt, %jit3A_544, %sign3A_559 : i32
    %sign3A_561 = arith.extui %sign3A_560 : i1 to i32
    %sign3A_562 = arith.subi %sign3A_558, %sign3A_561 : i32
    %ne3A_563 = vector.broadcast %sign3A_562 : i32 to vector<2048x128xi32>
    %ne3A_564 = arith.cmpi ne, %sign3A_555, %ne3A_563 : vector<2048x128xi32>
    %rem3A_565 = vector.broadcast %jit3A_544 : i32 to vector<2048x128xi32>
    %rem3A_566 = arith.remsi %iota3A, %rem3A_565 : vector<2048x128xi32>
    %ne3A_567 = arith.constant 0 : i32
    %ne3A_568 = vector.broadcast %ne3A_567 : i32 to vector<2048x128xi32>
    %ne3A_569 = arith.cmpi ne, %rem3A_566, %ne3A_568 : vector<2048x128xi32>
    %and3A_570 = arith.andi %ne3A_564, %ne3A_569 : vector<2048x128xi1>
    %sub3A_571 = arith.constant 1 : i32
    %sub3A_572 = vector.broadcast %sub3A_571 : i32 to vector<2048x128xi32>
    %sub3A_573 = arith.subi %div3A_546, %sub3A_572 : vector<2048x128xi32>
    %select_n3A_574 = arith.select %and3A_570, %sub3A_573, %div3A_546 : vector<2048x128xi1>, vector<2048x128xi32>
    %eq3A_575 = arith.constant 13 : i32
    %eq3A_576 = vector.broadcast %eq3A_575 : i32 to vector<2048x128xi32>
    %eq3A_577 = arith.cmpi eq, %select_n3A_574, %eq3A_576 : vector<2048x128xi32>
    %slice3A_578 = vector.extract_strided_slice %div3A_17 {offsets = [13, 0], sizes = [1, 128], strides = [1, 1]} : vector<16x128xf32> to vector<1x128xf32>
    %jit3A_579 = arith.constant 0.000000e+00 : f32
    %broadcast_in_dim3A_580 = vector.shape_cast %slice3A_578 : vector<1x128xf32> to vector<1x128xf32>
    %broadcast_in_dim3A_581 = vector.broadcast %broadcast_in_dim3A_580 : vector<1x128xf32> to vector<2048x128xf32>
    %broadcast_in_dim3A_582 = vector.broadcast %jit3A_579 : f32 to vector<2048x128xf32>
    %select_n3A_583 = arith.select %eq3A_577, %broadcast_in_dim3A_581, %broadcast_in_dim3A_582 : vector<2048x128xi1>, vector<2048x128xf32>
    %add3A_584 = arith.addf %add3A_543, %select_n3A_583 : vector<2048x128xf32>
    %jit3A_585 = arith.constant 128 : i32
    %div3A_586 = vector.broadcast %jit3A_585 : i32 to vector<2048x128xi32>
    %div3A_587 = arith.divsi %iota3A, %div3A_586 : vector<2048x128xi32>
    %sign3A_588 = arith.constant 0 : i32
    %sign3A_589 = vector.broadcast %sign3A_588 : i32 to vector<2048x128xi32>
    %sign3A_590 = arith.cmpi sgt, %iota3A, %sign3A_589 : vector<2048x128xi32>
    %sign3A_591 = arith.extui %sign3A_590 : vector<2048x128xi1> to vector<2048x128xi32>
    %sign3A_592 = arith.constant 0 : i32
    %sign3A_593 = vector.broadcast %sign3A_592 : i32 to vector<2048x128xi32>
    %sign3A_594 = arith.cmpi slt, %iota3A, %sign3A_593 : vector<2048x128xi32>
    %sign3A_595 = arith.extui %sign3A_594 : vector<2048x128xi1> to vector<2048x128xi32>
    %sign3A_596 = arith.subi %sign3A_591, %sign3A_595 : vector<2048x128xi32>
    %sign3A_597 = arith.constant 0 : i32
    %sign3A_598 = arith.cmpi sgt, %jit3A_585, %sign3A_597 : i32
    %sign3A_599 = arith.extui %sign3A_598 : i1 to i32
    %sign3A_600 = arith.constant 0 : i32
    %sign3A_601 = arith.cmpi slt, %jit3A_585, %sign3A_600 : i32
    %sign3A_602 = arith.extui %sign3A_601 : i1 to i32
    %sign3A_603 = arith.subi %sign3A_599, %sign3A_602 : i32
    %ne3A_604 = vector.broadcast %sign3A_603 : i32 to vector<2048x128xi32>
    %ne3A_605 = arith.cmpi ne, %sign3A_596, %ne3A_604 : vector<2048x128xi32>
    %rem3A_606 = vector.broadcast %jit3A_585 : i32 to vector<2048x128xi32>
    %rem3A_607 = arith.remsi %iota3A, %rem3A_606 : vector<2048x128xi32>
    %ne3A_608 = arith.constant 0 : i32
    %ne3A_609 = vector.broadcast %ne3A_608 : i32 to vector<2048x128xi32>
    %ne3A_610 = arith.cmpi ne, %rem3A_607, %ne3A_609 : vector<2048x128xi32>
    %and3A_611 = arith.andi %ne3A_605, %ne3A_610 : vector<2048x128xi1>
    %sub3A_612 = arith.constant 1 : i32
    %sub3A_613 = vector.broadcast %sub3A_612 : i32 to vector<2048x128xi32>
    %sub3A_614 = arith.subi %div3A_587, %sub3A_613 : vector<2048x128xi32>
    %select_n3A_615 = arith.select %and3A_611, %sub3A_614, %div3A_587 : vector<2048x128xi1>, vector<2048x128xi32>
    %eq3A_616 = arith.constant 14 : i32
    %eq3A_617 = vector.broadcast %eq3A_616 : i32 to vector<2048x128xi32>
    %eq3A_618 = arith.cmpi eq, %select_n3A_615, %eq3A_617 : vector<2048x128xi32>
    %slice3A_619 = vector.extract_strided_slice %div3A_17 {offsets = [14, 0], sizes = [1, 128], strides = [1, 1]} : vector<16x128xf32> to vector<1x128xf32>
    %jit3A_620 = arith.constant 0.000000e+00 : f32
    %broadcast_in_dim3A_621 = vector.shape_cast %slice3A_619 : vector<1x128xf32> to vector<1x128xf32>
    %broadcast_in_dim3A_622 = vector.broadcast %broadcast_in_dim3A_621 : vector<1x128xf32> to vector<2048x128xf32>
    %broadcast_in_dim3A_623 = vector.broadcast %jit3A_620 : f32 to vector<2048x128xf32>
    %select_n3A_624 = arith.select %eq3A_618, %broadcast_in_dim3A_622, %broadcast_in_dim3A_623 : vector<2048x128xi1>, vector<2048x128xf32>
    %add3A_625 = arith.addf %add3A_584, %select_n3A_624 : vector<2048x128xf32>
    %jit3A_626 = arith.constant 128 : i32
    %div3A_627 = vector.broadcast %jit3A_626 : i32 to vector<2048x128xi32>
    %div3A_628 = arith.divsi %iota3A, %div3A_627 : vector<2048x128xi32>
    %sign3A_629 = arith.constant 0 : i32
    %sign3A_630 = vector.broadcast %sign3A_629 : i32 to vector<2048x128xi32>
    %sign3A_631 = arith.cmpi sgt, %iota3A, %sign3A_630 : vector<2048x128xi32>
    %sign3A_632 = arith.extui %sign3A_631 : vector<2048x128xi1> to vector<2048x128xi32>
    %sign3A_633 = arith.constant 0 : i32
    %sign3A_634 = vector.broadcast %sign3A_633 : i32 to vector<2048x128xi32>
    %sign3A_635 = arith.cmpi slt, %iota3A, %sign3A_634 : vector<2048x128xi32>
    %sign3A_636 = arith.extui %sign3A_635 : vector<2048x128xi1> to vector<2048x128xi32>
    %sign3A_637 = arith.subi %sign3A_632, %sign3A_636 : vector<2048x128xi32>
    %sign3A_638 = arith.constant 0 : i32
    %sign3A_639 = arith.cmpi sgt, %jit3A_626, %sign3A_638 : i32
    %sign3A_640 = arith.extui %sign3A_639 : i1 to i32
    %sign3A_641 = arith.constant 0 : i32
    %sign3A_642 = arith.cmpi slt, %jit3A_626, %sign3A_641 : i32
    %sign3A_643 = arith.extui %sign3A_642 : i1 to i32
    %sign3A_644 = arith.subi %sign3A_640, %sign3A_643 : i32
    %ne3A_645 = vector.broadcast %sign3A_644 : i32 to vector<2048x128xi32>
    %ne3A_646 = arith.cmpi ne, %sign3A_637, %ne3A_645 : vector<2048x128xi32>
    %rem3A_647 = vector.broadcast %jit3A_626 : i32 to vector<2048x128xi32>
    %rem3A_648 = arith.remsi %iota3A, %rem3A_647 : vector<2048x128xi32>
    %ne3A_649 = arith.constant 0 : i32
    %ne3A_650 = vector.broadcast %ne3A_649 : i32 to vector<2048x128xi32>
    %ne3A_651 = arith.cmpi ne, %rem3A_648, %ne3A_650 : vector<2048x128xi32>
    %and3A_652 = arith.andi %ne3A_646, %ne3A_651 : vector<2048x128xi1>
    %sub3A_653 = arith.constant 1 : i32
    %sub3A_654 = vector.broadcast %sub3A_653 : i32 to vector<2048x128xi32>
    %sub3A_655 = arith.subi %div3A_628, %sub3A_654 : vector<2048x128xi32>
    %select_n3A_656 = arith.select %and3A_652, %sub3A_655, %div3A_628 : vector<2048x128xi1>, vector<2048x128xi32>
    %eq3A_657 = arith.constant 15 : i32
    %eq3A_658 = vector.broadcast %eq3A_657 : i32 to vector<2048x128xi32>
    %eq3A_659 = arith.cmpi eq, %select_n3A_656, %eq3A_658 : vector<2048x128xi32>
    %slice3A_660 = vector.extract_strided_slice %div3A_17 {offsets = [15, 0], sizes = [1, 128], strides = [1, 1]} : vector<16x128xf32> to vector<1x128xf32>
    %jit3A_661 = arith.constant 0.000000e+00 : f32
    %broadcast_in_dim3A_662 = vector.shape_cast %slice3A_660 : vector<1x128xf32> to vector<1x128xf32>
    %broadcast_in_dim3A_663 = vector.broadcast %broadcast_in_dim3A_662 : vector<1x128xf32> to vector<2048x128xf32>
    %broadcast_in_dim3A_664 = vector.broadcast %jit3A_661 : f32 to vector<2048x128xf32>
    %select_n3A_665 = arith.select %eq3A_659, %broadcast_in_dim3A_663, %broadcast_in_dim3A_664 : vector<2048x128xi1>, vector<2048x128xf32>
    %add3A_666 = arith.addf %add3A_625, %select_n3A_665 : vector<2048x128xf32>
    %jit3A_667 = arith.constant 128 : i32
    %eq3A_668 = arith.constant 0 : i32
    %eq3A_669 = arith.cmpi eq, %jit3A_667, %eq3A_668 : i32
    %jit3A_670 = arith.constant 1 : i32
    %select_n3A_671 = arith.select %eq3A_669, %jit3A_670, %jit3A_667 : i32
    %rem3A_672 = vector.broadcast %select_n3A_671 : i32 to vector<2048x128xi32>
    %rem3A_673 = arith.remsi %iota3A, %rem3A_672 : vector<2048x128xi32>
    %ne3A_674 = arith.constant 0 : i32
    %ne3A_675 = vector.broadcast %ne3A_674 : i32 to vector<2048x128xi32>
    %ne3A_676 = arith.cmpi ne, %rem3A_673, %ne3A_675 : vector<2048x128xi32>
    %lt3A = arith.constant 0 : i32
    %lt3A_677 = vector.broadcast %lt3A : i32 to vector<2048x128xi32>
    %lt3A_678 = arith.cmpi slt, %rem3A_673, %lt3A_677 : vector<2048x128xi32>
    %lt3A_679 = arith.constant 0 : i32
    %lt3A_680 = arith.cmpi slt, %select_n3A_671, %lt3A_679 : i32
    %ne3A_681 = vector.broadcast %lt3A_680 : i1 to vector<2048x128xi1>
    %ne3A_682 = vector.broadcast %ne3A_681 : vector<2048x128xi1> to vector<2048x128xi1>
    %ne3A_683 = arith.xori %lt3A_678, %ne3A_682 : vector<2048x128xi1>
    %and3A_684 = arith.andi %ne3A_683, %ne3A_676 : vector<2048x128xi1>
    %add3A_685 = vector.broadcast %select_n3A_671 : i32 to vector<2048x128xi32>
    %add3A_686 = arith.addi %rem3A_673, %add3A_685 : vector<2048x128xi32>
    %select_n3A_687 = arith.select %and3A_684, %add3A_686, %rem3A_673 : vector<2048x128xi1>, vector<2048x128xi32>
    %eq3A_688 = arith.cmpi eq, %iota3A_18, %select_n3A_687 : vector<2048x128xi32>
    %jit3A_689 = arith.constant 0.000000e+00 : f32
    %broadcast_in_dim3A_690 = vector.broadcast %jit3A_689 : f32 to vector<2048x128xf32>
    %select_n3A_691 = arith.select %eq3A_688, %add3A_666, %broadcast_in_dim3A_690 : vector<2048x128xi1>, vector<2048x128xf32>
    %reduce_sum3A_692 = arith.constant dense<0.000000e+00> : vector<2048xf32>
    %reduce_sum3A_693 = vector.multi_reduction <add>, %select_n3A_691, %reduce_sum3A_692 [1] : vector<2048x128xf32> to vector<2048xf32>
    %broadcast_in_dim3A_694 = vector.shape_cast %reduce_sum3A_693 : vector<2048xf32> to vector<2048x1xf32>
    %mul3A = vector.broadcast %broadcast_in_dim3A_694 : vector<2048x1xf32> to vector<2048x128xf32>
    %mul3A_695 = arith.mulf %add3A, %mul3A : vector<2048x128xf32>
    %get3A_696 = arith.constant 0 : index
    %get3A_697 = arith.constant 0 : index
    %get3A_698 = vector.load %arg3[%get3A_696, %get3A_697] : memref<128x128xf32, #tpu.memory_space<vmem>>, vector<128x128xf32>
    %dot_general3A = arith.constant dense<0.000000e+00> : vector<2048x128xf32>
    %dot_general3A_699 = tpu.matmul %mul3A_695, %get3A_698, %dot_general3A {dimension_numbers = #tpu.dot_dimension_numbers<[1], [0], [0], [1], [0, 0, 1, 1], [], []>, transpose_lhs_hint = false} : vector<2048x128xf32>, vector<128x128xf32>, vector<2048x128xf32> -> vector<2048x128xf32>
    %lt3A_700 = arith.constant 8 : i32
    %lt3A_701 = vector.broadcast %lt3A_700 : i32 to vector<2048x128xi32>
    %lt3A_702 = arith.cmpi slt, %iota3A_18, %lt3A_701 : vector<2048x128xi32>
    %jit3A_703 = arith.constant -1.000000e+30 : f32
    %broadcast_in_dim3A_704 = vector.broadcast %jit3A_703 : f32 to vector<2048x128xf32>
    %select_n3A_705 = arith.select %lt3A_702, %dot_general3A_699, %broadcast_in_dim3A_704 : vector<2048x128xi1>, vector<2048x128xf32>
    %reduce_max3A = arith.constant dense<0xFF800000> : vector<2048xf32>
    %reduce_max3A_706 = vector.multi_reduction <maximumf>, %select_n3A_705, %reduce_max3A [1] : vector<2048x128xf32> to vector<2048xf32>
    %broadcast_in_dim3A_707 = vector.shape_cast %reduce_max3A_706 : vector<2048xf32> to vector<2048x1xf32>
    %eq3A_708 = vector.broadcast %broadcast_in_dim3A_707 : vector<2048x1xf32> to vector<2048x128xf32>
    %eq3A_709 = arith.cmpf oeq, %select_n3A_705, %eq3A_708 : vector<2048x128xf32>
    %jit3A_710 = arith.constant 1000000 : i32
    %broadcast_in_dim3A_711 = vector.broadcast %jit3A_710 : i32 to vector<2048x128xi32>
    %select_n3A_712 = arith.select %eq3A_709, %iota3A_18, %broadcast_in_dim3A_711 : vector<2048x128xi1>, vector<2048x128xi32>
    %reduce_min3A = arith.constant dense<2147483647> : vector<2048xi32>
    %reduce_min3A_713 = vector.multi_reduction <minsi>, %select_n3A_712, %reduce_min3A [1] : vector<2048x128xi32> to vector<2048xi32>
    %broadcast_in_dim3A_714 = vector.shape_cast %reduce_min3A_713 : vector<2048xi32> to vector<2048x1xi32>
    %eq3A_715 = vector.broadcast %broadcast_in_dim3A_714 : vector<2048x1xi32> to vector<2048x128xi32>
    %eq3A_716 = arith.cmpi eq, %iota3A_18, %eq3A_715 : vector<2048x128xi32>
    %convert_element_type3A = arith.extui %eq3A_716 : vector<2048x128xi1> to vector<2048x128xi32>
    %convert_element_type3A_717 = arith.sitofp %convert_element_type3A : vector<2048x128xi32> to vector<2048x128xf32>
    %eq3A_718 = vector.broadcast %broadcast_in_dim3A_714 : vector<2048x1xi32> to vector<2048x128xi32>
    %eq3A_719 = arith.cmpi eq, %iota3A_18, %eq3A_718 : vector<2048x128xi32>
    %jit3A_720 = arith.constant -1.000000e+30 : f32
    %broadcast_in_dim3A_721 = vector.broadcast %jit3A_720 : f32 to vector<2048x128xf32>
    %select_n3A_722 = arith.select %eq3A_719, %broadcast_in_dim3A_721, %select_n3A_705 : vector<2048x128xi1>, vector<2048x128xf32>
    %reduce_max3A_723 = arith.constant dense<0xFF800000> : vector<2048xf32>
    %reduce_max3A_724 = vector.multi_reduction <maximumf>, %select_n3A_722, %reduce_max3A_723 [1] : vector<2048x128xf32> to vector<2048xf32>
    %broadcast_in_dim3A_725 = vector.shape_cast %reduce_max3A_724 : vector<2048xf32> to vector<2048x1xf32>
    %eq3A_726 = vector.broadcast %broadcast_in_dim3A_725 : vector<2048x1xf32> to vector<2048x128xf32>
    %eq3A_727 = arith.cmpf oeq, %select_n3A_722, %eq3A_726 : vector<2048x128xf32>
    %jit3A_728 = arith.constant 1000000 : i32
    %broadcast_in_dim3A_729 = vector.broadcast %jit3A_728 : i32 to vector<2048x128xi32>
    %select_n3A_730 = arith.select %eq3A_727, %iota3A_18, %broadcast_in_dim3A_729 : vector<2048x128xi1>, vector<2048x128xi32>
    %reduce_min3A_731 = arith.constant dense<2147483647> : vector<2048xi32>
    %reduce_min3A_732 = vector.multi_reduction <minsi>, %select_n3A_730, %reduce_min3A_731 [1] : vector<2048x128xi32> to vector<2048xi32>
    %broadcast_in_dim3A_733 = vector.shape_cast %reduce_min3A_732 : vector<2048xi32> to vector<2048x1xi32>
    %eq3A_734 = vector.broadcast %broadcast_in_dim3A_733 : vector<2048x1xi32> to vector<2048x128xi32>
    %eq3A_735 = arith.cmpi eq, %iota3A_18, %eq3A_734 : vector<2048x128xi32>
    %convert_element_type3A_736 = arith.extui %eq3A_735 : vector<2048x128xi1> to vector<2048x128xi32>
    %convert_element_type3A_737 = arith.sitofp %convert_element_type3A_736 : vector<2048x128xi32> to vector<2048x128xf32>
    %eq3A_738 = vector.broadcast %broadcast_in_dim3A_733 : vector<2048x1xi32> to vector<2048x128xi32>
    %eq3A_739 = arith.cmpi eq, %iota3A_18, %eq3A_738 : vector<2048x128xi32>
    %jit3A_740 = arith.constant -1.000000e+30 : f32
    %broadcast_in_dim3A_741 = vector.broadcast %jit3A_740 : f32 to vector<2048x128xf32>
    %select_n3A_742 = arith.select %eq3A_739, %broadcast_in_dim3A_741, %select_n3A_722 : vector<2048x128xi1>, vector<2048x128xf32>
    %reduce_max3A_743 = arith.constant dense<0xFF800000> : vector<2048xf32>
    %reduce_max3A_744 = vector.multi_reduction <maximumf>, %select_n3A_742, %reduce_max3A_743 [1] : vector<2048x128xf32> to vector<2048xf32>
    %broadcast_in_dim3A_745 = vector.shape_cast %reduce_max3A_744 : vector<2048xf32> to vector<2048x1xf32>
    %eq3A_746 = vector.broadcast %broadcast_in_dim3A_745 : vector<2048x1xf32> to vector<2048x128xf32>
    %eq3A_747 = arith.cmpf oeq, %select_n3A_742, %eq3A_746 : vector<2048x128xf32>
    %jit3A_748 = arith.constant 1000000 : i32
    %broadcast_in_dim3A_749 = vector.broadcast %jit3A_748 : i32 to vector<2048x128xi32>
    %select_n3A_750 = arith.select %eq3A_747, %iota3A_18, %broadcast_in_dim3A_749 : vector<2048x128xi1>, vector<2048x128xi32>
    %reduce_min3A_751 = arith.constant dense<2147483647> : vector<2048xi32>
    %reduce_min3A_752 = vector.multi_reduction <minsi>, %select_n3A_750, %reduce_min3A_751 [1] : vector<2048x128xi32> to vector<2048xi32>
    %broadcast_in_dim3A_753 = vector.shape_cast %reduce_min3A_752 : vector<2048xi32> to vector<2048x1xi32>
    %eq3A_754 = vector.broadcast %broadcast_in_dim3A_753 : vector<2048x1xi32> to vector<2048x128xi32>
    %eq3A_755 = arith.cmpi eq, %iota3A_18, %eq3A_754 : vector<2048x128xi32>
    %convert_element_type3A_756 = arith.extui %eq3A_755 : vector<2048x128xi1> to vector<2048x128xi32>
    %convert_element_type3A_757 = arith.sitofp %convert_element_type3A_756 : vector<2048x128xi32> to vector<2048x128xf32>
    %sub3A_758 = arith.subf %broadcast_in_dim3A_725, %broadcast_in_dim3A_707 : vector<2048x1xf32>
    %exp3A = math.exp %sub3A_758 : vector<2048x1xf32>
    %sub3A_759 = arith.subf %broadcast_in_dim3A_745, %broadcast_in_dim3A_707 : vector<2048x1xf32>
    %exp3A_760 = math.exp %sub3A_759 : vector<2048x1xf32>
    %add3A_761 = arith.constant 1.000000e+00 : f32
    %add3A_762 = vector.broadcast %add3A_761 : f32 to vector<2048x1xf32>
    %add3A_763 = arith.addf %add3A_762, %exp3A : vector<2048x1xf32>
    %add3A_764 = arith.addf %add3A_763, %exp3A_760 : vector<2048x1xf32>
    %mul3A_765 = vector.broadcast %exp3A : vector<2048x1xf32> to vector<2048x128xf32>
    %mul3A_766 = arith.mulf %convert_element_type3A_737, %mul3A_765 : vector<2048x128xf32>
    %add3A_767 = arith.addf %convert_element_type3A_717, %mul3A_766 : vector<2048x128xf32>
    %mul3A_768 = vector.broadcast %exp3A_760 : vector<2048x1xf32> to vector<2048x128xf32>
    %mul3A_769 = arith.mulf %convert_element_type3A_757, %mul3A_768 : vector<2048x128xf32>
    %add3A_770 = arith.addf %add3A_767, %mul3A_769 : vector<2048x128xf32>
    %div3A_771 = vector.broadcast %add3A_764 : vector<2048x1xf32> to vector<2048x128xf32>
    %div3A_772 = arith.divf %add3A_770, %div3A_771 : vector<2048x128xf32>
    %broadcast_in_dim3A_773 = arith.constant 0.000000e+00 : f32
    %broadcast_in_dim3A_774 = vector.broadcast %broadcast_in_dim3A_773 : f32 to vector<2048x128xf32>
    %get3A_775 = arith.constant 0 : index
    %get3A_776 = arith.constant 0 : index
    %get3A_777 = arith.constant 0 : index
    %get3A_778 = vector.load %arg4[%get3A_775, %get3A_776, %get3A_777] : memref<8x128x128xf32, #tpu.memory_space<vmem>>, vector<1x128x128xf32>
    %get3A_779 = vector.shape_cast %get3A_778 : vector<1x128x128xf32> to vector<128x128xf32>
    %dot_general3A_780 = arith.constant dense<0.000000e+00> : vector<2048x128xf32>
    %dot_general3A_781 = tpu.matmul %mul3A_695, %get3A_779, %dot_general3A_780 {dimension_numbers = #tpu.dot_dimension_numbers<[1], [0], [0], [1], [0, 0, 1, 1], [], []>, transpose_lhs_hint = false} : vector<2048x128xf32>, vector<128x128xf32>, vector<2048x128xf32> -> vector<2048x128xf32>
    %get3A_782 = arith.constant 0 : index
    %get3A_783 = arith.constant 0 : index
    %get3A_784 = vector.load %arg5[%get3A_782, %get3A_783] : memref<128x128xf32, #tpu.memory_space<vmem>>, vector<1x128xf32>
    %add3A_785 = vector.broadcast %get3A_784 : vector<1x128xf32> to vector<2048x128xf32>
    %add3A_786 = arith.addf %dot_general3A_781, %add3A_785 : vector<2048x128xf32>
    %convert_element_type3A_787 = arith.truncf %add3A_786 : vector<2048x128xf32> to vector<2048x128xbf16>
    %convert_element_type3A_788 = arith.extf %convert_element_type3A_787 : vector<2048x128xbf16> to vector<2048x128xf32>
    %slice3A_789 = vector.extract_strided_slice %div3A_772 {offsets = [0, 0], sizes = [2048, 1], strides = [1, 1]} : vector<2048x128xf32> to vector<2048x1xf32>
    %convert_element_type3A_790 = arith.truncf %slice3A_789 : vector<2048x1xf32> to vector<2048x1xbf16>
    %convert_element_type3A_791 = arith.extf %convert_element_type3A_790 : vector<2048x1xbf16> to vector<2048x1xf32>
    %mul3A_792 = vector.broadcast %convert_element_type3A_791 : vector<2048x1xf32> to vector<2048x128xf32>
    %mul3A_793 = arith.mulf %convert_element_type3A_788, %mul3A_792 : vector<2048x128xf32>
    %add3A_794 = arith.addf %broadcast_in_dim3A_774, %mul3A_793 : vector<2048x128xf32>
    %get3A_795 = arith.constant 1 : index
    %get3A_796 = arith.constant 0 : index
    %get3A_797 = arith.constant 0 : index
    %get3A_798 = vector.load %arg4[%get3A_795, %get3A_796, %get3A_797] : memref<8x128x128xf32, #tpu.memory_space<vmem>>, vector<1x128x128xf32>
    %get3A_799 = vector.shape_cast %get3A_798 : vector<1x128x128xf32> to vector<128x128xf32>
    %dot_general3A_800 = arith.constant dense<0.000000e+00> : vector<2048x128xf32>
    %dot_general3A_801 = tpu.matmul %mul3A_695, %get3A_799, %dot_general3A_800 {dimension_numbers = #tpu.dot_dimension_numbers<[1], [0], [0], [1], [0, 0, 1, 1], [], []>, transpose_lhs_hint = false} : vector<2048x128xf32>, vector<128x128xf32>, vector<2048x128xf32> -> vector<2048x128xf32>
    %get3A_802 = arith.constant 1 : index
    %get3A_803 = arith.constant 0 : index
    %get3A_804 = vector.load %arg5[%get3A_802, %get3A_803] : memref<128x128xf32, #tpu.memory_space<vmem>>, vector<1x128xf32>
    %add3A_805 = vector.broadcast %get3A_804 : vector<1x128xf32> to vector<2048x128xf32>
    %add3A_806 = arith.addf %dot_general3A_801, %add3A_805 : vector<2048x128xf32>
    %convert_element_type3A_807 = arith.truncf %add3A_806 : vector<2048x128xf32> to vector<2048x128xbf16>
    %convert_element_type3A_808 = arith.extf %convert_element_type3A_807 : vector<2048x128xbf16> to vector<2048x128xf32>
    %slice3A_809 = vector.extract_strided_slice %div3A_772 {offsets = [0, 1], sizes = [2048, 1], strides = [1, 1]} : vector<2048x128xf32> to vector<2048x1xf32>
    %convert_element_type3A_810 = arith.truncf %slice3A_809 : vector<2048x1xf32> to vector<2048x1xbf16>
    %convert_element_type3A_811 = arith.extf %convert_element_type3A_810 : vector<2048x1xbf16> to vector<2048x1xf32>
    %mul3A_812 = vector.broadcast %convert_element_type3A_811 : vector<2048x1xf32> to vector<2048x128xf32>
    %mul3A_813 = arith.mulf %convert_element_type3A_808, %mul3A_812 : vector<2048x128xf32>
    %add3A_814 = arith.addf %add3A_794, %mul3A_813 : vector<2048x128xf32>
    %get3A_815 = arith.constant 2 : index
    %get3A_816 = arith.constant 0 : index
    %get3A_817 = arith.constant 0 : index
    %get3A_818 = vector.load %arg4[%get3A_815, %get3A_816, %get3A_817] : memref<8x128x128xf32, #tpu.memory_space<vmem>>, vector<1x128x128xf32>
    %get3A_819 = vector.shape_cast %get3A_818 : vector<1x128x128xf32> to vector<128x128xf32>
    %dot_general3A_820 = arith.constant dense<0.000000e+00> : vector<2048x128xf32>
    %dot_general3A_821 = tpu.matmul %mul3A_695, %get3A_819, %dot_general3A_820 {dimension_numbers = #tpu.dot_dimension_numbers<[1], [0], [0], [1], [0, 0, 1, 1], [], []>, transpose_lhs_hint = false} : vector<2048x128xf32>, vector<128x128xf32>, vector<2048x128xf32> -> vector<2048x128xf32>
    %get3A_822 = arith.constant 2 : index
    %get3A_823 = arith.constant 0 : index
    %get3A_824 = vector.load %arg5[%get3A_822, %get3A_823] : memref<128x128xf32, #tpu.memory_space<vmem>>, vector<1x128xf32>
    %add3A_825 = vector.broadcast %get3A_824 : vector<1x128xf32> to vector<2048x128xf32>
    %add3A_826 = arith.addf %dot_general3A_821, %add3A_825 : vector<2048x128xf32>
    %convert_element_type3A_827 = arith.truncf %add3A_826 : vector<2048x128xf32> to vector<2048x128xbf16>
    %convert_element_type3A_828 = arith.extf %convert_element_type3A_827 : vector<2048x128xbf16> to vector<2048x128xf32>
    %slice3A_829 = vector.extract_strided_slice %div3A_772 {offsets = [0, 2], sizes = [2048, 1], strides = [1, 1]} : vector<2048x128xf32> to vector<2048x1xf32>
    %convert_element_type3A_830 = arith.truncf %slice3A_829 : vector<2048x1xf32> to vector<2048x1xbf16>
    %convert_element_type3A_831 = arith.extf %convert_element_type3A_830 : vector<2048x1xbf16> to vector<2048x1xf32>
    %mul3A_832 = vector.broadcast %convert_element_type3A_831 : vector<2048x1xf32> to vector<2048x128xf32>
    %mul3A_833 = arith.mulf %convert_element_type3A_828, %mul3A_832 : vector<2048x128xf32>
    %add3A_834 = arith.addf %add3A_814, %mul3A_833 : vector<2048x128xf32>
    %get3A_835 = arith.constant 3 : index
    %get3A_836 = arith.constant 0 : index
    %get3A_837 = arith.constant 0 : index
    %get3A_838 = vector.load %arg4[%get3A_835, %get3A_836, %get3A_837] : memref<8x128x128xf32, #tpu.memory_space<vmem>>, vector<1x128x128xf32>
    %get3A_839 = vector.shape_cast %get3A_838 : vector<1x128x128xf32> to vector<128x128xf32>
    %dot_general3A_840 = arith.constant dense<0.000000e+00> : vector<2048x128xf32>
    %dot_general3A_841 = tpu.matmul %mul3A_695, %get3A_839, %dot_general3A_840 {dimension_numbers = #tpu.dot_dimension_numbers<[1], [0], [0], [1], [0, 0, 1, 1], [], []>, transpose_lhs_hint = false} : vector<2048x128xf32>, vector<128x128xf32>, vector<2048x128xf32> -> vector<2048x128xf32>
    %get3A_842 = arith.constant 3 : index
    %get3A_843 = arith.constant 0 : index
    %get3A_844 = vector.load %arg5[%get3A_842, %get3A_843] : memref<128x128xf32, #tpu.memory_space<vmem>>, vector<1x128xf32>
    %add3A_845 = vector.broadcast %get3A_844 : vector<1x128xf32> to vector<2048x128xf32>
    %add3A_846 = arith.addf %dot_general3A_841, %add3A_845 : vector<2048x128xf32>
    %convert_element_type3A_847 = arith.truncf %add3A_846 : vector<2048x128xf32> to vector<2048x128xbf16>
    %convert_element_type3A_848 = arith.extf %convert_element_type3A_847 : vector<2048x128xbf16> to vector<2048x128xf32>
    %slice3A_849 = vector.extract_strided_slice %div3A_772 {offsets = [0, 3], sizes = [2048, 1], strides = [1, 1]} : vector<2048x128xf32> to vector<2048x1xf32>
    %convert_element_type3A_850 = arith.truncf %slice3A_849 : vector<2048x1xf32> to vector<2048x1xbf16>
    %convert_element_type3A_851 = arith.extf %convert_element_type3A_850 : vector<2048x1xbf16> to vector<2048x1xf32>
    %mul3A_852 = vector.broadcast %convert_element_type3A_851 : vector<2048x1xf32> to vector<2048x128xf32>
    %mul3A_853 = arith.mulf %convert_element_type3A_848, %mul3A_852 : vector<2048x128xf32>
    %add3A_854 = arith.addf %add3A_834, %mul3A_853 : vector<2048x128xf32>
    %get3A_855 = arith.constant 4 : index
    %get3A_856 = arith.constant 0 : index
    %get3A_857 = arith.constant 0 : index
    %get3A_858 = vector.load %arg4[%get3A_855, %get3A_856, %get3A_857] : memref<8x128x128xf32, #tpu.memory_space<vmem>>, vector<1x128x128xf32>
    %get3A_859 = vector.shape_cast %get3A_858 : vector<1x128x128xf32> to vector<128x128xf32>
    %dot_general3A_860 = arith.constant dense<0.000000e+00> : vector<2048x128xf32>
    %dot_general3A_861 = tpu.matmul %mul3A_695, %get3A_859, %dot_general3A_860 {dimension_numbers = #tpu.dot_dimension_numbers<[1], [0], [0], [1], [0, 0, 1, 1], [], []>, transpose_lhs_hint = false} : vector<2048x128xf32>, vector<128x128xf32>, vector<2048x128xf32> -> vector<2048x128xf32>
    %get3A_862 = arith.constant 4 : index
    %get3A_863 = arith.constant 0 : index
    %get3A_864 = vector.load %arg5[%get3A_862, %get3A_863] : memref<128x128xf32, #tpu.memory_space<vmem>>, vector<1x128xf32>
    %add3A_865 = vector.broadcast %get3A_864 : vector<1x128xf32> to vector<2048x128xf32>
    %add3A_866 = arith.addf %dot_general3A_861, %add3A_865 : vector<2048x128xf32>
    %convert_element_type3A_867 = arith.truncf %add3A_866 : vector<2048x128xf32> to vector<2048x128xbf16>
    %convert_element_type3A_868 = arith.extf %convert_element_type3A_867 : vector<2048x128xbf16> to vector<2048x128xf32>
    %slice3A_869 = vector.extract_strided_slice %div3A_772 {offsets = [0, 4], sizes = [2048, 1], strides = [1, 1]} : vector<2048x128xf32> to vector<2048x1xf32>
    %convert_element_type3A_870 = arith.truncf %slice3A_869 : vector<2048x1xf32> to vector<2048x1xbf16>
    %convert_element_type3A_871 = arith.extf %convert_element_type3A_870 : vector<2048x1xbf16> to vector<2048x1xf32>
    %mul3A_872 = vector.broadcast %convert_element_type3A_871 : vector<2048x1xf32> to vector<2048x128xf32>
    %mul3A_873 = arith.mulf %convert_element_type3A_868, %mul3A_872 : vector<2048x128xf32>
    %add3A_874 = arith.addf %add3A_854, %mul3A_873 : vector<2048x128xf32>
    %get3A_875 = arith.constant 5 : index
    %get3A_876 = arith.constant 0 : index
    %get3A_877 = arith.constant 0 : index
    %get3A_878 = vector.load %arg4[%get3A_875, %get3A_876, %get3A_877] : memref<8x128x128xf32, #tpu.memory_space<vmem>>, vector<1x128x128xf32>
    %get3A_879 = vector.shape_cast %get3A_878 : vector<1x128x128xf32> to vector<128x128xf32>
    %dot_general3A_880 = arith.constant dense<0.000000e+00> : vector<2048x128xf32>
    %dot_general3A_881 = tpu.matmul %mul3A_695, %get3A_879, %dot_general3A_880 {dimension_numbers = #tpu.dot_dimension_numbers<[1], [0], [0], [1], [0, 0, 1, 1], [], []>, transpose_lhs_hint = false} : vector<2048x128xf32>, vector<128x128xf32>, vector<2048x128xf32> -> vector<2048x128xf32>
    %get3A_882 = arith.constant 5 : index
    %get3A_883 = arith.constant 0 : index
    %get3A_884 = vector.load %arg5[%get3A_882, %get3A_883] : memref<128x128xf32, #tpu.memory_space<vmem>>, vector<1x128xf32>
    %add3A_885 = vector.broadcast %get3A_884 : vector<1x128xf32> to vector<2048x128xf32>
    %add3A_886 = arith.addf %dot_general3A_881, %add3A_885 : vector<2048x128xf32>
    %convert_element_type3A_887 = arith.truncf %add3A_886 : vector<2048x128xf32> to vector<2048x128xbf16>
    %convert_element_type3A_888 = arith.extf %convert_element_type3A_887 : vector<2048x128xbf16> to vector<2048x128xf32>
    %slice3A_889 = vector.extract_strided_slice %div3A_772 {offsets = [0, 5], sizes = [2048, 1], strides = [1, 1]} : vector<2048x128xf32> to vector<2048x1xf32>
    %convert_element_type3A_890 = arith.truncf %slice3A_889 : vector<2048x1xf32> to vector<2048x1xbf16>
    %convert_element_type3A_891 = arith.extf %convert_element_type3A_890 : vector<2048x1xbf16> to vector<2048x1xf32>
    %mul3A_892 = vector.broadcast %convert_element_type3A_891 : vector<2048x1xf32> to vector<2048x128xf32>
    %mul3A_893 = arith.mulf %convert_element_type3A_888, %mul3A_892 : vector<2048x128xf32>
    %add3A_894 = arith.addf %add3A_874, %mul3A_893 : vector<2048x128xf32>
    %get3A_895 = arith.constant 6 : index
    %get3A_896 = arith.constant 0 : index
    %get3A_897 = arith.constant 0 : index
    %get3A_898 = vector.load %arg4[%get3A_895, %get3A_896, %get3A_897] : memref<8x128x128xf32, #tpu.memory_space<vmem>>, vector<1x128x128xf32>
    %get3A_899 = vector.shape_cast %get3A_898 : vector<1x128x128xf32> to vector<128x128xf32>
    %dot_general3A_900 = arith.constant dense<0.000000e+00> : vector<2048x128xf32>
    %dot_general3A_901 = tpu.matmul %mul3A_695, %get3A_899, %dot_general3A_900 {dimension_numbers = #tpu.dot_dimension_numbers<[1], [0], [0], [1], [0, 0, 1, 1], [], []>, transpose_lhs_hint = false} : vector<2048x128xf32>, vector<128x128xf32>, vector<2048x128xf32> -> vector<2048x128xf32>
    %get3A_902 = arith.constant 6 : index
    %get3A_903 = arith.constant 0 : index
    %get3A_904 = vector.load %arg5[%get3A_902, %get3A_903] : memref<128x128xf32, #tpu.memory_space<vmem>>, vector<1x128xf32>
    %add3A_905 = vector.broadcast %get3A_904 : vector<1x128xf32> to vector<2048x128xf32>
    %add3A_906 = arith.addf %dot_general3A_901, %add3A_905 : vector<2048x128xf32>
    %convert_element_type3A_907 = arith.truncf %add3A_906 : vector<2048x128xf32> to vector<2048x128xbf16>
    %convert_element_type3A_908 = arith.extf %convert_element_type3A_907 : vector<2048x128xbf16> to vector<2048x128xf32>
    %slice3A_909 = vector.extract_strided_slice %div3A_772 {offsets = [0, 6], sizes = [2048, 1], strides = [1, 1]} : vector<2048x128xf32> to vector<2048x1xf32>
    %convert_element_type3A_910 = arith.truncf %slice3A_909 : vector<2048x1xf32> to vector<2048x1xbf16>
    %convert_element_type3A_911 = arith.extf %convert_element_type3A_910 : vector<2048x1xbf16> to vector<2048x1xf32>
    %mul3A_912 = vector.broadcast %convert_element_type3A_911 : vector<2048x1xf32> to vector<2048x128xf32>
    %mul3A_913 = arith.mulf %convert_element_type3A_908, %mul3A_912 : vector<2048x128xf32>
    %add3A_914 = arith.addf %add3A_894, %mul3A_913 : vector<2048x128xf32>
    %get3A_915 = arith.constant 7 : index
    %get3A_916 = arith.constant 0 : index
    %get3A_917 = arith.constant 0 : index
    %get3A_918 = vector.load %arg4[%get3A_915, %get3A_916, %get3A_917] : memref<8x128x128xf32, #tpu.memory_space<vmem>>, vector<1x128x128xf32>
    %get3A_919 = vector.shape_cast %get3A_918 : vector<1x128x128xf32> to vector<128x128xf32>
    %dot_general3A_920 = arith.constant dense<0.000000e+00> : vector<2048x128xf32>
    %dot_general3A_921 = tpu.matmul %mul3A_695, %get3A_919, %dot_general3A_920 {dimension_numbers = #tpu.dot_dimension_numbers<[1], [0], [0], [1], [0, 0, 1, 1], [], []>, transpose_lhs_hint = false} : vector<2048x128xf32>, vector<128x128xf32>, vector<2048x128xf32> -> vector<2048x128xf32>
    %get3A_922 = arith.constant 7 : index
    %get3A_923 = arith.constant 0 : index
    %get3A_924 = vector.load %arg5[%get3A_922, %get3A_923] : memref<128x128xf32, #tpu.memory_space<vmem>>, vector<1x128xf32>
    %add3A_925 = vector.broadcast %get3A_924 : vector<1x128xf32> to vector<2048x128xf32>
    %add3A_926 = arith.addf %dot_general3A_921, %add3A_925 : vector<2048x128xf32>
    %convert_element_type3A_927 = arith.truncf %add3A_926 : vector<2048x128xf32> to vector<2048x128xbf16>
    %convert_element_type3A_928 = arith.extf %convert_element_type3A_927 : vector<2048x128xbf16> to vector<2048x128xf32>
    %slice3A_929 = vector.extract_strided_slice %div3A_772 {offsets = [0, 7], sizes = [2048, 1], strides = [1, 1]} : vector<2048x128xf32> to vector<2048x1xf32>
    %convert_element_type3A_930 = arith.truncf %slice3A_929 : vector<2048x1xf32> to vector<2048x1xbf16>
    %convert_element_type3A_931 = arith.extf %convert_element_type3A_930 : vector<2048x1xbf16> to vector<2048x1xf32>
    %mul3A_932 = vector.broadcast %convert_element_type3A_931 : vector<2048x1xf32> to vector<2048x128xf32>
    %mul3A_933 = arith.mulf %convert_element_type3A_928, %mul3A_932 : vector<2048x128xf32>
    %add3A_934 = arith.addf %add3A_914, %mul3A_933 : vector<2048x128xf32>
    %max3A_935 = arith.constant 0.000000e+00 : f32
    %max3A_936 = vector.broadcast %max3A_935 : f32 to vector<2048x128xf32>
    %max3A_937 = arith.maximumf %add3A_934, %max3A_936 : vector<2048x128xf32>
    %get3A_938 = arith.constant 0 : index
    %get3A_939 = arith.constant 0 : index
    %get3A_940 = vector.load %arg6[%get3A_938, %get3A_939] : memref<128x128xf32, #tpu.memory_space<vmem>>, vector<128x128xf32>
    %dot_general3A_941 = arith.constant dense<0.000000e+00> : vector<2048x128xf32>
    %dot_general3A_942 = tpu.matmul %max3A_937, %get3A_940, %dot_general3A_941 {dimension_numbers = #tpu.dot_dimension_numbers<[1], [0], [0], [1], [0, 0, 1, 1], [], []>, transpose_lhs_hint = false} : vector<2048x128xf32>, vector<128x128xf32>, vector<2048x128xf32> -> vector<2048x128xf32>
    %get3A_943 = arith.constant 0 : index
    %get3A_944 = arith.constant 0 : index
    %get3A_945 = vector.load %arg7[%get3A_943, %get3A_944] : memref<1x128xf32, #tpu.memory_space<vmem>>, vector<1x128xf32>
    %add3A_946 = vector.broadcast %get3A_945 : vector<1x128xf32> to vector<2048x128xf32>
    %add3A_947 = arith.addf %dot_general3A_942, %add3A_946 : vector<2048x128xf32>
    %swap3A = arith.constant 0 : index
    %swap3A_948 = arith.constant 0 : index
    %swap3A_949 = vector.load %arg8[%swap3A, %swap3A_948] : memref<2048x128xf32, #tpu.memory_space<vmem>>, vector<2048x128xf32>
    tpu.vector_store %arg8[%swap3A, %swap3A_948], %add3A_947 {strides = array<i32>} : memref<2048x128xf32, #tpu.memory_space<vmem>>, vector<2048x128xf32>,
    return
  }
  func.func @transform_0(%arg0: i32) -> (i32, i32, i32) {
    %c0_i32 = arith.constant 0 : i32
    %c0_i32_0 = arith.constant 0 : i32
    %c0_i32_1 = arith.constant 0 : i32
    return %c0_i32, %arg0, %c0_i32_0 : i32, i32, i32
  }
  func.func @transform_1(%arg0: i32) -> (i32, i32, i32) {
    %c0_i32 = arith.constant 0 : i32
    %c0_i32_0 = arith.constant 0 : i32
    %c0_i32_1 = arith.constant 0 : i32
    return %c0_i32, %arg0, %c0_i32_0 : i32, i32, i32
  }
  func.func @transform_2(%arg0: i32) -> (i32, i32) {
    %c0_i32 = arith.constant 0 : i32
    %c0_i32_0 = arith.constant 0 : i32
    %c0_i32_1 = arith.constant 0 : i32
    return %c0_i32, %c0_i32_0 : i32, i32
  }
  func.func @transform_3(%arg0: i32) -> (i32, i32, i32) {
    %c0_i32 = arith.constant 0 : i32
    %c0_i32_0 = arith.constant 0 : i32
    %c0_i32_1 = arith.constant 0 : i32
    %c0_i32_2 = arith.constant 0 : i32
    return %c0_i32, %c0_i32_0, %c0_i32_1 : i32, i32, i32
  }
  func.func @transform_4(%arg0: i32) -> (i32, i32) {
    %c0_i32 = arith.constant 0 : i32
    %c0_i32_0 = arith.constant 0 : i32
    %c0_i32_1 = arith.constant 0 : i32
    return %c0_i32, %c0_i32_0 : i32, i32
  }
  func.func @transform_5(%arg0: i32) -> (i32, i32) {
    %c0_i32 = arith.constant 0 : i32
    %c0_i32_0 = arith.constant 0 : i32
    %c0_i32_1 = arith.constant 0 : i32
    return %c0_i32, %c0_i32_0 : i32, i32
  }
  func.func @transform_6(%arg0: i32) -> (i32, i32) {
    %c0_i32 = arith.constant 0 : i32
    %c0_i32_0 = arith.constant 0 : i32
    %c0_i32_1 = arith.constant 0 : i32
    return %c0_i32, %c0_i32_0 : i32, i32
  }
  func.func @transform_7(%arg0: i32) -> (i32, i32) {
    %c0_i32 = arith.constant 0 : i32
    %c0_i32_0 = arith.constant 0 : i32
    return %arg0, %c0_i32 : i32, i32
  }
}

</mosaic_0001>

<sc_bundles>
// kernel: kernel.6.cloned.1.call-start
scs
__scs_entry_jumppad:
0x0: {  	(pc) =	sbr.rel $0x88, $3  }
0x1: {  	(tag) =	ssettag $0x0;
	lr =	simm.s32 $0x1  }
0x2: {  	[smem:$0x3F97] =	sst lr;
	_ =	strace $0xD0000000  }
0x3: {  	_ = 	snop  }
0x4: {  	_ = 	snop  }
0x5: {  	_ = 	snop  }
0x6: {  	_ = 	snop  }
0x7: {  	_ = 	snop  }
__scs_overlays_trampoline_lowered:
0x8: {  	[smem:$0x3FA6] =	sst s0  }
0x9: {  	[smem:$0x3FA7] =	sst s1  }
0xa: {  	[smem:$0x3FA8] =	sst s2  }
0xb: {  	[smem:$0x3FA9] =	sst s3  }
0xc: {  	[smem:$0x3FAA] =	sst s4  }
0xd: {  	[smem:$0x3FAB] =	sst s5  }
0xe: {  	[smem:$0x3FAC] =	sst s6  }
0xf: {  	[smem:$0x3FAD] =	sst s7  }
0x10: {  	[smem:$0x3FAE] =	sst s8  }
0x11: {  	[smem:$0x3FAF] =	sst s9;
	s0 =	simm.s32 @!p0 $0x0  }
0x12: {  	s1 =	sld [smem:$0x3F95];
	s0 =	simm.s32 @p0 $0x1  }
0x13: {  	[smem:$0x3FB0] =	sst s0;
	s0 =	simm.s32 @!p1 $0x0  }
0x14: {  	s2 =	sld [smem:$0x3F94];
	s0 =	simm.s32 @p1 $0x1  }
0x15: {  	[smem:$0x3FB1] =	sst s0;
	s0 =	simm.s32 @!p2 $0x0  }
0x16: {  	s3 =	sld [smem:$0x3FDB];
	s0 =	simm.s32 @p2 $0x1  }
0x17: {  	s4 =	simm.s32 $0x1BF5;
	[smem:$0x3FB3] =	sst s0  }
0x18: {  	s0 =	sld [smem:$0x3F96];
	_ =	swait.ge [sflag:s4], $0x0  }
0x19: {  	s7 =	sld [smem:$0x3F97]  }
0x1a: {  	s8 =	sadd.s32 $0xFFFFE003, lr  }
0x1b: {  	s9 =	sadd.s32 $0xFFFFFEF7, lr;
	s5 =	simm.s32 $0xFFFFFFFF;
	p2 =	slt.u32 s8, $0xFFFFF086  }
0x1c: {  	p1 =	slt.u32 s9, $0xF7A;
	s5 =	simm.s32 @!p2 $0x0  }
0x1d: {  	s5 =	simm.s32 @p1 $0x1;
	p0 =	seq.s32 s7, s2  }
0x1e: {  	s7 =	smul.u32 @!p0 $0xF7A, s2;
	p2 =	seq.s32 @!p0 s5, $0x0  }
0x1f: {  	s9 =	smul.u32 $0xF7A, s1;
	s8 =	simm.s32 @!p0 $0x1BF5;
	p2 =	por !p2, p0  }
0x20: {  	[sflag:s8] =	ssyncset.s32 @!p0 $0xFFFFF086;
	s6 =	sadd.s32 @!p0 s3, s7;
	s7 =	simm.s32 @!p0 $0x108  }
0x21: {  	s3 =	sadd.s32 s3, s9;
	s6 =	sadd.s32 @!p0 $0x88, s6;
	s7 =	simm.s32 @p2 $0x1082  }
0x22: {  	[simem:s7], [sflag:s8] =	dma.local @!p0 [hbm:s6], $0xF7A  }
0x23: {  	s9 =	sor.u32 $0xD0000000, s2;
	s6 =	simm.s32 $0x108;
	_ =	swait.ge @!p0 [sflag:s8], $0x0  }
0x24: {  	s3 =	sadd.s32 $0x88, s3;
	s6 =	simm.s32 @!p1 $0x1082;
	[sflag:s4] =	ssyncset.s32 $0xFFFFF086  }
0x25: {  	[simem:s6], [sflag:s4] =	dma.local [hbm:s3], $0xF7A  }
0x26: {  	[smem:$0x3F97] =	sst s1;
	(tag) =	ssettag s2;
	_ =	strace s9  }
0x27: {  	s1 =	sld [smem:$0x3FA7]  }
0x28: {  	s2 =	sld [smem:$0x3FA8]  }
0x29: {  	s4 =	sld [smem:$0x3FAA]  }
0x2a: {  	p0 =	seq.s32 s5, $0x0;
	s5 =	sld [smem:$0x3FAB]  }
0x2b: {  	s6 =	sld [smem:$0x3FAC]  }
0x2c: {  	s7 =	sld [smem:$0x3FAD]  }
0x2d: {  	s3 =	simm.s32 $0x108;
	s8 =	sld [smem:$0x3FAE]  }
0x2e: {  	s3 =	simm.s32 @!p0 $0x1082;
	s9 =	sld [smem:$0x3FAF]  }
0x2f: {  	lr =	sadd.s32 s0, s3;
	s0 =	sld [smem:$0x3FA6]  }
0x30: {  	s3 =	sld [smem:$0x3FA9]  }
0x31: {  	[smem:$0x3FB2] =	sst s10  }
0x32: {  	s10 =	sld [smem:$0x3FB0];
	_ =	sdelay $0x3  }
0x33: {  	p0 =	seq.s32 s10, $0x1;
	s10 =	sld [smem:$0x3FB2];
	_ =	sdelay $0x3  }
0x34: {  	[smem:$0x3FB2] =	sst s10  }
0x35: {  	s10 =	sld [smem:$0x3FB1];
	_ =	sdelay $0x3  }
0x36: {  	p1 =	seq.s32 s10, $0x1;
	s10 =	sld [smem:$0x3FB2];
	_ =	sdelay $0x3  }
0x37: {  	[smem:$0x3FB2] =	sst s10  }
0x38: {  	s10 =	sld [smem:$0x3FB3]  }
0x39: {  	_ = 	snop;
	(pc) =	sbr.ind lr, $3  }
0x3a: {  	_ = 	snop  }
0x3b: {  	_ = 	snop  }
0x3c: {  	p2 =	seq.s32 s10, $0x1;
	s10 =	sld [smem:$0x3FB2]  }
0x3d: {  	_ =	shalt  }
0x3e: {  	_ =	shalt  }
0x3f: {  	_ =	shalt  }
0x40: {  	_ =	shalt  }
0x41: {  	_ =	shalt  }
0x42: {  	_ =	shalt  }
0x43: {  	_ =	shalt  }
0x44: {  	_ =	shalt  }
0x45: {  	_ =	shalt  }
0x46: {  	_ =	shalt  }
0x47: {  	_ =	shalt  }
0x48: {  	_ =	shalt  }
0x49: {  	_ =	shalt  }
0x4a: {  	_ =	shalt  }
0x4b: {  	_ =	shalt  }
0x4c: {  	_ =	shalt  }
0x4d: {  	_ =	shalt  }
0x4e: {  	_ =	shalt  }
0x4f: {  	_ =	shalt  }
0x50: {  	_ =	shalt  }
0x51: {  	_ =	shalt  }
0x52: {  	_ =	shalt  }
0x53: {  	_ =	shalt  }
0x54: {  	_ =	shalt  }
0x55: {  	_ =	shalt  }
0x56: {  	_ =	shalt  }
0x57: {  	_ =	shalt  }
0x58: {  	_ =	shalt  }
0x59: {  	_ =	shalt  }
0x5a: {  	_ =	shalt  }
0x5b: {  	_ =	shalt  }
0x5c: {  	_ =	shalt  }
0x5d: {  	_ =	shalt  }
0x5e: {  	_ =	shalt  }
0x5f: {  	_ =	shalt  }
0x60: {  	_ =	shalt  }
0x61: {  	_ =	shalt  }
0x62: {  	_ =	shalt  }
0x63: {  	_ =	shalt  }
0x64: {  	_ =	shalt  }
0x65: {  	_ =	shalt  }
0x66: {  	_ =	shalt  }
0x67: {  	_ =	shalt  }
0x68: {  	_ =	shalt  }
0x69: {  	_ =	shalt  }
0x6a: {  	_ =	shalt  }
0x6b: {  	_ =	shalt  }
0x6c: {  	_ =	shalt  }
0x6d: {  	_ =	shalt  }
0x6e: {  	_ =	shalt  }
0x6f: {  	_ =	shalt  }
0x70: {  	_ =	shalt  }
0x71: {  	_ =	shalt  }
0x72: {  	_ =	shalt  }
0x73: {  	_ =	shalt  }
0x74: {  	_ =	shalt  }
0x75: {  	_ =	shalt  }
0x76: {  	_ =	shalt  }
0x77: {  	_ =	shalt  }
0x78: {  	_ =	shalt  }
0x79: {  	_ =	shalt  }
0x7a: {  	_ =	shalt  }
0x7b: {  	_ =	shalt  }
0x7c: {  	_ =	shalt  }
0x7d: {  	_ =	shalt  }
0x7e: {  	_ =	shalt  }
0x7f: {  	_ =	shalt  }
0x80: {  	_ =	shalt  }
0x81: {  	_ =	shalt  }
0x82: {  	_ =	shalt  }
0x83: {  	_ =	shalt  }
0x84: {  	_ =	shalt  }
0x85: {  	_ =	shalt  }
0x86: {  	_ =	shalt  }
0x87: {  	_ =	shalt  }
.Lfunc_end0:
.L_simem_size_0:
called_computation_lowered:
.L_overlay_start_0:
0x88: {  	s2 =	sld [smem:$0x3FD9]  }
0x89: {  	s3 =	sld [smem:$0x3FFE];
	_ =	sdelay $0x1  }
0x8a: {  	s1 =	srdreg.scid  }
0x8b: {  	s0 =	sand.u32 $0x1, s1  }
0x8c: {  	s17 =	sshll.u32 s0, $0xA;
	s2 =	sadd.s32 s3, s2  }
0x8d: {  	s2 =	sadd.s32 s2, s17  }
0x8e: {  	[smem:$0x3FBE] =	sst s2  }
0x8f: {  	_ = 	snop  }
0x90: {  	s2 =	sld [smem:$0x3FC9]  }
0x91: {  	s18 =	sld [smem:$0x3FD0];
	(tm) =	ssettm $0x1  }
0x92: {  	s4 =	sld [smem:$0x3FFB];
	_ =	sdelay $0x3  }
0x93: {  	_ =	strace s4  }
0x94: {  	s4 =	sld [smem:$0x3FFC];
	_ =	sdelay $0x3  }
0x95: {  	_ =	strace s4  }
0x96: {  	s4 =	sld [smem:$0x3FFD];
	_ =	sdelay $0x3  }
0x97: {  	_ =	strace s4  }
0x98: {  	_ =	strace $0x8FFFFFFF  }
0x99: {  	s19 =	sld [smem:$0x3FDB];
	_ =	sdelay $0x1  }
0x9a: {  	s5 =	simm.s32 $_scs_section_size  }
0x9b: {  	s6 =	simm.s32 $_size__tile_overlayer_lowered;
	s7 =	simm.s32 $_tile_overlayer_lowered  }
0x9c: {  	s22 =	simm.s32 $0x1BFF;
	s21 =	sshll.u32 s7, $0x1;
	s4 =	sadd.s32 s5, s19  }
0x9d: {  	s8 =	simm.s32 $0x0;
	s20 =	sshll.u32 s6, $0x1;
	s6 =	sadd.s32 s21, s4  }
0x9e: {  	[timem:s8], [sflag:s22] =	dma.local [hbm:s6], s20  }
0x9f: {  	_ =	swait.ge [sflag:s22], s20  }
0xa0: {  	s5 =	ssub.s32 $0x0, s20;
	[sflag:s22] =	ssyncset.done $0x0  }
0xa1: {  	[sflag:s22] =	ssyncadd.s32 s5;
	_ =	sdelay $0x1  }
0xa2: {  	s23 =	simm.s32 $0x1B8B  }
0xa3: {  	_ =	swait.ge [sflag:s23], $0x1  }
0xa4: {  	[sflag:s23] =	ssyncset.done $0x0  }
0xa5: {  	s25 =	simm.s32 $0x1B8E;
	s24 =	sld [smem:$0x3FFE];
	[sflag:s23] =	ssyncadd.s32 $0xFFFFFFFF  }
0xa6: {  	s26 =	simm.s32 $execute0_lowered;
	[smem:$0x3FD2] =	sst s25  }
0xa7: {  	s6 =	sshll.u32 s26, $0x1;
	_ =	strace $0x80000046;
	[dreg:$0x1] =	wrdreg $0xFFFFFFFF  }
0xa8: {  	s28 =	simm.s32 $_size_execute0_lowered;
	s4 =	sadd.s32 s4, s6;
	[dreg:$0x0] =	wrdreg $0x0  }
0xa9: {  	s6 =	sshll.u32 s28, $0x1;
	[dreg:$0x2] =	wrdreg s4  }
0xaa: {  	[dreg:$0x3] =	wrdreg s6  }
0xab: {  	[dreg:$0x4] =	wrdreg $0xC0  }
0xac: {  	_ =	task [dreg:s8], $0x5FFFF  }
0xad: {  	[dreg:$0x1] =	wrdreg $0xFFFFFFFF  }
0xae: {  	[dreg:$0x0] =	wrdreg $0x60  }
0xaf: {  	[dreg:$0x2] =	wrdreg s2  }
0xb0: {  	[dreg:$0x3] =	wrdreg s18  }
0xb1: {  	[dreg:$0x4] =	wrdreg s24  }
0xb2: {  	[dreg:$0x5] =	wrdreg $0xB0000  }
0xb3: {  	[dreg:$0x6] =	wrdreg $0x9  }
0xb4: {  	_ =	task.clear_ibuf [dreg:s8], $0x7FFFF;
	_ =	strace $0x90000046  }
0xb5: {  	s29 =	simm.s32 $0x9;
	_ =	strace $0x80000048  }
0xb6: {  	_ =	swait.ge [sflag:s29], $0x1  }
0xb7: {  	[sflag:s29] =	ssyncadd.s32 $0xFFFFFFFF  }
0xb8: {  	_ =	strace $0x90000048  }
0xb9: {  	_ =	sfence  }
0xba: {  	s30 =	sld [smem:$0x0];
	_ =	sdelay $0x2  }
0xbb: {  	s31 =	sshll.u32 s1, $0xD;
	s1 =	sshrl.u32 s1, $0x2  }
0xbc: {  	s3 =	sand.u32 $0x4000, s31;
	s1 =	sadd.s32 s1, s30  }
0xbd: {  	s0 =	sor.u32 s3, s0;
	s1 =	sshll.u32 s1, $0x11  }
0xbe: {  	s0 =	sor.u32 s1, s0  }
0xbf: {  	s0 =	sadd.s32 $0x8F2B, s0  }
0xc0: {  	[sflag:s0] =	ssyncadd.remote.s32 $0x1  }
0xc1: {  	_ =	sfence.sel $0xFFFF  }
0xc2: {  	[dreg:$0x0] =	wrdreg $0xFFFFFFFF;
	(pc) =	sbr.abs _section_cstart, $3  }
0xc3: {  	[dreg:$0x1] =	wrdreg $0xFFFFFFFF  }
0xc4: {  	_ =	task.clear_ibuf [dreg:s8], $0x2FFFF;
	_ =	strace $0x9FFFFFFF  }
0xc5: {  	(tm) =	ssettm $0x7FFFFFFF  }
tec
execute0_lowered:
.L_overlay_start_1:
0x0: {  	(tag) =	ssettag $0x1  }
0x1: {  	s1 =	rddreg [dreg:$0x0]  }
0x2: {  	s0 =	rddreg [dreg:$0x1]  }
0x3: {  	s2 =	rddreg [dreg:$0x2]  }
0x4: {  	s3 =	rddreg [dreg:$0x3];
	s5 =	srdreg.scid  }
0x5: {  	s12 =	stileid.u32;
	s4 =	simm.s32 $0x0;
	s17 =	simm.s32 $0x5  }
0x6: {  	s18 =	simm.s32 $0x2400;
	s19 =	simm.s32 $0x40;
	s20 =	simm.s32 $0x4800  }
0x7: {  	s21 =	simm.s32 $0x6800;
	s22 =	simm.s32 $0x1;
	s23 =	simm.s32 $0x2  }
0x8: {  	s28 =	simm.s32 $0x8800;
	s29 =	simm.s32 $0x0;
	s7 =	sand.u32 $0x1, s5  }
0x9: {  	s6 =	smul.u32 $0x14000, s12;
	[smem:$0x7FF] =	sst s4;
	s8 =	sshll.u32 s12, $0x1  }
0xa: {  	s11 =	sadd.s32 $0x1E00, s2;
	s24 =	sadd.s32 $0xC200, s2;
	s26 =	sshll.u32 s12, $0x6  }
0xb: {  	s30 =	sshll.u32 s12, $0x5;
	s5 =	smul.u32 $0x140000, s7;
	_ =	strace $0x80000047  }
0xc: {  	s8 =	sor.u32 s7, s8;
	s10 =	ssub.s32 $0x2, s7;
	[dreg:$0x5] =	wrdreg s24  }
0xd: {  	p0 =	seq.s32 s7, $0x0;
	s7 =	simm.s32 $0x90;
	s24 =	simm.s32 $0x2440  }
0xe: {  	s8 =	smul.u32 $0x500, s8;
	s25 =	sshrl.u32 s10, $0x1;
	s16 =	sadd.s32 s6, s3  }
0xf: {  	s7 =	simm.s32 @!p0 $0x10;
	s5 =	sadd.s32 s6, s5;
	s14 =	ssub.s32 s10, s25  }
0x10: {  	s6 =	sor.u32 $0x1C05, s26;
	s10 =	sor.u32 $0x1200, s30;
	s15 =	sshrl.u32 s7, $0x1  }
0x11: {  	s16 =	sshrl.u32 s16, $0x3;
	s25 =	simm.s32 $0x3;
	s9 =	sshrl.u32 s5, $0x3  }
0x12: {  	s13 =	sadd.s32 s9, s2;
	s2 =	sadd.s32 s8, s2;
	s8 =	smul.u32 $0x120, s12  }
0x13: {  	s26 =	simm.s32 $0x4;
	s14 =	smax.u32 s14, $0x1;
	s15 =	sadd.s32 $0xFFFFFFFF, s15  }
0x14: {  	s9 =	sor.u32 $0x1210, s30;
	s10 =	smov.u32 @p0 s8;
	s8 =	sadd.s32 $0x90, s8  }
0x15: {  	s12 =	sadd.s32 $0x5EA00, s2;
	s10 =	sshll.u32 s10, $0x3;
	s9 =	smov.u32 @p0 s8  }
0x16: {  	s13 =	sadd.s32 $0xEA00, s13;
	s8 =	sadd.s32 s0, s10;
	s31 =	sshll.u32 s9, $0x3  }
0x17: {  	v0 =	vimm.f32 $0.0e+00;
	v1 =	vimm.f32 $1.000000000e+00;
	s9 =	sadd.s32 s11, s10;
	s10 =	sadd.s32 s0, s31;
	s11 =	sadd.s32 s11, s31  }
.LBB2_1:
0x18: {  	s0 =	rddreg [dreg:$0x5]  }
0x19: {  	[spmem:s16], [sflag:s6] =	dma.local [hbm:s0], $0x2800  }
0x1a: {  	_ =	swait.ge [sflag:s17], $0x2800  }
0x1b: {  	[sflag:s17] =	ssyncset.done $0x0  }
0x1c: {  	s2 =	simm.s32 $0x0;
	s0 =	simm.s32 $0x40;
	[sflag:s17] =	ssyncadd.s32 $0xFFFFD800  }
.LBB2_2:
0x1d: {  	p0 =	sne.s32 s0, $0x9FC0;
	[tilespmem:s2+$0x8800] =	vst v0;
	s2 =	smov.u32 s0;
	s0 =	sadd.s32 $0x40, s0  }
.Ltmp0:
0x1e: {  	(pc) =	sbr.rel @p0 .LBB2_2-.Ltmp0, $2  }
0x1f: {  	_ =	sdelay $0x2  }
0x20: {  	s2 =	sshra.s32 s2, $0x2  }
0x21: {  	[tilespmem:s2+$0x8800] =	vst v0  }
0x22: {  	[bflag:$0x0] =	sbarrier.arrive $0xFFFF  }
0x23: {  	[tilespmem:s4], [sflag:$0x5] =	stream.linear.gather [hbm4b:s8+s4], $0x2400, $0x38;
	[tilespmem:$0x1F000] =	vst v63  }
0x24: {  	_ =	swait.ge [sflag:s17], $0x2400  }
0x25: {  	[sflag:s17] =	ssyncset.done $0x0  }
0x26: {  	[sflag:s17] =	ssyncadd.s32 $0xFFFFDC00  }
0x27: {  	[tilespmem:s18], [sflag:$0x5] =	stream.linear.gather [hbm4b:s9+s4], $0x2400, $0x38;
	[tilespmem:$0x1F000] =	vst v63  }
0x28: {  	_ =	swait.ge [sflag:s17], $0x2400  }
0x29: {  	[sflag:s17] =	ssyncset.done $0x0  }
0x2a: {  	[sflag:s17] =	ssyncadd.s32 $0xFFFFDC00  }
0x2b: {  	[tilespmem:s20], [sflag:$0x1] =	stream.indirect.gather [hbm4b:s1+s19], $0x80, s4, s19, $0xb8;
	[tilespmem:$0x1F000] =	vst v63  }
0x2c: {  	_ = 	snop  }
0x2d: {  	[tilespmem:s21], [sflag:$0x2] =	stream.indirect.gather [hbm4b:s1+s19], $0x80, s19, s19, $0xb8;
	[tilespmem:$0x1F000] =	vst v63  }
0x2e: {  	_ =	swait.ge [sflag:s22], $0x2000  }
0x2f: {  	[sflag:s22] =	ssyncset.done $0x0  }
0x30: {  	[sflag:s22] =	ssyncadd.s32 $0xFFFFE000  }
0x31: {  	[spmem:s3] =	stream.indirect.scatter.add.f32 [tilespmem:s20], [sflag:$0x3], $0x80, s18, s19, $0xb8;
	[tilespmem:$0x1F000] =	vst v63  }
0x32: {  	_ =	swait.ge [sflag:s23], $0x2000  }
0x33: {  	[sflag:s23] =	ssyncset.done $0x0  }
0x34: {  	[sflag:s23] =	ssyncadd.s32 $0xFFFFE000  }
0x35: {  	[spmem:s3] =	stream.indirect.scatter.add.f32 [tilespmem:s21], [sflag:$0x4], $0x80, s24, s19, $0xb8;
	[tilespmem:$0x1F000] =	vst v63  }
0x36: {  	_ =	swait.ge [sflag:s25], $0x2000  }
0x37: {  	[sflag:s25] =	ssyncset.done $0x0  }
0x38: {  	s0 =	simm.s32 $0x80;
	[sflag:s25] =	ssyncadd.s32 $0xFFFFE000  }
0x39: {  	[tilespmem:s20], [sflag:$0x1] =	stream.indirect.gather [hbm4b:s1+s19], $0x80, s0, s19, $0xb8;
	[tilespmem:$0x1F000] =	vst v63  }
0x3a: {  	_ =	swait.ge [sflag:s22], $0x2000  }
0x3b: {  	[sflag:s22] =	ssyncset.done $0x0  }
0x3c: {  	s2 =	simm.s32 $0x2480;
	[sflag:s22] =	ssyncadd.s32 $0xFFFFE000  }
0x3d: {  	[spmem:s3] =	stream.indirect.scatter.add.f32 [tilespmem:s20], [sflag:$0x3], $0x80, s2, s19, $0xb8;
	[tilespmem:$0x1F000] =	vst v63  }
0x3e: {  	_ =	swait.ge [sflag:s26], $0x2000  }
0x3f: {  	p0 =	sne.s32 s15, $0x1;
	[sflag:s26] =	ssyncset.done $0x0  }
.Ltmp1:
0x40: {  	s5 =	simm.s32 $0xC0;
	[sflag:s26] =	ssyncadd.s32 $0xFFFFE000;
	(pc) =	sbr.rel @!p0 .LBB2_5-.Ltmp1, $4  }
0x41: {  	[tilespmem:s21], [sflag:$0x2] =	stream.indirect.gather [hbm4b:s1+s19], $0x80, s5, s19, $0xb8;
	[tilespmem:$0x1F000] =	vst v63  }
0x42: {  	_ =	swait.ge [sflag:s23], $0x2000  }
0x43: {  	s30 =	sadd.s32 $0xFFFFFFFF, s15;
	s31 =	simm.s32 $0x2500;
	[sflag:s23] =	ssyncset.done $0x0  }
0x44: {  	s0 =	simm.s32 $0x100;
	s2 =	simm.s32 $0x24C0;
	[sflag:s23] =	ssyncadd.s32 $0xFFFFE000  }
.LBB2_4:
0x45: {  	[spmem:s3] =	stream.indirect.scatter.add.f32 [tilespmem:s21], [sflag:$0x4], $0x80, s2, s19, $0xb8;
	[tilespmem:$0x1F000] =	vst v63  }
0x46: {  	p1 =	sne.s32 s30, $0x1;
	s30 =	sadd.s32 $0xFFFFFFFF, s30;
	_ =	swait.ge [sflag:s25], $0x2000  }
0x47: {  	s2 =	smov.u32 s31;
	[sflag:s25] =	ssyncset.done $0x0  }
0x48: {  	[sflag:s25] =	ssyncadd.s32 $0xFFFFE000  }
0x49: {  	[tilespmem:s20], [sflag:$0x1] =	stream.indirect.gather [hbm4b:s1+s19], $0x80, s0, s19, $0xb8;
	[tilespmem:$0x1F000] =	vst v63  }
0x4a: {  	_ =	swait.ge [sflag:s22], $0x2000  }
0x4b: {  	[sflag:s22] =	ssyncset.done $0x0  }
0x4c: {  	[sflag:s22] =	ssyncadd.s32 $0xFFFFE000  }
0x4d: {  	[spmem:s3] =	stream.indirect.scatter.add.f32 [tilespmem:s20], [sflag:$0x3], $0x80, s31, s19, $0xb8;
	[tilespmem:$0x1F000] =	vst v63  }
0x4e: {  	_ =	swait.ge [sflag:s26], $0x2000  }
0x4f: {  	[sflag:s26] =	ssyncset.done $0x0  }
.Ltmp2:
0x50: {  	s5 =	sadd.s32 $0x40, s0;
	[sflag:s26] =	ssyncadd.s32 $0xFFFFE000;
	(pc) =	sbr.rel @p1 .LBB2_4-.Ltmp2, $4  }
0x51: {  	[tilespmem:s21], [sflag:$0x2] =	stream.indirect.gather [hbm4b:s1+s19], $0x80, s5, s19, $0xb8;
	[tilespmem:$0x1F000] =	vst v63  }
0x52: {  	_ =	swait.ge [sflag:s23], $0x2000  }
0x53: {  	s31 =	sadd.s32 $0x80, s31;
	[sflag:s23] =	ssyncset.done $0x0  }
0x54: {  	s2 =	sadd.s32 $0x40, s2;
	s0 =	sadd.s32 $0x80, s0;
	[sflag:s23] =	ssyncadd.s32 $0xFFFFE000  }
.LBB2_5:
0x55: {  	[spmem:s3] =	stream.indirect.scatter.add.f32 [tilespmem:s21], [sflag:$0x4], $0x80, s2, s19, $0xb8;
	[tilespmem:$0x1F000] =	vst v63  }
0x56: {  	_ =	swait.ge [sflag:s25], $0x2000  }
0x57: {  	[sflag:s25] =	ssyncset.done $0x0  }
0x58: {  	[sflag:s25] =	ssyncadd.s32 $0xFFFFE000  }
0x59: {  	_ =	swait.ge [sflag:s26], $0x2000  }
0x5a: {  	[sflag:s26] =	ssyncset.done $0x0  }
0x5b: {  	s0 =	simm.s32 $0x2420;
	s30 =	smov.u32 s7;
	[sflag:s26] =	ssyncadd.s32 $0xFFFFE000  }
.LBB2_6:
0x5c: {  	v2 =	vld [tilespmem:s0+$0xFFFFFFE0];
	_ =	sdelay $0x7  }
0x5d: {  	[tilespmem:v2+s28+$0x0] =	vst.idx.add.f32.msk $0xffff, v1  }
0x5e: {  	v2 =	vld [tilespmem:s0+$0xFFFFFFF0];
	_ =	sdelay $0x7  }
0x5f: {  	[tilespmem:v2+s28+$0x0] =	vst.idx.add.f32.msk $0xffff, v1  }
0x60: {  	v2 =	vld [tilespmem:s0+$0x0];
	_ =	sdelay $0x7  }
0x61: {  	[tilespmem:v2+s28+$0x0] =	vst.idx.add.f32.msk $0xffff, v1  }
0x62: {  	v2 =	vld [tilespmem:s0+$0x10];
	_ =	sdelay $0x2  }
0x63: {  	p1 =	sne.s32 s30, $0x1  }
.Ltmp3:
0x64: {  	_ = 	snop;
	(pc) =	sbr.rel @p1 .LBB2_6-.Ltmp3, $2  }
0x65: {  	_ =	sdelay $0x2  }
0x66: {  	s30 =	sadd.s32 $0xFFFFFFFF, s30;
	s0 =	sadd.s32 $0x40, s0;
	[tilespmem:v2+s28+$0x0] =	vst.idx.add.f32.msk $0xffff, v1  }
0x67: {  	[tilespmem:s4], [sflag:$0x5] =	stream.linear.gather [hbm4b:s10+s4], $0x2400, $0x38;
	[tilespmem:$0x1F000] =	vst v63  }
0x68: {  	_ =	swait.ge [sflag:s17], $0x2400  }
0x69: {  	[sflag:s17] =	ssyncset.done $0x0  }
0x6a: {  	[sflag:s17] =	ssyncadd.s32 $0xFFFFDC00  }
0x6b: {  	[tilespmem:s18], [sflag:$0x5] =	stream.linear.gather [hbm4b:s11+s4], $0x2400, $0x38;
	[tilespmem:$0x1F000] =	vst v63  }
0x6c: {  	_ =	swait.ge [sflag:s17], $0x2400  }
0x6d: {  	[sflag:s17] =	ssyncset.done $0x0  }
0x6e: {  	[sflag:s17] =	ssyncadd.s32 $0xFFFFDC00  }
0x6f: {  	[tilespmem:s20], [sflag:$0x1] =	stream.indirect.gather [hbm4b:s1+s19], $0x80, s4, s19, $0xb8;
	[tilespmem:$0x1F000] =	vst v63  }
0x70: {  	_ = 	snop  }
0x71: {  	[tilespmem:s21], [sflag:$0x2] =	stream.indirect.gather [hbm4b:s1+s19], $0x80, s19, s19, $0xb8;
	[tilespmem:$0x1F000] =	vst v63  }
0x72: {  	_ =	swait.ge [sflag:s22], $0x2000  }
0x73: {  	[sflag:s22] =	ssyncset.done $0x0  }
0x74: {  	[sflag:s22] =	ssyncadd.s32 $0xFFFFE000  }
0x75: {  	[spmem:s3] =	stream.indirect.scatter.add.f32 [tilespmem:s20], [sflag:$0x3], $0x80, s18, s19, $0xb8;
	[tilespmem:$0x1F000] =	vst v63  }
0x76: {  	_ =	swait.ge [sflag:s23], $0x2000  }
0x77: {  	[sflag:s23] =	ssyncset.done $0x0  }
0x78: {  	[sflag:s23] =	ssyncadd.s32 $0xFFFFE000  }
0x79: {  	[spmem:s3] =	stream.indirect.scatter.add.f32 [tilespmem:s21], [sflag:$0x4], $0x80, s24, s19, $0xb8;
	[tilespmem:$0x1F000] =	vst v63  }
0x7a: {  	_ =	swait.ge [sflag:s25], $0x2000  }
0x7b: {  	[sflag:s25] =	ssyncset.done $0x0  }
0x7c: {  	s0 =	simm.s32 $0x80;
	[sflag:s25] =	ssyncadd.s32 $0xFFFFE000  }
0x7d: {  	[tilespmem:s20], [sflag:$0x1] =	stream.indirect.gather [hbm4b:s1+s19], $0x80, s0, s19, $0xb8;
	[tilespmem:$0x1F000] =	vst v63  }
0x7e: {  	_ =	swait.ge [sflag:s22], $0x2000  }
0x7f: {  	[sflag:s22] =	ssyncset.done $0x0  }
0x80: {  	s2 =	simm.s32 $0x2480;
	[sflag:s22] =	ssyncadd.s32 $0xFFFFE000  }
0x81: {  	[spmem:s3] =	stream.indirect.scatter.add.f32 [tilespmem:s20], [sflag:$0x3], $0x80, s2, s19, $0xb8;
	[tilespmem:$0x1F000] =	vst v63  }
0x82: {  	_ =	swait.ge [sflag:s26], $0x2000  }
0x83: {  	[sflag:s26] =	ssyncset.done $0x0  }
.Ltmp4:
0x84: {  	s5 =	simm.s32 $0xC0;
	[sflag:s26] =	ssyncadd.s32 $0xFFFFE000;
	(pc) =	sbr.rel @!p0 .LBB2_9-.Ltmp4, $4  }
0x85: {  	[tilespmem:s21], [sflag:$0x2] =	stream.indirect.gather [hbm4b:s1+s19], $0x80, s5, s19, $0xb8;
	[tilespmem:$0x1F000] =	vst v63  }
0x86: {  	_ =	swait.ge [sflag:s23], $0x2000  }
0x87: {  	s30 =	sadd.s32 $0xFFFFFFFF, s15;
	s31 =	simm.s32 $0x2500;
	[sflag:s23] =	ssyncset.done $0x0  }
0x88: {  	s0 =	simm.s32 $0x100;
	s2 =	simm.s32 $0x24C0;
	[sflag:s23] =	ssyncadd.s32 $0xFFFFE000  }
.LBB2_8:
0x89: {  	[spmem:s3] =	stream.indirect.scatter.add.f32 [tilespmem:s21], [sflag:$0x4], $0x80, s2, s19, $0xb8;
	[tilespmem:$0x1F000] =	vst v63  }
0x8a: {  	p0 =	sne.s32 s30, $0x1;
	s30 =	sadd.s32 $0xFFFFFFFF, s30;
	_ =	swait.ge [sflag:s25], $0x2000  }
0x8b: {  	s2 =	smov.u32 s31;
	[sflag:s25] =	ssyncset.done $0x0  }
0x8c: {  	[sflag:s25] =	ssyncadd.s32 $0xFFFFE000  }
0x8d: {  	[tilespmem:s20], [sflag:$0x1] =	stream.indirect.gather [hbm4b:s1+s19], $0x80, s0, s19, $0xb8;
	[tilespmem:$0x1F000] =	vst v63  }
0x8e: {  	_ =	swait.ge [sflag:s22], $0x2000  }
0x8f: {  	[sflag:s22] =	ssyncset.done $0x0  }
0x90: {  	[sflag:s22] =	ssyncadd.s32 $0xFFFFE000  }
0x91: {  	[spmem:s3] =	stream.indirect.scatter.add.f32 [tilespmem:s20], [sflag:$0x3], $0x80, s31, s19, $0xb8;
	[tilespmem:$0x1F000] =	vst v63  }
0x92: {  	_ =	swait.ge [sflag:s26], $0x2000  }
0x93: {  	[sflag:s26] =	ssyncset.done $0x0  }
.Ltmp5:
0x94: {  	s5 =	sadd.s32 $0x40, s0;
	[sflag:s26] =	ssyncadd.s32 $0xFFFFE000;
	(pc) =	sbr.rel @p0 .LBB2_8-.Ltmp5, $4  }
0x95: {  	[tilespmem:s21], [sflag:$0x2] =	stream.indirect.gather [hbm4b:s1+s19], $0x80, s5, s19, $0xb8;
	[tilespmem:$0x1F000] =	vst v63  }
0x96: {  	_ =	swait.ge [sflag:s23], $0x2000  }
0x97: {  	s31 =	sadd.s32 $0x80, s31;
	[sflag:s23] =	ssyncset.done $0x0  }
0x98: {  	s2 =	sadd.s32 $0x40, s2;
	s0 =	sadd.s32 $0x80, s0;
	[sflag:s23] =	ssyncadd.s32 $0xFFFFE000  }
.LBB2_9:
0x99: {  	[spmem:s3] =	stream.indirect.scatter.add.f32 [tilespmem:s21], [sflag:$0x4], $0x80, s2, s19, $0xb8;
	[tilespmem:$0x1F000] =	vst v63  }
0x9a: {  	_ =	swait.ge [sflag:s25], $0x2000  }
0x9b: {  	[sflag:s25] =	ssyncset.done $0x0  }
0x9c: {  	[sflag:s25] =	ssyncadd.s32 $0xFFFFE000  }
0x9d: {  	_ =	swait.ge [sflag:s26], $0x2000  }
0x9e: {  	[sflag:s26] =	ssyncset.done $0x0  }
0x9f: {  	s0 =	simm.s32 $0x2420;
	s30 =	smov.u32 s7;
	[sflag:s26] =	ssyncadd.s32 $0xFFFFE000  }
.LBB2_10:
0xa0: {  	v2 =	vld [tilespmem:s0+$0xFFFFFFE0];
	_ =	sdelay $0x7  }
0xa1: {  	[tilespmem:v2+s28+$0x0] =	vst.idx.add.f32.msk $0xffff, v1  }
0xa2: {  	v2 =	vld [tilespmem:s0+$0xFFFFFFF0];
	_ =	sdelay $0x7  }
0xa3: {  	[tilespmem:v2+s28+$0x0] =	vst.idx.add.f32.msk $0xffff, v1  }
0xa4: {  	v2 =	vld [tilespmem:s0+$0x0];
	_ =	sdelay $0x7  }
0xa5: {  	[tilespmem:v2+s28+$0x0] =	vst.idx.add.f32.msk $0xffff, v1  }
0xa6: {  	v2 =	vld [tilespmem:s0+$0x10];
	_ =	sdelay $0x2  }
0xa7: {  	p0 =	sne.s32 s30, $0x1  }
.Ltmp6:
0xa8: {  	_ = 	snop;
	(pc) =	sbr.rel @p0 .LBB2_10-.Ltmp6, $2  }
0xa9: {  	_ =	sdelay $0x2  }
0xaa: {  	s30 =	sadd.s32 $0xFFFFFFFF, s30;
	s0 =	sadd.s32 $0x40, s0;
	[tilespmem:v2+s28+$0x0] =	vst.idx.add.f32.msk $0xffff, v1  }
0xab: {  	[hbm4b:s12+s4] =	stream.linear.scatter [tilespmem:s28], [sflag:$0x5], $0x2800, $0x38;
	[tilespmem:$0x1F000] =	vst v63  }
0xac: {  	_ =	swait.ge [sflag:s17], $0x2800  }
0xad: {  	s29 =	sadd.s32 $0x1, s29;
	[sflag:s17] =	ssyncset.done $0x0  }
0xae: {  	p0 =	sne.s32 s29, s14;
	[sflag:s17] =	ssyncadd.s32 $0xFFFFD800  }
.Ltmp7:
0xaf: {  	[bflag:$0x0] =	sbarrier.arrive $0xFFFF;
	(pc) =	sbr.rel @p0 .LBB2_1-.Ltmp7, $4  }
0xb0: {  	[hbm:s13], [sflag:s6] =	dma.local [spmem:s16], $0x2800  }
0xb1: {  	_ =	swait.ge [sflag:s17], $0x2800  }
0xb2: {  	[sflag:s17] =	ssyncset.done $0x0  }
0xb3: {  	[sflag:s17] =	ssyncadd.s32 $0xFFFFD800  }
0xb4: {  	_ =	sfence.sel $0x180000  }
0xb5: {  	[bflag:$0x0] =	sbarrier.arrive $0xFFFF  }
0xb6: {  	_ =	strace $0x90000047  }
0xb7: {  	s0 =	stileid.u32;
	[bflag:$0x2] =	sbarrier.arrive $0xFFFF  }
0xb8: {  	p0 =	sne.s32 s0, $0x0;
	s0 =	rddreg [dreg:$0x4]  }
0xb9: {  	s0 =	sadd.s32 @!p0 $0x100000, s0  }
0xba: {  	[sflag:s0] =	ssyncadd.tile.s32 @!p0 $0x1;
	_ =	shalt  }
.Lfunc_end2:
_tile_overlayer_lowered:
.L_overlay_start_2:
0xbb: {  	(tag) =	ssettag $0x2  }
0xbc: {  	s0 =	rddreg [dreg:$0x0];
	s2 =	stileid.u32  }
0xbd: {  	s1 =	rddreg [dreg:$0x1];
	p0 =	sne.s32 s2, $0x0  }
0xbe: {  	s3 =	rddreg [dreg:$0x2];
	[bflag:$0x3] =	sbarrier.arrive $0xFFFF;
	s2 =	simm.s32 @!p0 $0x1C05  }
0xbf: {  	[timem:s3], [sflag:s2] =	dma.local @!p0 [hbm:s0], s1  }
0xc0: {  	s0 =	simm.s32 @!p0 $0x5  }
0xc1: {  	_ =	swait.ge @!p0 [sflag:s0], s1  }
0xc2: {  	s1 =	ssub.s32 @!p0 $0x0, s1;
	[sflag:s0] =	ssyncset.done @!p0 $0x0  }
0xc3: {  	[sflag:s0] =	ssyncadd.s32 @!p0 s1  }
0xc4: {  	[bflag:$0x3] =	sbarrier.arrive $0xFFFF  }
0xc5: {  	_ =	shalt  }

// kernel: kernel.9.cloned.1.call-start
scs
__scs_entry_jumppad:
0x0: {  	(pc) =	sbr.rel $0x88, $3  }
0x1: {  	(tag) =	ssettag $0x0;
	lr =	simm.s32 $0x1  }
0x2: {  	[smem:$0x3F97] =	sst lr;
	_ =	strace $0xD0000000  }
0x3: {  	_ = 	snop  }
0x4: {  	_ = 	snop  }
0x5: {  	_ = 	snop  }
0x6: {  	_ = 	snop  }
0x7: {  	_ = 	snop  }
__scs_overlays_trampoline_lowered:
0x8: {  	[smem:$0x3FA6] =	sst s0  }
0x9: {  	[smem:$0x3FA7] =	sst s1  }
0xa: {  	[smem:$0x3FA8] =	sst s2  }
0xb: {  	[smem:$0x3FA9] =	sst s3  }
0xc: {  	[smem:$0x3FAA] =	sst s4  }
0xd: {  	[smem:$0x3FAB] =	sst s5  }
0xe: {  	[smem:$0x3FAC] =	sst s6  }
0xf: {  	[smem:$0x3FAD] =	sst s7  }
0x10: {  	[smem:$0x3FAE] =	sst s8  }
0x11: {  	[smem:$0x3FAF] =	sst s9;
	s0 =	simm.s32 @!p0 $0x0  }
0x12: {  	s1 =	sld [smem:$0x3F95];
	s0 =	simm.s32 @p0 $0x1  }
0x13: {  	[smem:$0x3FB0] =	sst s0;
	s0 =	simm.s32 @!p1 $0x0  }
0x14: {  	s2 =	sld [smem:$0x3F94];
	s0 =	simm.s32 @p1 $0x1  }
0x15: {  	[smem:$0x3FB1] =	sst s0;
	s0 =	simm.s32 @!p2 $0x0  }
0x16: {  	s3 =	sld [smem:$0x3FDB];
	s0 =	simm.s32 @p2 $0x1  }
0x17: {  	s4 =	simm.s32 $0x1BF5;
	[smem:$0x3FB3] =	sst s0  }
0x18: {  	s0 =	sld [smem:$0x3F96];
	_ =	swait.ge [sflag:s4], $0x0  }
0x19: {  	s7 =	sld [smem:$0x3F97]  }
0x1a: {  	s8 =	sadd.s32 $0xFFFFE003, lr  }
0x1b: {  	s9 =	sadd.s32 $0xFFFFFEF7, lr;
	s5 =	simm.s32 $0xFFFFFFFF;
	p2 =	slt.u32 s8, $0xFFFFF086  }
0x1c: {  	p1 =	slt.u32 s9, $0xF7A;
	s5 =	simm.s32 @!p2 $0x0  }
0x1d: {  	s5 =	simm.s32 @p1 $0x1;
	p0 =	seq.s32 s7, s2  }
0x1e: {  	s7 =	smul.u32 @!p0 $0xF7A, s2;
	p2 =	seq.s32 @!p0 s5, $0x0  }
0x1f: {  	s9 =	smul.u32 $0xF7A, s1;
	s8 =	simm.s32 @!p0 $0x1BF5;
	p2 =	por !p2, p0  }
0x20: {  	[sflag:s8] =	ssyncset.s32 @!p0 $0xFFFFF086;
	s6 =	sadd.s32 @!p0 s3, s7;
	s7 =	simm.s32 @!p0 $0x108  }
0x21: {  	s3 =	sadd.s32 s3, s9;
	s6 =	sadd.s32 @!p0 $0x88, s6;
	s7 =	simm.s32 @p2 $0x1082  }
0x22: {  	[simem:s7], [sflag:s8] =	dma.local @!p0 [hbm:s6], $0xF7A  }
0x23: {  	s9 =	sor.u32 $0xD0000000, s2;
	s6 =	simm.s32 $0x108;
	_ =	swait.ge @!p0 [sflag:s8], $0x0  }
0x24: {  	s3 =	sadd.s32 $0x88, s3;
	s6 =	simm.s32 @!p1 $0x1082;
	[sflag:s4] =	ssyncset.s32 $0xFFFFF086  }
0x25: {  	[simem:s6], [sflag:s4] =	dma.local [hbm:s3], $0xF7A  }
0x26: {  	[smem:$0x3F97] =	sst s1;
	(tag) =	ssettag s2;
	_ =	strace s9  }
0x27: {  	s1 =	sld [smem:$0x3FA7]  }
0x28: {  	s2 =	sld [smem:$0x3FA8]  }
0x29: {  	s4 =	sld [smem:$0x3FAA]  }
0x2a: {  	p0 =	seq.s32 s5, $0x0;
	s5 =	sld [smem:$0x3FAB]  }
0x2b: {  	s6 =	sld [smem:$0x3FAC]  }
0x2c: {  	s7 =	sld [smem:$0x3FAD]  }
0x2d: {  	s3 =	simm.s32 $0x108;
	s8 =	sld [smem:$0x3FAE]  }
0x2e: {  	s3 =	simm.s32 @!p0 $0x1082;
	s9 =	sld [smem:$0x3FAF]  }
0x2f: {  	lr =	sadd.s32 s0, s3;
	s0 =	sld [smem:$0x3FA6]  }
0x30: {  	s3 =	sld [smem:$0x3FA9]  }
0x31: {  	[smem:$0x3FB2] =	sst s10  }
0x32: {  	s10 =	sld [smem:$0x3FB0];
	_ =	sdelay $0x3  }
0x33: {  	p0 =	seq.s32 s10, $0x1;
	s10 =	sld [smem:$0x3FB2];
	_ =	sdelay $0x3  }
0x34: {  	[smem:$0x3FB2] =	sst s10  }
0x35: {  	s10 =	sld [smem:$0x3FB1];
	_ =	sdelay $0x3  }
0x36: {  	p1 =	seq.s32 s10, $0x1;
	s10 =	sld [smem:$0x3FB2];
	_ =	sdelay $0x3  }
0x37: {  	[smem:$0x3FB2] =	sst s10  }
0x38: {  	s10 =	sld [smem:$0x3FB3]  }
0x39: {  	_ = 	snop;
	(pc) =	sbr.ind lr, $3  }
0x3a: {  	_ = 	snop  }
0x3b: {  	_ = 	snop  }
0x3c: {  	p2 =	seq.s32 s10, $0x1;
	s10 =	sld [smem:$0x3FB2]  }
0x3d: {  	_ =	shalt  }
0x3e: {  	_ =	shalt  }
0x3f: {  	_ =	shalt  }
0x40: {  	_ =	shalt  }
0x41: {  	_ =	shalt  }
0x42: {  	_ =	shalt  }
0x43: {  	_ =	shalt  }
0x44: {  	_ =	shalt  }
0x45: {  	_ =	shalt  }
0x46: {  	_ =	shalt  }
0x47: {  	_ =	shalt  }
0x48: {  	_ =	shalt  }
0x49: {  	_ =	shalt  }
0x4a: {  	_ =	shalt  }
0x4b: {  	_ =	shalt  }
0x4c: {  	_ =	shalt  }
0x4d: {  	_ =	shalt  }
0x4e: {  	_ =	shalt  }
0x4f: {  	_ =	shalt  }
0x50: {  	_ =	shalt  }
0x51: {  	_ =	shalt  }
0x52: {  	_ =	shalt  }
0x53: {  	_ =	shalt  }
0x54: {  	_ =	shalt  }
0x55: {  	_ =	shalt  }
0x56: {  	_ =	shalt  }
0x57: {  	_ =	shalt  }
0x58: {  	_ =	shalt  }
0x59: {  	_ =	shalt  }
0x5a: {  	_ =	shalt  }
0x5b: {  	_ =	shalt  }
0x5c: {  	_ =	shalt  }
0x5d: {  	_ =	shalt  }
0x5e: {  	_ =	shalt  }
0x5f: {  	_ =	shalt  }
0x60: {  	_ =	shalt  }
0x61: {  	_ =	shalt  }
0x62: {  	_ =	shalt  }
0x63: {  	_ =	shalt  }
0x64: {  	_ =	shalt  }
0x65: {  	_ =	shalt  }
0x66: {  	_ =	shalt  }
0x67: {  	_ =	shalt  }
0x68: {  	_ =	shalt  }
0x69: {  	_ =	shalt  }
0x6a: {  	_ =	shalt  }
0x6b: {  	_ =	shalt  }
0x6c: {  	_ =	shalt  }
0x6d: {  	_ =	shalt  }
0x6e: {  	_ =	shalt  }
0x6f: {  	_ =	shalt  }
0x70: {  	_ =	shalt  }
0x71: {  	_ =	shalt  }
0x72: {  	_ =	shalt  }
0x73: {  	_ =	shalt  }
0x74: {  	_ =	shalt  }
0x75: {  	_ =	shalt  }
0x76: {  	_ =	shalt  }
0x77: {  	_ =	shalt  }
0x78: {  	_ =	shalt  }
0x79: {  	_ =	shalt  }
0x7a: {  	_ =	shalt  }
0x7b: {  	_ =	shalt  }
0x7c: {  	_ =	shalt  }
0x7d: {  	_ =	shalt  }
0x7e: {  	_ =	shalt  }
0x7f: {  	_ =	shalt  }
0x80: {  	_ =	shalt  }
0x81: {  	_ =	shalt  }
0x82: {  	_ =	shalt  }
0x83: {  	_ =	shalt  }
0x84: {  	_ =	shalt  }
0x85: {  	_ =	shalt  }
0x86: {  	_ =	shalt  }
0x87: {  	_ =	shalt  }
.Lfunc_end0:
.L_simem_size_0:
called_computation.1_lowered:
.L_overlay_start_0:
0x88: {  	s2 =	sld [smem:$0x3FD9]  }
0x89: {  	s3 =	sld [smem:$0x3FFE];
	_ =	sdelay $0x1  }
0x8a: {  	s1 =	srdreg.scid  }
0x8b: {  	s0 =	sand.u32 $0x1, s1  }
0x8c: {  	s17 =	sshll.u32 s0, $0xA;
	s2 =	sadd.s32 s3, s2  }
0x8d: {  	s2 =	sadd.s32 s2, s17  }
0x8e: {  	[smem:$0x3FBE] =	sst s2  }
0x8f: {  	_ = 	snop  }
0x90: {  	s2 =	sld [smem:$0x3FD0];
	(tm) =	ssettm $0x1  }
0x91: {  	s18 =	sld [smem:$0x3FFB];
	_ =	sdelay $0x3  }
0x92: {  	_ =	strace s18  }
0x93: {  	s3 =	sld [smem:$0x3FFC];
	_ =	sdelay $0x3  }
0x94: {  	_ =	strace s3  }
0x95: {  	s3 =	sld [smem:$0x3FFD];
	_ =	sdelay $0x3  }
0x96: {  	_ =	strace s3  }
0x97: {  	_ =	strace $0x8FFFFFFF  }
0x98: {  	s19 =	sld [smem:$0x3FDB];
	_ =	sdelay $0x1  }
0x99: {  	s4 =	simm.s32 $_scs_section_size  }
0x9a: {  	s5 =	simm.s32 $_size__tile_overlayer_lowered;
	s6 =	simm.s32 $_tile_overlayer_lowered  }
0x9b: {  	s22 =	simm.s32 $0x1BFF;
	s21 =	sshll.u32 s6, $0x1;
	s3 =	sadd.s32 s4, s19  }
0x9c: {  	s7 =	simm.s32 $0x0;
	s20 =	sshll.u32 s5, $0x1;
	s5 =	sadd.s32 s21, s3  }
0x9d: {  	[timem:s7], [sflag:s22] =	dma.local [hbm:s5], s20  }
0x9e: {  	_ =	swait.ge [sflag:s22], s20  }
0x9f: {  	s4 =	ssub.s32 $0x0, s20;
	[sflag:s22] =	ssyncset.done $0x0  }
0xa0: {  	[sflag:s22] =	ssyncadd.s32 s4;
	_ =	sdelay $0x1  }
0xa1: {  	s23 =	simm.s32 $0x1B8B  }
0xa2: {  	_ =	swait.ge [sflag:s23], $0x1  }
0xa3: {  	[sflag:s23] =	ssyncset.done $0x0  }
0xa4: {  	s25 =	simm.s32 $0x1B8E;
	s24 =	sld [smem:$0x3FFE];
	[sflag:s23] =	ssyncadd.s32 $0xFFFFFFFF  }
0xa5: {  	s26 =	simm.s32 $execute0_lowered;
	[smem:$0x3FD2] =	sst s25  }
0xa6: {  	s5 =	sshll.u32 s26, $0x1;
	_ =	strace $0x80000049;
	[dreg:$0x1] =	wrdreg $0xFFFFFFFF  }
0xa7: {  	s28 =	simm.s32 $_size_execute0_lowered;
	s3 =	sadd.s32 s3, s5;
	[dreg:$0x0] =	wrdreg $0x0  }
0xa8: {  	s5 =	sshll.u32 s28, $0x1;
	[dreg:$0x2] =	wrdreg s3  }
0xa9: {  	[dreg:$0x3] =	wrdreg s5  }
0xaa: {  	[dreg:$0x4] =	wrdreg $0xC0  }
0xab: {  	_ =	task [dreg:s7], $0x5FFFF  }
0xac: {  	[dreg:$0x1] =	wrdreg $0xFFFFFFFF  }
0xad: {  	[dreg:$0x0] =	wrdreg $0x60  }
0xae: {  	[dreg:$0x2] =	wrdreg s24  }
0xaf: {  	[dreg:$0x3] =	wrdreg s2  }
0xb0: {  	[dreg:$0x4] =	wrdreg $0x88000  }
0xb1: {  	[dreg:$0x5] =	wrdreg $0x9  }
0xb2: {  	_ =	task.clear_ibuf [dreg:s7], $0x6FFFF;
	_ =	strace $0x90000049  }
0xb3: {  	s29 =	simm.s32 $0x9;
	_ =	strace $0x8000004B  }
0xb4: {  	_ =	swait.ge [sflag:s29], $0x1  }
0xb5: {  	[sflag:s29] =	ssyncadd.s32 $0xFFFFFFFF  }
0xb6: {  	_ =	strace $0x9000004B  }
0xb7: {  	_ =	sfence  }
0xb8: {  	s30 =	sld [smem:$0x0];
	_ =	sdelay $0x2  }
0xb9: {  	s31 =	sshll.u32 s1, $0xD;
	s1 =	sshrl.u32 s1, $0x2  }
0xba: {  	s3 =	sand.u32 $0x4000, s31;
	s1 =	sadd.s32 s1, s30  }
0xbb: {  	s0 =	sor.u32 s3, s0;
	s1 =	sshll.u32 s1, $0x11  }
0xbc: {  	s0 =	sor.u32 s1, s0  }
0xbd: {  	s0 =	sadd.s32 $0x8F2B, s0  }
0xbe: {  	[sflag:s0] =	ssyncadd.remote.s32 $0x1  }
0xbf: {  	_ =	sfence.sel $0xFFFF  }
0xc0: {  	[dreg:$0x0] =	wrdreg $0xFFFFFFFF;
	(pc) =	sbr.abs _section_cstart, $3  }
0xc1: {  	[dreg:$0x1] =	wrdreg $0xFFFFFFFF  }
0xc2: {  	_ =	task.clear_ibuf [dreg:s7], $0x2FFFF;
	_ =	strace $0x9FFFFFFF  }
0xc3: {  	(tm) =	ssettm $0x7FFFFFFF  }
tec
execute0_lowered:
.L_overlay_start_1:
0x0: {  	(tag) =	ssettag $0x1  }
0x1: {  	s0 =	rddreg [dreg:$0x0]  }
0x2: {  	s1 =	rddreg [dreg:$0x1]  }
0x3: {  	s2 =	rddreg [dreg:$0x2]  }
0x4: {  	s4 =	srdreg.scid;
	s10 =	stileid.u32;
	s3 =	simm.s32 $0x0  }
0x5: {  	s15 =	simm.s32 $0x5;
	s16 =	simm.s32 $0x2400;
	s17 =	simm.s32 $0x40  }
0x6: {  	s18 =	simm.s32 $0x4800;
	s19 =	simm.s32 $0x6800;
	s20 =	simm.s32 $0x1  }
0x7: {  	s21 =	simm.s32 $0x2;
	s22 =	simm.s32 $0x2440;
	s23 =	simm.s32 $0x3  }
0x8: {  	s24 =	simm.s32 $0x4;
	s29 =	simm.s32 $0x2480;
	s30 =	simm.s32 $0xC0  }
0x9: {  	s5 =	sand.u32 $0x1, s4;
	s6 =	smul.u32 $0x14000, s10;
	[smem:$0x7FF] =	sst s3  }
0xa: {  	s4 =	sadd.s32 $0xEA00, s0;
	s11 =	sadd.s32 $0x1E00, s0;
	s12 =	sadd.s32 $0xC200, s0  }
0xb: {  	s25 =	sshll.u32 s10, $0x5;
	s26 =	sshll.u32 s10, $0x6;
	s7 =	smul.u32 $0x140000, s5  }
0xc: {  	_ =	strace $0x8000004A;
	s8 =	ssub.s32 $0x2, s5;
	[dreg:$0x4] =	wrdreg s12  }
0xd: {  	p0 =	seq.s32 s5, $0x0;
	s5 =	sor.u32 $0x1200, s25;
	s9 =	sshrl.u32 s8, $0x1  }
0xe: {  	s14 =	sadd.s32 s6, s2;
	s7 =	sadd.s32 s6, s7;
	s13 =	ssub.s32 s8, s9  }
0xf: {  	s6 =	smul.u32 $0x120, s10;
	s10 =	sor.u32 $0x1210, s25;
	s8 =	simm.s32 $0x47  }
0x10: {  	s14 =	sshrl.u32 s14, $0x3;
	s25 =	simm.s32 $0x0;
	s7 =	sshrl.u32 s7, $0x3  }
0x11: {  	s8 =	simm.s32 @!p0 $0x7;
	s13 =	smax.u32 s13, $0x1;
	s0 =	sadd.s32 s7, s0  }
0x12: {  	s5 =	smov.u32 @p0 s6;
	s9 =	sadd.s32 $0x90, s6;
	s6 =	sor.u32 $0x1C05, s26  }
0x13: {  	s5 =	sshll.u32 s5, $0x3;
	s10 =	smov.u32 @p0 s9;
	s12 =	sadd.s32 $0x68A00, s0  }
0x14: {  	s28 =	sadd.s32 s1, s5;
	s31 =	sshll.u32 s10, $0x3;
	s9 =	sadd.s32 s11, s5  }
0x15: {  	[dreg:$0x5] =	wrdreg s28;
	s10 =	sadd.s32 s1, s31;
	s11 =	sadd.s32 s11, s31  }
.LBB2_1:
0x16: {  	s0 =	rddreg [dreg:$0x4]  }
0x17: {  	[spmem:s14], [sflag:s6] =	dma.local [hbm:s0], $0x2800  }
0x18: {  	_ =	swait.ge [sflag:s15], $0x2800  }
0x19: {  	[sflag:s15] =	ssyncset.done $0x0  }
0x1a: {  	[sflag:s15] =	ssyncadd.s32 $0xFFFFD800  }
0x1b: {  	[bflag:$0x0] =	sbarrier.arrive $0xFFFF  }
0x1c: {  	s26 =	rddreg [dreg:$0x5]  }
0x1d: {  	[tilespmem:s3], [sflag:$0x5] =	stream.linear.gather [hbm4b:s26+s3], $0x2400, $0x38;
	[tilespmem:$0x1C800] =	vst v63  }
0x1e: {  	_ =	swait.ge [sflag:s15], $0x2400  }
0x1f: {  	[sflag:s15] =	ssyncset.done $0x0  }
0x20: {  	[sflag:s15] =	ssyncadd.s32 $0xFFFFDC00  }
0x21: {  	[tilespmem:s16], [sflag:$0x5] =	stream.linear.gather [hbm4b:s9+s3], $0x2400, $0x38;
	[tilespmem:$0x1C800] =	vst v63  }
0x22: {  	_ =	swait.ge [sflag:s15], $0x2400  }
0x23: {  	[sflag:s15] =	ssyncset.done $0x0  }
0x24: {  	[sflag:s15] =	ssyncadd.s32 $0xFFFFDC00  }
0x25: {  	[tilespmem:s18], [sflag:$0x1] =	stream.indirect.gather [hbm4b:s4+s17], $0x80, s3, s17, $0xb8;
	[tilespmem:$0x1C800] =	vst v63  }
0x26: {  	_ = 	snop  }
0x27: {  	[tilespmem:s19], [sflag:$0x2] =	stream.indirect.gather [hbm4b:s4+s17], $0x80, s17, s17, $0xb8;
	[tilespmem:$0x1C800] =	vst v63  }
0x28: {  	_ =	swait.ge [sflag:s20], $0x2000  }
0x29: {  	[sflag:s20] =	ssyncset.done $0x0  }
0x2a: {  	[sflag:s20] =	ssyncadd.s32 $0xFFFFE000  }
0x2b: {  	[spmem:s2] =	stream.indirect.scatter.add.f32 [tilespmem:s18], [sflag:$0x3], $0x80, s16, s17, $0xb8;
	[tilespmem:$0x1C800] =	vst v63  }
0x2c: {  	_ =	swait.ge [sflag:s21], $0x2000  }
0x2d: {  	[sflag:s21] =	ssyncset.done $0x0  }
0x2e: {  	[sflag:s21] =	ssyncadd.s32 $0xFFFFE000  }
0x2f: {  	[spmem:s2] =	stream.indirect.scatter.add.f32 [tilespmem:s19], [sflag:$0x4], $0x80, s22, s17, $0xb8;
	[tilespmem:$0x1C800] =	vst v63  }
0x30: {  	_ =	swait.ge [sflag:s23], $0x2000  }
0x31: {  	[sflag:s23] =	ssyncset.done $0x0  }
0x32: {  	s28 =	simm.s32 $0x80;
	[sflag:s23] =	ssyncadd.s32 $0xFFFFE000  }
0x33: {  	[tilespmem:s18], [sflag:$0x1] =	stream.indirect.gather [hbm4b:s4+s17], $0x80, s28, s17, $0xb8;
	[tilespmem:$0x1C800] =	vst v63  }
0x34: {  	_ =	swait.ge [sflag:s20], $0x2000  }
0x35: {  	[sflag:s20] =	ssyncset.done $0x0  }
0x36: {  	[sflag:s20] =	ssyncadd.s32 $0xFFFFE000  }
0x37: {  	[spmem:s2] =	stream.indirect.scatter.add.f32 [tilespmem:s18], [sflag:$0x3], $0x80, s29, s17, $0xb8;
	[tilespmem:$0x1C800] =	vst v63  }
0x38: {  	_ =	swait.ge [sflag:s24], $0x2000  }
0x39: {  	p0 =	sne.s32 s8, $0x1;
	[sflag:s24] =	ssyncset.done $0x0  }
.Ltmp0:
0x3a: {  	[sflag:s24] =	ssyncadd.s32 $0xFFFFE000;
	(pc) =	sbr.rel @!p0 .LBB2_3-.Ltmp0, $4  }
0x3b: {  	[tilespmem:s19], [sflag:$0x2] =	stream.indirect.gather [hbm4b:s4+s17], $0x80, s30, s17, $0xb8;
	[tilespmem:$0x1C800] =	vst v63  }
0x3c: {  	s31 =	sadd.s32 $0xFFFFFFFF, s8;
	_ =	swait.ge [sflag:s21], $0x2000  }
0x3d: {  	s1 =	simm.s32 $0x100;
	s5 =	simm.s32 $0x24C0;
	[sflag:s21] =	ssyncset.done $0x0  }
0x3e: {  	s0 =	simm.s32 $0x2500;
	s26 =	simm.s32 $0x24C0;
	[sflag:s21] =	ssyncadd.s32 $0xFFFFE000  }
.LBB2_2:
0x3f: {  	[spmem:s2] =	stream.indirect.scatter.add.f32 [tilespmem:s19], [sflag:$0x4], $0x80, s5, s17, $0xb8;
	[tilespmem:$0x1C800] =	vst v63  }
0x40: {  	p1 =	sne.s32 s31, $0x1;
	s31 =	sadd.s32 $0xFFFFFFFF, s31;
	_ =	swait.ge [sflag:s23], $0x2000  }
0x41: {  	s5 =	smov.u32 s0;
	[sflag:s23] =	ssyncset.done $0x0  }
0x42: {  	[sflag:s23] =	ssyncadd.s32 $0xFFFFE000  }
0x43: {  	[tilespmem:s18], [sflag:$0x1] =	stream.indirect.gather [hbm4b:s4+s17], $0x80, s1, s17, $0xb8;
	[tilespmem:$0x1C800] =	vst v63  }
0x44: {  	_ =	swait.ge [sflag:s20], $0x2000  }
0x45: {  	[sflag:s20] =	ssyncset.done $0x0  }
0x46: {  	[sflag:s20] =	ssyncadd.s32 $0xFFFFE000  }
0x47: {  	[spmem:s2] =	stream.indirect.scatter.add.f32 [tilespmem:s18], [sflag:$0x3], $0x80, s0, s17, $0xb8;
	[tilespmem:$0x1C800] =	vst v63  }
0x48: {  	_ =	swait.ge [sflag:s24], $0x2000  }
0x49: {  	[sflag:s24] =	ssyncset.done $0x0  }
.Ltmp1:
0x4a: {  	s7 =	sadd.s32 $0x40, s1;
	[sflag:s24] =	ssyncadd.s32 $0xFFFFE000;
	(pc) =	sbr.rel @p1 .LBB2_2-.Ltmp1, $4  }
0x4b: {  	[tilespmem:s19], [sflag:$0x2] =	stream.indirect.gather [hbm4b:s4+s17], $0x80, s7, s17, $0xb8;
	[tilespmem:$0x1C800] =	vst v63  }
0x4c: {  	_ =	swait.ge [sflag:s21], $0x2000  }
0x4d: {  	s0 =	sadd.s32 $0x80, s0;
	[sflag:s21] =	ssyncset.done $0x0  }
0x4e: {  	s5 =	sadd.s32 $0x40, s5;
	s1 =	sadd.s32 $0x80, s1;
	[sflag:s21] =	ssyncadd.s32 $0xFFFFE000  }
.LBB2_3:
0x4f: {  	[spmem:s2] =	stream.indirect.scatter.add.f32 [tilespmem:s19], [sflag:$0x4], $0x80, s5, s17, $0xb8;
	[tilespmem:$0x1C800] =	vst v63  }
0x50: {  	_ =	swait.ge [sflag:s23], $0x2000  }
0x51: {  	[sflag:s23] =	ssyncset.done $0x0  }
0x52: {  	[sflag:s23] =	ssyncadd.s32 $0xFFFFE000  }
0x53: {  	_ =	swait.ge [sflag:s24], $0x2000  }
0x54: {  	[sflag:s24] =	ssyncset.done $0x0  }
0x55: {  	[sflag:s24] =	ssyncadd.s32 $0xFFFFE000  }
0x56: {  	[tilespmem:s3], [sflag:$0x5] =	stream.linear.gather [hbm4b:s10+s3], $0x2400, $0x38;
	[tilespmem:$0x1C800] =	vst v63  }
0x57: {  	_ =	swait.ge [sflag:s15], $0x2400  }
0x58: {  	[sflag:s15] =	ssyncset.done $0x0  }
0x59: {  	[sflag:s15] =	ssyncadd.s32 $0xFFFFDC00  }
0x5a: {  	[tilespmem:s16], [sflag:$0x5] =	stream.linear.gather [hbm4b:s11+s3], $0x2400, $0x38;
	[tilespmem:$0x1C800] =	vst v63  }
0x5b: {  	_ =	swait.ge [sflag:s15], $0x2400  }
0x5c: {  	[sflag:s15] =	ssyncset.done $0x0  }
0x5d: {  	[sflag:s15] =	ssyncadd.s32 $0xFFFFDC00  }
0x5e: {  	[tilespmem:s18], [sflag:$0x1] =	stream.indirect.gather [hbm4b:s4+s17], $0x80, s3, s17, $0xb8;
	[tilespmem:$0x1C800] =	vst v63  }
0x5f: {  	_ = 	snop  }
0x60: {  	[tilespmem:s19], [sflag:$0x2] =	stream.indirect.gather [hbm4b:s4+s17], $0x80, s17, s17, $0xb8;
	[tilespmem:$0x1C800] =	vst v63  }
0x61: {  	_ =	swait.ge [sflag:s20], $0x2000  }
0x62: {  	[sflag:s20] =	ssyncset.done $0x0  }
0x63: {  	[sflag:s20] =	ssyncadd.s32 $0xFFFFE000  }
0x64: {  	[spmem:s2] =	stream.indirect.scatter.add.f32 [tilespmem:s18], [sflag:$0x3], $0x80, s16, s17, $0xb8;
	[tilespmem:$0x1C800] =	vst v63  }
0x65: {  	_ =	swait.ge [sflag:s21], $0x2000  }
0x66: {  	[sflag:s21] =	ssyncset.done $0x0  }
0x67: {  	[sflag:s21] =	ssyncadd.s32 $0xFFFFE000  }
0x68: {  	[spmem:s2] =	stream.indirect.scatter.add.f32 [tilespmem:s19], [sflag:$0x4], $0x80, s22, s17, $0xb8;
	[tilespmem:$0x1C800] =	vst v63  }
0x69: {  	_ =	swait.ge [sflag:s23], $0x2000  }
0x6a: {  	[sflag:s23] =	ssyncset.done $0x0  }
0x6b: {  	[sflag:s23] =	ssyncadd.s32 $0xFFFFE000  }
0x6c: {  	[tilespmem:s18], [sflag:$0x1] =	stream.indirect.gather [hbm4b:s4+s17], $0x80, s28, s17, $0xb8;
	[tilespmem:$0x1C800] =	vst v63  }
0x6d: {  	_ =	swait.ge [sflag:s20], $0x2000  }
0x6e: {  	[sflag:s20] =	ssyncset.done $0x0  }
0x6f: {  	[sflag:s20] =	ssyncadd.s32 $0xFFFFE000  }
0x70: {  	[spmem:s2] =	stream.indirect.scatter.add.f32 [tilespmem:s18], [sflag:$0x3], $0x80, s29, s17, $0xb8;
	[tilespmem:$0x1C800] =	vst v63  }
0x71: {  	_ =	swait.ge [sflag:s24], $0x2000  }
0x72: {  	[sflag:s24] =	ssyncset.done $0x0  }
.Ltmp2:
0x73: {  	[sflag:s24] =	ssyncadd.s32 $0xFFFFE000;
	(pc) =	sbr.rel @!p0 .LBB2_5-.Ltmp2, $4  }
0x74: {  	[tilespmem:s19], [sflag:$0x2] =	stream.indirect.gather [hbm4b:s4+s17], $0x80, s30, s17, $0xb8;
	[tilespmem:$0x1C800] =	vst v63  }
0x75: {  	_ =	swait.ge [sflag:s21], $0x2000  }
0x76: {  	s0 =	sadd.s32 $0xFFFFFFFF, s8;
	[sflag:s21] =	ssyncset.done $0x0  }
0x77: {  	s1 =	simm.s32 $0x100;
	s28 =	simm.s32 $0x2500;
	[sflag:s21] =	ssyncadd.s32 $0xFFFFE000  }
.LBB2_4:
0x78: {  	[spmem:s2] =	stream.indirect.scatter.add.f32 [tilespmem:s19], [sflag:$0x4], $0x80, s26, s17, $0xb8;
	[tilespmem:$0x1C800] =	vst v63  }
0x79: {  	p0 =	sne.s32 s0, $0x1;
	s0 =	sadd.s32 $0xFFFFFFFF, s0;
	_ =	swait.ge [sflag:s23], $0x2000  }
0x7a: {  	s5 =	smov.u32 s28;
	[sflag:s23] =	ssyncset.done $0x0  }
0x7b: {  	[sflag:s23] =	ssyncadd.s32 $0xFFFFE000  }
0x7c: {  	[tilespmem:s18], [sflag:$0x1] =	stream.indirect.gather [hbm4b:s4+s17], $0x80, s1, s17, $0xb8;
	[tilespmem:$0x1C800] =	vst v63  }
0x7d: {  	_ =	swait.ge [sflag:s20], $0x2000  }
0x7e: {  	[sflag:s20] =	ssyncset.done $0x0  }
0x7f: {  	[sflag:s20] =	ssyncadd.s32 $0xFFFFE000  }
0x80: {  	[spmem:s2] =	stream.indirect.scatter.add.f32 [tilespmem:s18], [sflag:$0x3], $0x80, s28, s17, $0xb8;
	[tilespmem:$0x1C800] =	vst v63  }
0x81: {  	_ =	swait.ge [sflag:s24], $0x2000  }
0x82: {  	[sflag:s24] =	ssyncset.done $0x0  }
.Ltmp3:
0x83: {  	s7 =	sadd.s32 $0x40, s1;
	[sflag:s24] =	ssyncadd.s32 $0xFFFFE000;
	(pc) =	sbr.rel @p0 .LBB2_4-.Ltmp3, $4  }
0x84: {  	[tilespmem:s19], [sflag:$0x2] =	stream.indirect.gather [hbm4b:s4+s17], $0x80, s7, s17, $0xb8;
	[tilespmem:$0x1C800] =	vst v63  }
0x85: {  	_ =	swait.ge [sflag:s21], $0x2000  }
0x86: {  	s28 =	sadd.s32 $0x80, s28;
	[sflag:s21] =	ssyncset.done $0x0  }
0x87: {  	s26 =	sadd.s32 $0x40, s5;
	s1 =	sadd.s32 $0x80, s1;
	[sflag:s21] =	ssyncadd.s32 $0xFFFFE000  }
.LBB2_5:
0x88: {  	[spmem:s2] =	stream.indirect.scatter.add.f32 [tilespmem:s19], [sflag:$0x4], $0x80, s26, s17, $0xb8;
	[tilespmem:$0x1C800] =	vst v63  }
0x89: {  	_ =	swait.ge [sflag:s23], $0x2000  }
0x8a: {  	[sflag:s23] =	ssyncset.done $0x0  }
0x8b: {  	[sflag:s23] =	ssyncadd.s32 $0xFFFFE000  }
0x8c: {  	_ =	swait.ge [sflag:s24], $0x2000  }
0x8d: {  	s25 =	sadd.s32 $0x1, s25;
	[sflag:s24] =	ssyncset.done $0x0  }
0x8e: {  	p0 =	sne.s32 s25, s13;
	[sflag:s24] =	ssyncadd.s32 $0xFFFFE000  }
.Ltmp4:
0x8f: {  	[bflag:$0x0] =	sbarrier.arrive $0xFFFF;
	(pc) =	sbr.rel @p0 .LBB2_1-.Ltmp4, $4  }
0x90: {  	[hbm:s12], [sflag:s6] =	dma.local [spmem:s14], $0x2800  }
0x91: {  	_ =	swait.ge [sflag:s15], $0x2800  }
0x92: {  	[sflag:s15] =	ssyncset.done $0x0  }
0x93: {  	[sflag:s15] =	ssyncadd.s32 $0xFFFFD800  }
0x94: {  	_ =	sfence.sel $0x180000  }
0x95: {  	[bflag:$0x0] =	sbarrier.arrive $0xFFFF  }
0x96: {  	_ =	strace $0x9000004A  }
0x97: {  	s0 =	stileid.u32;
	[bflag:$0x2] =	sbarrier.arrive $0xFFFF  }
0x98: {  	p0 =	sne.s32 s0, $0x0;
	s0 =	rddreg [dreg:$0x3]  }
0x99: {  	s0 =	sadd.s32 @!p0 $0x100000, s0  }
0x9a: {  	[sflag:s0] =	ssyncadd.tile.s32 @!p0 $0x1;
	_ =	shalt  }
.Lfunc_end2:
_tile_overlayer_lowered:
.L_overlay_start_2:
0x9b: {  	(tag) =	ssettag $0x2  }
0x9c: {  	s0 =	rddreg [dreg:$0x0];
	s2 =	stileid.u32  }
0x9d: {  	s1 =	rddreg [dreg:$0x1];
	p0 =	sne.s32 s2, $0x0  }
0x9e: {  	s3 =	rddreg [dreg:$0x2];
	[bflag:$0x3] =	sbarrier.arrive $0xFFFF;
	s2 =	simm.s32 @!p0 $0x1C05  }
0x9f: {  	[timem:s3], [sflag:s2] =	dma.local @!p0 [hbm:s0], s1  }
0xa0: {  	s0 =	simm.s32 @!p0 $0x5  }
0xa1: {  	_ =	swait.ge @!p0 [sflag:s0], s1  }
0xa2: {  	s1 =	ssub.s32 @!p0 $0x0, s1;
	[sflag:s0] =	ssyncset.done @!p0 $0x0  }
0xa3: {  	[sflag:s0] =	ssyncadd.s32 @!p0 s1  }
0xa4: {  	[bflag:$0x3] =	sbarrier.arrive $0xFFFF  }
0xa5: {  	_ =	shalt  }

</sc_bundles>
